<compile_context>
chip_gen: v7x
topology: tpu7x:2x2x1
jax: 0.10.2.dev20260603
libtpu: 0.0.44.dev20260713+nightly
codegen_flags: <defaults>
</compile_context>

<pallas_src>
import functools

import jax
import jax.numpy as jnp
from jax import lax
from jax.experimental import pallas as pl
from jax.experimental.pallas import tpu as pltpu
from jax.experimental.pallas import tpu_sc as plsc

B = 16384
DIM = 32
NW = 32
BPW = B // NW
NBLK = BPW // 16

_mesh = plsc.VectorSubcoreMesh(core_axis_name="c", subcore_axis_name="s")


@functools.partial(
    pl.kernel,
    mesh=_mesh,
    compiler_params=pltpu.CompilerParams(needs_layout_passes=False),
    out_type=jax.ShapeDtypeStruct((B,), jnp.float32),
    scratch_types=[
        pltpu.VMEM((BPW,), jnp.int32),
        pltpu.VMEM((BPW,), jnp.int32),
        pltpu.VMEM((BPW,), jnp.int32),
        pltpu.VMEM((128, 128), jnp.float32),
        pltpu.VMEM((128, 128), jnp.float32),
        pltpu.VMEM((128, 128), jnp.float32),
        pltpu.VMEM((128, 128), jnp.float32),
        pltpu.VMEM((B,), jnp.int32),
        pltpu.VMEM((BPW,), jnp.float32),
        pltpu.SemaphoreType.DMA,
    ],
)
def _mure_sc(u_idx_hbm, v_idx_hbm, r_idx_hbm, e_hbm, wu_hbm, rv_hbm, out_hbm,
             ui_v, vi_v, ri_v, u_v, v_v, ru_v, rw_v, drain_v, out_v, sem):
    wid = lax.axis_index("s") * 2 + lax.axis_index("c")
    base = wid * BPW

    pltpu.sync_copy(u_idx_hbm.at[pl.ds(base, BPW)], ui_v)
    pltpu.sync_copy(v_idx_hbm.at[pl.ds(base, BPW)], vi_v)
    pltpu.sync_copy(r_idx_hbm.at[pl.ds(base, BPW)], ri_v)

    def issue(b, carry):
        uvec = ui_v[pl.ds(b * 16, 16)]
        vvec = vi_v[pl.ds(b * 16, 16)]
        rvec = ri_v[pl.ds(b * 16, 16)]
        c = b // 8
        for e in range(16):
            p = (b % 8) * 16 + e
            col = pl.ds(c * DIM, DIM)
            pltpu.async_copy(e_hbm.at[uvec[e]], u_v.at[p, col], sem)
            pltpu.async_copy(e_hbm.at[vvec[e]], v_v.at[p, col], sem)
            pltpu.async_copy(wu_hbm.at[rvec[e]], ru_v.at[p, col], sem)
            pltpu.async_copy(rv_hbm.at[rvec[e]], rw_v.at[p, col], sem)
        return carry

    lax.fori_loop(0, NBLK, issue, 0)

    for _ in range(4):
        pltpu.make_async_copy(u_idx_hbm, drain_v, sem).wait()

    lane = lax.iota(jnp.int32, 16)

    def blk(b, carry):
        p = (b % 8) * 16 + lane
        col0 = jnp.broadcast_to((b // 8) * DIM, (16,)).astype(jnp.int32)
        acc = jnp.zeros((16,), dtype=jnp.float32)
        for j in range(DIM):
            cj = col0 + j
            uu = plsc.load_gather(u_v, [p, cj])
            vv = plsc.load_gather(v_v, [p, cj])
            ru = plsc.load_gather(ru_v, [p, cj])
            rw = plsc.load_gather(rw_v, [p, cj])
            d = uu * ru - vv - rw
            acc = acc + d * d
        out_v[pl.ds(b * 16, 16)] = -acc
        return carry

    lax.fori_loop(0, NBLK, blk, 0)

    pltpu.sync_copy(out_v, out_hbm.at[pl.ds(base, BPW)])


def kernel(u_idx, r_idx, v_idx, E, Wu, rv, bs, bo):
    del bs, bo
    return _mure_sc(u_idx.astype(jnp.int32), v_idx.astype(jnp.int32),
                    r_idx.astype(jnp.int32), E, Wu, rv)

# --- scband reference (transcript-rebuilt; emitter-appended) ---
"""Pipeline reference for scband-mu-re-86053964742869 (READ-ONLY COPY).

The authoritative reference and input builder live on the scoring server;
editing this copy changes nothing except your own understanding.
"""

import jax, jax.numpy as jnp
import numpy as np

NE = 1000000
NR = 1000
DIM = 32
B = 16384

def setup_inputs(seed: int = 0):
    key = jax.random.key(seed)
    ks = jax.random.split(key, 8)
    u_idx = jax.random.randint(ks[0], (B,), 0, NE)
    r_idx = jax.random.randint(ks[1], (B,), 0, NR)
    v_idx = jax.random.randint(ks[2], (B,), 0, NE)
    E = 0.001 * jax.random.normal(ks[3], (NE, DIM), dtype=jnp.float32)
    Wu = jax.random.uniform(ks[4], (NR, DIM), dtype=jnp.float32, minval=-1.0, maxval=1.0)
    rv = 0.001 * jax.random.normal(ks[5], (NR, DIM), dtype=jnp.float32)
    bs = jnp.zeros((NE,), dtype=jnp.float32)
    bo = jnp.zeros((NE,), dtype=jnp.float32)
    return {"u_idx": u_idx, "r_idx": r_idx, "v_idx": v_idx, "E": E, "Wu": Wu, "rv": rv, "bs": bs, "bo": bo}

def reference(u_idx, r_idx, v_idx, E, Wu, rv, bs, bo):
    u = jnp.take(E, u_idx, axis=0)
    v = jnp.take(E, v_idx, axis=0)
    Ru = jnp.take(Wu, r_idx, axis=0)
    rvv = jnp.take(rv, r_idx, axis=0)
    u_W = u * Ru
    sqdist = jnp.sum(jnp.square(u_W - (v + rvv)), axis=-1)
    return -sqdist + jnp.take(bs, u_idx, axis=0) + jnp.take(bo, v_idx, axis=0)

if __name__ == "__main__":
    import jax
    _d = setup_inputs()
    print(jax.jit(kernel)(*tuple(_d.values())))

</pallas_src>

<mosaic_0001>
#map = affine_map<(d0, d1) -> (0)>
#map1 = affine_map<(d0, d1) -> (0, 0)>
module attributes {stable_mosaic.version = 14 : i64} {
  func.func @_mure_sc(%arg0: i32, %arg1: i32, %arg2: memref<16384xi32, #tpu.memory_space<hbm>>, %arg3: memref<16384xi32, #tpu.memory_space<hbm>>, %arg4: memref<16384xi32, #tpu.memory_space<hbm>>, %arg5: memref<1000000x32xf32, #tpu.memory_space<hbm>>, %arg6: memref<1000x32xf32, #tpu.memory_space<hbm>>, %arg7: memref<1000x32xf32, #tpu.memory_space<hbm>>, %arg8: memref<16384xf32, #tpu.memory_space<hbm>>, %arg9: memref<512xi32, #tpu.memory_space<vmem>>, %arg10: memref<512xi32, #tpu.memory_space<vmem>>, %arg11: memref<512xi32, #tpu.memory_space<vmem>>, %arg12: memref<128x128xf32, #tpu.memory_space<vmem>>, %arg13: memref<128x128xf32, #tpu.memory_space<vmem>>, %arg14: memref<128x128xf32, #tpu.memory_space<vmem>>, %arg15: memref<128x128xf32, #tpu.memory_space<vmem>>, %arg16: memref<16384xi32, #tpu.memory_space<vmem>>, %arg17: memref<512xf32, #tpu.memory_space<vmem>>, %arg18: memref<!tpu.dma_semaphore, #tpu.memory_space<semaphore_mem>>) attributes {dimension_semantics = [#tpu.dimension_semantics<core_parallel>, #tpu.dimension_semantics<subcore_parallel>], iteration_bounds = array<i64: 2, 16>, scalar_prefetch = 0 : i64, scratch_operands = 10 : i64, tpu.core_type = #tpu.core_type<sc_vector_subcore>, window_params = [{transform_indices = #map}, {transform_indices = #map}, {transform_indices = #map}, {transform_indices = #map1}, {transform_indices = #map1}, {transform_indices = #map1}, {transform_indices = #map}]} {
    %mul3A = arith.constant 2 : i32
    %mul3A_0 = arith.muli %arg1, %mul3A : i32
    %add3A = arith.addi %mul3A_0, %arg0 : i32
    %mul3A_1 = arith.constant 512 : i32
    %mul3A_2 = arith.muli %add3A, %mul3A_1 : i32
    "tpu.region"() ({
      %run_scoped3A = tpu.sem_alloc : memref<!tpu.dma_semaphore, #tpu.memory_space<semaphore_mem>>
      %dma_start3A = tpu.memref_slice %arg2[%mul3A_2] : memref<16384xi32, #tpu.memory_space<hbm>> -> memref<512xi32, #tpu.memory_space<hbm>>
      %dma_start3A_14 = tpu.memref_slice %arg2[%mul3A_2] : memref<16384xi32, #tpu.memory_space<hbm>> -> memref<512xi32, #tpu.memory_space<hbm>>
      tpu.enqueue_dma source(%dma_start3A_14 : memref<512xi32, #tpu.memory_space<hbm>>) target(%arg9 : memref<512xi32, #tpu.memory_space<vmem>>) target_semaphore(%run_scoped3A : memref<!tpu.dma_semaphore, #tpu.memory_space<semaphore_mem>>)
      %dma_wait3A = tpu.memref_slice %arg2[%mul3A_2] : memref<16384xi32, #tpu.memory_space<hbm>> -> memref<512xi32, #tpu.memory_space<hbm>>
      %dma_wait3A_15 = tpu.memref_slice %arg2[%mul3A_2] : memref<16384xi32, #tpu.memory_space<hbm>> -> memref<512xi32, #tpu.memory_space<hbm>>
      tpu.wait_dma2 semaphore(%run_scoped3A : memref<!tpu.dma_semaphore, #tpu.memory_space<semaphore_mem>>) src(%dma_wait3A_15 : memref<512xi32, #tpu.memory_space<hbm>>) dst(%arg9 : memref<512xi32, #tpu.memory_space<vmem>>)
      tpu.yield
    }) : () -> ()
    "tpu.region"() ({
      %run_scoped3A = tpu.sem_alloc : memref<!tpu.dma_semaphore, #tpu.memory_space<semaphore_mem>>
      %dma_start3A = tpu.memref_slice %arg3[%mul3A_2] : memref<16384xi32, #tpu.memory_space<hbm>> -> memref<512xi32, #tpu.memory_space<hbm>>
      %dma_start3A_14 = tpu.memref_slice %arg3[%mul3A_2] : memref<16384xi32, #tpu.memory_space<hbm>> -> memref<512xi32, #tpu.memory_space<hbm>>
      tpu.enqueue_dma source(%dma_start3A_14 : memref<512xi32, #tpu.memory_space<hbm>>) target(%arg10 : memref<512xi32, #tpu.memory_space<vmem>>) target_semaphore(%run_scoped3A : memref<!tpu.dma_semaphore, #tpu.memory_space<semaphore_mem>>)
      %dma_wait3A = tpu.memref_slice %arg3[%mul3A_2] : memref<16384xi32, #tpu.memory_space<hbm>> -> memref<512xi32, #tpu.memory_space<hbm>>
      %dma_wait3A_15 = tpu.memref_slice %arg3[%mul3A_2] : memref<16384xi32, #tpu.memory_space<hbm>> -> memref<512xi32, #tpu.memory_space<hbm>>
      tpu.wait_dma2 semaphore(%run_scoped3A : memref<!tpu.dma_semaphore, #tpu.memory_space<semaphore_mem>>) src(%dma_wait3A_15 : memref<512xi32, #tpu.memory_space<hbm>>) dst(%arg10 : memref<512xi32, #tpu.memory_space<vmem>>)
      tpu.yield
    }) : () -> ()
    "tpu.region"() ({
      %run_scoped3A = tpu.sem_alloc : memref<!tpu.dma_semaphore, #tpu.memory_space<semaphore_mem>>
      %dma_start3A = tpu.memref_slice %arg4[%mul3A_2] : memref<16384xi32, #tpu.memory_space<hbm>> -> memref<512xi32, #tpu.memory_space<hbm>>
      %dma_start3A_14 = tpu.memref_slice %arg4[%mul3A_2] : memref<16384xi32, #tpu.memory_space<hbm>> -> memref<512xi32, #tpu.memory_space<hbm>>
      tpu.enqueue_dma source(%dma_start3A_14 : memref<512xi32, #tpu.memory_space<hbm>>) target(%arg11 : memref<512xi32, #tpu.memory_space<vmem>>) target_semaphore(%run_scoped3A : memref<!tpu.dma_semaphore, #tpu.memory_space<semaphore_mem>>)
      %dma_wait3A = tpu.memref_slice %arg4[%mul3A_2] : memref<16384xi32, #tpu.memory_space<hbm>> -> memref<512xi32, #tpu.memory_space<hbm>>
      %dma_wait3A_15 = tpu.memref_slice %arg4[%mul3A_2] : memref<16384xi32, #tpu.memory_space<hbm>> -> memref<512xi32, #tpu.memory_space<hbm>>
      tpu.wait_dma2 semaphore(%run_scoped3A : memref<!tpu.dma_semaphore, #tpu.memory_space<semaphore_mem>>) src(%dma_wait3A_15 : memref<512xi32, #tpu.memory_space<hbm>>) dst(%arg11 : memref<512xi32, #tpu.memory_space<vmem>>)
      tpu.yield
    }) : () -> ()
    %scan3A = arith.constant 0 : i32
    %scan3A_3 = arith.constant 0 : i32
    %scan3A_4 = arith.constant 32 : i32
    %scan3A_5 = arith.addi %scan3A_3, %scan3A_4 : i32
    %scan3A_6 = arith.constant 1 : i32
    scf.for %scan3A_14 = %scan3A_3 to %scan3A_5 step %scan3A_6  : i32 {
      %mul3A_15 = arith.constant 16 : i32
      %mul3A_16 = arith.muli %scan3A_14, %mul3A_15 : i32
      %get3A = arith.index_cast %mul3A_16 : i32 to index
      %get3A_17 = tpu.vector_load %arg9[%get3A] {strides = array<i32>} : memref<512xi32, #tpu.memory_space<vmem>>, vector<16xi32>,
      %mul3A_18 = arith.constant 16 : i32
      %mul3A_19 = arith.muli %scan3A_14, %mul3A_18 : i32
      %get3A_20 = arith.index_cast %mul3A_19 : i32 to index
      %get3A_21 = tpu.vector_load %arg10[%get3A_20] {strides = array<i32>} : memref<512xi32, #tpu.memory_space<vmem>>, vector<16xi32>,
      %mul3A_22 = arith.constant 16 : i32
      %mul3A_23 = arith.muli %scan3A_14, %mul3A_22 : i32
      %get3A_24 = arith.index_cast %mul3A_23 : i32 to index
      %get3A_25 = tpu.vector_load %arg11[%get3A_24] {strides = array<i32>} : memref<512xi32, #tpu.memory_space<vmem>>, vector<16xi32>,
      %jit3A = arith.constant 8 : i32
      %div3A = arith.divsi %scan3A_14, %jit3A : i32
      %sign3A = arith.constant 0 : i32
      %sign3A_26 = arith.cmpi sgt, %scan3A_14, %sign3A : i32
      %sign3A_27 = arith.extui %sign3A_26 : i1 to i32
      %sign3A_28 = arith.constant 0 : i32
      %sign3A_29 = arith.cmpi slt, %scan3A_14, %sign3A_28 : i32
      %sign3A_30 = arith.extui %sign3A_29 : i1 to i32
      %sign3A_31 = arith.subi %sign3A_27, %sign3A_30 : i32
      %sign3A_32 = arith.constant 0 : i32
      %sign3A_33 = arith.cmpi sgt, %jit3A, %sign3A_32 : i32
      %sign3A_34 = arith.extui %sign3A_33 : i1 to i32
      %sign3A_35 = arith.constant 0 : i32
      %sign3A_36 = arith.cmpi slt, %jit3A, %sign3A_35 : i32
      %sign3A_37 = arith.extui %sign3A_36 : i1 to i32
      %sign3A_38 = arith.subi %sign3A_34, %sign3A_37 : i32
      %ne3A = arith.cmpi ne, %sign3A_31, %sign3A_38 : i32
      %rem3A = arith.remsi %scan3A_14, %jit3A : i32
      %ne3A_39 = arith.constant 0 : i32
      %ne3A_40 = arith.cmpi ne, %rem3A, %ne3A_39 : i32
      %and3A = arith.andi %ne3A, %ne3A_40 : i1
      %sub3A = arith.constant 1 : i32
      %sub3A_41 = arith.subi %div3A, %sub3A : i32
      %select_n3A = arith.select %and3A, %sub3A_41, %div3A : i32
      %jit3A_42 = arith.constant 8 : i32
      %eq3A = arith.constant 0 : i32
      %eq3A_43 = arith.cmpi eq, %jit3A_42, %eq3A : i32
      %jit3A_44 = arith.constant 1 : i32
      %select_n3A_45 = arith.select %eq3A_43, %jit3A_44, %jit3A_42 : i32
      %rem3A_46 = arith.remsi %scan3A_14, %select_n3A_45 : i32
      %ne3A_47 = arith.constant 0 : i32
      %ne3A_48 = arith.cmpi ne, %rem3A_46, %ne3A_47 : i32
      %lt3A = arith.constant 0 : i32
      %lt3A_49 = arith.cmpi slt, %rem3A_46, %lt3A : i32
      %lt3A_50 = arith.constant 0 : i32
      %lt3A_51 = arith.cmpi slt, %select_n3A_45, %lt3A_50 : i32
      %ne3A_52 = arith.xori %lt3A_49, %lt3A_51 : i1
      %and3A_53 = arith.andi %ne3A_52, %ne3A_48 : i1
      %add3A_54 = arith.addi %rem3A_46, %select_n3A_45 : i32
      %select_n3A_55 = arith.select %and3A_53, %add3A_54, %rem3A_46 : i32
      %mul3A_56 = arith.constant 16 : i32
      %mul3A_57 = arith.muli %select_n3A_55, %mul3A_56 : i32
      %add3A_58 = arith.constant 0 : i32
      %add3A_59 = arith.addi %mul3A_57, %add3A_58 : i32
      %mul3A_60 = arith.constant 32 : i32
      %mul3A_61 = arith.muli %select_n3A, %mul3A_60 : i32
      %slice3A = vector.extract_strided_slice %get3A_17 {offsets = [0], sizes = [1], strides = [1]} : vector<16xi32> to vector<1xi32>
      %squeeze3A = vector.extract %slice3A[0] : i32 from vector<1xi32>
      %dma_start3A = tpu.memref_slice %arg12[%add3A_59, %mul3A_61] : memref<128x128xf32, #tpu.memory_space<vmem>> -> memref<1x32xf32, #tpu.memory_space<vmem>>
      %dma_start3A_62 = tpu.memref_squeeze %dma_start3A : memref<1x32xf32, #tpu.memory_space<vmem>> -> memref<32xf32, #tpu.memory_space<vmem>>
      %dma_start3A_63 = arith.constant 0 : i32
      %dma_start3A_64 = tpu.memref_slice %arg5[%squeeze3A, %dma_start3A_63] : memref<1000000x32xf32, #tpu.memory_space<hbm>> -> memref<1x32xf32, #tpu.memory_space<hbm>>
      %dma_start3A_65 = tpu.memref_squeeze %dma_start3A_64 : memref<1x32xf32, #tpu.memory_space<hbm>> -> memref<32xf32, #tpu.memory_space<hbm>>
      %dma_start3A_66 = tpu.memref_slice %arg12[%add3A_59, %mul3A_61] : memref<128x128xf32, #tpu.memory_space<vmem>> -> memref<1x32xf32, #tpu.memory_space<vmem>>
      %dma_start3A_67 = tpu.memref_squeeze %dma_start3A_66 : memref<1x32xf32, #tpu.memory_space<vmem>> -> memref<32xf32, #tpu.memory_space<vmem>>
      %dma_start3A_68 = arith.constant 0 : i32
      %dma_start3A_69 = tpu.memref_slice %arg5[%squeeze3A, %dma_start3A_68] : memref<1000000x32xf32, #tpu.memory_space<hbm>> -> memref<1x32xf32, #tpu.memory_space<hbm>>
      %dma_start3A_70 = tpu.memref_squeeze %dma_start3A_69 : memref<1x32xf32, #tpu.memory_space<hbm>> -> memref<32xf32, #tpu.memory_space<hbm>>
      tpu.enqueue_dma source(%dma_start3A_70 : memref<32xf32, #tpu.memory_space<hbm>>) target(%dma_start3A_67 : memref<32xf32, #tpu.memory_space<vmem>>) target_semaphore(%arg18 : memref<!tpu.dma_semaphore, #tpu.memory_space<semaphore_mem>>)
      %slice3A_71 = vector.extract_strided_slice %get3A_21 {offsets = [0], sizes = [1], strides = [1]} : vector<16xi32> to vector<1xi32>
      %squeeze3A_72 = vector.extract %slice3A_71[0] : i32 from vector<1xi32>
      %dma_start3A_73 = tpu.memref_slice %arg13[%add3A_59, %mul3A_61] : memref<128x128xf32, #tpu.memory_space<vmem>> -> memref<1x32xf32, #tpu.memory_space<vmem>>
      %dma_start3A_74 = tpu.memref_squeeze %dma_start3A_73 : memref<1x32xf32, #tpu.memory_space<vmem>> -> memref<32xf32, #tpu.memory_space<vmem>>
      %dma_start3A_75 = arith.constant 0 : i32
      %dma_start3A_76 = tpu.memref_slice %arg5[%squeeze3A_72, %dma_start3A_75] : memref<1000000x32xf32, #tpu.memory_space<hbm>> -> memref<1x32xf32, #tpu.memory_space<hbm>>
      %dma_start3A_77 = tpu.memref_squeeze %dma_start3A_76 : memref<1x32xf32, #tpu.memory_space<hbm>> -> memref<32xf32, #tpu.memory_space<hbm>>
      %dma_start3A_78 = tpu.memref_slice %arg13[%add3A_59, %mul3A_61] : memref<128x128xf32, #tpu.memory_space<vmem>> -> memref<1x32xf32, #tpu.memory_space<vmem>>
      %dma_start3A_79 = tpu.memref_squeeze %dma_start3A_78 : memref<1x32xf32, #tpu.memory_space<vmem>> -> memref<32xf32, #tpu.memory_space<vmem>>
      %dma_start3A_80 = arith.constant 0 : i32
      %dma_start3A_81 = tpu.memref_slice %arg5[%squeeze3A_72, %dma_start3A_80] : memref<1000000x32xf32, #tpu.memory_space<hbm>> -> memref<1x32xf32, #tpu.memory_space<hbm>>
      %dma_start3A_82 = tpu.memref_squeeze %dma_start3A_81 : memref<1x32xf32, #tpu.memory_space<hbm>> -> memref<32xf32, #tpu.memory_space<hbm>>
      tpu.enqueue_dma source(%dma_start3A_82 : memref<32xf32, #tpu.memory_space<hbm>>) target(%dma_start3A_79 : memref<32xf32, #tpu.memory_space<vmem>>) target_semaphore(%arg18 : memref<!tpu.dma_semaphore, #tpu.memory_space<semaphore_mem>>)
      %slice3A_83 = vector.extract_strided_slice %get3A_25 {offsets = [0], sizes = [1], strides = [1]} : vector<16xi32> to vector<1xi32>
      %squeeze3A_84 = vector.extract %slice3A_83[0] : i32 from vector<1xi32>
      %dma_start3A_85 = tpu.memref_slice %arg14[%add3A_59, %mul3A_61] : memref<128x128xf32, #tpu.memory_space<vmem>> -> memref<1x32xf32, #tpu.memory_space<vmem>>
      %dma_start3A_86 = tpu.memref_squeeze %dma_start3A_85 : memref<1x32xf32, #tpu.memory_space<vmem>> -> memref<32xf32, #tpu.memory_space<vmem>>
      %dma_start3A_87 = arith.constant 0 : i32
      %dma_start3A_88 = tpu.memref_slice %arg6[%squeeze3A_84, %dma_start3A_87] : memref<1000x32xf32, #tpu.memory_space<hbm>> -> memref<1x32xf32, #tpu.memory_space<hbm>>
      %dma_start3A_89 = tpu.memref_squeeze %dma_start3A_88 : memref<1x32xf32, #tpu.memory_space<hbm>> -> memref<32xf32, #tpu.memory_space<hbm>>
      %dma_start3A_90 = tpu.memref_slice %arg14[%add3A_59, %mul3A_61] : memref<128x128xf32, #tpu.memory_space<vmem>> -> memref<1x32xf32, #tpu.memory_space<vmem>>
      %dma_start3A_91 = tpu.memref_squeeze %dma_start3A_90 : memref<1x32xf32, #tpu.memory_space<vmem>> -> memref<32xf32, #tpu.memory_space<vmem>>
      %dma_start3A_92 = arith.constant 0 : i32
      %dma_start3A_93 = tpu.memref_slice %arg6[%squeeze3A_84, %dma_start3A_92] : memref<1000x32xf32, #tpu.memory_space<hbm>> -> memref<1x32xf32, #tpu.memory_space<hbm>>
      %dma_start3A_94 = tpu.memref_squeeze %dma_start3A_93 : memref<1x32xf32, #tpu.memory_space<hbm>> -> memref<32xf32, #tpu.memory_space<hbm>>
      tpu.enqueue_dma source(%dma_start3A_94 : memref<32xf32, #tpu.memory_space<hbm>>) target(%dma_start3A_91 : memref<32xf32, #tpu.memory_space<vmem>>) target_semaphore(%arg18 : memref<!tpu.dma_semaphore, #tpu.memory_space<semaphore_mem>>)
      %slice3A_95 = vector.extract_strided_slice %get3A_25 {offsets = [0], sizes = [1], strides = [1]} : vector<16xi32> to vector<1xi32>
      %squeeze3A_96 = vector.extract %slice3A_95[0] : i32 from vector<1xi32>
      %dma_start3A_97 = tpu.memref_slice %arg15[%add3A_59, %mul3A_61] : memref<128x128xf32, #tpu.memory_space<vmem>> -> memref<1x32xf32, #tpu.memory_space<vmem>>
      %dma_start3A_98 = tpu.memref_squeeze %dma_start3A_97 : memref<1x32xf32, #tpu.memory_space<vmem>> -> memref<32xf32, #tpu.memory_space<vmem>>
      %dma_start3A_99 = arith.constant 0 : i32
      %dma_start3A_100 = tpu.memref_slice %arg7[%squeeze3A_96, %dma_start3A_99] : memref<1000x32xf32, #tpu.memory_space<hbm>> -> memref<1x32xf32, #tpu.memory_space<hbm>>
      %dma_start3A_101 = tpu.memref_squeeze %dma_start3A_100 : memref<1x32xf32, #tpu.memory_space<hbm>> -> memref<32xf32, #tpu.memory_space<hbm>>
      %dma_start3A_102 = tpu.memref_slice %arg15[%add3A_59, %mul3A_61] : memref<128x128xf32, #tpu.memory_space<vmem>> -> memref<1x32xf32, #tpu.memory_space<vmem>>
      %dma_start3A_103 = tpu.memref_squeeze %dma_start3A_102 : memref<1x32xf32, #tpu.memory_space<vmem>> -> memref<32xf32, #tpu.memory_space<vmem>>
      %dma_start3A_104 = arith.constant 0 : i32
      %dma_start3A_105 = tpu.memref_slice %arg7[%squeeze3A_96, %dma_start3A_104] : memref<1000x32xf32, #tpu.memory_space<hbm>> -> memref<1x32xf32, #tpu.memory_space<hbm>>
      %dma_start3A_106 = tpu.memref_squeeze %dma_start3A_105 : memref<1x32xf32, #tpu.memory_space<hbm>> -> memref<32xf32, #tpu.memory_space<hbm>>
      tpu.enqueue_dma source(%dma_start3A_106 : memref<32xf32, #tpu.memory_space<hbm>>) target(%dma_start3A_103 : memref<32xf32, #tpu.memory_space<vmem>>) target_semaphore(%arg18 : memref<!tpu.dma_semaphore, #tpu.memory_space<semaphore_mem>>)
      %jit3A_107 = arith.constant 8 : i32
      %eq3A_108 = arith.constant 0 : i32
      %eq3A_109 = arith.cmpi eq, %jit3A_107, %eq3A_108 : i32
      %jit3A_110 = arith.constant 1 : i32
      %select_n3A_111 = arith.select %eq3A_109, %jit3A_110, %jit3A_107 : i32
      %rem3A_112 = arith.remsi %scan3A_14, %select_n3A_111 : i32
      %ne3A_113 = arith.constant 0 : i32
      %ne3A_114 = arith.cmpi ne, %rem3A_112, %ne3A_113 : i32
      %lt3A_115 = arith.constant 0 : i32
      %lt3A_116 = arith.cmpi slt, %rem3A_112, %lt3A_115 : i32
      %lt3A_117 = arith.constant 0 : i32
      %lt3A_118 = arith.cmpi slt, %select_n3A_111, %lt3A_117 : i32
      %ne3A_119 = arith.xori %lt3A_116, %lt3A_118 : i1
      %and3A_120 = arith.andi %ne3A_119, %ne3A_114 : i1
      %add3A_121 = arith.addi %rem3A_112, %select_n3A_111 : i32
      %select_n3A_122 = arith.select %and3A_120, %add3A_121, %rem3A_112 : i32
      %mul3A_123 = arith.constant 16 : i32
      %mul3A_124 = arith.muli %select_n3A_122, %mul3A_123 : i32
      %add3A_125 = arith.constant 1 : i32
      %add3A_126 = arith.addi %mul3A_124, %add3A_125 : i32
      %mul3A_127 = arith.constant 32 : i32
      %mul3A_128 = arith.muli %select_n3A, %mul3A_127 : i32
      %slice3A_129 = vector.extract_strided_slice %get3A_17 {offsets = [1], sizes = [1], strides = [1]} : vector<16xi32> to vector<1xi32>
      %squeeze3A_130 = vector.extract %slice3A_129[0] : i32 from vector<1xi32>
      %dma_start3A_131 = tpu.memref_slice %arg12[%add3A_126, %mul3A_128] : memref<128x128xf32, #tpu.memory_space<vmem>> -> memref<1x32xf32, #tpu.memory_space<vmem>>
      %dma_start3A_132 = tpu.memref_squeeze %dma_start3A_131 : memref<1x32xf32, #tpu.memory_space<vmem>> -> memref<32xf32, #tpu.memory_space<vmem>>
      %dma_start3A_133 = arith.constant 0 : i32
      %dma_start3A_134 = tpu.memref_slice %arg5[%squeeze3A_130, %dma_start3A_133] : memref<1000000x32xf32, #tpu.memory_space<hbm>> -> memref<1x32xf32, #tpu.memory_space<hbm>>
      %dma_start3A_135 = tpu.memref_squeeze %dma_start3A_134 : memref<1x32xf32, #tpu.memory_space<hbm>> -> memref<32xf32, #tpu.memory_space<hbm>>
      %dma_start3A_136 = tpu.memref_slice %arg12[%add3A_126, %mul3A_128] : memref<128x128xf32, #tpu.memory_space<vmem>> -> memref<1x32xf32, #tpu.memory_space<vmem>>
      %dma_start3A_137 = tpu.memref_squeeze %dma_start3A_136 : memref<1x32xf32, #tpu.memory_space<vmem>> -> memref<32xf32, #tpu.memory_space<vmem>>
      %dma_start3A_138 = arith.constant 0 : i32
      %dma_start3A_139 = tpu.memref_slice %arg5[%squeeze3A_130, %dma_start3A_138] : memref<1000000x32xf32, #tpu.memory_space<hbm>> -> memref<1x32xf32, #tpu.memory_space<hbm>>
      %dma_start3A_140 = tpu.memref_squeeze %dma_start3A_139 : memref<1x32xf32, #tpu.memory_space<hbm>> -> memref<32xf32, #tpu.memory_space<hbm>>
      tpu.enqueue_dma source(%dma_start3A_140 : memref<32xf32, #tpu.memory_space<hbm>>) target(%dma_start3A_137 : memref<32xf32, #tpu.memory_space<vmem>>) target_semaphore(%arg18 : memref<!tpu.dma_semaphore, #tpu.memory_space<semaphore_mem>>)
      %slice3A_141 = vector.extract_strided_slice %get3A_21 {offsets = [1], sizes = [1], strides = [1]} : vector<16xi32> to vector<1xi32>
      %squeeze3A_142 = vector.extract %slice3A_141[0] : i32 from vector<1xi32>
      %dma_start3A_143 = tpu.memref_slice %arg13[%add3A_126, %mul3A_128] : memref<128x128xf32, #tpu.memory_space<vmem>> -> memref<1x32xf32, #tpu.memory_space<vmem>>
      %dma_start3A_144 = tpu.memref_squeeze %dma_start3A_143 : memref<1x32xf32, #tpu.memory_space<vmem>> -> memref<32xf32, #tpu.memory_space<vmem>>
      %dma_start3A_145 = arith.constant 0 : i32
      %dma_start3A_146 = tpu.memref_slice %arg5[%squeeze3A_142, %dma_start3A_145] : memref<1000000x32xf32, #tpu.memory_space<hbm>> -> memref<1x32xf32, #tpu.memory_space<hbm>>
      %dma_start3A_147 = tpu.memref_squeeze %dma_start3A_146 : memref<1x32xf32, #tpu.memory_space<hbm>> -> memref<32xf32, #tpu.memory_space<hbm>>
      %dma_start3A_148 = tpu.memref_slice %arg13[%add3A_126, %mul3A_128] : memref<128x128xf32, #tpu.memory_space<vmem>> -> memref<1x32xf32, #tpu.memory_space<vmem>>
      %dma_start3A_149 = tpu.memref_squeeze %dma_start3A_148 : memref<1x32xf32, #tpu.memory_space<vmem>> -> memref<32xf32, #tpu.memory_space<vmem>>
      %dma_start3A_150 = arith.constant 0 : i32
      %dma_start3A_151 = tpu.memref_slice %arg5[%squeeze3A_142, %dma_start3A_150] : memref<1000000x32xf32, #tpu.memory_space<hbm>> -> memref<1x32xf32, #tpu.memory_space<hbm>>
      %dma_start3A_152 = tpu.memref_squeeze %dma_start3A_151 : memref<1x32xf32, #tpu.memory_space<hbm>> -> memref<32xf32, #tpu.memory_space<hbm>>
      tpu.enqueue_dma source(%dma_start3A_152 : memref<32xf32, #tpu.memory_space<hbm>>) target(%dma_start3A_149 : memref<32xf32, #tpu.memory_space<vmem>>) target_semaphore(%arg18 : memref<!tpu.dma_semaphore, #tpu.memory_space<semaphore_mem>>)
      %slice3A_153 = vector.extract_strided_slice %get3A_25 {offsets = [1], sizes = [1], strides = [1]} : vector<16xi32> to vector<1xi32>
      %squeeze3A_154 = vector.extract %slice3A_153[0] : i32 from vector<1xi32>
      %dma_start3A_155 = tpu.memref_slice %arg14[%add3A_126, %mul3A_128] : memref<128x128xf32, #tpu.memory_space<vmem>> -> memref<1x32xf32, #tpu.memory_space<vmem>>
      %dma_start3A_156 = tpu.memref_squeeze %dma_start3A_155 : memref<1x32xf32, #tpu.memory_space<vmem>> -> memref<32xf32, #tpu.memory_space<vmem>>
      %dma_start3A_157 = arith.constant 0 : i32
      %dma_start3A_158 = tpu.memref_slice %arg6[%squeeze3A_154, %dma_start3A_157] : memref<1000x32xf32, #tpu.memory_space<hbm>> -> memref<1x32xf32, #tpu.memory_space<hbm>>
      %dma_start3A_159 = tpu.memref_squeeze %dma_start3A_158 : memref<1x32xf32, #tpu.memory_space<hbm>> -> memref<32xf32, #tpu.memory_space<hbm>>
      %dma_start3A_160 = tpu.memref_slice %arg14[%add3A_126, %mul3A_128] : memref<128x128xf32, #tpu.memory_space<vmem>> -> memref<1x32xf32, #tpu.memory_space<vmem>>
      %dma_start3A_161 = tpu.memref_squeeze %dma_start3A_160 : memref<1x32xf32, #tpu.memory_space<vmem>> -> memref<32xf32, #tpu.memory_space<vmem>>
      %dma_start3A_162 = arith.constant 0 : i32
      %dma_start3A_163 = tpu.memref_slice %arg6[%squeeze3A_154, %dma_start3A_162] : memref<1000x32xf32, #tpu.memory_space<hbm>> -> memref<1x32xf32, #tpu.memory_space<hbm>>
      %dma_start3A_164 = tpu.memref_squeeze %dma_start3A_163 : memref<1x32xf32, #tpu.memory_space<hbm>> -> memref<32xf32, #tpu.memory_space<hbm>>
      tpu.enqueue_dma source(%dma_start3A_164 : memref<32xf32, #tpu.memory_space<hbm>>) target(%dma_start3A_161 : memref<32xf32, #tpu.memory_space<vmem>>) target_semaphore(%arg18 : memref<!tpu.dma_semaphore, #tpu.memory_space<semaphore_mem>>)
      %slice3A_165 = vector.extract_strided_slice %get3A_25 {offsets = [1], sizes = [1], strides = [1]} : vector<16xi32> to vector<1xi32>
      %squeeze3A_166 = vector.extract %slice3A_165[0] : i32 from vector<1xi32>
      %dma_start3A_167 = tpu.memref_slice %arg15[%add3A_126, %mul3A_128] : memref<128x128xf32, #tpu.memory_space<vmem>> -> memref<1x32xf32, #tpu.memory_space<vmem>>
      %dma_start3A_168 = tpu.memref_squeeze %dma_start3A_167 : memref<1x32xf32, #tpu.memory_space<vmem>> -> memref<32xf32, #tpu.memory_space<vmem>>
      %dma_start3A_169 = arith.constant 0 : i32
      %dma_start3A_170 = tpu.memref_slice %arg7[%squeeze3A_166, %dma_start3A_169] : memref<1000x32xf32, #tpu.memory_space<hbm>> -> memref<1x32xf32, #tpu.memory_space<hbm>>
      %dma_start3A_171 = tpu.memref_squeeze %dma_start3A_170 : memref<1x32xf32, #tpu.memory_space<hbm>> -> memref<32xf32, #tpu.memory_space<hbm>>
      %dma_start3A_172 = tpu.memref_slice %arg15[%add3A_126, %mul3A_128] : memref<128x128xf32, #tpu.memory_space<vmem>> -> memref<1x32xf32, #tpu.memory_space<vmem>>
      %dma_start3A_173 = tpu.memref_squeeze %dma_start3A_172 : memref<1x32xf32, #tpu.memory_space<vmem>> -> memref<32xf32, #tpu.memory_space<vmem>>
      %dma_start3A_174 = arith.constant 0 : i32
      %dma_start3A_175 = tpu.memref_slice %arg7[%squeeze3A_166, %dma_start3A_174] : memref<1000x32xf32, #tpu.memory_space<hbm>> -> memref<1x32xf32, #tpu.memory_space<hbm>>
      %dma_start3A_176 = tpu.memref_squeeze %dma_start3A_175 : memref<1x32xf32, #tpu.memory_space<hbm>> -> memref<32xf32, #tpu.memory_space<hbm>>
      tpu.enqueue_dma source(%dma_start3A_176 : memref<32xf32, #tpu.memory_space<hbm>>) target(%dma_start3A_173 : memref<32xf32, #tpu.memory_space<vmem>>) target_semaphore(%arg18 : memref<!tpu.dma_semaphore, #tpu.memory_space<semaphore_mem>>)
      %jit3A_177 = arith.constant 8 : i32
      %eq3A_178 = arith.constant 0 : i32
      %eq3A_179 = arith.cmpi eq, %jit3A_177, %eq3A_178 : i32
      %jit3A_180 = arith.constant 1 : i32
      %select_n3A_181 = arith.select %eq3A_179, %jit3A_180, %jit3A_177 : i32
      %rem3A_182 = arith.remsi %scan3A_14, %select_n3A_181 : i32
      %ne3A_183 = arith.constant 0 : i32
      %ne3A_184 = arith.cmpi ne, %rem3A_182, %ne3A_183 : i32
      %lt3A_185 = arith.constant 0 : i32
      %lt3A_186 = arith.cmpi slt, %rem3A_182, %lt3A_185 : i32
      %lt3A_187 = arith.constant 0 : i32
      %lt3A_188 = arith.cmpi slt, %select_n3A_181, %lt3A_187 : i32
      %ne3A_189 = arith.xori %lt3A_186, %lt3A_188 : i1
      %and3A_190 = arith.andi %ne3A_189, %ne3A_184 : i1
      %add3A_191 = arith.addi %rem3A_182, %select_n3A_181 : i32
      %select_n3A_192 = arith.select %and3A_190, %add3A_191, %rem3A_182 : i32
      %mul3A_193 = arith.constant 16 : i32
      %mul3A_194 = arith.muli %select_n3A_192, %mul3A_193 : i32
      %add3A_195 = arith.constant 2 : i32
      %add3A_196 = arith.addi %mul3A_194, %add3A_195 : i32
      %mul3A_197 = arith.constant 32 : i32
      %mul3A_198 = arith.muli %select_n3A, %mul3A_197 : i32
      %slice3A_199 = vector.extract_strided_slice %get3A_17 {offsets = [2], sizes = [1], strides = [1]} : vector<16xi32> to vector<1xi32>
      %squeeze3A_200 = vector.extract %slice3A_199[0] : i32 from vector<1xi32>
      %dma_start3A_201 = tpu.memref_slice %arg12[%add3A_196, %mul3A_198] : memref<128x128xf32, #tpu.memory_space<vmem>> -> memref<1x32xf32, #tpu.memory_space<vmem>>
      %dma_start3A_202 = tpu.memref_squeeze %dma_start3A_201 : memref<1x32xf32, #tpu.memory_space<vmem>> -> memref<32xf32, #tpu.memory_space<vmem>>
      %dma_start3A_203 = arith.constant 0 : i32
      %dma_start3A_204 = tpu.memref_slice %arg5[%squeeze3A_200, %dma_start3A_203] : memref<1000000x32xf32, #tpu.memory_space<hbm>> -> memref<1x32xf32, #tpu.memory_space<hbm>>
      %dma_start3A_205 = tpu.memref_squeeze %dma_start3A_204 : memref<1x32xf32, #tpu.memory_space<hbm>> -> memref<32xf32, #tpu.memory_space<hbm>>
      %dma_start3A_206 = tpu.memref_slice %arg12[%add3A_196, %mul3A_198] : memref<128x128xf32, #tpu.memory_space<vmem>> -> memref<1x32xf32, #tpu.memory_space<vmem>>
      %dma_start3A_207 = tpu.memref_squeeze %dma_start3A_206 : memref<1x32xf32, #tpu.memory_space<vmem>> -> memref<32xf32, #tpu.memory_space<vmem>>
      %dma_start3A_208 = arith.constant 0 : i32
      %dma_start3A_209 = tpu.memref_slice %arg5[%squeeze3A_200, %dma_start3A_208] : memref<1000000x32xf32, #tpu.memory_space<hbm>> -> memref<1x32xf32, #tpu.memory_space<hbm>>
      %dma_start3A_210 = tpu.memref_squeeze %dma_start3A_209 : memref<1x32xf32, #tpu.memory_space<hbm>> -> memref<32xf32, #tpu.memory_space<hbm>>
      tpu.enqueue_dma source(%dma_start3A_210 : memref<32xf32, #tpu.memory_space<hbm>>) target(%dma_start3A_207 : memref<32xf32, #tpu.memory_space<vmem>>) target_semaphore(%arg18 : memref<!tpu.dma_semaphore, #tpu.memory_space<semaphore_mem>>)
      %slice3A_211 = vector.extract_strided_slice %get3A_21 {offsets = [2], sizes = [1], strides = [1]} : vector<16xi32> to vector<1xi32>
      %squeeze3A_212 = vector.extract %slice3A_211[0] : i32 from vector<1xi32>
      %dma_start3A_213 = tpu.memref_slice %arg13[%add3A_196, %mul3A_198] : memref<128x128xf32, #tpu.memory_space<vmem>> -> memref<1x32xf32, #tpu.memory_space<vmem>>
      %dma_start3A_214 = tpu.memref_squeeze %dma_start3A_213 : memref<1x32xf32, #tpu.memory_space<vmem>> -> memref<32xf32, #tpu.memory_space<vmem>>
      %dma_start3A_215 = arith.constant 0 : i32
      %dma_start3A_216 = tpu.memref_slice %arg5[%squeeze3A_212, %dma_start3A_215] : memref<1000000x32xf32, #tpu.memory_space<hbm>> -> memref<1x32xf32, #tpu.memory_space<hbm>>
      %dma_start3A_217 = tpu.memref_squeeze %dma_start3A_216 : memref<1x32xf32, #tpu.memory_space<hbm>> -> memref<32xf32, #tpu.memory_space<hbm>>
      %dma_start3A_218 = tpu.memref_slice %arg13[%add3A_196, %mul3A_198] : memref<128x128xf32, #tpu.memory_space<vmem>> -> memref<1x32xf32, #tpu.memory_space<vmem>>
      %dma_start3A_219 = tpu.memref_squeeze %dma_start3A_218 : memref<1x32xf32, #tpu.memory_space<vmem>> -> memref<32xf32, #tpu.memory_space<vmem>>
      %dma_start3A_220 = arith.constant 0 : i32
      %dma_start3A_221 = tpu.memref_slice %arg5[%squeeze3A_212, %dma_start3A_220] : memref<1000000x32xf32, #tpu.memory_space<hbm>> -> memref<1x32xf32, #tpu.memory_space<hbm>>
      %dma_start3A_222 = tpu.memref_squeeze %dma_start3A_221 : memref<1x32xf32, #tpu.memory_space<hbm>> -> memref<32xf32, #tpu.memory_space<hbm>>
      tpu.enqueue_dma source(%dma_start3A_222 : memref<32xf32, #tpu.memory_space<hbm>>) target(%dma_start3A_219 : memref<32xf32, #tpu.memory_space<vmem>>) target_semaphore(%arg18 : memref<!tpu.dma_semaphore, #tpu.memory_space<semaphore_mem>>)
      %slice3A_223 = vector.extract_strided_slice %get3A_25 {offsets = [2], sizes = [1], strides = [1]} : vector<16xi32> to vector<1xi32>
      %squeeze3A_224 = vector.extract %slice3A_223[0] : i32 from vector<1xi32>
      %dma_start3A_225 = tpu.memref_slice %arg14[%add3A_196, %mul3A_198] : memref<128x128xf32, #tpu.memory_space<vmem>> -> memref<1x32xf32, #tpu.memory_space<vmem>>
      %dma_start3A_226 = tpu.memref_squeeze %dma_start3A_225 : memref<1x32xf32, #tpu.memory_space<vmem>> -> memref<32xf32, #tpu.memory_space<vmem>>
      %dma_start3A_227 = arith.constant 0 : i32
      %dma_start3A_228 = tpu.memref_slice %arg6[%squeeze3A_224, %dma_start3A_227] : memref<1000x32xf32, #tpu.memory_space<hbm>> -> memref<1x32xf32, #tpu.memory_space<hbm>>
      %dma_start3A_229 = tpu.memref_squeeze %dma_start3A_228 : memref<1x32xf32, #tpu.memory_space<hbm>> -> memref<32xf32, #tpu.memory_space<hbm>>
      %dma_start3A_230 = tpu.memref_slice %arg14[%add3A_196, %mul3A_198] : memref<128x128xf32, #tpu.memory_space<vmem>> -> memref<1x32xf32, #tpu.memory_space<vmem>>
      %dma_start3A_231 = tpu.memref_squeeze %dma_start3A_230 : memref<1x32xf32, #tpu.memory_space<vmem>> -> memref<32xf32, #tpu.memory_space<vmem>>
      %dma_start3A_232 = arith.constant 0 : i32
      %dma_start3A_233 = tpu.memref_slice %arg6[%squeeze3A_224, %dma_start3A_232] : memref<1000x32xf32, #tpu.memory_space<hbm>> -> memref<1x32xf32, #tpu.memory_space<hbm>>
      %dma_start3A_234 = tpu.memref_squeeze %dma_start3A_233 : memref<1x32xf32, #tpu.memory_space<hbm>> -> memref<32xf32, #tpu.memory_space<hbm>>
      tpu.enqueue_dma source(%dma_start3A_234 : memref<32xf32, #tpu.memory_space<hbm>>) target(%dma_start3A_231 : memref<32xf32, #tpu.memory_space<vmem>>) target_semaphore(%arg18 : memref<!tpu.dma_semaphore, #tpu.memory_space<semaphore_mem>>)
      %slice3A_235 = vector.extract_strided_slice %get3A_25 {offsets = [2], sizes = [1], strides = [1]} : vector<16xi32> to vector<1xi32>
      %squeeze3A_236 = vector.extract %slice3A_235[0] : i32 from vector<1xi32>
      %dma_start3A_237 = tpu.memref_slice %arg15[%add3A_196, %mul3A_198] : memref<128x128xf32, #tpu.memory_space<vmem>> -> memref<1x32xf32, #tpu.memory_space<vmem>>
      %dma_start3A_238 = tpu.memref_squeeze %dma_start3A_237 : memref<1x32xf32, #tpu.memory_space<vmem>> -> memref<32xf32, #tpu.memory_space<vmem>>
      %dma_start3A_239 = arith.constant 0 : i32
      %dma_start3A_240 = tpu.memref_slice %arg7[%squeeze3A_236, %dma_start3A_239] : memref<1000x32xf32, #tpu.memory_space<hbm>> -> memref<1x32xf32, #tpu.memory_space<hbm>>
      %dma_start3A_241 = tpu.memref_squeeze %dma_start3A_240 : memref<1x32xf32, #tpu.memory_space<hbm>> -> memref<32xf32, #tpu.memory_space<hbm>>
      %dma_start3A_242 = tpu.memref_slice %arg15[%add3A_196, %mul3A_198] : memref<128x128xf32, #tpu.memory_space<vmem>> -> memref<1x32xf32, #tpu.memory_space<vmem>>
      %dma_start3A_243 = tpu.memref_squeeze %dma_start3A_242 : memref<1x32xf32, #tpu.memory_space<vmem>> -> memref<32xf32, #tpu.memory_space<vmem>>
      %dma_start3A_244 = arith.constant 0 : i32
      %dma_start3A_245 = tpu.memref_slice %arg7[%squeeze3A_236, %dma_start3A_244] : memref<1000x32xf32, #tpu.memory_space<hbm>> -> memref<1x32xf32, #tpu.memory_space<hbm>>
      %dma_start3A_246 = tpu.memref_squeeze %dma_start3A_245 : memref<1x32xf32, #tpu.memory_space<hbm>> -> memref<32xf32, #tpu.memory_space<hbm>>
      tpu.enqueue_dma source(%dma_start3A_246 : memref<32xf32, #tpu.memory_space<hbm>>) target(%dma_start3A_243 : memref<32xf32, #tpu.memory_space<vmem>>) target_semaphore(%arg18 : memref<!tpu.dma_semaphore, #tpu.memory_space<semaphore_mem>>)
      %jit3A_247 = arith.constant 8 : i32
      %eq3A_248 = arith.constant 0 : i32
      %eq3A_249 = arith.cmpi eq, %jit3A_247, %eq3A_248 : i32
      %jit3A_250 = arith.constant 1 : i32
      %select_n3A_251 = arith.select %eq3A_249, %jit3A_250, %jit3A_247 : i32
      %rem3A_252 = arith.remsi %scan3A_14, %select_n3A_251 : i32
      %ne3A_253 = arith.constant 0 : i32
      %ne3A_254 = arith.cmpi ne, %rem3A_252, %ne3A_253 : i32
      %lt3A_255 = arith.constant 0 : i32
      %lt3A_256 = arith.cmpi slt, %rem3A_252, %lt3A_255 : i32
      %lt3A_257 = arith.constant 0 : i32
      %lt3A_258 = arith.cmpi slt, %select_n3A_251, %lt3A_257 : i32
      %ne3A_259 = arith.xori %lt3A_256, %lt3A_258 : i1
      %and3A_260 = arith.andi %ne3A_259, %ne3A_254 : i1
      %add3A_261 = arith.addi %rem3A_252, %select_n3A_251 : i32
      %select_n3A_262 = arith.select %and3A_260, %add3A_261, %rem3A_252 : i32
      %mul3A_263 = arith.constant 16 : i32
      %mul3A_264 = arith.muli %select_n3A_262, %mul3A_263 : i32
      %add3A_265 = arith.constant 3 : i32
      %add3A_266 = arith.addi %mul3A_264, %add3A_265 : i32
      %mul3A_267 = arith.constant 32 : i32
      %mul3A_268 = arith.muli %select_n3A, %mul3A_267 : i32
      %slice3A_269 = vector.extract_strided_slice %get3A_17 {offsets = [3], sizes = [1], strides = [1]} : vector<16xi32> to vector<1xi32>
      %squeeze3A_270 = vector.extract %slice3A_269[0] : i32 from vector<1xi32>
      %dma_start3A_271 = tpu.memref_slice %arg12[%add3A_266, %mul3A_268] : memref<128x128xf32, #tpu.memory_space<vmem>> -> memref<1x32xf32, #tpu.memory_space<vmem>>
      %dma_start3A_272 = tpu.memref_squeeze %dma_start3A_271 : memref<1x32xf32, #tpu.memory_space<vmem>> -> memref<32xf32, #tpu.memory_space<vmem>>
      %dma_start3A_273 = arith.constant 0 : i32
      %dma_start3A_274 = tpu.memref_slice %arg5[%squeeze3A_270, %dma_start3A_273] : memref<1000000x32xf32, #tpu.memory_space<hbm>> -> memref<1x32xf32, #tpu.memory_space<hbm>>
      %dma_start3A_275 = tpu.memref_squeeze %dma_start3A_274 : memref<1x32xf32, #tpu.memory_space<hbm>> -> memref<32xf32, #tpu.memory_space<hbm>>
      %dma_start3A_276 = tpu.memref_slice %arg12[%add3A_266, %mul3A_268] : memref<128x128xf32, #tpu.memory_space<vmem>> -> memref<1x32xf32, #tpu.memory_space<vmem>>
      %dma_start3A_277 = tpu.memref_squeeze %dma_start3A_276 : memref<1x32xf32, #tpu.memory_space<vmem>> -> memref<32xf32, #tpu.memory_space<vmem>>
      %dma_start3A_278 = arith.constant 0 : i32
      %dma_start3A_279 = tpu.memref_slice %arg5[%squeeze3A_270, %dma_start3A_278] : memref<1000000x32xf32, #tpu.memory_space<hbm>> -> memref<1x32xf32, #tpu.memory_space<hbm>>
      %dma_start3A_280 = tpu.memref_squeeze %dma_start3A_279 : memref<1x32xf32, #tpu.memory_space<hbm>> -> memref<32xf32, #tpu.memory_space<hbm>>
      tpu.enqueue_dma source(%dma_start3A_280 : memref<32xf32, #tpu.memory_space<hbm>>) target(%dma_start3A_277 : memref<32xf32, #tpu.memory_space<vmem>>) target_semaphore(%arg18 : memref<!tpu.dma_semaphore, #tpu.memory_space<semaphore_mem>>)
      %slice3A_281 = vector.extract_strided_slice %get3A_21 {offsets = [3], sizes = [1], strides = [1]} : vector<16xi32> to vector<1xi32>
      %squeeze3A_282 = vector.extract %slice3A_281[0] : i32 from vector<1xi32>
      %dma_start3A_283 = tpu.memref_slice %arg13[%add3A_266, %mul3A_268] : memref<128x128xf32, #tpu.memory_space<vmem>> -> memref<1x32xf32, #tpu.memory_space<vmem>>
      %dma_start3A_284 = tpu.memref_squeeze %dma_start3A_283 : memref<1x32xf32, #tpu.memory_space<vmem>> -> memref<32xf32, #tpu.memory_space<vmem>>
      %dma_start3A_285 = arith.constant 0 : i32
      %dma_start3A_286 = tpu.memref_slice %arg5[%squeeze3A_282, %dma_start3A_285] : memref<1000000x32xf32, #tpu.memory_space<hbm>> -> memref<1x32xf32, #tpu.memory_space<hbm>>
      %dma_start3A_287 = tpu.memref_squeeze %dma_start3A_286 : memref<1x32xf32, #tpu.memory_space<hbm>> -> memref<32xf32, #tpu.memory_space<hbm>>
      %dma_start3A_288 = tpu.memref_slice %arg13[%add3A_266, %mul3A_268] : memref<128x128xf32, #tpu.memory_space<vmem>> -> memref<1x32xf32, #tpu.memory_space<vmem>>
      %dma_start3A_289 = tpu.memref_squeeze %dma_start3A_288 : memref<1x32xf32, #tpu.memory_space<vmem>> -> memref<32xf32, #tpu.memory_space<vmem>>
      %dma_start3A_290 = arith.constant 0 : i32
      %dma_start3A_291 = tpu.memref_slice %arg5[%squeeze3A_282, %dma_start3A_290] : memref<1000000x32xf32, #tpu.memory_space<hbm>> -> memref<1x32xf32, #tpu.memory_space<hbm>>
      %dma_start3A_292 = tpu.memref_squeeze %dma_start3A_291 : memref<1x32xf32, #tpu.memory_space<hbm>> -> memref<32xf32, #tpu.memory_space<hbm>>
      tpu.enqueue_dma source(%dma_start3A_292 : memref<32xf32, #tpu.memory_space<hbm>>) target(%dma_start3A_289 : memref<32xf32, #tpu.memory_space<vmem>>) target_semaphore(%arg18 : memref<!tpu.dma_semaphore, #tpu.memory_space<semaphore_mem>>)
      %slice3A_293 = vector.extract_strided_slice %get3A_25 {offsets = [3], sizes = [1], strides = [1]} : vector<16xi32> to vector<1xi32>
      %squeeze3A_294 = vector.extract %slice3A_293[0] : i32 from vector<1xi32>
      %dma_start3A_295 = tpu.memref_slice %arg14[%add3A_266, %mul3A_268] : memref<128x128xf32, #tpu.memory_space<vmem>> -> memref<1x32xf32, #tpu.memory_space<vmem>>
      %dma_start3A_296 = tpu.memref_squeeze %dma_start3A_295 : memref<1x32xf32, #tpu.memory_space<vmem>> -> memref<32xf32, #tpu.memory_space<vmem>>
      %dma_start3A_297 = arith.constant 0 : i32
      %dma_start3A_298 = tpu.memref_slice %arg6[%squeeze3A_294, %dma_start3A_297] : memref<1000x32xf32, #tpu.memory_space<hbm>> -> memref<1x32xf32, #tpu.memory_space<hbm>>
      %dma_start3A_299 = tpu.memref_squeeze %dma_start3A_298 : memref<1x32xf32, #tpu.memory_space<hbm>> -> memref<32xf32, #tpu.memory_space<hbm>>
      %dma_start3A_300 = tpu.memref_slice %arg14[%add3A_266, %mul3A_268] : memref<128x128xf32, #tpu.memory_space<vmem>> -> memref<1x32xf32, #tpu.memory_space<vmem>>
      %dma_start3A_301 = tpu.memref_squeeze %dma_start3A_300 : memref<1x32xf32, #tpu.memory_space<vmem>> -> memref<32xf32, #tpu.memory_space<vmem>>
      %dma_start3A_302 = arith.constant 0 : i32
      %dma_start3A_303 = tpu.memref_slice %arg6[%squeeze3A_294, %dma_start3A_302] : memref<1000x32xf32, #tpu.memory_space<hbm>> -> memref<1x32xf32, #tpu.memory_space<hbm>>
      %dma_start3A_304 = tpu.memref_squeeze %dma_start3A_303 : memref<1x32xf32, #tpu.memory_space<hbm>> -> memref<32xf32, #tpu.memory_space<hbm>>
      tpu.enqueue_dma source(%dma_start3A_304 : memref<32xf32, #tpu.memory_space<hbm>>) target(%dma_start3A_301 : memref<32xf32, #tpu.memory_space<vmem>>) target_semaphore(%arg18 : memref<!tpu.dma_semaphore, #tpu.memory_space<semaphore_mem>>)
      %slice3A_305 = vector.extract_strided_slice %get3A_25 {offsets = [3], sizes = [1], strides = [1]} : vector<16xi32> to vector<1xi32>
      %squeeze3A_306 = vector.extract %slice3A_305[0] : i32 from vector<1xi32>
      %dma_start3A_307 = tpu.memref_slice %arg15[%add3A_266, %mul3A_268] : memref<128x128xf32, #tpu.memory_space<vmem>> -> memref<1x32xf32, #tpu.memory_space<vmem>>
      %dma_start3A_308 = tpu.memref_squeeze %dma_start3A_307 : memref<1x32xf32, #tpu.memory_space<vmem>> -> memref<32xf32, #tpu.memory_space<vmem>>
      %dma_start3A_309 = arith.constant 0 : i32
      %dma_start3A_310 = tpu.memref_slice %arg7[%squeeze3A_306, %dma_start3A_309] : memref<1000x32xf32, #tpu.memory_space<hbm>> -> memref<1x32xf32, #tpu.memory_space<hbm>>
      %dma_start3A_311 = tpu.memref_squeeze %dma_start3A_310 : memref<1x32xf32, #tpu.memory_space<hbm>> -> memref<32xf32, #tpu.memory_space<hbm>>
      %dma_start3A_312 = tpu.memref_slice %arg15[%add3A_266, %mul3A_268] : memref<128x128xf32, #tpu.memory_space<vmem>> -> memref<1x32xf32, #tpu.memory_space<vmem>>
      %dma_start3A_313 = tpu.memref_squeeze %dma_start3A_312 : memref<1x32xf32, #tpu.memory_space<vmem>> -> memref<32xf32, #tpu.memory_space<vmem>>
      %dma_start3A_314 = arith.constant 0 : i32
      %dma_start3A_315 = tpu.memref_slice %arg7[%squeeze3A_306, %dma_start3A_314] : memref<1000x32xf32, #tpu.memory_space<hbm>> -> memref<1x32xf32, #tpu.memory_space<hbm>>
      %dma_start3A_316 = tpu.memref_squeeze %dma_start3A_315 : memref<1x32xf32, #tpu.memory_space<hbm>> -> memref<32xf32, #tpu.memory_space<hbm>>
      tpu.enqueue_dma source(%dma_start3A_316 : memref<32xf32, #tpu.memory_space<hbm>>) target(%dma_start3A_313 : memref<32xf32, #tpu.memory_space<vmem>>) target_semaphore(%arg18 : memref<!tpu.dma_semaphore, #tpu.memory_space<semaphore_mem>>)
      %jit3A_317 = arith.constant 8 : i32
      %eq3A_318 = arith.constant 0 : i32
      %eq3A_319 = arith.cmpi eq, %jit3A_317, %eq3A_318 : i32
      %jit3A_320 = arith.constant 1 : i32
      %select_n3A_321 = arith.select %eq3A_319, %jit3A_320, %jit3A_317 : i32
      %rem3A_322 = arith.remsi %scan3A_14, %select_n3A_321 : i32
      %ne3A_323 = arith.constant 0 : i32
      %ne3A_324 = arith.cmpi ne, %rem3A_322, %ne3A_323 : i32
      %lt3A_325 = arith.constant 0 : i32
      %lt3A_326 = arith.cmpi slt, %rem3A_322, %lt3A_325 : i32
      %lt3A_327 = arith.constant 0 : i32
      %lt3A_328 = arith.cmpi slt, %select_n3A_321, %lt3A_327 : i32
      %ne3A_329 = arith.xori %lt3A_326, %lt3A_328 : i1
      %and3A_330 = arith.andi %ne3A_329, %ne3A_324 : i1
      %add3A_331 = arith.addi %rem3A_322, %select_n3A_321 : i32
      %select_n3A_332 = arith.select %and3A_330, %add3A_331, %rem3A_322 : i32
      %mul3A_333 = arith.constant 16 : i32
      %mul3A_334 = arith.muli %select_n3A_332, %mul3A_333 : i32
      %add3A_335 = arith.constant 4 : i32
      %add3A_336 = arith.addi %mul3A_334, %add3A_335 : i32
      %mul3A_337 = arith.constant 32 : i32
      %mul3A_338 = arith.muli %select_n3A, %mul3A_337 : i32
      %slice3A_339 = vector.extract_strided_slice %get3A_17 {offsets = [4], sizes = [1], strides = [1]} : vector<16xi32> to vector<1xi32>
      %squeeze3A_340 = vector.extract %slice3A_339[0] : i32 from vector<1xi32>
      %dma_start3A_341 = tpu.memref_slice %arg12[%add3A_336, %mul3A_338] : memref<128x128xf32, #tpu.memory_space<vmem>> -> memref<1x32xf32, #tpu.memory_space<vmem>>
      %dma_start3A_342 = tpu.memref_squeeze %dma_start3A_341 : memref<1x32xf32, #tpu.memory_space<vmem>> -> memref<32xf32, #tpu.memory_space<vmem>>
      %dma_start3A_343 = arith.constant 0 : i32
      %dma_start3A_344 = tpu.memref_slice %arg5[%squeeze3A_340, %dma_start3A_343] : memref<1000000x32xf32, #tpu.memory_space<hbm>> -> memref<1x32xf32, #tpu.memory_space<hbm>>
      %dma_start3A_345 = tpu.memref_squeeze %dma_start3A_344 : memref<1x32xf32, #tpu.memory_space<hbm>> -> memref<32xf32, #tpu.memory_space<hbm>>
      %dma_start3A_346 = tpu.memref_slice %arg12[%add3A_336, %mul3A_338] : memref<128x128xf32, #tpu.memory_space<vmem>> -> memref<1x32xf32, #tpu.memory_space<vmem>>
      %dma_start3A_347 = tpu.memref_squeeze %dma_start3A_346 : memref<1x32xf32, #tpu.memory_space<vmem>> -> memref<32xf32, #tpu.memory_space<vmem>>
      %dma_start3A_348 = arith.constant 0 : i32
      %dma_start3A_349 = tpu.memref_slice %arg5[%squeeze3A_340, %dma_start3A_348] : memref<1000000x32xf32, #tpu.memory_space<hbm>> -> memref<1x32xf32, #tpu.memory_space<hbm>>
      %dma_start3A_350 = tpu.memref_squeeze %dma_start3A_349 : memref<1x32xf32, #tpu.memory_space<hbm>> -> memref<32xf32, #tpu.memory_space<hbm>>
      tpu.enqueue_dma source(%dma_start3A_350 : memref<32xf32, #tpu.memory_space<hbm>>) target(%dma_start3A_347 : memref<32xf32, #tpu.memory_space<vmem>>) target_semaphore(%arg18 : memref<!tpu.dma_semaphore, #tpu.memory_space<semaphore_mem>>)
      %slice3A_351 = vector.extract_strided_slice %get3A_21 {offsets = [4], sizes = [1], strides = [1]} : vector<16xi32> to vector<1xi32>
      %squeeze3A_352 = vector.extract %slice3A_351[0] : i32 from vector<1xi32>
      %dma_start3A_353 = tpu.memref_slice %arg13[%add3A_336, %mul3A_338] : memref<128x128xf32, #tpu.memory_space<vmem>> -> memref<1x32xf32, #tpu.memory_space<vmem>>
      %dma_start3A_354 = tpu.memref_squeeze %dma_start3A_353 : memref<1x32xf32, #tpu.memory_space<vmem>> -> memref<32xf32, #tpu.memory_space<vmem>>
      %dma_start3A_355 = arith.constant 0 : i32
      %dma_start3A_356 = tpu.memref_slice %arg5[%squeeze3A_352, %dma_start3A_355] : memref<1000000x32xf32, #tpu.memory_space<hbm>> -> memref<1x32xf32, #tpu.memory_space<hbm>>
      %dma_start3A_357 = tpu.memref_squeeze %dma_start3A_356 : memref<1x32xf32, #tpu.memory_space<hbm>> -> memref<32xf32, #tpu.memory_space<hbm>>
      %dma_start3A_358 = tpu.memref_slice %arg13[%add3A_336, %mul3A_338] : memref<128x128xf32, #tpu.memory_space<vmem>> -> memref<1x32xf32, #tpu.memory_space<vmem>>
      %dma_start3A_359 = tpu.memref_squeeze %dma_start3A_358 : memref<1x32xf32, #tpu.memory_space<vmem>> -> memref<32xf32, #tpu.memory_space<vmem>>
      %dma_start3A_360 = arith.constant 0 : i32
      %dma_start3A_361 = tpu.memref_slice %arg5[%squeeze3A_352, %dma_start3A_360] : memref<1000000x32xf32, #tpu.memory_space<hbm>> -> memref<1x32xf32, #tpu.memory_space<hbm>>
      %dma_start3A_362 = tpu.memref_squeeze %dma_start3A_361 : memref<1x32xf32, #tpu.memory_space<hbm>> -> memref<32xf32, #tpu.memory_space<hbm>>
      tpu.enqueue_dma source(%dma_start3A_362 : memref<32xf32, #tpu.memory_space<hbm>>) target(%dma_start3A_359 : memref<32xf32, #tpu.memory_space<vmem>>) target_semaphore(%arg18 : memref<!tpu.dma_semaphore, #tpu.memory_space<semaphore_mem>>)
      %slice3A_363 = vector.extract_strided_slice %get3A_25 {offsets = [4], sizes = [1], strides = [1]} : vector<16xi32> to vector<1xi32>
      %squeeze3A_364 = vector.extract %slice3A_363[0] : i32 from vector<1xi32>
      %dma_start3A_365 = tpu.memref_slice %arg14[%add3A_336, %mul3A_338] : memref<128x128xf32, #tpu.memory_space<vmem>> -> memref<1x32xf32, #tpu.memory_space<vmem>>
      %dma_start3A_366 = tpu.memref_squeeze %dma_start3A_365 : memref<1x32xf32, #tpu.memory_space<vmem>> -> memref<32xf32, #tpu.memory_space<vmem>>
      %dma_start3A_367 = arith.constant 0 : i32
      %dma_start3A_368 = tpu.memref_slice %arg6[%squeeze3A_364, %dma_start3A_367] : memref<1000x32xf32, #tpu.memory_space<hbm>> -> memref<1x32xf32, #tpu.memory_space<hbm>>
      %dma_start3A_369 = tpu.memref_squeeze %dma_start3A_368 : memref<1x32xf32, #tpu.memory_space<hbm>> -> memref<32xf32, #tpu.memory_space<hbm>>
      %dma_start3A_370 = tpu.memref_slice %arg14[%add3A_336, %mul3A_338] : memref<128x128xf32, #tpu.memory_space<vmem>> -> memref<1x32xf32, #tpu.memory_space<vmem>>
      %dma_start3A_371 = tpu.memref_squeeze %dma_start3A_370 : memref<1x32xf32, #tpu.memory_space<vmem>> -> memref<32xf32, #tpu.memory_space<vmem>>
      %dma_start3A_372 = arith.constant 0 : i32
      %dma_start3A_373 = tpu.memref_slice %arg6[%squeeze3A_364, %dma_start3A_372] : memref<1000x32xf32, #tpu.memory_space<hbm>> -> memref<1x32xf32, #tpu.memory_space<hbm>>
      %dma_start3A_374 = tpu.memref_squeeze %dma_start3A_373 : memref<1x32xf32, #tpu.memory_space<hbm>> -> memref<32xf32, #tpu.memory_space<hbm>>
      tpu.enqueue_dma source(%dma_start3A_374 : memref<32xf32, #tpu.memory_space<hbm>>) target(%dma_start3A_371 : memref<32xf32, #tpu.memory_space<vmem>>) target_semaphore(%arg18 : memref<!tpu.dma_semaphore, #tpu.memory_space<semaphore_mem>>)
      %slice3A_375 = vector.extract_strided_slice %get3A_25 {offsets = [4], sizes = [1], strides = [1]} : vector<16xi32> to vector<1xi32>
      %squeeze3A_376 = vector.extract %slice3A_375[0] : i32 from vector<1xi32>
      %dma_start3A_377 = tpu.memref_slice %arg15[%add3A_336, %mul3A_338] : memref<128x128xf32, #tpu.memory_space<vmem>> -> memref<1x32xf32, #tpu.memory_space<vmem>>
      %dma_start3A_378 = tpu.memref_squeeze %dma_start3A_377 : memref<1x32xf32, #tpu.memory_space<vmem>> -> memref<32xf32, #tpu.memory_space<vmem>>
      %dma_start3A_379 = arith.constant 0 : i32
      %dma_start3A_380 = tpu.memref_slice %arg7[%squeeze3A_376, %dma_start3A_379] : memref<1000x32xf32, #tpu.memory_space<hbm>> -> memref<1x32xf32, #tpu.memory_space<hbm>>
      %dma_start3A_381 = tpu.memref_squeeze %dma_start3A_380 : memref<1x32xf32, #tpu.memory_space<hbm>> -> memref<32xf32, #tpu.memory_space<hbm>>
      %dma_start3A_382 = tpu.memref_slice %arg15[%add3A_336, %mul3A_338] : memref<128x128xf32, #tpu.memory_space<vmem>> -> memref<1x32xf32, #tpu.memory_space<vmem>>
      %dma_start3A_383 = tpu.memref_squeeze %dma_start3A_382 : memref<1x32xf32, #tpu.memory_space<vmem>> -> memref<32xf32, #tpu.memory_space<vmem>>
      %dma_start3A_384 = arith.constant 0 : i32
      %dma_start3A_385 = tpu.memref_slice %arg7[%squeeze3A_376, %dma_start3A_384] : memref<1000x32xf32, #tpu.memory_space<hbm>> -> memref<1x32xf32, #tpu.memory_space<hbm>>
      %dma_start3A_386 = tpu.memref_squeeze %dma_start3A_385 : memref<1x32xf32, #tpu.memory_space<hbm>> -> memref<32xf32, #tpu.memory_space<hbm>>
      tpu.enqueue_dma source(%dma_start3A_386 : memref<32xf32, #tpu.memory_space<hbm>>) target(%dma_start3A_383 : memref<32xf32, #tpu.memory_space<vmem>>) target_semaphore(%arg18 : memref<!tpu.dma_semaphore, #tpu.memory_space<semaphore_mem>>)
      %jit3A_387 = arith.constant 8 : i32
      %eq3A_388 = arith.constant 0 : i32
      %eq3A_389 = arith.cmpi eq, %jit3A_387, %eq3A_388 : i32
      %jit3A_390 = arith.constant 1 : i32
      %select_n3A_391 = arith.select %eq3A_389, %jit3A_390, %jit3A_387 : i32
      %rem3A_392 = arith.remsi %scan3A_14, %select_n3A_391 : i32
      %ne3A_393 = arith.constant 0 : i32
      %ne3A_394 = arith.cmpi ne, %rem3A_392, %ne3A_393 : i32
      %lt3A_395 = arith.constant 0 : i32
      %lt3A_396 = arith.cmpi slt, %rem3A_392, %lt3A_395 : i32
      %lt3A_397 = arith.constant 0 : i32
      %lt3A_398 = arith.cmpi slt, %select_n3A_391, %lt3A_397 : i32
      %ne3A_399 = arith.xori %lt3A_396, %lt3A_398 : i1
      %and3A_400 = arith.andi %ne3A_399, %ne3A_394 : i1
      %add3A_401 = arith.addi %rem3A_392, %select_n3A_391 : i32
      %select_n3A_402 = arith.select %and3A_400, %add3A_401, %rem3A_392 : i32
      %mul3A_403 = arith.constant 16 : i32
      %mul3A_404 = arith.muli %select_n3A_402, %mul3A_403 : i32
      %add3A_405 = arith.constant 5 : i32
      %add3A_406 = arith.addi %mul3A_404, %add3A_405 : i32
      %mul3A_407 = arith.constant 32 : i32
      %mul3A_408 = arith.muli %select_n3A, %mul3A_407 : i32
      %slice3A_409 = vector.extract_strided_slice %get3A_17 {offsets = [5], sizes = [1], strides = [1]} : vector<16xi32> to vector<1xi32>
      %squeeze3A_410 = vector.extract %slice3A_409[0] : i32 from vector<1xi32>
      %dma_start3A_411 = tpu.memref_slice %arg12[%add3A_406, %mul3A_408] : memref<128x128xf32, #tpu.memory_space<vmem>> -> memref<1x32xf32, #tpu.memory_space<vmem>>
      %dma_start3A_412 = tpu.memref_squeeze %dma_start3A_411 : memref<1x32xf32, #tpu.memory_space<vmem>> -> memref<32xf32, #tpu.memory_space<vmem>>
      %dma_start3A_413 = arith.constant 0 : i32
      %dma_start3A_414 = tpu.memref_slice %arg5[%squeeze3A_410, %dma_start3A_413] : memref<1000000x32xf32, #tpu.memory_space<hbm>> -> memref<1x32xf32, #tpu.memory_space<hbm>>
      %dma_start3A_415 = tpu.memref_squeeze %dma_start3A_414 : memref<1x32xf32, #tpu.memory_space<hbm>> -> memref<32xf32, #tpu.memory_space<hbm>>
      %dma_start3A_416 = tpu.memref_slice %arg12[%add3A_406, %mul3A_408] : memref<128x128xf32, #tpu.memory_space<vmem>> -> memref<1x32xf32, #tpu.memory_space<vmem>>
      %dma_start3A_417 = tpu.memref_squeeze %dma_start3A_416 : memref<1x32xf32, #tpu.memory_space<vmem>> -> memref<32xf32, #tpu.memory_space<vmem>>
      %dma_start3A_418 = arith.constant 0 : i32
      %dma_start3A_419 = tpu.memref_slice %arg5[%squeeze3A_410, %dma_start3A_418] : memref<1000000x32xf32, #tpu.memory_space<hbm>> -> memref<1x32xf32, #tpu.memory_space<hbm>>
      %dma_start3A_420 = tpu.memref_squeeze %dma_start3A_419 : memref<1x32xf32, #tpu.memory_space<hbm>> -> memref<32xf32, #tpu.memory_space<hbm>>
      tpu.enqueue_dma source(%dma_start3A_420 : memref<32xf32, #tpu.memory_space<hbm>>) target(%dma_start3A_417 : memref<32xf32, #tpu.memory_space<vmem>>) target_semaphore(%arg18 : memref<!tpu.dma_semaphore, #tpu.memory_space<semaphore_mem>>)
      %slice3A_421 = vector.extract_strided_slice %get3A_21 {offsets = [5], sizes = [1], strides = [1]} : vector<16xi32> to vector<1xi32>
      %squeeze3A_422 = vector.extract %slice3A_421[0] : i32 from vector<1xi32>
      %dma_start3A_423 = tpu.memref_slice %arg13[%add3A_406, %mul3A_408] : memref<128x128xf32, #tpu.memory_space<vmem>> -> memref<1x32xf32, #tpu.memory_space<vmem>>
      %dma_start3A_424 = tpu.memref_squeeze %dma_start3A_423 : memref<1x32xf32, #tpu.memory_space<vmem>> -> memref<32xf32, #tpu.memory_space<vmem>>
      %dma_start3A_425 = arith.constant 0 : i32
      %dma_start3A_426 = tpu.memref_slice %arg5[%squeeze3A_422, %dma_start3A_425] : memref<1000000x32xf32, #tpu.memory_space<hbm>> -> memref<1x32xf32, #tpu.memory_space<hbm>>
      %dma_start3A_427 = tpu.memref_squeeze %dma_start3A_426 : memref<1x32xf32, #tpu.memory_space<hbm>> -> memref<32xf32, #tpu.memory_space<hbm>>
      %dma_start3A_428 = tpu.memref_slice %arg13[%add3A_406, %mul3A_408] : memref<128x128xf32, #tpu.memory_space<vmem>> -> memref<1x32xf32, #tpu.memory_space<vmem>>
      %dma_start3A_429 = tpu.memref_squeeze %dma_start3A_428 : memref<1x32xf32, #tpu.memory_space<vmem>> -> memref<32xf32, #tpu.memory_space<vmem>>
      %dma_start3A_430 = arith.constant 0 : i32
      %dma_start3A_431 = tpu.memref_slice %arg5[%squeeze3A_422, %dma_start3A_430] : memref<1000000x32xf32, #tpu.memory_space<hbm>> -> memref<1x32xf32, #tpu.memory_space<hbm>>
      %dma_start3A_432 = tpu.memref_squeeze %dma_start3A_431 : memref<1x32xf32, #tpu.memory_space<hbm>> -> memref<32xf32, #tpu.memory_space<hbm>>
      tpu.enqueue_dma source(%dma_start3A_432 : memref<32xf32, #tpu.memory_space<hbm>>) target(%dma_start3A_429 : memref<32xf32, #tpu.memory_space<vmem>>) target_semaphore(%arg18 : memref<!tpu.dma_semaphore, #tpu.memory_space<semaphore_mem>>)
      %slice3A_433 = vector.extract_strided_slice %get3A_25 {offsets = [5], sizes = [1], strides = [1]} : vector<16xi32> to vector<1xi32>
      %squeeze3A_434 = vector.extract %slice3A_433[0] : i32 from vector<1xi32>
      %dma_start3A_435 = tpu.memref_slice %arg14[%add3A_406, %mul3A_408] : memref<128x128xf32, #tpu.memory_space<vmem>> -> memref<1x32xf32, #tpu.memory_space<vmem>>
      %dma_start3A_436 = tpu.memref_squeeze %dma_start3A_435 : memref<1x32xf32, #tpu.memory_space<vmem>> -> memref<32xf32, #tpu.memory_space<vmem>>
      %dma_start3A_437 = arith.constant 0 : i32
      %dma_start3A_438 = tpu.memref_slice %arg6[%squeeze3A_434, %dma_start3A_437] : memref<1000x32xf32, #tpu.memory_space<hbm>> -> memref<1x32xf32, #tpu.memory_space<hbm>>
      %dma_start3A_439 = tpu.memref_squeeze %dma_start3A_438 : memref<1x32xf32, #tpu.memory_space<hbm>> -> memref<32xf32, #tpu.memory_space<hbm>>
      %dma_start3A_440 = tpu.memref_slice %arg14[%add3A_406, %mul3A_408] : memref<128x128xf32, #tpu.memory_space<vmem>> -> memref<1x32xf32, #tpu.memory_space<vmem>>
      %dma_start3A_441 = tpu.memref_squeeze %dma_start3A_440 : memref<1x32xf32, #tpu.memory_space<vmem>> -> memref<32xf32, #tpu.memory_space<vmem>>
      %dma_start3A_442 = arith.constant 0 : i32
      %dma_start3A_443 = tpu.memref_slice %arg6[%squeeze3A_434, %dma_start3A_442] : memref<1000x32xf32, #tpu.memory_space<hbm>> -> memref<1x32xf32, #tpu.memory_space<hbm>>
      %dma_start3A_444 = tpu.memref_squeeze %dma_start3A_443 : memref<1x32xf32, #tpu.memory_space<hbm>> -> memref<32xf32, #tpu.memory_space<hbm>>
      tpu.enqueue_dma source(%dma_start3A_444 : memref<32xf32, #tpu.memory_space<hbm>>) target(%dma_start3A_441 : memref<32xf32, #tpu.memory_space<vmem>>) target_semaphore(%arg18 : memref<!tpu.dma_semaphore, #tpu.memory_space<semaphore_mem>>)
      %slice3A_445 = vector.extract_strided_slice %get3A_25 {offsets = [5], sizes = [1], strides = [1]} : vector<16xi32> to vector<1xi32>
      %squeeze3A_446 = vector.extract %slice3A_445[0] : i32 from vector<1xi32>
      %dma_start3A_447 = tpu.memref_slice %arg15[%add3A_406, %mul3A_408] : memref<128x128xf32, #tpu.memory_space<vmem>> -> memref<1x32xf32, #tpu.memory_space<vmem>>
      %dma_start3A_448 = tpu.memref_squeeze %dma_start3A_447 : memref<1x32xf32, #tpu.memory_space<vmem>> -> memref<32xf32, #tpu.memory_space<vmem>>
      %dma_start3A_449 = arith.constant 0 : i32
      %dma_start3A_450 = tpu.memref_slice %arg7[%squeeze3A_446, %dma_start3A_449] : memref<1000x32xf32, #tpu.memory_space<hbm>> -> memref<1x32xf32, #tpu.memory_space<hbm>>
      %dma_start3A_451 = tpu.memref_squeeze %dma_start3A_450 : memref<1x32xf32, #tpu.memory_space<hbm>> -> memref<32xf32, #tpu.memory_space<hbm>>
      %dma_start3A_452 = tpu.memref_slice %arg15[%add3A_406, %mul3A_408] : memref<128x128xf32, #tpu.memory_space<vmem>> -> memref<1x32xf32, #tpu.memory_space<vmem>>
      %dma_start3A_453 = tpu.memref_squeeze %dma_start3A_452 : memref<1x32xf32, #tpu.memory_space<vmem>> -> memref<32xf32, #tpu.memory_space<vmem>>
      %dma_start3A_454 = arith.constant 0 : i32
      %dma_start3A_455 = tpu.memref_slice %arg7[%squeeze3A_446, %dma_start3A_454] : memref<1000x32xf32, #tpu.memory_space<hbm>> -> memref<1x32xf32, #tpu.memory_space<hbm>>
      %dma_start3A_456 = tpu.memref_squeeze %dma_start3A_455 : memref<1x32xf32, #tpu.memory_space<hbm>> -> memref<32xf32, #tpu.memory_space<hbm>>
      tpu.enqueue_dma source(%dma_start3A_456 : memref<32xf32, #tpu.memory_space<hbm>>) target(%dma_start3A_453 : memref<32xf32, #tpu.memory_space<vmem>>) target_semaphore(%arg18 : memref<!tpu.dma_semaphore, #tpu.memory_space<semaphore_mem>>)
      %jit3A_457 = arith.constant 8 : i32
      %eq3A_458 = arith.constant 0 : i32
      %eq3A_459 = arith.cmpi eq, %jit3A_457, %eq3A_458 : i32
      %jit3A_460 = arith.constant 1 : i32
      %select_n3A_461 = arith.select %eq3A_459, %jit3A_460, %jit3A_457 : i32
      %rem3A_462 = arith.remsi %scan3A_14, %select_n3A_461 : i32
      %ne3A_463 = arith.constant 0 : i32
      %ne3A_464 = arith.cmpi ne, %rem3A_462, %ne3A_463 : i32
      %lt3A_465 = arith.constant 0 : i32
      %lt3A_466 = arith.cmpi slt, %rem3A_462, %lt3A_465 : i32
      %lt3A_467 = arith.constant 0 : i32
      %lt3A_468 = arith.cmpi slt, %select_n3A_461, %lt3A_467 : i32
      %ne3A_469 = arith.xori %lt3A_466, %lt3A_468 : i1
      %and3A_470 = arith.andi %ne3A_469, %ne3A_464 : i1
      %add3A_471 = arith.addi %rem3A_462, %select_n3A_461 : i32
      %select_n3A_472 = arith.select %and3A_470, %add3A_471, %rem3A_462 : i32
      %mul3A_473 = arith.constant 16 : i32
      %mul3A_474 = arith.muli %select_n3A_472, %mul3A_473 : i32
      %add3A_475 = arith.constant 6 : i32
      %add3A_476 = arith.addi %mul3A_474, %add3A_475 : i32
      %mul3A_477 = arith.constant 32 : i32
      %mul3A_478 = arith.muli %select_n3A, %mul3A_477 : i32
      %slice3A_479 = vector.extract_strided_slice %get3A_17 {offsets = [6], sizes = [1], strides = [1]} : vector<16xi32> to vector<1xi32>
      %squeeze3A_480 = vector.extract %slice3A_479[0] : i32 from vector<1xi32>
      %dma_start3A_481 = tpu.memref_slice %arg12[%add3A_476, %mul3A_478] : memref<128x128xf32, #tpu.memory_space<vmem>> -> memref<1x32xf32, #tpu.memory_space<vmem>>
      %dma_start3A_482 = tpu.memref_squeeze %dma_start3A_481 : memref<1x32xf32, #tpu.memory_space<vmem>> -> memref<32xf32, #tpu.memory_space<vmem>>
      %dma_start3A_483 = arith.constant 0 : i32
      %dma_start3A_484 = tpu.memref_slice %arg5[%squeeze3A_480, %dma_start3A_483] : memref<1000000x32xf32, #tpu.memory_space<hbm>> -> memref<1x32xf32, #tpu.memory_space<hbm>>
      %dma_start3A_485 = tpu.memref_squeeze %dma_start3A_484 : memref<1x32xf32, #tpu.memory_space<hbm>> -> memref<32xf32, #tpu.memory_space<hbm>>
      %dma_start3A_486 = tpu.memref_slice %arg12[%add3A_476, %mul3A_478] : memref<128x128xf32, #tpu.memory_space<vmem>> -> memref<1x32xf32, #tpu.memory_space<vmem>>
      %dma_start3A_487 = tpu.memref_squeeze %dma_start3A_486 : memref<1x32xf32, #tpu.memory_space<vmem>> -> memref<32xf32, #tpu.memory_space<vmem>>
      %dma_start3A_488 = arith.constant 0 : i32
      %dma_start3A_489 = tpu.memref_slice %arg5[%squeeze3A_480, %dma_start3A_488] : memref<1000000x32xf32, #tpu.memory_space<hbm>> -> memref<1x32xf32, #tpu.memory_space<hbm>>
      %dma_start3A_490 = tpu.memref_squeeze %dma_start3A_489 : memref<1x32xf32, #tpu.memory_space<hbm>> -> memref<32xf32, #tpu.memory_space<hbm>>
      tpu.enqueue_dma source(%dma_start3A_490 : memref<32xf32, #tpu.memory_space<hbm>>) target(%dma_start3A_487 : memref<32xf32, #tpu.memory_space<vmem>>) target_semaphore(%arg18 : memref<!tpu.dma_semaphore, #tpu.memory_space<semaphore_mem>>)
      %slice3A_491 = vector.extract_strided_slice %get3A_21 {offsets = [6], sizes = [1], strides = [1]} : vector<16xi32> to vector<1xi32>
      %squeeze3A_492 = vector.extract %slice3A_491[0] : i32 from vector<1xi32>
      %dma_start3A_493 = tpu.memref_slice %arg13[%add3A_476, %mul3A_478] : memref<128x128xf32, #tpu.memory_space<vmem>> -> memref<1x32xf32, #tpu.memory_space<vmem>>
      %dma_start3A_494 = tpu.memref_squeeze %dma_start3A_493 : memref<1x32xf32, #tpu.memory_space<vmem>> -> memref<32xf32, #tpu.memory_space<vmem>>
      %dma_start3A_495 = arith.constant 0 : i32
      %dma_start3A_496 = tpu.memref_slice %arg5[%squeeze3A_492, %dma_start3A_495] : memref<1000000x32xf32, #tpu.memory_space<hbm>> -> memref<1x32xf32, #tpu.memory_space<hbm>>
      %dma_start3A_497 = tpu.memref_squeeze %dma_start3A_496 : memref<1x32xf32, #tpu.memory_space<hbm>> -> memref<32xf32, #tpu.memory_space<hbm>>
      %dma_start3A_498 = tpu.memref_slice %arg13[%add3A_476, %mul3A_478] : memref<128x128xf32, #tpu.memory_space<vmem>> -> memref<1x32xf32, #tpu.memory_space<vmem>>
      %dma_start3A_499 = tpu.memref_squeeze %dma_start3A_498 : memref<1x32xf32, #tpu.memory_space<vmem>> -> memref<32xf32, #tpu.memory_space<vmem>>
      %dma_start3A_500 = arith.constant 0 : i32
      %dma_start3A_501 = tpu.memref_slice %arg5[%squeeze3A_492, %dma_start3A_500] : memref<1000000x32xf32, #tpu.memory_space<hbm>> -> memref<1x32xf32, #tpu.memory_space<hbm>>
      %dma_start3A_502 = tpu.memref_squeeze %dma_start3A_501 : memref<1x32xf32, #tpu.memory_space<hbm>> -> memref<32xf32, #tpu.memory_space<hbm>>
      tpu.enqueue_dma source(%dma_start3A_502 : memref<32xf32, #tpu.memory_space<hbm>>) target(%dma_start3A_499 : memref<32xf32, #tpu.memory_space<vmem>>) target_semaphore(%arg18 : memref<!tpu.dma_semaphore, #tpu.memory_space<semaphore_mem>>)
      %slice3A_503 = vector.extract_strided_slice %get3A_25 {offsets = [6], sizes = [1], strides = [1]} : vector<16xi32> to vector<1xi32>
      %squeeze3A_504 = vector.extract %slice3A_503[0] : i32 from vector<1xi32>
      %dma_start3A_505 = tpu.memref_slice %arg14[%add3A_476, %mul3A_478] : memref<128x128xf32, #tpu.memory_space<vmem>> -> memref<1x32xf32, #tpu.memory_space<vmem>>
      %dma_start3A_506 = tpu.memref_squeeze %dma_start3A_505 : memref<1x32xf32, #tpu.memory_space<vmem>> -> memref<32xf32, #tpu.memory_space<vmem>>
      %dma_start3A_507 = arith.constant 0 : i32
      %dma_start3A_508 = tpu.memref_slice %arg6[%squeeze3A_504, %dma_start3A_507] : memref<1000x32xf32, #tpu.memory_space<hbm>> -> memref<1x32xf32, #tpu.memory_space<hbm>>
      %dma_start3A_509 = tpu.memref_squeeze %dma_start3A_508 : memref<1x32xf32, #tpu.memory_space<hbm>> -> memref<32xf32, #tpu.memory_space<hbm>>
      %dma_start3A_510 = tpu.memref_slice %arg14[%add3A_476, %mul3A_478] : memref<128x128xf32, #tpu.memory_space<vmem>> -> memref<1x32xf32, #tpu.memory_space<vmem>>
      %dma_start3A_511 = tpu.memref_squeeze %dma_start3A_510 : memref<1x32xf32, #tpu.memory_space<vmem>> -> memref<32xf32, #tpu.memory_space<vmem>>
      %dma_start3A_512 = arith.constant 0 : i32
      %dma_start3A_513 = tpu.memref_slice %arg6[%squeeze3A_504, %dma_start3A_512] : memref<1000x32xf32, #tpu.memory_space<hbm>> -> memref<1x32xf32, #tpu.memory_space<hbm>>
      %dma_start3A_514 = tpu.memref_squeeze %dma_start3A_513 : memref<1x32xf32, #tpu.memory_space<hbm>> -> memref<32xf32, #tpu.memory_space<hbm>>
      tpu.enqueue_dma source(%dma_start3A_514 : memref<32xf32, #tpu.memory_space<hbm>>) target(%dma_start3A_511 : memref<32xf32, #tpu.memory_space<vmem>>) target_semaphore(%arg18 : memref<!tpu.dma_semaphore, #tpu.memory_space<semaphore_mem>>)
      %slice3A_515 = vector.extract_strided_slice %get3A_25 {offsets = [6], sizes = [1], strides = [1]} : vector<16xi32> to vector<1xi32>
      %squeeze3A_516 = vector.extract %slice3A_515[0] : i32 from vector<1xi32>
      %dma_start3A_517 = tpu.memref_slice %arg15[%add3A_476, %mul3A_478] : memref<128x128xf32, #tpu.memory_space<vmem>> -> memref<1x32xf32, #tpu.memory_space<vmem>>
      %dma_start3A_518 = tpu.memref_squeeze %dma_start3A_517 : memref<1x32xf32, #tpu.memory_space<vmem>> -> memref<32xf32, #tpu.memory_space<vmem>>
      %dma_start3A_519 = arith.constant 0 : i32
      %dma_start3A_520 = tpu.memref_slice %arg7[%squeeze3A_516, %dma_start3A_519] : memref<1000x32xf32, #tpu.memory_space<hbm>> -> memref<1x32xf32, #tpu.memory_space<hbm>>
      %dma_start3A_521 = tpu.memref_squeeze %dma_start3A_520 : memref<1x32xf32, #tpu.memory_space<hbm>> -> memref<32xf32, #tpu.memory_space<hbm>>
      %dma_start3A_522 = tpu.memref_slice %arg15[%add3A_476, %mul3A_478] : memref<128x128xf32, #tpu.memory_space<vmem>> -> memref<1x32xf32, #tpu.memory_space<vmem>>
      %dma_start3A_523 = tpu.memref_squeeze %dma_start3A_522 : memref<1x32xf32, #tpu.memory_space<vmem>> -> memref<32xf32, #tpu.memory_space<vmem>>
      %dma_start3A_524 = arith.constant 0 : i32
      %dma_start3A_525 = tpu.memref_slice %arg7[%squeeze3A_516, %dma_start3A_524] : memref<1000x32xf32, #tpu.memory_space<hbm>> -> memref<1x32xf32, #tpu.memory_space<hbm>>
      %dma_start3A_526 = tpu.memref_squeeze %dma_start3A_525 : memref<1x32xf32, #tpu.memory_space<hbm>> -> memref<32xf32, #tpu.memory_space<hbm>>
      tpu.enqueue_dma source(%dma_start3A_526 : memref<32xf32, #tpu.memory_space<hbm>>) target(%dma_start3A_523 : memref<32xf32, #tpu.memory_space<vmem>>) target_semaphore(%arg18 : memref<!tpu.dma_semaphore, #tpu.memory_space<semaphore_mem>>)
      %jit3A_527 = arith.constant 8 : i32
      %eq3A_528 = arith.constant 0 : i32
      %eq3A_529 = arith.cmpi eq, %jit3A_527, %eq3A_528 : i32
      %jit3A_530 = arith.constant 1 : i32
      %select_n3A_531 = arith.select %eq3A_529, %jit3A_530, %jit3A_527 : i32
      %rem3A_532 = arith.remsi %scan3A_14, %select_n3A_531 : i32
      %ne3A_533 = arith.constant 0 : i32
      %ne3A_534 = arith.cmpi ne, %rem3A_532, %ne3A_533 : i32
      %lt3A_535 = arith.constant 0 : i32
      %lt3A_536 = arith.cmpi slt, %rem3A_532, %lt3A_535 : i32
      %lt3A_537 = arith.constant 0 : i32
      %lt3A_538 = arith.cmpi slt, %select_n3A_531, %lt3A_537 : i32
      %ne3A_539 = arith.xori %lt3A_536, %lt3A_538 : i1
      %and3A_540 = arith.andi %ne3A_539, %ne3A_534 : i1
      %add3A_541 = arith.addi %rem3A_532, %select_n3A_531 : i32
      %select_n3A_542 = arith.select %and3A_540, %add3A_541, %rem3A_532 : i32
      %mul3A_543 = arith.constant 16 : i32
      %mul3A_544 = arith.muli %select_n3A_542, %mul3A_543 : i32
      %add3A_545 = arith.constant 7 : i32
      %add3A_546 = arith.addi %mul3A_544, %add3A_545 : i32
      %mul3A_547 = arith.constant 32 : i32
      %mul3A_548 = arith.muli %select_n3A, %mul3A_547 : i32
      %slice3A_549 = vector.extract_strided_slice %get3A_17 {offsets = [7], sizes = [1], strides = [1]} : vector<16xi32> to vector<1xi32>
      %squeeze3A_550 = vector.extract %slice3A_549[0] : i32 from vector<1xi32>
      %dma_start3A_551 = tpu.memref_slice %arg12[%add3A_546, %mul3A_548] : memref<128x128xf32, #tpu.memory_space<vmem>> -> memref<1x32xf32, #tpu.memory_space<vmem>>
      %dma_start3A_552 = tpu.memref_squeeze %dma_start3A_551 : memref<1x32xf32, #tpu.memory_space<vmem>> -> memref<32xf32, #tpu.memory_space<vmem>>
      %dma_start3A_553 = arith.constant 0 : i32
      %dma_start3A_554 = tpu.memref_slice %arg5[%squeeze3A_550, %dma_start3A_553] : memref<1000000x32xf32, #tpu.memory_space<hbm>> -> memref<1x32xf32, #tpu.memory_space<hbm>>
      %dma_start3A_555 = tpu.memref_squeeze %dma_start3A_554 : memref<1x32xf32, #tpu.memory_space<hbm>> -> memref<32xf32, #tpu.memory_space<hbm>>
      %dma_start3A_556 = tpu.memref_slice %arg12[%add3A_546, %mul3A_548] : memref<128x128xf32, #tpu.memory_space<vmem>> -> memref<1x32xf32, #tpu.memory_space<vmem>>
      %dma_start3A_557 = tpu.memref_squeeze %dma_start3A_556 : memref<1x32xf32, #tpu.memory_space<vmem>> -> memref<32xf32, #tpu.memory_space<vmem>>
      %dma_start3A_558 = arith.constant 0 : i32
      %dma_start3A_559 = tpu.memref_slice %arg5[%squeeze3A_550, %dma_start3A_558] : memref<1000000x32xf32, #tpu.memory_space<hbm>> -> memref<1x32xf32, #tpu.memory_space<hbm>>
      %dma_start3A_560 = tpu.memref_squeeze %dma_start3A_559 : memref<1x32xf32, #tpu.memory_space<hbm>> -> memref<32xf32, #tpu.memory_space<hbm>>
      tpu.enqueue_dma source(%dma_start3A_560 : memref<32xf32, #tpu.memory_space<hbm>>) target(%dma_start3A_557 : memref<32xf32, #tpu.memory_space<vmem>>) target_semaphore(%arg18 : memref<!tpu.dma_semaphore, #tpu.memory_space<semaphore_mem>>)
      %slice3A_561 = vector.extract_strided_slice %get3A_21 {offsets = [7], sizes = [1], strides = [1]} : vector<16xi32> to vector<1xi32>
      %squeeze3A_562 = vector.extract %slice3A_561[0] : i32 from vector<1xi32>
      %dma_start3A_563 = tpu.memref_slice %arg13[%add3A_546, %mul3A_548] : memref<128x128xf32, #tpu.memory_space<vmem>> -> memref<1x32xf32, #tpu.memory_space<vmem>>
      %dma_start3A_564 = tpu.memref_squeeze %dma_start3A_563 : memref<1x32xf32, #tpu.memory_space<vmem>> -> memref<32xf32, #tpu.memory_space<vmem>>
      %dma_start3A_565 = arith.constant 0 : i32
      %dma_start3A_566 = tpu.memref_slice %arg5[%squeeze3A_562, %dma_start3A_565] : memref<1000000x32xf32, #tpu.memory_space<hbm>> -> memref<1x32xf32, #tpu.memory_space<hbm>>
      %dma_start3A_567 = tpu.memref_squeeze %dma_start3A_566 : memref<1x32xf32, #tpu.memory_space<hbm>> -> memref<32xf32, #tpu.memory_space<hbm>>
      %dma_start3A_568 = tpu.memref_slice %arg13[%add3A_546, %mul3A_548] : memref<128x128xf32, #tpu.memory_space<vmem>> -> memref<1x32xf32, #tpu.memory_space<vmem>>
      %dma_start3A_569 = tpu.memref_squeeze %dma_start3A_568 : memref<1x32xf32, #tpu.memory_space<vmem>> -> memref<32xf32, #tpu.memory_space<vmem>>
      %dma_start3A_570 = arith.constant 0 : i32
      %dma_start3A_571 = tpu.memref_slice %arg5[%squeeze3A_562, %dma_start3A_570] : memref<1000000x32xf32, #tpu.memory_space<hbm>> -> memref<1x32xf32, #tpu.memory_space<hbm>>
      %dma_start3A_572 = tpu.memref_squeeze %dma_start3A_571 : memref<1x32xf32, #tpu.memory_space<hbm>> -> memref<32xf32, #tpu.memory_space<hbm>>
      tpu.enqueue_dma source(%dma_start3A_572 : memref<32xf32, #tpu.memory_space<hbm>>) target(%dma_start3A_569 : memref<32xf32, #tpu.memory_space<vmem>>) target_semaphore(%arg18 : memref<!tpu.dma_semaphore, #tpu.memory_space<semaphore_mem>>)
      %slice3A_573 = vector.extract_strided_slice %get3A_25 {offsets = [7], sizes = [1], strides = [1]} : vector<16xi32> to vector<1xi32>
      %squeeze3A_574 = vector.extract %slice3A_573[0] : i32 from vector<1xi32>
      %dma_start3A_575 = tpu.memref_slice %arg14[%add3A_546, %mul3A_548] : memref<128x128xf32, #tpu.memory_space<vmem>> -> memref<1x32xf32, #tpu.memory_space<vmem>>
      %dma_start3A_576 = tpu.memref_squeeze %dma_start3A_575 : memref<1x32xf32, #tpu.memory_space<vmem>> -> memref<32xf32, #tpu.memory_space<vmem>>
      %dma_start3A_577 = arith.constant 0 : i32
      %dma_start3A_578 = tpu.memref_slice %arg6[%squeeze3A_574, %dma_start3A_577] : memref<1000x32xf32, #tpu.memory_space<hbm>> -> memref<1x32xf32, #tpu.memory_space<hbm>>
      %dma_start3A_579 = tpu.memref_squeeze %dma_start3A_578 : memref<1x32xf32, #tpu.memory_space<hbm>> -> memref<32xf32, #tpu.memory_space<hbm>>
      %dma_start3A_580 = tpu.memref_slice %arg14[%add3A_546, %mul3A_548] : memref<128x128xf32, #tpu.memory_space<vmem>> -> memref<1x32xf32, #tpu.memory_space<vmem>>
      %dma_start3A_581 = tpu.memref_squeeze %dma_start3A_580 : memref<1x32xf32, #tpu.memory_space<vmem>> -> memref<32xf32, #tpu.memory_space<vmem>>
      %dma_start3A_582 = arith.constant 0 : i32
      %dma_start3A_583 = tpu.memref_slice %arg6[%squeeze3A_574, %dma_start3A_582] : memref<1000x32xf32, #tpu.memory_space<hbm>> -> memref<1x32xf32, #tpu.memory_space<hbm>>
      %dma_start3A_584 = tpu.memref_squeeze %dma_start3A_583 : memref<1x32xf32, #tpu.memory_space<hbm>> -> memref<32xf32, #tpu.memory_space<hbm>>
      tpu.enqueue_dma source(%dma_start3A_584 : memref<32xf32, #tpu.memory_space<hbm>>) target(%dma_start3A_581 : memref<32xf32, #tpu.memory_space<vmem>>) target_semaphore(%arg18 : memref<!tpu.dma_semaphore, #tpu.memory_space<semaphore_mem>>)
      %slice3A_585 = vector.extract_strided_slice %get3A_25 {offsets = [7], sizes = [1], strides = [1]} : vector<16xi32> to vector<1xi32>
      %squeeze3A_586 = vector.extract %slice3A_585[0] : i32 from vector<1xi32>
      %dma_start3A_587 = tpu.memref_slice %arg15[%add3A_546, %mul3A_548] : memref<128x128xf32, #tpu.memory_space<vmem>> -> memref<1x32xf32, #tpu.memory_space<vmem>>
      %dma_start3A_588 = tpu.memref_squeeze %dma_start3A_587 : memref<1x32xf32, #tpu.memory_space<vmem>> -> memref<32xf32, #tpu.memory_space<vmem>>
      %dma_start3A_589 = arith.constant 0 : i32
      %dma_start3A_590 = tpu.memref_slice %arg7[%squeeze3A_586, %dma_start3A_589] : memref<1000x32xf32, #tpu.memory_space<hbm>> -> memref<1x32xf32, #tpu.memory_space<hbm>>
      %dma_start3A_591 = tpu.memref_squeeze %dma_start3A_590 : memref<1x32xf32, #tpu.memory_space<hbm>> -> memref<32xf32, #tpu.memory_space<hbm>>
      %dma_start3A_592 = tpu.memref_slice %arg15[%add3A_546, %mul3A_548] : memref<128x128xf32, #tpu.memory_space<vmem>> -> memref<1x32xf32, #tpu.memory_space<vmem>>
      %dma_start3A_593 = tpu.memref_squeeze %dma_start3A_592 : memref<1x32xf32, #tpu.memory_space<vmem>> -> memref<32xf32, #tpu.memory_space<vmem>>
      %dma_start3A_594 = arith.constant 0 : i32
      %dma_start3A_595 = tpu.memref_slice %arg7[%squeeze3A_586, %dma_start3A_594] : memref<1000x32xf32, #tpu.memory_space<hbm>> -> memref<1x32xf32, #tpu.memory_space<hbm>>
      %dma_start3A_596 = tpu.memref_squeeze %dma_start3A_595 : memref<1x32xf32, #tpu.memory_space<hbm>> -> memref<32xf32, #tpu.memory_space<hbm>>
      tpu.enqueue_dma source(%dma_start3A_596 : memref<32xf32, #tpu.memory_space<hbm>>) target(%dma_start3A_593 : memref<32xf32, #tpu.memory_space<vmem>>) target_semaphore(%arg18 : memref<!tpu.dma_semaphore, #tpu.memory_space<semaphore_mem>>)
      %jit3A_597 = arith.constant 8 : i32
      %eq3A_598 = arith.constant 0 : i32
      %eq3A_599 = arith.cmpi eq, %jit3A_597, %eq3A_598 : i32
      %jit3A_600 = arith.constant 1 : i32
      %select_n3A_601 = arith.select %eq3A_599, %jit3A_600, %jit3A_597 : i32
      %rem3A_602 = arith.remsi %scan3A_14, %select_n3A_601 : i32
      %ne3A_603 = arith.constant 0 : i32
      %ne3A_604 = arith.cmpi ne, %rem3A_602, %ne3A_603 : i32
      %lt3A_605 = arith.constant 0 : i32
      %lt3A_606 = arith.cmpi slt, %rem3A_602, %lt3A_605 : i32
      %lt3A_607 = arith.constant 0 : i32
      %lt3A_608 = arith.cmpi slt, %select_n3A_601, %lt3A_607 : i32
      %ne3A_609 = arith.xori %lt3A_606, %lt3A_608 : i1
      %and3A_610 = arith.andi %ne3A_609, %ne3A_604 : i1
      %add3A_611 = arith.addi %rem3A_602, %select_n3A_601 : i32
      %select_n3A_612 = arith.select %and3A_610, %add3A_611, %rem3A_602 : i32
      %mul3A_613 = arith.constant 16 : i32
      %mul3A_614 = arith.muli %select_n3A_612, %mul3A_613 : i32
      %add3A_615 = arith.constant 8 : i32
      %add3A_616 = arith.addi %mul3A_614, %add3A_615 : i32
      %mul3A_617 = arith.constant 32 : i32
      %mul3A_618 = arith.muli %select_n3A, %mul3A_617 : i32
      %slice3A_619 = vector.extract_strided_slice %get3A_17 {offsets = [8], sizes = [1], strides = [1]} : vector<16xi32> to vector<1xi32>
      %squeeze3A_620 = vector.extract %slice3A_619[0] : i32 from vector<1xi32>
      %dma_start3A_621 = tpu.memref_slice %arg12[%add3A_616, %mul3A_618] : memref<128x128xf32, #tpu.memory_space<vmem>> -> memref<1x32xf32, #tpu.memory_space<vmem>>
      %dma_start3A_622 = tpu.memref_squeeze %dma_start3A_621 : memref<1x32xf32, #tpu.memory_space<vmem>> -> memref<32xf32, #tpu.memory_space<vmem>>
      %dma_start3A_623 = arith.constant 0 : i32
      %dma_start3A_624 = tpu.memref_slice %arg5[%squeeze3A_620, %dma_start3A_623] : memref<1000000x32xf32, #tpu.memory_space<hbm>> -> memref<1x32xf32, #tpu.memory_space<hbm>>
      %dma_start3A_625 = tpu.memref_squeeze %dma_start3A_624 : memref<1x32xf32, #tpu.memory_space<hbm>> -> memref<32xf32, #tpu.memory_space<hbm>>
      %dma_start3A_626 = tpu.memref_slice %arg12[%add3A_616, %mul3A_618] : memref<128x128xf32, #tpu.memory_space<vmem>> -> memref<1x32xf32, #tpu.memory_space<vmem>>
      %dma_start3A_627 = tpu.memref_squeeze %dma_start3A_626 : memref<1x32xf32, #tpu.memory_space<vmem>> -> memref<32xf32, #tpu.memory_space<vmem>>
      %dma_start3A_628 = arith.constant 0 : i32
      %dma_start3A_629 = tpu.memref_slice %arg5[%squeeze3A_620, %dma_start3A_628] : memref<1000000x32xf32, #tpu.memory_space<hbm>> -> memref<1x32xf32, #tpu.memory_space<hbm>>
      %dma_start3A_630 = tpu.memref_squeeze %dma_start3A_629 : memref<1x32xf32, #tpu.memory_space<hbm>> -> memref<32xf32, #tpu.memory_space<hbm>>
      tpu.enqueue_dma source(%dma_start3A_630 : memref<32xf32, #tpu.memory_space<hbm>>) target(%dma_start3A_627 : memref<32xf32, #tpu.memory_space<vmem>>) target_semaphore(%arg18 : memref<!tpu.dma_semaphore, #tpu.memory_space<semaphore_mem>>)
      %slice3A_631 = vector.extract_strided_slice %get3A_21 {offsets = [8], sizes = [1], strides = [1]} : vector<16xi32> to vector<1xi32>
      %squeeze3A_632 = vector.extract %slice3A_631[0] : i32 from vector<1xi32>
      %dma_start3A_633 = tpu.memref_slice %arg13[%add3A_616, %mul3A_618] : memref<128x128xf32, #tpu.memory_space<vmem>> -> memref<1x32xf32, #tpu.memory_space<vmem>>
      %dma_start3A_634 = tpu.memref_squeeze %dma_start3A_633 : memref<1x32xf32, #tpu.memory_space<vmem>> -> memref<32xf32, #tpu.memory_space<vmem>>
      %dma_start3A_635 = arith.constant 0 : i32
      %dma_start3A_636 = tpu.memref_slice %arg5[%squeeze3A_632, %dma_start3A_635] : memref<1000000x32xf32, #tpu.memory_space<hbm>> -> memref<1x32xf32, #tpu.memory_space<hbm>>
      %dma_start3A_637 = tpu.memref_squeeze %dma_start3A_636 : memref<1x32xf32, #tpu.memory_space<hbm>> -> memref<32xf32, #tpu.memory_space<hbm>>
      %dma_start3A_638 = tpu.memref_slice %arg13[%add3A_616, %mul3A_618] : memref<128x128xf32, #tpu.memory_space<vmem>> -> memref<1x32xf32, #tpu.memory_space<vmem>>
      %dma_start3A_639 = tpu.memref_squeeze %dma_start3A_638 : memref<1x32xf32, #tpu.memory_space<vmem>> -> memref<32xf32, #tpu.memory_space<vmem>>
      %dma_start3A_640 = arith.constant 0 : i32
      %dma_start3A_641 = tpu.memref_slice %arg5[%squeeze3A_632, %dma_start3A_640] : memref<1000000x32xf32, #tpu.memory_space<hbm>> -> memref<1x32xf32, #tpu.memory_space<hbm>>
      %dma_start3A_642 = tpu.memref_squeeze %dma_start3A_641 : memref<1x32xf32, #tpu.memory_space<hbm>> -> memref<32xf32, #tpu.memory_space<hbm>>
      tpu.enqueue_dma source(%dma_start3A_642 : memref<32xf32, #tpu.memory_space<hbm>>) target(%dma_start3A_639 : memref<32xf32, #tpu.memory_space<vmem>>) target_semaphore(%arg18 : memref<!tpu.dma_semaphore, #tpu.memory_space<semaphore_mem>>)
      %slice3A_643 = vector.extract_strided_slice %get3A_25 {offsets = [8], sizes = [1], strides = [1]} : vector<16xi32> to vector<1xi32>
      %squeeze3A_644 = vector.extract %slice3A_643[0] : i32 from vector<1xi32>
      %dma_start3A_645 = tpu.memref_slice %arg14[%add3A_616, %mul3A_618] : memref<128x128xf32, #tpu.memory_space<vmem>> -> memref<1x32xf32, #tpu.memory_space<vmem>>
      %dma_start3A_646 = tpu.memref_squeeze %dma_start3A_645 : memref<1x32xf32, #tpu.memory_space<vmem>> -> memref<32xf32, #tpu.memory_space<vmem>>
      %dma_start3A_647 = arith.constant 0 : i32
      %dma_start3A_648 = tpu.memref_slice %arg6[%squeeze3A_644, %dma_start3A_647] : memref<1000x32xf32, #tpu.memory_space<hbm>> -> memref<1x32xf32, #tpu.memory_space<hbm>>
      %dma_start3A_649 = tpu.memref_squeeze %dma_start3A_648 : memref<1x32xf32, #tpu.memory_space<hbm>> -> memref<32xf32, #tpu.memory_space<hbm>>
      %dma_start3A_650 = tpu.memref_slice %arg14[%add3A_616, %mul3A_618] : memref<128x128xf32, #tpu.memory_space<vmem>> -> memref<1x32xf32, #tpu.memory_space<vmem>>
      %dma_start3A_651 = tpu.memref_squeeze %dma_start3A_650 : memref<1x32xf32, #tpu.memory_space<vmem>> -> memref<32xf32, #tpu.memory_space<vmem>>
      %dma_start3A_652 = arith.constant 0 : i32
      %dma_start3A_653 = tpu.memref_slice %arg6[%squeeze3A_644, %dma_start3A_652] : memref<1000x32xf32, #tpu.memory_space<hbm>> -> memref<1x32xf32, #tpu.memory_space<hbm>>
      %dma_start3A_654 = tpu.memref_squeeze %dma_start3A_653 : memref<1x32xf32, #tpu.memory_space<hbm>> -> memref<32xf32, #tpu.memory_space<hbm>>
      tpu.enqueue_dma source(%dma_start3A_654 : memref<32xf32, #tpu.memory_space<hbm>>) target(%dma_start3A_651 : memref<32xf32, #tpu.memory_space<vmem>>) target_semaphore(%arg18 : memref<!tpu.dma_semaphore, #tpu.memory_space<semaphore_mem>>)
      %slice3A_655 = vector.extract_strided_slice %get3A_25 {offsets = [8], sizes = [1], strides = [1]} : vector<16xi32> to vector<1xi32>
      %squeeze3A_656 = vector.extract %slice3A_655[0] : i32 from vector<1xi32>
      %dma_start3A_657 = tpu.memref_slice %arg15[%add3A_616, %mul3A_618] : memref<128x128xf32, #tpu.memory_space<vmem>> -> memref<1x32xf32, #tpu.memory_space<vmem>>
      %dma_start3A_658 = tpu.memref_squeeze %dma_start3A_657 : memref<1x32xf32, #tpu.memory_space<vmem>> -> memref<32xf32, #tpu.memory_space<vmem>>
      %dma_start3A_659 = arith.constant 0 : i32
      %dma_start3A_660 = tpu.memref_slice %arg7[%squeeze3A_656, %dma_start3A_659] : memref<1000x32xf32, #tpu.memory_space<hbm>> -> memref<1x32xf32, #tpu.memory_space<hbm>>
      %dma_start3A_661 = tpu.memref_squeeze %dma_start3A_660 : memref<1x32xf32, #tpu.memory_space<hbm>> -> memref<32xf32, #tpu.memory_space<hbm>>
      %dma_start3A_662 = tpu.memref_slice %arg15[%add3A_616, %mul3A_618] : memref<128x128xf32, #tpu.memory_space<vmem>> -> memref<1x32xf32, #tpu.memory_space<vmem>>
      %dma_start3A_663 = tpu.memref_squeeze %dma_start3A_662 : memref<1x32xf32, #tpu.memory_space<vmem>> -> memref<32xf32, #tpu.memory_space<vmem>>
      %dma_start3A_664 = arith.constant 0 : i32
      %dma_start3A_665 = tpu.memref_slice %arg7[%squeeze3A_656, %dma_start3A_664] : memref<1000x32xf32, #tpu.memory_space<hbm>> -> memref<1x32xf32, #tpu.memory_space<hbm>>
      %dma_start3A_666 = tpu.memref_squeeze %dma_start3A_665 : memref<1x32xf32, #tpu.memory_space<hbm>> -> memref<32xf32, #tpu.memory_space<hbm>>
      tpu.enqueue_dma source(%dma_start3A_666 : memref<32xf32, #tpu.memory_space<hbm>>) target(%dma_start3A_663 : memref<32xf32, #tpu.memory_space<vmem>>) target_semaphore(%arg18 : memref<!tpu.dma_semaphore, #tpu.memory_space<semaphore_mem>>)
      %jit3A_667 = arith.constant 8 : i32
      %eq3A_668 = arith.constant 0 : i32
      %eq3A_669 = arith.cmpi eq, %jit3A_667, %eq3A_668 : i32
      %jit3A_670 = arith.constant 1 : i32
      %select_n3A_671 = arith.select %eq3A_669, %jit3A_670, %jit3A_667 : i32
      %rem3A_672 = arith.remsi %scan3A_14, %select_n3A_671 : i32
      %ne3A_673 = arith.constant 0 : i32
      %ne3A_674 = arith.cmpi ne, %rem3A_672, %ne3A_673 : i32
      %lt3A_675 = arith.constant 0 : i32
      %lt3A_676 = arith.cmpi slt, %rem3A_672, %lt3A_675 : i32
      %lt3A_677 = arith.constant 0 : i32
      %lt3A_678 = arith.cmpi slt, %select_n3A_671, %lt3A_677 : i32
      %ne3A_679 = arith.xori %lt3A_676, %lt3A_678 : i1
      %and3A_680 = arith.andi %ne3A_679, %ne3A_674 : i1
      %add3A_681 = arith.addi %rem3A_672, %select_n3A_671 : i32
      %select_n3A_682 = arith.select %and3A_680, %add3A_681, %rem3A_672 : i32
      %mul3A_683 = arith.constant 16 : i32
      %mul3A_684 = arith.muli %select_n3A_682, %mul3A_683 : i32
      %add3A_685 = arith.constant 9 : i32
      %add3A_686 = arith.addi %mul3A_684, %add3A_685 : i32
      %mul3A_687 = arith.constant 32 : i32
      %mul3A_688 = arith.muli %select_n3A, %mul3A_687 : i32
      %slice3A_689 = vector.extract_strided_slice %get3A_17 {offsets = [9], sizes = [1], strides = [1]} : vector<16xi32> to vector<1xi32>
      %squeeze3A_690 = vector.extract %slice3A_689[0] : i32 from vector<1xi32>
      %dma_start3A_691 = tpu.memref_slice %arg12[%add3A_686, %mul3A_688] : memref<128x128xf32, #tpu.memory_space<vmem>> -> memref<1x32xf32, #tpu.memory_space<vmem>>
      %dma_start3A_692 = tpu.memref_squeeze %dma_start3A_691 : memref<1x32xf32, #tpu.memory_space<vmem>> -> memref<32xf32, #tpu.memory_space<vmem>>
      %dma_start3A_693 = arith.constant 0 : i32
      %dma_start3A_694 = tpu.memref_slice %arg5[%squeeze3A_690, %dma_start3A_693] : memref<1000000x32xf32, #tpu.memory_space<hbm>> -> memref<1x32xf32, #tpu.memory_space<hbm>>
      %dma_start3A_695 = tpu.memref_squeeze %dma_start3A_694 : memref<1x32xf32, #tpu.memory_space<hbm>> -> memref<32xf32, #tpu.memory_space<hbm>>
      %dma_start3A_696 = tpu.memref_slice %arg12[%add3A_686, %mul3A_688] : memref<128x128xf32, #tpu.memory_space<vmem>> -> memref<1x32xf32, #tpu.memory_space<vmem>>
      %dma_start3A_697 = tpu.memref_squeeze %dma_start3A_696 : memref<1x32xf32, #tpu.memory_space<vmem>> -> memref<32xf32, #tpu.memory_space<vmem>>
      %dma_start3A_698 = arith.constant 0 : i32
      %dma_start3A_699 = tpu.memref_slice %arg5[%squeeze3A_690, %dma_start3A_698] : memref<1000000x32xf32, #tpu.memory_space<hbm>> -> memref<1x32xf32, #tpu.memory_space<hbm>>
      %dma_start3A_700 = tpu.memref_squeeze %dma_start3A_699 : memref<1x32xf32, #tpu.memory_space<hbm>> -> memref<32xf32, #tpu.memory_space<hbm>>
      tpu.enqueue_dma source(%dma_start3A_700 : memref<32xf32, #tpu.memory_space<hbm>>) target(%dma_start3A_697 : memref<32xf32, #tpu.memory_space<vmem>>) target_semaphore(%arg18 : memref<!tpu.dma_semaphore, #tpu.memory_space<semaphore_mem>>)
      %slice3A_701 = vector.extract_strided_slice %get3A_21 {offsets = [9], sizes = [1], strides = [1]} : vector<16xi32> to vector<1xi32>
      %squeeze3A_702 = vector.extract %slice3A_701[0] : i32 from vector<1xi32>
      %dma_start3A_703 = tpu.memref_slice %arg13[%add3A_686, %mul3A_688] : memref<128x128xf32, #tpu.memory_space<vmem>> -> memref<1x32xf32, #tpu.memory_space<vmem>>
      %dma_start3A_704 = tpu.memref_squeeze %dma_start3A_703 : memref<1x32xf32, #tpu.memory_space<vmem>> -> memref<32xf32, #tpu.memory_space<vmem>>
      %dma_start3A_705 = arith.constant 0 : i32
      %dma_start3A_706 = tpu.memref_slice %arg5[%squeeze3A_702, %dma_start3A_705] : memref<1000000x32xf32, #tpu.memory_space<hbm>> -> memref<1x32xf32, #tpu.memory_space<hbm>>
      %dma_start3A_707 = tpu.memref_squeeze %dma_start3A_706 : memref<1x32xf32, #tpu.memory_space<hbm>> -> memref<32xf32, #tpu.memory_space<hbm>>
      %dma_start3A_708 = tpu.memref_slice %arg13[%add3A_686, %mul3A_688] : memref<128x128xf32, #tpu.memory_space<vmem>> -> memref<1x32xf32, #tpu.memory_space<vmem>>
      %dma_start3A_709 = tpu.memref_squeeze %dma_start3A_708 : memref<1x32xf32, #tpu.memory_space<vmem>> -> memref<32xf32, #tpu.memory_space<vmem>>
      %dma_start3A_710 = arith.constant 0 : i32
      %dma_start3A_711 = tpu.memref_slice %arg5[%squeeze3A_702, %dma_start3A_710] : memref<1000000x32xf32, #tpu.memory_space<hbm>> -> memref<1x32xf32, #tpu.memory_space<hbm>>
      %dma_start3A_712 = tpu.memref_squeeze %dma_start3A_711 : memref<1x32xf32, #tpu.memory_space<hbm>> -> memref<32xf32, #tpu.memory_space<hbm>>
      tpu.enqueue_dma source(%dma_start3A_712 : memref<32xf32, #tpu.memory_space<hbm>>) target(%dma_start3A_709 : memref<32xf32, #tpu.memory_space<vmem>>) target_semaphore(%arg18 : memref<!tpu.dma_semaphore, #tpu.memory_space<semaphore_mem>>)
      %slice3A_713 = vector.extract_strided_slice %get3A_25 {offsets = [9], sizes = [1], strides = [1]} : vector<16xi32> to vector<1xi32>
      %squeeze3A_714 = vector.extract %slice3A_713[0] : i32 from vector<1xi32>
      %dma_start3A_715 = tpu.memref_slice %arg14[%add3A_686, %mul3A_688] : memref<128x128xf32, #tpu.memory_space<vmem>> -> memref<1x32xf32, #tpu.memory_space<vmem>>
      %dma_start3A_716 = tpu.memref_squeeze %dma_start3A_715 : memref<1x32xf32, #tpu.memory_space<vmem>> -> memref<32xf32, #tpu.memory_space<vmem>>
      %dma_start3A_717 = arith.constant 0 : i32
      %dma_start3A_718 = tpu.memref_slice %arg6[%squeeze3A_714, %dma_start3A_717] : memref<1000x32xf32, #tpu.memory_space<hbm>> -> memref<1x32xf32, #tpu.memory_space<hbm>>
      %dma_start3A_719 = tpu.memref_squeeze %dma_start3A_718 : memref<1x32xf32, #tpu.memory_space<hbm>> -> memref<32xf32, #tpu.memory_space<hbm>>
      %dma_start3A_720 = tpu.memref_slice %arg14[%add3A_686, %mul3A_688] : memref<128x128xf32, #tpu.memory_space<vmem>> -> memref<1x32xf32, #tpu.memory_space<vmem>>
      %dma_start3A_721 = tpu.memref_squeeze %dma_start3A_720 : memref<1x32xf32, #tpu.memory_space<vmem>> -> memref<32xf32, #tpu.memory_space<vmem>>
      %dma_start3A_722 = arith.constant 0 : i32
      %dma_start3A_723 = tpu.memref_slice %arg6[%squeeze3A_714, %dma_start3A_722] : memref<1000x32xf32, #tpu.memory_space<hbm>> -> memref<1x32xf32, #tpu.memory_space<hbm>>
      %dma_start3A_724 = tpu.memref_squeeze %dma_start3A_723 : memref<1x32xf32, #tpu.memory_space<hbm>> -> memref<32xf32, #tpu.memory_space<hbm>>
      tpu.enqueue_dma source(%dma_start3A_724 : memref<32xf32, #tpu.memory_space<hbm>>) target(%dma_start3A_721 : memref<32xf32, #tpu.memory_space<vmem>>) target_semaphore(%arg18 : memref<!tpu.dma_semaphore, #tpu.memory_space<semaphore_mem>>)
      %slice3A_725 = vector.extract_strided_slice %get3A_25 {offsets = [9], sizes = [1], strides = [1]} : vector<16xi32> to vector<1xi32>
      %squeeze3A_726 = vector.extract %slice3A_725[0] : i32 from vector<1xi32>
      %dma_start3A_727 = tpu.memref_slice %arg15[%add3A_686, %mul3A_688] : memref<128x128xf32, #tpu.memory_space<vmem>> -> memref<1x32xf32, #tpu.memory_space<vmem>>
      %dma_start3A_728 = tpu.memref_squeeze %dma_start3A_727 : memref<1x32xf32, #tpu.memory_space<vmem>> -> memref<32xf32, #tpu.memory_space<vmem>>
      %dma_start3A_729 = arith.constant 0 : i32
      %dma_start3A_730 = tpu.memref_slice %arg7[%squeeze3A_726, %dma_start3A_729] : memref<1000x32xf32, #tpu.memory_space<hbm>> -> memref<1x32xf32, #tpu.memory_space<hbm>>
      %dma_start3A_731 = tpu.memref_squeeze %dma_start3A_730 : memref<1x32xf32, #tpu.memory_space<hbm>> -> memref<32xf32, #tpu.memory_space<hbm>>
      %dma_start3A_732 = tpu.memref_slice %arg15[%add3A_686, %mul3A_688] : memref<128x128xf32, #tpu.memory_space<vmem>> -> memref<1x32xf32, #tpu.memory_space<vmem>>
      %dma_start3A_733 = tpu.memref_squeeze %dma_start3A_732 : memref<1x32xf32, #tpu.memory_space<vmem>> -> memref<32xf32, #tpu.memory_space<vmem>>
      %dma_start3A_734 = arith.constant 0 : i32
      %dma_start3A_735 = tpu.memref_slice %arg7[%squeeze3A_726, %dma_start3A_734] : memref<1000x32xf32, #tpu.memory_space<hbm>> -> memref<1x32xf32, #tpu.memory_space<hbm>>
      %dma_start3A_736 = tpu.memref_squeeze %dma_start3A_735 : memref<1x32xf32, #tpu.memory_space<hbm>> -> memref<32xf32, #tpu.memory_space<hbm>>
      tpu.enqueue_dma source(%dma_start3A_736 : memref<32xf32, #tpu.memory_space<hbm>>) target(%dma_start3A_733 : memref<32xf32, #tpu.memory_space<vmem>>) target_semaphore(%arg18 : memref<!tpu.dma_semaphore, #tpu.memory_space<semaphore_mem>>)
      %jit3A_737 = arith.constant 8 : i32
      %eq3A_738 = arith.constant 0 : i32
      %eq3A_739 = arith.cmpi eq, %jit3A_737, %eq3A_738 : i32
      %jit3A_740 = arith.constant 1 : i32
      %select_n3A_741 = arith.select %eq3A_739, %jit3A_740, %jit3A_737 : i32
      %rem3A_742 = arith.remsi %scan3A_14, %select_n3A_741 : i32
      %ne3A_743 = arith.constant 0 : i32
      %ne3A_744 = arith.cmpi ne, %rem3A_742, %ne3A_743 : i32
      %lt3A_745 = arith.constant 0 : i32
      %lt3A_746 = arith.cmpi slt, %rem3A_742, %lt3A_745 : i32
      %lt3A_747 = arith.constant 0 : i32
      %lt3A_748 = arith.cmpi slt, %select_n3A_741, %lt3A_747 : i32
      %ne3A_749 = arith.xori %lt3A_746, %lt3A_748 : i1
      %and3A_750 = arith.andi %ne3A_749, %ne3A_744 : i1
      %add3A_751 = arith.addi %rem3A_742, %select_n3A_741 : i32
      %select_n3A_752 = arith.select %and3A_750, %add3A_751, %rem3A_742 : i32
      %mul3A_753 = arith.constant 16 : i32
      %mul3A_754 = arith.muli %select_n3A_752, %mul3A_753 : i32
      %add3A_755 = arith.constant 10 : i32
      %add3A_756 = arith.addi %mul3A_754, %add3A_755 : i32
      %mul3A_757 = arith.constant 32 : i32
      %mul3A_758 = arith.muli %select_n3A, %mul3A_757 : i32
      %slice3A_759 = vector.extract_strided_slice %get3A_17 {offsets = [10], sizes = [1], strides = [1]} : vector<16xi32> to vector<1xi32>
      %squeeze3A_760 = vector.extract %slice3A_759[0] : i32 from vector<1xi32>
      %dma_start3A_761 = tpu.memref_slice %arg12[%add3A_756, %mul3A_758] : memref<128x128xf32, #tpu.memory_space<vmem>> -> memref<1x32xf32, #tpu.memory_space<vmem>>
      %dma_start3A_762 = tpu.memref_squeeze %dma_start3A_761 : memref<1x32xf32, #tpu.memory_space<vmem>> -> memref<32xf32, #tpu.memory_space<vmem>>
      %dma_start3A_763 = arith.constant 0 : i32
      %dma_start3A_764 = tpu.memref_slice %arg5[%squeeze3A_760, %dma_start3A_763] : memref<1000000x32xf32, #tpu.memory_space<hbm>> -> memref<1x32xf32, #tpu.memory_space<hbm>>
      %dma_start3A_765 = tpu.memref_squeeze %dma_start3A_764 : memref<1x32xf32, #tpu.memory_space<hbm>> -> memref<32xf32, #tpu.memory_space<hbm>>
      %dma_start3A_766 = tpu.memref_slice %arg12[%add3A_756, %mul3A_758] : memref<128x128xf32, #tpu.memory_space<vmem>> -> memref<1x32xf32, #tpu.memory_space<vmem>>
      %dma_start3A_767 = tpu.memref_squeeze %dma_start3A_766 : memref<1x32xf32, #tpu.memory_space<vmem>> -> memref<32xf32, #tpu.memory_space<vmem>>
      %dma_start3A_768 = arith.constant 0 : i32
      %dma_start3A_769 = tpu.memref_slice %arg5[%squeeze3A_760, %dma_start3A_768] : memref<1000000x32xf32, #tpu.memory_space<hbm>> -> memref<1x32xf32, #tpu.memory_space<hbm>>
      %dma_start3A_770 = tpu.memref_squeeze %dma_start3A_769 : memref<1x32xf32, #tpu.memory_space<hbm>> -> memref<32xf32, #tpu.memory_space<hbm>>
      tpu.enqueue_dma source(%dma_start3A_770 : memref<32xf32, #tpu.memory_space<hbm>>) target(%dma_start3A_767 : memref<32xf32, #tpu.memory_space<vmem>>) target_semaphore(%arg18 : memref<!tpu.dma_semaphore, #tpu.memory_space<semaphore_mem>>)
      %slice3A_771 = vector.extract_strided_slice %get3A_21 {offsets = [10], sizes = [1], strides = [1]} : vector<16xi32> to vector<1xi32>
      %squeeze3A_772 = vector.extract %slice3A_771[0] : i32 from vector<1xi32>
      %dma_start3A_773 = tpu.memref_slice %arg13[%add3A_756, %mul3A_758] : memref<128x128xf32, #tpu.memory_space<vmem>> -> memref<1x32xf32, #tpu.memory_space<vmem>>
      %dma_start3A_774 = tpu.memref_squeeze %dma_start3A_773 : memref<1x32xf32, #tpu.memory_space<vmem>> -> memref<32xf32, #tpu.memory_space<vmem>>
      %dma_start3A_775 = arith.constant 0 : i32
      %dma_start3A_776 = tpu.memref_slice %arg5[%squeeze3A_772, %dma_start3A_775] : memref<1000000x32xf32, #tpu.memory_space<hbm>> -> memref<1x32xf32, #tpu.memory_space<hbm>>
      %dma_start3A_777 = tpu.memref_squeeze %dma_start3A_776 : memref<1x32xf32, #tpu.memory_space<hbm>> -> memref<32xf32, #tpu.memory_space<hbm>>
      %dma_start3A_778 = tpu.memref_slice %arg13[%add3A_756, %mul3A_758] : memref<128x128xf32, #tpu.memory_space<vmem>> -> memref<1x32xf32, #tpu.memory_space<vmem>>
      %dma_start3A_779 = tpu.memref_squeeze %dma_start3A_778 : memref<1x32xf32, #tpu.memory_space<vmem>> -> memref<32xf32, #tpu.memory_space<vmem>>
      %dma_start3A_780 = arith.constant 0 : i32
      %dma_start3A_781 = tpu.memref_slice %arg5[%squeeze3A_772, %dma_start3A_780] : memref<1000000x32xf32, #tpu.memory_space<hbm>> -> memref<1x32xf32, #tpu.memory_space<hbm>>
      %dma_start3A_782 = tpu.memref_squeeze %dma_start3A_781 : memref<1x32xf32, #tpu.memory_space<hbm>> -> memref<32xf32, #tpu.memory_space<hbm>>
      tpu.enqueue_dma source(%dma_start3A_782 : memref<32xf32, #tpu.memory_space<hbm>>) target(%dma_start3A_779 : memref<32xf32, #tpu.memory_space<vmem>>) target_semaphore(%arg18 : memref<!tpu.dma_semaphore, #tpu.memory_space<semaphore_mem>>)
      %slice3A_783 = vector.extract_strided_slice %get3A_25 {offsets = [10], sizes = [1], strides = [1]} : vector<16xi32> to vector<1xi32>
      %squeeze3A_784 = vector.extract %slice3A_783[0] : i32 from vector<1xi32>
      %dma_start3A_785 = tpu.memref_slice %arg14[%add3A_756, %mul3A_758] : memref<128x128xf32, #tpu.memory_space<vmem>> -> memref<1x32xf32, #tpu.memory_space<vmem>>
      %dma_start3A_786 = tpu.memref_squeeze %dma_start3A_785 : memref<1x32xf32, #tpu.memory_space<vmem>> -> memref<32xf32, #tpu.memory_space<vmem>>
      %dma_start3A_787 = arith.constant 0 : i32
      %dma_start3A_788 = tpu.memref_slice %arg6[%squeeze3A_784, %dma_start3A_787] : memref<1000x32xf32, #tpu.memory_space<hbm>> -> memref<1x32xf32, #tpu.memory_space<hbm>>
      %dma_start3A_789 = tpu.memref_squeeze %dma_start3A_788 : memref<1x32xf32, #tpu.memory_space<hbm>> -> memref<32xf32, #tpu.memory_space<hbm>>
      %dma_start3A_790 = tpu.memref_slice %arg14[%add3A_756, %mul3A_758] : memref<128x128xf32, #tpu.memory_space<vmem>> -> memref<1x32xf32, #tpu.memory_space<vmem>>
      %dma_start3A_791 = tpu.memref_squeeze %dma_start3A_790 : memref<1x32xf32, #tpu.memory_space<vmem>> -> memref<32xf32, #tpu.memory_space<vmem>>
      %dma_start3A_792 = arith.constant 0 : i32
      %dma_start3A_793 = tpu.memref_slice %arg6[%squeeze3A_784, %dma_start3A_792] : memref<1000x32xf32, #tpu.memory_space<hbm>> -> memref<1x32xf32, #tpu.memory_space<hbm>>
      %dma_start3A_794 = tpu.memref_squeeze %dma_start3A_793 : memref<1x32xf32, #tpu.memory_space<hbm>> -> memref<32xf32, #tpu.memory_space<hbm>>
      tpu.enqueue_dma source(%dma_start3A_794 : memref<32xf32, #tpu.memory_space<hbm>>) target(%dma_start3A_791 : memref<32xf32, #tpu.memory_space<vmem>>) target_semaphore(%arg18 : memref<!tpu.dma_semaphore, #tpu.memory_space<semaphore_mem>>)
      %slice3A_795 = vector.extract_strided_slice %get3A_25 {offsets = [10], sizes = [1], strides = [1]} : vector<16xi32> to vector<1xi32>
      %squeeze3A_796 = vector.extract %slice3A_795[0] : i32 from vector<1xi32>
      %dma_start3A_797 = tpu.memref_slice %arg15[%add3A_756, %mul3A_758] : memref<128x128xf32, #tpu.memory_space<vmem>> -> memref<1x32xf32, #tpu.memory_space<vmem>>
      %dma_start3A_798 = tpu.memref_squeeze %dma_start3A_797 : memref<1x32xf32, #tpu.memory_space<vmem>> -> memref<32xf32, #tpu.memory_space<vmem>>
      %dma_start3A_799 = arith.constant 0 : i32
      %dma_start3A_800 = tpu.memref_slice %arg7[%squeeze3A_796, %dma_start3A_799] : memref<1000x32xf32, #tpu.memory_space<hbm>> -> memref<1x32xf32, #tpu.memory_space<hbm>>
      %dma_start3A_801 = tpu.memref_squeeze %dma_start3A_800 : memref<1x32xf32, #tpu.memory_space<hbm>> -> memref<32xf32, #tpu.memory_space<hbm>>
      %dma_start3A_802 = tpu.memref_slice %arg15[%add3A_756, %mul3A_758] : memref<128x128xf32, #tpu.memory_space<vmem>> -> memref<1x32xf32, #tpu.memory_space<vmem>>
      %dma_start3A_803 = tpu.memref_squeeze %dma_start3A_802 : memref<1x32xf32, #tpu.memory_space<vmem>> -> memref<32xf32, #tpu.memory_space<vmem>>
      %dma_start3A_804 = arith.constant 0 : i32
      %dma_start3A_805 = tpu.memref_slice %arg7[%squeeze3A_796, %dma_start3A_804] : memref<1000x32xf32, #tpu.memory_space<hbm>> -> memref<1x32xf32, #tpu.memory_space<hbm>>
      %dma_start3A_806 = tpu.memref_squeeze %dma_start3A_805 : memref<1x32xf32, #tpu.memory_space<hbm>> -> memref<32xf32, #tpu.memory_space<hbm>>
      tpu.enqueue_dma source(%dma_start3A_806 : memref<32xf32, #tpu.memory_space<hbm>>) target(%dma_start3A_803 : memref<32xf32, #tpu.memory_space<vmem>>) target_semaphore(%arg18 : memref<!tpu.dma_semaphore, #tpu.memory_space<semaphore_mem>>)
      %jit3A_807 = arith.constant 8 : i32
      %eq3A_808 = arith.constant 0 : i32
      %eq3A_809 = arith.cmpi eq, %jit3A_807, %eq3A_808 : i32
      %jit3A_810 = arith.constant 1 : i32
      %select_n3A_811 = arith.select %eq3A_809, %jit3A_810, %jit3A_807 : i32
      %rem3A_812 = arith.remsi %scan3A_14, %select_n3A_811 : i32
      %ne3A_813 = arith.constant 0 : i32
      %ne3A_814 = arith.cmpi ne, %rem3A_812, %ne3A_813 : i32
      %lt3A_815 = arith.constant 0 : i32
      %lt3A_816 = arith.cmpi slt, %rem3A_812, %lt3A_815 : i32
      %lt3A_817 = arith.constant 0 : i32
      %lt3A_818 = arith.cmpi slt, %select_n3A_811, %lt3A_817 : i32
      %ne3A_819 = arith.xori %lt3A_816, %lt3A_818 : i1
      %and3A_820 = arith.andi %ne3A_819, %ne3A_814 : i1
      %add3A_821 = arith.addi %rem3A_812, %select_n3A_811 : i32
      %select_n3A_822 = arith.select %and3A_820, %add3A_821, %rem3A_812 : i32
      %mul3A_823 = arith.constant 16 : i32
      %mul3A_824 = arith.muli %select_n3A_822, %mul3A_823 : i32
      %add3A_825 = arith.constant 11 : i32
      %add3A_826 = arith.addi %mul3A_824, %add3A_825 : i32
      %mul3A_827 = arith.constant 32 : i32
      %mul3A_828 = arith.muli %select_n3A, %mul3A_827 : i32
      %slice3A_829 = vector.extract_strided_slice %get3A_17 {offsets = [11], sizes = [1], strides = [1]} : vector<16xi32> to vector<1xi32>
      %squeeze3A_830 = vector.extract %slice3A_829[0] : i32 from vector<1xi32>
      %dma_start3A_831 = tpu.memref_slice %arg12[%add3A_826, %mul3A_828] : memref<128x128xf32, #tpu.memory_space<vmem>> -> memref<1x32xf32, #tpu.memory_space<vmem>>
      %dma_start3A_832 = tpu.memref_squeeze %dma_start3A_831 : memref<1x32xf32, #tpu.memory_space<vmem>> -> memref<32xf32, #tpu.memory_space<vmem>>
      %dma_start3A_833 = arith.constant 0 : i32
      %dma_start3A_834 = tpu.memref_slice %arg5[%squeeze3A_830, %dma_start3A_833] : memref<1000000x32xf32, #tpu.memory_space<hbm>> -> memref<1x32xf32, #tpu.memory_space<hbm>>
      %dma_start3A_835 = tpu.memref_squeeze %dma_start3A_834 : memref<1x32xf32, #tpu.memory_space<hbm>> -> memref<32xf32, #tpu.memory_space<hbm>>
      %dma_start3A_836 = tpu.memref_slice %arg12[%add3A_826, %mul3A_828] : memref<128x128xf32, #tpu.memory_space<vmem>> -> memref<1x32xf32, #tpu.memory_space<vmem>>
      %dma_start3A_837 = tpu.memref_squeeze %dma_start3A_836 : memref<1x32xf32, #tpu.memory_space<vmem>> -> memref<32xf32, #tpu.memory_space<vmem>>
      %dma_start3A_838 = arith.constant 0 : i32
      %dma_start3A_839 = tpu.memref_slice %arg5[%squeeze3A_830, %dma_start3A_838] : memref<1000000x32xf32, #tpu.memory_space<hbm>> -> memref<1x32xf32, #tpu.memory_space<hbm>>
      %dma_start3A_840 = tpu.memref_squeeze %dma_start3A_839 : memref<1x32xf32, #tpu.memory_space<hbm>> -> memref<32xf32, #tpu.memory_space<hbm>>
      tpu.enqueue_dma source(%dma_start3A_840 : memref<32xf32, #tpu.memory_space<hbm>>) target(%dma_start3A_837 : memref<32xf32, #tpu.memory_space<vmem>>) target_semaphore(%arg18 : memref<!tpu.dma_semaphore, #tpu.memory_space<semaphore_mem>>)
      %slice3A_841 = vector.extract_strided_slice %get3A_21 {offsets = [11], sizes = [1], strides = [1]} : vector<16xi32> to vector<1xi32>
      %squeeze3A_842 = vector.extract %slice3A_841[0] : i32 from vector<1xi32>
      %dma_start3A_843 = tpu.memref_slice %arg13[%add3A_826, %mul3A_828] : memref<128x128xf32, #tpu.memory_space<vmem>> -> memref<1x32xf32, #tpu.memory_space<vmem>>
      %dma_start3A_844 = tpu.memref_squeeze %dma_start3A_843 : memref<1x32xf32, #tpu.memory_space<vmem>> -> memref<32xf32, #tpu.memory_space<vmem>>
      %dma_start3A_845 = arith.constant 0 : i32
      %dma_start3A_846 = tpu.memref_slice %arg5[%squeeze3A_842, %dma_start3A_845] : memref<1000000x32xf32, #tpu.memory_space<hbm>> -> memref<1x32xf32, #tpu.memory_space<hbm>>
      %dma_start3A_847 = tpu.memref_squeeze %dma_start3A_846 : memref<1x32xf32, #tpu.memory_space<hbm>> -> memref<32xf32, #tpu.memory_space<hbm>>
      %dma_start3A_848 = tpu.memref_slice %arg13[%add3A_826, %mul3A_828] : memref<128x128xf32, #tpu.memory_space<vmem>> -> memref<1x32xf32, #tpu.memory_space<vmem>>
      %dma_start3A_849 = tpu.memref_squeeze %dma_start3A_848 : memref<1x32xf32, #tpu.memory_space<vmem>> -> memref<32xf32, #tpu.memory_space<vmem>>
      %dma_start3A_850 = arith.constant 0 : i32
      %dma_start3A_851 = tpu.memref_slice %arg5[%squeeze3A_842, %dma_start3A_850] : memref<1000000x32xf32, #tpu.memory_space<hbm>> -> memref<1x32xf32, #tpu.memory_space<hbm>>
      %dma_start3A_852 = tpu.memref_squeeze %dma_start3A_851 : memref<1x32xf32, #tpu.memory_space<hbm>> -> memref<32xf32, #tpu.memory_space<hbm>>
      tpu.enqueue_dma source(%dma_start3A_852 : memref<32xf32, #tpu.memory_space<hbm>>) target(%dma_start3A_849 : memref<32xf32, #tpu.memory_space<vmem>>) target_semaphore(%arg18 : memref<!tpu.dma_semaphore, #tpu.memory_space<semaphore_mem>>)
      %slice3A_853 = vector.extract_strided_slice %get3A_25 {offsets = [11], sizes = [1], strides = [1]} : vector<16xi32> to vector<1xi32>
      %squeeze3A_854 = vector.extract %slice3A_853[0] : i32 from vector<1xi32>
      %dma_start3A_855 = tpu.memref_slice %arg14[%add3A_826, %mul3A_828] : memref<128x128xf32, #tpu.memory_space<vmem>> -> memref<1x32xf32, #tpu.memory_space<vmem>>
      %dma_start3A_856 = tpu.memref_squeeze %dma_start3A_855 : memref<1x32xf32, #tpu.memory_space<vmem>> -> memref<32xf32, #tpu.memory_space<vmem>>
      %dma_start3A_857 = arith.constant 0 : i32
      %dma_start3A_858 = tpu.memref_slice %arg6[%squeeze3A_854, %dma_start3A_857] : memref<1000x32xf32, #tpu.memory_space<hbm>> -> memref<1x32xf32, #tpu.memory_space<hbm>>
      %dma_start3A_859 = tpu.memref_squeeze %dma_start3A_858 : memref<1x32xf32, #tpu.memory_space<hbm>> -> memref<32xf32, #tpu.memory_space<hbm>>
      %dma_start3A_860 = tpu.memref_slice %arg14[%add3A_826, %mul3A_828] : memref<128x128xf32, #tpu.memory_space<vmem>> -> memref<1x32xf32, #tpu.memory_space<vmem>>
      %dma_start3A_861 = tpu.memref_squeeze %dma_start3A_860 : memref<1x32xf32, #tpu.memory_space<vmem>> -> memref<32xf32, #tpu.memory_space<vmem>>
      %dma_start3A_862 = arith.constant 0 : i32
      %dma_start3A_863 = tpu.memref_slice %arg6[%squeeze3A_854, %dma_start3A_862] : memref<1000x32xf32, #tpu.memory_space<hbm>> -> memref<1x32xf32, #tpu.memory_space<hbm>>
      %dma_start3A_864 = tpu.memref_squeeze %dma_start3A_863 : memref<1x32xf32, #tpu.memory_space<hbm>> -> memref<32xf32, #tpu.memory_space<hbm>>
      tpu.enqueue_dma source(%dma_start3A_864 : memref<32xf32, #tpu.memory_space<hbm>>) target(%dma_start3A_861 : memref<32xf32, #tpu.memory_space<vmem>>) target_semaphore(%arg18 : memref<!tpu.dma_semaphore, #tpu.memory_space<semaphore_mem>>)
      %slice3A_865 = vector.extract_strided_slice %get3A_25 {offsets = [11], sizes = [1], strides = [1]} : vector<16xi32> to vector<1xi32>
      %squeeze3A_866 = vector.extract %slice3A_865[0] : i32 from vector<1xi32>
      %dma_start3A_867 = tpu.memref_slice %arg15[%add3A_826, %mul3A_828] : memref<128x128xf32, #tpu.memory_space<vmem>> -> memref<1x32xf32, #tpu.memory_space<vmem>>
      %dma_start3A_868 = tpu.memref_squeeze %dma_start3A_867 : memref<1x32xf32, #tpu.memory_space<vmem>> -> memref<32xf32, #tpu.memory_space<vmem>>
      %dma_start3A_869 = arith.constant 0 : i32
      %dma_start3A_870 = tpu.memref_slice %arg7[%squeeze3A_866, %dma_start3A_869] : memref<1000x32xf32, #tpu.memory_space<hbm>> -> memref<1x32xf32, #tpu.memory_space<hbm>>
      %dma_start3A_871 = tpu.memref_squeeze %dma_start3A_870 : memref<1x32xf32, #tpu.memory_space<hbm>> -> memref<32xf32, #tpu.memory_space<hbm>>
      %dma_start3A_872 = tpu.memref_slice %arg15[%add3A_826, %mul3A_828] : memref<128x128xf32, #tpu.memory_space<vmem>> -> memref<1x32xf32, #tpu.memory_space<vmem>>
      %dma_start3A_873 = tpu.memref_squeeze %dma_start3A_872 : memref<1x32xf32, #tpu.memory_space<vmem>> -> memref<32xf32, #tpu.memory_space<vmem>>
      %dma_start3A_874 = arith.constant 0 : i32
      %dma_start3A_875 = tpu.memref_slice %arg7[%squeeze3A_866, %dma_start3A_874] : memref<1000x32xf32, #tpu.memory_space<hbm>> -> memref<1x32xf32, #tpu.memory_space<hbm>>
      %dma_start3A_876 = tpu.memref_squeeze %dma_start3A_875 : memref<1x32xf32, #tpu.memory_space<hbm>> -> memref<32xf32, #tpu.memory_space<hbm>>
      tpu.enqueue_dma source(%dma_start3A_876 : memref<32xf32, #tpu.memory_space<hbm>>) target(%dma_start3A_873 : memref<32xf32, #tpu.memory_space<vmem>>) target_semaphore(%arg18 : memref<!tpu.dma_semaphore, #tpu.memory_space<semaphore_mem>>)
      %jit3A_877 = arith.constant 8 : i32
      %eq3A_878 = arith.constant 0 : i32
      %eq3A_879 = arith.cmpi eq, %jit3A_877, %eq3A_878 : i32
      %jit3A_880 = arith.constant 1 : i32
      %select_n3A_881 = arith.select %eq3A_879, %jit3A_880, %jit3A_877 : i32
      %rem3A_882 = arith.remsi %scan3A_14, %select_n3A_881 : i32
      %ne3A_883 = arith.constant 0 : i32
      %ne3A_884 = arith.cmpi ne, %rem3A_882, %ne3A_883 : i32
      %lt3A_885 = arith.constant 0 : i32
      %lt3A_886 = arith.cmpi slt, %rem3A_882, %lt3A_885 : i32
      %lt3A_887 = arith.constant 0 : i32
      %lt3A_888 = arith.cmpi slt, %select_n3A_881, %lt3A_887 : i32
      %ne3A_889 = arith.xori %lt3A_886, %lt3A_888 : i1
      %and3A_890 = arith.andi %ne3A_889, %ne3A_884 : i1
      %add3A_891 = arith.addi %rem3A_882, %select_n3A_881 : i32
      %select_n3A_892 = arith.select %and3A_890, %add3A_891, %rem3A_882 : i32
      %mul3A_893 = arith.constant 16 : i32
      %mul3A_894 = arith.muli %select_n3A_892, %mul3A_893 : i32
      %add3A_895 = arith.constant 12 : i32
      %add3A_896 = arith.addi %mul3A_894, %add3A_895 : i32
      %mul3A_897 = arith.constant 32 : i32
      %mul3A_898 = arith.muli %select_n3A, %mul3A_897 : i32
      %slice3A_899 = vector.extract_strided_slice %get3A_17 {offsets = [12], sizes = [1], strides = [1]} : vector<16xi32> to vector<1xi32>
      %squeeze3A_900 = vector.extract %slice3A_899[0] : i32 from vector<1xi32>
      %dma_start3A_901 = tpu.memref_slice %arg12[%add3A_896, %mul3A_898] : memref<128x128xf32, #tpu.memory_space<vmem>> -> memref<1x32xf32, #tpu.memory_space<vmem>>
      %dma_start3A_902 = tpu.memref_squeeze %dma_start3A_901 : memref<1x32xf32, #tpu.memory_space<vmem>> -> memref<32xf32, #tpu.memory_space<vmem>>
      %dma_start3A_903 = arith.constant 0 : i32
      %dma_start3A_904 = tpu.memref_slice %arg5[%squeeze3A_900, %dma_start3A_903] : memref<1000000x32xf32, #tpu.memory_space<hbm>> -> memref<1x32xf32, #tpu.memory_space<hbm>>
      %dma_start3A_905 = tpu.memref_squeeze %dma_start3A_904 : memref<1x32xf32, #tpu.memory_space<hbm>> -> memref<32xf32, #tpu.memory_space<hbm>>
      %dma_start3A_906 = tpu.memref_slice %arg12[%add3A_896, %mul3A_898] : memref<128x128xf32, #tpu.memory_space<vmem>> -> memref<1x32xf32, #tpu.memory_space<vmem>>
      %dma_start3A_907 = tpu.memref_squeeze %dma_start3A_906 : memref<1x32xf32, #tpu.memory_space<vmem>> -> memref<32xf32, #tpu.memory_space<vmem>>
      %dma_start3A_908 = arith.constant 0 : i32
      %dma_start3A_909 = tpu.memref_slice %arg5[%squeeze3A_900, %dma_start3A_908] : memref<1000000x32xf32, #tpu.memory_space<hbm>> -> memref<1x32xf32, #tpu.memory_space<hbm>>
      %dma_start3A_910 = tpu.memref_squeeze %dma_start3A_909 : memref<1x32xf32, #tpu.memory_space<hbm>> -> memref<32xf32, #tpu.memory_space<hbm>>
      tpu.enqueue_dma source(%dma_start3A_910 : memref<32xf32, #tpu.memory_space<hbm>>) target(%dma_start3A_907 : memref<32xf32, #tpu.memory_space<vmem>>) target_semaphore(%arg18 : memref<!tpu.dma_semaphore, #tpu.memory_space<semaphore_mem>>)
      %slice3A_911 = vector.extract_strided_slice %get3A_21 {offsets = [12], sizes = [1], strides = [1]} : vector<16xi32> to vector<1xi32>
      %squeeze3A_912 = vector.extract %slice3A_911[0] : i32 from vector<1xi32>
      %dma_start3A_913 = tpu.memref_slice %arg13[%add3A_896, %mul3A_898] : memref<128x128xf32, #tpu.memory_space<vmem>> -> memref<1x32xf32, #tpu.memory_space<vmem>>
      %dma_start3A_914 = tpu.memref_squeeze %dma_start3A_913 : memref<1x32xf32, #tpu.memory_space<vmem>> -> memref<32xf32, #tpu.memory_space<vmem>>
      %dma_start3A_915 = arith.constant 0 : i32
      %dma_start3A_916 = tpu.memref_slice %arg5[%squeeze3A_912, %dma_start3A_915] : memref<1000000x32xf32, #tpu.memory_space<hbm>> -> memref<1x32xf32, #tpu.memory_space<hbm>>
      %dma_start3A_917 = tpu.memref_squeeze %dma_start3A_916 : memref<1x32xf32, #tpu.memory_space<hbm>> -> memref<32xf32, #tpu.memory_space<hbm>>
      %dma_start3A_918 = tpu.memref_slice %arg13[%add3A_896, %mul3A_898] : memref<128x128xf32, #tpu.memory_space<vmem>> -> memref<1x32xf32, #tpu.memory_space<vmem>>
      %dma_start3A_919 = tpu.memref_squeeze %dma_start3A_918 : memref<1x32xf32, #tpu.memory_space<vmem>> -> memref<32xf32, #tpu.memory_space<vmem>>
      %dma_start3A_920 = arith.constant 0 : i32
      %dma_start3A_921 = tpu.memref_slice %arg5[%squeeze3A_912, %dma_start3A_920] : memref<1000000x32xf32, #tpu.memory_space<hbm>> -> memref<1x32xf32, #tpu.memory_space<hbm>>
      %dma_start3A_922 = tpu.memref_squeeze %dma_start3A_921 : memref<1x32xf32, #tpu.memory_space<hbm>> -> memref<32xf32, #tpu.memory_space<hbm>>
      tpu.enqueue_dma source(%dma_start3A_922 : memref<32xf32, #tpu.memory_space<hbm>>) target(%dma_start3A_919 : memref<32xf32, #tpu.memory_space<vmem>>) target_semaphore(%arg18 : memref<!tpu.dma_semaphore, #tpu.memory_space<semaphore_mem>>)
      %slice3A_923 = vector.extract_strided_slice %get3A_25 {offsets = [12], sizes = [1], strides = [1]} : vector<16xi32> to vector<1xi32>
      %squeeze3A_924 = vector.extract %slice3A_923[0] : i32 from vector<1xi32>
      %dma_start3A_925 = tpu.memref_slice %arg14[%add3A_896, %mul3A_898] : memref<128x128xf32, #tpu.memory_space<vmem>> -> memref<1x32xf32, #tpu.memory_space<vmem>>
      %dma_start3A_926 = tpu.memref_squeeze %dma_start3A_925 : memref<1x32xf32, #tpu.memory_space<vmem>> -> memref<32xf32, #tpu.memory_space<vmem>>
      %dma_start3A_927 = arith.constant 0 : i32
      %dma_start3A_928 = tpu.memref_slice %arg6[%squeeze3A_924, %dma_start3A_927] : memref<1000x32xf32, #tpu.memory_space<hbm>> -> memref<1x32xf32, #tpu.memory_space<hbm>>
      %dma_start3A_929 = tpu.memref_squeeze %dma_start3A_928 : memref<1x32xf32, #tpu.memory_space<hbm>> -> memref<32xf32, #tpu.memory_space<hbm>>
      %dma_start3A_930 = tpu.memref_slice %arg14[%add3A_896, %mul3A_898] : memref<128x128xf32, #tpu.memory_space<vmem>> -> memref<1x32xf32, #tpu.memory_space<vmem>>
      %dma_start3A_931 = tpu.memref_squeeze %dma_start3A_930 : memref<1x32xf32, #tpu.memory_space<vmem>> -> memref<32xf32, #tpu.memory_space<vmem>>
      %dma_start3A_932 = arith.constant 0 : i32
      %dma_start3A_933 = tpu.memref_slice %arg6[%squeeze3A_924, %dma_start3A_932] : memref<1000x32xf32, #tpu.memory_space<hbm>> -> memref<1x32xf32, #tpu.memory_space<hbm>>
      %dma_start3A_934 = tpu.memref_squeeze %dma_start3A_933 : memref<1x32xf32, #tpu.memory_space<hbm>> -> memref<32xf32, #tpu.memory_space<hbm>>
      tpu.enqueue_dma source(%dma_start3A_934 : memref<32xf32, #tpu.memory_space<hbm>>) target(%dma_start3A_931 : memref<32xf32, #tpu.memory_space<vmem>>) target_semaphore(%arg18 : memref<!tpu.dma_semaphore, #tpu.memory_space<semaphore_mem>>)
      %slice3A_935 = vector.extract_strided_slice %get3A_25 {offsets = [12], sizes = [1], strides = [1]} : vector<16xi32> to vector<1xi32>
      %squeeze3A_936 = vector.extract %slice3A_935[0] : i32 from vector<1xi32>
      %dma_start3A_937 = tpu.memref_slice %arg15[%add3A_896, %mul3A_898] : memref<128x128xf32, #tpu.memory_space<vmem>> -> memref<1x32xf32, #tpu.memory_space<vmem>>
      %dma_start3A_938 = tpu.memref_squeeze %dma_start3A_937 : memref<1x32xf32, #tpu.memory_space<vmem>> -> memref<32xf32, #tpu.memory_space<vmem>>
      %dma_start3A_939 = arith.constant 0 : i32
      %dma_start3A_940 = tpu.memref_slice %arg7[%squeeze3A_936, %dma_start3A_939] : memref<1000x32xf32, #tpu.memory_space<hbm>> -> memref<1x32xf32, #tpu.memory_space<hbm>>
      %dma_start3A_941 = tpu.memref_squeeze %dma_start3A_940 : memref<1x32xf32, #tpu.memory_space<hbm>> -> memref<32xf32, #tpu.memory_space<hbm>>
      %dma_start3A_942 = tpu.memref_slice %arg15[%add3A_896, %mul3A_898] : memref<128x128xf32, #tpu.memory_space<vmem>> -> memref<1x32xf32, #tpu.memory_space<vmem>>
      %dma_start3A_943 = tpu.memref_squeeze %dma_start3A_942 : memref<1x32xf32, #tpu.memory_space<vmem>> -> memref<32xf32, #tpu.memory_space<vmem>>
      %dma_start3A_944 = arith.constant 0 : i32
      %dma_start3A_945 = tpu.memref_slice %arg7[%squeeze3A_936, %dma_start3A_944] : memref<1000x32xf32, #tpu.memory_space<hbm>> -> memref<1x32xf32, #tpu.memory_space<hbm>>
      %dma_start3A_946 = tpu.memref_squeeze %dma_start3A_945 : memref<1x32xf32, #tpu.memory_space<hbm>> -> memref<32xf32, #tpu.memory_space<hbm>>
      tpu.enqueue_dma source(%dma_start3A_946 : memref<32xf32, #tpu.memory_space<hbm>>) target(%dma_start3A_943 : memref<32xf32, #tpu.memory_space<vmem>>) target_semaphore(%arg18 : memref<!tpu.dma_semaphore, #tpu.memory_space<semaphore_mem>>)
      %jit3A_947 = arith.constant 8 : i32
      %eq3A_948 = arith.constant 0 : i32
      %eq3A_949 = arith.cmpi eq, %jit3A_947, %eq3A_948 : i32
      %jit3A_950 = arith.constant 1 : i32
      %select_n3A_951 = arith.select %eq3A_949, %jit3A_950, %jit3A_947 : i32
      %rem3A_952 = arith.remsi %scan3A_14, %select_n3A_951 : i32
      %ne3A_953 = arith.constant 0 : i32
      %ne3A_954 = arith.cmpi ne, %rem3A_952, %ne3A_953 : i32
      %lt3A_955 = arith.constant 0 : i32
      %lt3A_956 = arith.cmpi slt, %rem3A_952, %lt3A_955 : i32
      %lt3A_957 = arith.constant 0 : i32
      %lt3A_958 = arith.cmpi slt, %select_n3A_951, %lt3A_957 : i32
      %ne3A_959 = arith.xori %lt3A_956, %lt3A_958 : i1
      %and3A_960 = arith.andi %ne3A_959, %ne3A_954 : i1
      %add3A_961 = arith.addi %rem3A_952, %select_n3A_951 : i32
      %select_n3A_962 = arith.select %and3A_960, %add3A_961, %rem3A_952 : i32
      %mul3A_963 = arith.constant 16 : i32
      %mul3A_964 = arith.muli %select_n3A_962, %mul3A_963 : i32
      %add3A_965 = arith.constant 13 : i32
      %add3A_966 = arith.addi %mul3A_964, %add3A_965 : i32
      %mul3A_967 = arith.constant 32 : i32
      %mul3A_968 = arith.muli %select_n3A, %mul3A_967 : i32
      %slice3A_969 = vector.extract_strided_slice %get3A_17 {offsets = [13], sizes = [1], strides = [1]} : vector<16xi32> to vector<1xi32>
      %squeeze3A_970 = vector.extract %slice3A_969[0] : i32 from vector<1xi32>
      %dma_start3A_971 = tpu.memref_slice %arg12[%add3A_966, %mul3A_968] : memref<128x128xf32, #tpu.memory_space<vmem>> -> memref<1x32xf32, #tpu.memory_space<vmem>>
      %dma_start3A_972 = tpu.memref_squeeze %dma_start3A_971 : memref<1x32xf32, #tpu.memory_space<vmem>> -> memref<32xf32, #tpu.memory_space<vmem>>
      %dma_start3A_973 = arith.constant 0 : i32
      %dma_start3A_974 = tpu.memref_slice %arg5[%squeeze3A_970, %dma_start3A_973] : memref<1000000x32xf32, #tpu.memory_space<hbm>> -> memref<1x32xf32, #tpu.memory_space<hbm>>
      %dma_start3A_975 = tpu.memref_squeeze %dma_start3A_974 : memref<1x32xf32, #tpu.memory_space<hbm>> -> memref<32xf32, #tpu.memory_space<hbm>>
      %dma_start3A_976 = tpu.memref_slice %arg12[%add3A_966, %mul3A_968] : memref<128x128xf32, #tpu.memory_space<vmem>> -> memref<1x32xf32, #tpu.memory_space<vmem>>
      %dma_start3A_977 = tpu.memref_squeeze %dma_start3A_976 : memref<1x32xf32, #tpu.memory_space<vmem>> -> memref<32xf32, #tpu.memory_space<vmem>>
      %dma_start3A_978 = arith.constant 0 : i32
      %dma_start3A_979 = tpu.memref_slice %arg5[%squeeze3A_970, %dma_start3A_978] : memref<1000000x32xf32, #tpu.memory_space<hbm>> -> memref<1x32xf32, #tpu.memory_space<hbm>>
      %dma_start3A_980 = tpu.memref_squeeze %dma_start3A_979 : memref<1x32xf32, #tpu.memory_space<hbm>> -> memref<32xf32, #tpu.memory_space<hbm>>
      tpu.enqueue_dma source(%dma_start3A_980 : memref<32xf32, #tpu.memory_space<hbm>>) target(%dma_start3A_977 : memref<32xf32, #tpu.memory_space<vmem>>) target_semaphore(%arg18 : memref<!tpu.dma_semaphore, #tpu.memory_space<semaphore_mem>>)
      %slice3A_981 = vector.extract_strided_slice %get3A_21 {offsets = [13], sizes = [1], strides = [1]} : vector<16xi32> to vector<1xi32>
      %squeeze3A_982 = vector.extract %slice3A_981[0] : i32 from vector<1xi32>
      %dma_start3A_983 = tpu.memref_slice %arg13[%add3A_966, %mul3A_968] : memref<128x128xf32, #tpu.memory_space<vmem>> -> memref<1x32xf32, #tpu.memory_space<vmem>>
      %dma_start3A_984 = tpu.memref_squeeze %dma_start3A_983 : memref<1x32xf32, #tpu.memory_space<vmem>> -> memref<32xf32, #tpu.memory_space<vmem>>
      %dma_start3A_985 = arith.constant 0 : i32
      %dma_start3A_986 = tpu.memref_slice %arg5[%squeeze3A_982, %dma_start3A_985] : memref<1000000x32xf32, #tpu.memory_space<hbm>> -> memref<1x32xf32, #tpu.memory_space<hbm>>
      %dma_start3A_987 = tpu.memref_squeeze %dma_start3A_986 : memref<1x32xf32, #tpu.memory_space<hbm>> -> memref<32xf32, #tpu.memory_space<hbm>>
      %dma_start3A_988 = tpu.memref_slice %arg13[%add3A_966, %mul3A_968] : memref<128x128xf32, #tpu.memory_space<vmem>> -> memref<1x32xf32, #tpu.memory_space<vmem>>
      %dma_start3A_989 = tpu.memref_squeeze %dma_start3A_988 : memref<1x32xf32, #tpu.memory_space<vmem>> -> memref<32xf32, #tpu.memory_space<vmem>>
      %dma_start3A_990 = arith.constant 0 : i32
      %dma_start3A_991 = tpu.memref_slice %arg5[%squeeze3A_982, %dma_start3A_990] : memref<1000000x32xf32, #tpu.memory_space<hbm>> -> memref<1x32xf32, #tpu.memory_space<hbm>>
      %dma_start3A_992 = tpu.memref_squeeze %dma_start3A_991 : memref<1x32xf32, #tpu.memory_space<hbm>> -> memref<32xf32, #tpu.memory_space<hbm>>
      tpu.enqueue_dma source(%dma_start3A_992 : memref<32xf32, #tpu.memory_space<hbm>>) target(%dma_start3A_989 : memref<32xf32, #tpu.memory_space<vmem>>) target_semaphore(%arg18 : memref<!tpu.dma_semaphore, #tpu.memory_space<semaphore_mem>>)
      %slice3A_993 = vector.extract_strided_slice %get3A_25 {offsets = [13], sizes = [1], strides = [1]} : vector<16xi32> to vector<1xi32>
      %squeeze3A_994 = vector.extract %slice3A_993[0] : i32 from vector<1xi32>
      %dma_start3A_995 = tpu.memref_slice %arg14[%add3A_966, %mul3A_968] : memref<128x128xf32, #tpu.memory_space<vmem>> -> memref<1x32xf32, #tpu.memory_space<vmem>>
      %dma_start3A_996 = tpu.memref_squeeze %dma_start3A_995 : memref<1x32xf32, #tpu.memory_space<vmem>> -> memref<32xf32, #tpu.memory_space<vmem>>
      %dma_start3A_997 = arith.constant 0 : i32
      %dma_start3A_998 = tpu.memref_slice %arg6[%squeeze3A_994, %dma_start3A_997] : memref<1000x32xf32, #tpu.memory_space<hbm>> -> memref<1x32xf32, #tpu.memory_space<hbm>>
      %dma_start3A_999 = tpu.memref_squeeze %dma_start3A_998 : memref<1x32xf32, #tpu.memory_space<hbm>> -> memref<32xf32, #tpu.memory_space<hbm>>
      %dma_start3A_1000 = tpu.memref_slice %arg14[%add3A_966, %mul3A_968] : memref<128x128xf32, #tpu.memory_space<vmem>> -> memref<1x32xf32, #tpu.memory_space<vmem>>
      %dma_start3A_1001 = tpu.memref_squeeze %dma_start3A_1000 : memref<1x32xf32, #tpu.memory_space<vmem>> -> memref<32xf32, #tpu.memory_space<vmem>>
      %dma_start3A_1002 = arith.constant 0 : i32
      %dma_start3A_1003 = tpu.memref_slice %arg6[%squeeze3A_994, %dma_start3A_1002] : memref<1000x32xf32, #tpu.memory_space<hbm>> -> memref<1x32xf32, #tpu.memory_space<hbm>>
      %dma_start3A_1004 = tpu.memref_squeeze %dma_start3A_1003 : memref<1x32xf32, #tpu.memory_space<hbm>> -> memref<32xf32, #tpu.memory_space<hbm>>
      tpu.enqueue_dma source(%dma_start3A_1004 : memref<32xf32, #tpu.memory_space<hbm>>) target(%dma_start3A_1001 : memref<32xf32, #tpu.memory_space<vmem>>) target_semaphore(%arg18 : memref<!tpu.dma_semaphore, #tpu.memory_space<semaphore_mem>>)
      %slice3A_1005 = vector.extract_strided_slice %get3A_25 {offsets = [13], sizes = [1], strides = [1]} : vector<16xi32> to vector<1xi32>
      %squeeze3A_1006 = vector.extract %slice3A_1005[0] : i32 from vector<1xi32>
      %dma_start3A_1007 = tpu.memref_slice %arg15[%add3A_966, %mul3A_968] : memref<128x128xf32, #tpu.memory_space<vmem>> -> memref<1x32xf32, #tpu.memory_space<vmem>>
      %dma_start3A_1008 = tpu.memref_squeeze %dma_start3A_1007 : memref<1x32xf32, #tpu.memory_space<vmem>> -> memref<32xf32, #tpu.memory_space<vmem>>
      %dma_start3A_1009 = arith.constant 0 : i32
      %dma_start3A_1010 = tpu.memref_slice %arg7[%squeeze3A_1006, %dma_start3A_1009] : memref<1000x32xf32, #tpu.memory_space<hbm>> -> memref<1x32xf32, #tpu.memory_space<hbm>>
      %dma_start3A_1011 = tpu.memref_squeeze %dma_start3A_1010 : memref<1x32xf32, #tpu.memory_space<hbm>> -> memref<32xf32, #tpu.memory_space<hbm>>
      %dma_start3A_1012 = tpu.memref_slice %arg15[%add3A_966, %mul3A_968] : memref<128x128xf32, #tpu.memory_space<vmem>> -> memref<1x32xf32, #tpu.memory_space<vmem>>
      %dma_start3A_1013 = tpu.memref_squeeze %dma_start3A_1012 : memref<1x32xf32, #tpu.memory_space<vmem>> -> memref<32xf32, #tpu.memory_space<vmem>>
      %dma_start3A_1014 = arith.constant 0 : i32
      %dma_start3A_1015 = tpu.memref_slice %arg7[%squeeze3A_1006, %dma_start3A_1014] : memref<1000x32xf32, #tpu.memory_space<hbm>> -> memref<1x32xf32, #tpu.memory_space<hbm>>
      %dma_start3A_1016 = tpu.memref_squeeze %dma_start3A_1015 : memref<1x32xf32, #tpu.memory_space<hbm>> -> memref<32xf32, #tpu.memory_space<hbm>>
      tpu.enqueue_dma source(%dma_start3A_1016 : memref<32xf32, #tpu.memory_space<hbm>>) target(%dma_start3A_1013 : memref<32xf32, #tpu.memory_space<vmem>>) target_semaphore(%arg18 : memref<!tpu.dma_semaphore, #tpu.memory_space<semaphore_mem>>)
      %jit3A_1017 = arith.constant 8 : i32
      %eq3A_1018 = arith.constant 0 : i32
      %eq3A_1019 = arith.cmpi eq, %jit3A_1017, %eq3A_1018 : i32
      %jit3A_1020 = arith.constant 1 : i32
      %select_n3A_1021 = arith.select %eq3A_1019, %jit3A_1020, %jit3A_1017 : i32
      %rem3A_1022 = arith.remsi %scan3A_14, %select_n3A_1021 : i32
      %ne3A_1023 = arith.constant 0 : i32
      %ne3A_1024 = arith.cmpi ne, %rem3A_1022, %ne3A_1023 : i32
      %lt3A_1025 = arith.constant 0 : i32
      %lt3A_1026 = arith.cmpi slt, %rem3A_1022, %lt3A_1025 : i32
      %lt3A_1027 = arith.constant 0 : i32
      %lt3A_1028 = arith.cmpi slt, %select_n3A_1021, %lt3A_1027 : i32
      %ne3A_1029 = arith.xori %lt3A_1026, %lt3A_1028 : i1
      %and3A_1030 = arith.andi %ne3A_1029, %ne3A_1024 : i1
      %add3A_1031 = arith.addi %rem3A_1022, %select_n3A_1021 : i32
      %select_n3A_1032 = arith.select %and3A_1030, %add3A_1031, %rem3A_1022 : i32
      %mul3A_1033 = arith.constant 16 : i32
      %mul3A_1034 = arith.muli %select_n3A_1032, %mul3A_1033 : i32
      %add3A_1035 = arith.constant 14 : i32
      %add3A_1036 = arith.addi %mul3A_1034, %add3A_1035 : i32
      %mul3A_1037 = arith.constant 32 : i32
      %mul3A_1038 = arith.muli %select_n3A, %mul3A_1037 : i32
      %slice3A_1039 = vector.extract_strided_slice %get3A_17 {offsets = [14], sizes = [1], strides = [1]} : vector<16xi32> to vector<1xi32>
      %squeeze3A_1040 = vector.extract %slice3A_1039[0] : i32 from vector<1xi32>
      %dma_start3A_1041 = tpu.memref_slice %arg12[%add3A_1036, %mul3A_1038] : memref<128x128xf32, #tpu.memory_space<vmem>> -> memref<1x32xf32, #tpu.memory_space<vmem>>
      %dma_start3A_1042 = tpu.memref_squeeze %dma_start3A_1041 : memref<1x32xf32, #tpu.memory_space<vmem>> -> memref<32xf32, #tpu.memory_space<vmem>>
      %dma_start3A_1043 = arith.constant 0 : i32
      %dma_start3A_1044 = tpu.memref_slice %arg5[%squeeze3A_1040, %dma_start3A_1043] : memref<1000000x32xf32, #tpu.memory_space<hbm>> -> memref<1x32xf32, #tpu.memory_space<hbm>>
      %dma_start3A_1045 = tpu.memref_squeeze %dma_start3A_1044 : memref<1x32xf32, #tpu.memory_space<hbm>> -> memref<32xf32, #tpu.memory_space<hbm>>
      %dma_start3A_1046 = tpu.memref_slice %arg12[%add3A_1036, %mul3A_1038] : memref<128x128xf32, #tpu.memory_space<vmem>> -> memref<1x32xf32, #tpu.memory_space<vmem>>
      %dma_start3A_1047 = tpu.memref_squeeze %dma_start3A_1046 : memref<1x32xf32, #tpu.memory_space<vmem>> -> memref<32xf32, #tpu.memory_space<vmem>>
      %dma_start3A_1048 = arith.constant 0 : i32
      %dma_start3A_1049 = tpu.memref_slice %arg5[%squeeze3A_1040, %dma_start3A_1048] : memref<1000000x32xf32, #tpu.memory_space<hbm>> -> memref<1x32xf32, #tpu.memory_space<hbm>>
      %dma_start3A_1050 = tpu.memref_squeeze %dma_start3A_1049 : memref<1x32xf32, #tpu.memory_space<hbm>> -> memref<32xf32, #tpu.memory_space<hbm>>
      tpu.enqueue_dma source(%dma_start3A_1050 : memref<32xf32, #tpu.memory_space<hbm>>) target(%dma_start3A_1047 : memref<32xf32, #tpu.memory_space<vmem>>) target_semaphore(%arg18 : memref<!tpu.dma_semaphore, #tpu.memory_space<semaphore_mem>>)
      %slice3A_1051 = vector.extract_strided_slice %get3A_21 {offsets = [14], sizes = [1], strides = [1]} : vector<16xi32> to vector<1xi32>
      %squeeze3A_1052 = vector.extract %slice3A_1051[0] : i32 from vector<1xi32>
      %dma_start3A_1053 = tpu.memref_slice %arg13[%add3A_1036, %mul3A_1038] : memref<128x128xf32, #tpu.memory_space<vmem>> -> memref<1x32xf32, #tpu.memory_space<vmem>>
      %dma_start3A_1054 = tpu.memref_squeeze %dma_start3A_1053 : memref<1x32xf32, #tpu.memory_space<vmem>> -> memref<32xf32, #tpu.memory_space<vmem>>
      %dma_start3A_1055 = arith.constant 0 : i32
      %dma_start3A_1056 = tpu.memref_slice %arg5[%squeeze3A_1052, %dma_start3A_1055] : memref<1000000x32xf32, #tpu.memory_space<hbm>> -> memref<1x32xf32, #tpu.memory_space<hbm>>
      %dma_start3A_1057 = tpu.memref_squeeze %dma_start3A_1056 : memref<1x32xf32, #tpu.memory_space<hbm>> -> memref<32xf32, #tpu.memory_space<hbm>>
      %dma_start3A_1058 = tpu.memref_slice %arg13[%add3A_1036, %mul3A_1038] : memref<128x128xf32, #tpu.memory_space<vmem>> -> memref<1x32xf32, #tpu.memory_space<vmem>>
      %dma_start3A_1059 = tpu.memref_squeeze %dma_start3A_1058 : memref<1x32xf32, #tpu.memory_space<vmem>> -> memref<32xf32, #tpu.memory_space<vmem>>
      %dma_start3A_1060 = arith.constant 0 : i32
      %dma_start3A_1061 = tpu.memref_slice %arg5[%squeeze3A_1052, %dma_start3A_1060] : memref<1000000x32xf32, #tpu.memory_space<hbm>> -> memref<1x32xf32, #tpu.memory_space<hbm>>
      %dma_start3A_1062 = tpu.memref_squeeze %dma_start3A_1061 : memref<1x32xf32, #tpu.memory_space<hbm>> -> memref<32xf32, #tpu.memory_space<hbm>>
      tpu.enqueue_dma source(%dma_start3A_1062 : memref<32xf32, #tpu.memory_space<hbm>>) target(%dma_start3A_1059 : memref<32xf32, #tpu.memory_space<vmem>>) target_semaphore(%arg18 : memref<!tpu.dma_semaphore, #tpu.memory_space<semaphore_mem>>)
      %slice3A_1063 = vector.extract_strided_slice %get3A_25 {offsets = [14], sizes = [1], strides = [1]} : vector<16xi32> to vector<1xi32>
      %squeeze3A_1064 = vector.extract %slice3A_1063[0] : i32 from vector<1xi32>
      %dma_start3A_1065 = tpu.memref_slice %arg14[%add3A_1036, %mul3A_1038] : memref<128x128xf32, #tpu.memory_space<vmem>> -> memref<1x32xf32, #tpu.memory_space<vmem>>
      %dma_start3A_1066 = tpu.memref_squeeze %dma_start3A_1065 : memref<1x32xf32, #tpu.memory_space<vmem>> -> memref<32xf32, #tpu.memory_space<vmem>>
      %dma_start3A_1067 = arith.constant 0 : i32
      %dma_start3A_1068 = tpu.memref_slice %arg6[%squeeze3A_1064, %dma_start3A_1067] : memref<1000x32xf32, #tpu.memory_space<hbm>> -> memref<1x32xf32, #tpu.memory_space<hbm>>
      %dma_start3A_1069 = tpu.memref_squeeze %dma_start3A_1068 : memref<1x32xf32, #tpu.memory_space<hbm>> -> memref<32xf32, #tpu.memory_space<hbm>>
      %dma_start3A_1070 = tpu.memref_slice %arg14[%add3A_1036, %mul3A_1038] : memref<128x128xf32, #tpu.memory_space<vmem>> -> memref<1x32xf32, #tpu.memory_space<vmem>>
      %dma_start3A_1071 = tpu.memref_squeeze %dma_start3A_1070 : memref<1x32xf32, #tpu.memory_space<vmem>> -> memref<32xf32, #tpu.memory_space<vmem>>
      %dma_start3A_1072 = arith.constant 0 : i32
      %dma_start3A_1073 = tpu.memref_slice %arg6[%squeeze3A_1064, %dma_start3A_1072] : memref<1000x32xf32, #tpu.memory_space<hbm>> -> memref<1x32xf32, #tpu.memory_space<hbm>>
      %dma_start3A_1074 = tpu.memref_squeeze %dma_start3A_1073 : memref<1x32xf32, #tpu.memory_space<hbm>> -> memref<32xf32, #tpu.memory_space<hbm>>
      tpu.enqueue_dma source(%dma_start3A_1074 : memref<32xf32, #tpu.memory_space<hbm>>) target(%dma_start3A_1071 : memref<32xf32, #tpu.memory_space<vmem>>) target_semaphore(%arg18 : memref<!tpu.dma_semaphore, #tpu.memory_space<semaphore_mem>>)
      %slice3A_1075 = vector.extract_strided_slice %get3A_25 {offsets = [14], sizes = [1], strides = [1]} : vector<16xi32> to vector<1xi32>
      %squeeze3A_1076 = vector.extract %slice3A_1075[0] : i32 from vector<1xi32>
      %dma_start3A_1077 = tpu.memref_slice %arg15[%add3A_1036, %mul3A_1038] : memref<128x128xf32, #tpu.memory_space<vmem>> -> memref<1x32xf32, #tpu.memory_space<vmem>>
      %dma_start3A_1078 = tpu.memref_squeeze %dma_start3A_1077 : memref<1x32xf32, #tpu.memory_space<vmem>> -> memref<32xf32, #tpu.memory_space<vmem>>
      %dma_start3A_1079 = arith.constant 0 : i32
      %dma_start3A_1080 = tpu.memref_slice %arg7[%squeeze3A_1076, %dma_start3A_1079] : memref<1000x32xf32, #tpu.memory_space<hbm>> -> memref<1x32xf32, #tpu.memory_space<hbm>>
      %dma_start3A_1081 = tpu.memref_squeeze %dma_start3A_1080 : memref<1x32xf32, #tpu.memory_space<hbm>> -> memref<32xf32, #tpu.memory_space<hbm>>
      %dma_start3A_1082 = tpu.memref_slice %arg15[%add3A_1036, %mul3A_1038] : memref<128x128xf32, #tpu.memory_space<vmem>> -> memref<1x32xf32, #tpu.memory_space<vmem>>
      %dma_start3A_1083 = tpu.memref_squeeze %dma_start3A_1082 : memref<1x32xf32, #tpu.memory_space<vmem>> -> memref<32xf32, #tpu.memory_space<vmem>>
      %dma_start3A_1084 = arith.constant 0 : i32
      %dma_start3A_1085 = tpu.memref_slice %arg7[%squeeze3A_1076, %dma_start3A_1084] : memref<1000x32xf32, #tpu.memory_space<hbm>> -> memref<1x32xf32, #tpu.memory_space<hbm>>
      %dma_start3A_1086 = tpu.memref_squeeze %dma_start3A_1085 : memref<1x32xf32, #tpu.memory_space<hbm>> -> memref<32xf32, #tpu.memory_space<hbm>>
      tpu.enqueue_dma source(%dma_start3A_1086 : memref<32xf32, #tpu.memory_space<hbm>>) target(%dma_start3A_1083 : memref<32xf32, #tpu.memory_space<vmem>>) target_semaphore(%arg18 : memref<!tpu.dma_semaphore, #tpu.memory_space<semaphore_mem>>)
      %jit3A_1087 = arith.constant 8 : i32
      %eq3A_1088 = arith.constant 0 : i32
      %eq3A_1089 = arith.cmpi eq, %jit3A_1087, %eq3A_1088 : i32
      %jit3A_1090 = arith.constant 1 : i32
      %select_n3A_1091 = arith.select %eq3A_1089, %jit3A_1090, %jit3A_1087 : i32
      %rem3A_1092 = arith.remsi %scan3A_14, %select_n3A_1091 : i32
      %ne3A_1093 = arith.constant 0 : i32
      %ne3A_1094 = arith.cmpi ne, %rem3A_1092, %ne3A_1093 : i32
      %lt3A_1095 = arith.constant 0 : i32
      %lt3A_1096 = arith.cmpi slt, %rem3A_1092, %lt3A_1095 : i32
      %lt3A_1097 = arith.constant 0 : i32
      %lt3A_1098 = arith.cmpi slt, %select_n3A_1091, %lt3A_1097 : i32
      %ne3A_1099 = arith.xori %lt3A_1096, %lt3A_1098 : i1
      %and3A_1100 = arith.andi %ne3A_1099, %ne3A_1094 : i1
      %add3A_1101 = arith.addi %rem3A_1092, %select_n3A_1091 : i32
      %select_n3A_1102 = arith.select %and3A_1100, %add3A_1101, %rem3A_1092 : i32
      %mul3A_1103 = arith.constant 16 : i32
      %mul3A_1104 = arith.muli %select_n3A_1102, %mul3A_1103 : i32
      %add3A_1105 = arith.constant 15 : i32
      %add3A_1106 = arith.addi %mul3A_1104, %add3A_1105 : i32
      %mul3A_1107 = arith.constant 32 : i32
      %mul3A_1108 = arith.muli %select_n3A, %mul3A_1107 : i32
      %slice3A_1109 = vector.extract_strided_slice %get3A_17 {offsets = [15], sizes = [1], strides = [1]} : vector<16xi32> to vector<1xi32>
      %squeeze3A_1110 = vector.extract %slice3A_1109[0] : i32 from vector<1xi32>
      %dma_start3A_1111 = tpu.memref_slice %arg12[%add3A_1106, %mul3A_1108] : memref<128x128xf32, #tpu.memory_space<vmem>> -> memref<1x32xf32, #tpu.memory_space<vmem>>
      %dma_start3A_1112 = tpu.memref_squeeze %dma_start3A_1111 : memref<1x32xf32, #tpu.memory_space<vmem>> -> memref<32xf32, #tpu.memory_space<vmem>>
      %dma_start3A_1113 = arith.constant 0 : i32
      %dma_start3A_1114 = tpu.memref_slice %arg5[%squeeze3A_1110, %dma_start3A_1113] : memref<1000000x32xf32, #tpu.memory_space<hbm>> -> memref<1x32xf32, #tpu.memory_space<hbm>>
      %dma_start3A_1115 = tpu.memref_squeeze %dma_start3A_1114 : memref<1x32xf32, #tpu.memory_space<hbm>> -> memref<32xf32, #tpu.memory_space<hbm>>
      %dma_start3A_1116 = tpu.memref_slice %arg12[%add3A_1106, %mul3A_1108] : memref<128x128xf32, #tpu.memory_space<vmem>> -> memref<1x32xf32, #tpu.memory_space<vmem>>
      %dma_start3A_1117 = tpu.memref_squeeze %dma_start3A_1116 : memref<1x32xf32, #tpu.memory_space<vmem>> -> memref<32xf32, #tpu.memory_space<vmem>>
      %dma_start3A_1118 = arith.constant 0 : i32
      %dma_start3A_1119 = tpu.memref_slice %arg5[%squeeze3A_1110, %dma_start3A_1118] : memref<1000000x32xf32, #tpu.memory_space<hbm>> -> memref<1x32xf32, #tpu.memory_space<hbm>>
      %dma_start3A_1120 = tpu.memref_squeeze %dma_start3A_1119 : memref<1x32xf32, #tpu.memory_space<hbm>> -> memref<32xf32, #tpu.memory_space<hbm>>
      tpu.enqueue_dma source(%dma_start3A_1120 : memref<32xf32, #tpu.memory_space<hbm>>) target(%dma_start3A_1117 : memref<32xf32, #tpu.memory_space<vmem>>) target_semaphore(%arg18 : memref<!tpu.dma_semaphore, #tpu.memory_space<semaphore_mem>>)
      %slice3A_1121 = vector.extract_strided_slice %get3A_21 {offsets = [15], sizes = [1], strides = [1]} : vector<16xi32> to vector<1xi32>
      %squeeze3A_1122 = vector.extract %slice3A_1121[0] : i32 from vector<1xi32>
      %dma_start3A_1123 = tpu.memref_slice %arg13[%add3A_1106, %mul3A_1108] : memref<128x128xf32, #tpu.memory_space<vmem>> -> memref<1x32xf32, #tpu.memory_space<vmem>>
      %dma_start3A_1124 = tpu.memref_squeeze %dma_start3A_1123 : memref<1x32xf32, #tpu.memory_space<vmem>> -> memref<32xf32, #tpu.memory_space<vmem>>
      %dma_start3A_1125 = arith.constant 0 : i32
      %dma_start3A_1126 = tpu.memref_slice %arg5[%squeeze3A_1122, %dma_start3A_1125] : memref<1000000x32xf32, #tpu.memory_space<hbm>> -> memref<1x32xf32, #tpu.memory_space<hbm>>
      %dma_start3A_1127 = tpu.memref_squeeze %dma_start3A_1126 : memref<1x32xf32, #tpu.memory_space<hbm>> -> memref<32xf32, #tpu.memory_space<hbm>>
      %dma_start3A_1128 = tpu.memref_slice %arg13[%add3A_1106, %mul3A_1108] : memref<128x128xf32, #tpu.memory_space<vmem>> -> memref<1x32xf32, #tpu.memory_space<vmem>>
      %dma_start3A_1129 = tpu.memref_squeeze %dma_start3A_1128 : memref<1x32xf32, #tpu.memory_space<vmem>> -> memref<32xf32, #tpu.memory_space<vmem>>
      %dma_start3A_1130 = arith.constant 0 : i32
      %dma_start3A_1131 = tpu.memref_slice %arg5[%squeeze3A_1122, %dma_start3A_1130] : memref<1000000x32xf32, #tpu.memory_space<hbm>> -> memref<1x32xf32, #tpu.memory_space<hbm>>
      %dma_start3A_1132 = tpu.memref_squeeze %dma_start3A_1131 : memref<1x32xf32, #tpu.memory_space<hbm>> -> memref<32xf32, #tpu.memory_space<hbm>>
      tpu.enqueue_dma source(%dma_start3A_1132 : memref<32xf32, #tpu.memory_space<hbm>>) target(%dma_start3A_1129 : memref<32xf32, #tpu.memory_space<vmem>>) target_semaphore(%arg18 : memref<!tpu.dma_semaphore, #tpu.memory_space<semaphore_mem>>)
      %slice3A_1133 = vector.extract_strided_slice %get3A_25 {offsets = [15], sizes = [1], strides = [1]} : vector<16xi32> to vector<1xi32>
      %squeeze3A_1134 = vector.extract %slice3A_1133[0] : i32 from vector<1xi32>
      %dma_start3A_1135 = tpu.memref_slice %arg14[%add3A_1106, %mul3A_1108] : memref<128x128xf32, #tpu.memory_space<vmem>> -> memref<1x32xf32, #tpu.memory_space<vmem>>
      %dma_start3A_1136 = tpu.memref_squeeze %dma_start3A_1135 : memref<1x32xf32, #tpu.memory_space<vmem>> -> memref<32xf32, #tpu.memory_space<vmem>>
      %dma_start3A_1137 = arith.constant 0 : i32
      %dma_start3A_1138 = tpu.memref_slice %arg6[%squeeze3A_1134, %dma_start3A_1137] : memref<1000x32xf32, #tpu.memory_space<hbm>> -> memref<1x32xf32, #tpu.memory_space<hbm>>
      %dma_start3A_1139 = tpu.memref_squeeze %dma_start3A_1138 : memref<1x32xf32, #tpu.memory_space<hbm>> -> memref<32xf32, #tpu.memory_space<hbm>>
      %dma_start3A_1140 = tpu.memref_slice %arg14[%add3A_1106, %mul3A_1108] : memref<128x128xf32, #tpu.memory_space<vmem>> -> memref<1x32xf32, #tpu.memory_space<vmem>>
      %dma_start3A_1141 = tpu.memref_squeeze %dma_start3A_1140 : memref<1x32xf32, #tpu.memory_space<vmem>> -> memref<32xf32, #tpu.memory_space<vmem>>
      %dma_start3A_1142 = arith.constant 0 : i32
      %dma_start3A_1143 = tpu.memref_slice %arg6[%squeeze3A_1134, %dma_start3A_1142] : memref<1000x32xf32, #tpu.memory_space<hbm>> -> memref<1x32xf32, #tpu.memory_space<hbm>>
      %dma_start3A_1144 = tpu.memref_squeeze %dma_start3A_1143 : memref<1x32xf32, #tpu.memory_space<hbm>> -> memref<32xf32, #tpu.memory_space<hbm>>
      tpu.enqueue_dma source(%dma_start3A_1144 : memref<32xf32, #tpu.memory_space<hbm>>) target(%dma_start3A_1141 : memref<32xf32, #tpu.memory_space<vmem>>) target_semaphore(%arg18 : memref<!tpu.dma_semaphore, #tpu.memory_space<semaphore_mem>>)
      %slice3A_1145 = vector.extract_strided_slice %get3A_25 {offsets = [15], sizes = [1], strides = [1]} : vector<16xi32> to vector<1xi32>
      %squeeze3A_1146 = vector.extract %slice3A_1145[0] : i32 from vector<1xi32>
      %dma_start3A_1147 = tpu.memref_slice %arg15[%add3A_1106, %mul3A_1108] : memref<128x128xf32, #tpu.memory_space<vmem>> -> memref<1x32xf32, #tpu.memory_space<vmem>>
      %dma_start3A_1148 = tpu.memref_squeeze %dma_start3A_1147 : memref<1x32xf32, #tpu.memory_space<vmem>> -> memref<32xf32, #tpu.memory_space<vmem>>
      %dma_start3A_1149 = arith.constant 0 : i32
      %dma_start3A_1150 = tpu.memref_slice %arg7[%squeeze3A_1146, %dma_start3A_1149] : memref<1000x32xf32, #tpu.memory_space<hbm>> -> memref<1x32xf32, #tpu.memory_space<hbm>>
      %dma_start3A_1151 = tpu.memref_squeeze %dma_start3A_1150 : memref<1x32xf32, #tpu.memory_space<hbm>> -> memref<32xf32, #tpu.memory_space<hbm>>
      %dma_start3A_1152 = tpu.memref_slice %arg15[%add3A_1106, %mul3A_1108] : memref<128x128xf32, #tpu.memory_space<vmem>> -> memref<1x32xf32, #tpu.memory_space<vmem>>
      %dma_start3A_1153 = tpu.memref_squeeze %dma_start3A_1152 : memref<1x32xf32, #tpu.memory_space<vmem>> -> memref<32xf32, #tpu.memory_space<vmem>>
      %dma_start3A_1154 = arith.constant 0 : i32
      %dma_start3A_1155 = tpu.memref_slice %arg7[%squeeze3A_1146, %dma_start3A_1154] : memref<1000x32xf32, #tpu.memory_space<hbm>> -> memref<1x32xf32, #tpu.memory_space<hbm>>
      %dma_start3A_1156 = tpu.memref_squeeze %dma_start3A_1155 : memref<1x32xf32, #tpu.memory_space<hbm>> -> memref<32xf32, #tpu.memory_space<hbm>>
      tpu.enqueue_dma source(%dma_start3A_1156 : memref<32xf32, #tpu.memory_space<hbm>>) target(%dma_start3A_1153 : memref<32xf32, #tpu.memory_space<vmem>>) target_semaphore(%arg18 : memref<!tpu.dma_semaphore, #tpu.memory_space<semaphore_mem>>)
    }
    %scan3A_7 = arith.constant 32 : i32
    tpu.wait_dma2 semaphore(%arg18 : memref<!tpu.dma_semaphore, #tpu.memory_space<semaphore_mem>>) src(%arg2 : memref<16384xi32, #tpu.memory_space<hbm>>) dst(%arg16 : memref<16384xi32, #tpu.memory_space<vmem>>)
    tpu.wait_dma2 semaphore(%arg18 : memref<!tpu.dma_semaphore, #tpu.memory_space<semaphore_mem>>) src(%arg2 : memref<16384xi32, #tpu.memory_space<hbm>>) dst(%arg16 : memref<16384xi32, #tpu.memory_space<vmem>>)
    tpu.wait_dma2 semaphore(%arg18 : memref<!tpu.dma_semaphore, #tpu.memory_space<semaphore_mem>>) src(%arg2 : memref<16384xi32, #tpu.memory_space<hbm>>) dst(%arg16 : memref<16384xi32, #tpu.memory_space<vmem>>)
    tpu.wait_dma2 semaphore(%arg18 : memref<!tpu.dma_semaphore, #tpu.memory_space<semaphore_mem>>) src(%arg2 : memref<16384xi32, #tpu.memory_space<hbm>>) dst(%arg16 : memref<16384xi32, #tpu.memory_space<vmem>>)
    %iota3A = tpu.iota {dimensions = array<i32: 0>} : vector<16xi32>
    %scan3A_8 = arith.constant 0 : i32
    %scan3A_9 = arith.constant 0 : i32
    %scan3A_10 = arith.constant 32 : i32
    %scan3A_11 = arith.addi %scan3A_9, %scan3A_10 : i32
    %scan3A_12 = arith.constant 1 : i32
    scf.for %scan3A_14 = %scan3A_9 to %scan3A_11 step %scan3A_12  : i32 {
      %jit3A = arith.constant 8 : i32
      %eq3A = arith.constant 0 : i32
      %eq3A_15 = arith.cmpi eq, %jit3A, %eq3A : i32
      %jit3A_16 = arith.constant 1 : i32
      %select_n3A = arith.select %eq3A_15, %jit3A_16, %jit3A : i32
      %rem3A = arith.remsi %scan3A_14, %select_n3A : i32
      %ne3A = arith.constant 0 : i32
      %ne3A_17 = arith.cmpi ne, %rem3A, %ne3A : i32
      %lt3A = arith.constant 0 : i32
      %lt3A_18 = arith.cmpi slt, %rem3A, %lt3A : i32
      %lt3A_19 = arith.constant 0 : i32
      %lt3A_20 = arith.cmpi slt, %select_n3A, %lt3A_19 : i32
      %ne3A_21 = arith.xori %lt3A_18, %lt3A_20 : i1
      %and3A = arith.andi %ne3A_21, %ne3A_17 : i1
      %add3A_22 = arith.addi %rem3A, %select_n3A : i32
      %select_n3A_23 = arith.select %and3A, %add3A_22, %rem3A : i32
      %mul3A_24 = arith.constant 16 : i32
      %mul3A_25 = arith.muli %select_n3A_23, %mul3A_24 : i32
      %add3A_26 = vector.broadcast %mul3A_25 : i32 to vector<16xi32>
      %add3A_27 = arith.addi %add3A_26, %iota3A : vector<16xi32>
      %jit3A_28 = arith.constant 8 : i32
      %div3A = arith.divsi %scan3A_14, %jit3A_28 : i32
      %sign3A = arith.constant 0 : i32
      %sign3A_29 = arith.cmpi sgt, %scan3A_14, %sign3A : i32
      %sign3A_30 = arith.extui %sign3A_29 : i1 to i32
      %sign3A_31 = arith.constant 0 : i32
      %sign3A_32 = arith.cmpi slt, %scan3A_14, %sign3A_31 : i32
      %sign3A_33 = arith.extui %sign3A_32 : i1 to i32
      %sign3A_34 = arith.subi %sign3A_30, %sign3A_33 : i32
      %sign3A_35 = arith.constant 0 : i32
      %sign3A_36 = arith.cmpi sgt, %jit3A_28, %sign3A_35 : i32
      %sign3A_37 = arith.extui %sign3A_36 : i1 to i32
      %sign3A_38 = arith.constant 0 : i32
      %sign3A_39 = arith.cmpi slt, %jit3A_28, %sign3A_38 : i32
      %sign3A_40 = arith.extui %sign3A_39 : i1 to i32
      %sign3A_41 = arith.subi %sign3A_37, %sign3A_40 : i32
      %ne3A_42 = arith.cmpi ne, %sign3A_34, %sign3A_41 : i32
      %rem3A_43 = arith.remsi %scan3A_14, %jit3A_28 : i32
      %ne3A_44 = arith.constant 0 : i32
      %ne3A_45 = arith.cmpi ne, %rem3A_43, %ne3A_44 : i32
      %and3A_46 = arith.andi %ne3A_42, %ne3A_45 : i1
      %sub3A = arith.constant 1 : i32
      %sub3A_47 = arith.subi %div3A, %sub3A : i32
      %select_n3A_48 = arith.select %and3A_46, %sub3A_47, %div3A : i32
      %mul3A_49 = arith.constant 32 : i32
      %mul3A_50 = arith.muli %select_n3A_48, %mul3A_49 : i32
      %broadcast_in_dim3A = vector.broadcast %mul3A_50 : i32 to vector<16xi32>
      %broadcast_in_dim3A_51 = arith.constant 0.000000e+00 : f32
      %broadcast_in_dim3A_52 = vector.broadcast %broadcast_in_dim3A_51 : f32 to vector<16xf32>
      %add3A_53 = arith.constant 0 : i32
      %add3A_54 = vector.broadcast %add3A_53 : i32 to vector<16xi32>
      %add3A_55 = arith.addi %broadcast_in_dim3A, %add3A_54 : vector<16xi32>
      %gather3A = tpu.vector_load_idx %arg12[%add3A_27, %add3A_55] : memref<128x128xf32, #tpu.memory_space<vmem>>[vector<16xi32>, vector<16xi32>], vector<16xf32>,
      %gather3A_56 = tpu.vector_load_idx %arg13[%add3A_27, %add3A_55] : memref<128x128xf32, #tpu.memory_space<vmem>>[vector<16xi32>, vector<16xi32>], vector<16xf32>,
      %gather3A_57 = tpu.vector_load_idx %arg14[%add3A_27, %add3A_55] : memref<128x128xf32, #tpu.memory_space<vmem>>[vector<16xi32>, vector<16xi32>], vector<16xf32>,
      %gather3A_58 = tpu.vector_load_idx %arg15[%add3A_27, %add3A_55] : memref<128x128xf32, #tpu.memory_space<vmem>>[vector<16xi32>, vector<16xi32>], vector<16xf32>,
      %mul3A_59 = arith.mulf %gather3A, %gather3A_57 : vector<16xf32>
      %sub3A_60 = arith.subf %mul3A_59, %gather3A_56 : vector<16xf32>
      %sub3A_61 = arith.subf %sub3A_60, %gather3A_58 : vector<16xf32>
      %mul3A_62 = arith.mulf %sub3A_61, %sub3A_61 : vector<16xf32>
      %add3A_63 = arith.addf %broadcast_in_dim3A_52, %mul3A_62 : vector<16xf32>
      %add3A_64 = arith.constant 1 : i32
      %add3A_65 = vector.broadcast %add3A_64 : i32 to vector<16xi32>
      %add3A_66 = arith.addi %broadcast_in_dim3A, %add3A_65 : vector<16xi32>
      %gather3A_67 = tpu.vector_load_idx %arg12[%add3A_27, %add3A_66] : memref<128x128xf32, #tpu.memory_space<vmem>>[vector<16xi32>, vector<16xi32>], vector<16xf32>,
      %gather3A_68 = tpu.vector_load_idx %arg13[%add3A_27, %add3A_66] : memref<128x128xf32, #tpu.memory_space<vmem>>[vector<16xi32>, vector<16xi32>], vector<16xf32>,
      %gather3A_69 = tpu.vector_load_idx %arg14[%add3A_27, %add3A_66] : memref<128x128xf32, #tpu.memory_space<vmem>>[vector<16xi32>, vector<16xi32>], vector<16xf32>,
      %gather3A_70 = tpu.vector_load_idx %arg15[%add3A_27, %add3A_66] : memref<128x128xf32, #tpu.memory_space<vmem>>[vector<16xi32>, vector<16xi32>], vector<16xf32>,
      %mul3A_71 = arith.mulf %gather3A_67, %gather3A_69 : vector<16xf32>
      %sub3A_72 = arith.subf %mul3A_71, %gather3A_68 : vector<16xf32>
      %sub3A_73 = arith.subf %sub3A_72, %gather3A_70 : vector<16xf32>
      %mul3A_74 = arith.mulf %sub3A_73, %sub3A_73 : vector<16xf32>
      %add3A_75 = arith.addf %add3A_63, %mul3A_74 : vector<16xf32>
      %add3A_76 = arith.constant 2 : i32
      %add3A_77 = vector.broadcast %add3A_76 : i32 to vector<16xi32>
      %add3A_78 = arith.addi %broadcast_in_dim3A, %add3A_77 : vector<16xi32>
      %gather3A_79 = tpu.vector_load_idx %arg12[%add3A_27, %add3A_78] : memref<128x128xf32, #tpu.memory_space<vmem>>[vector<16xi32>, vector<16xi32>], vector<16xf32>,
      %gather3A_80 = tpu.vector_load_idx %arg13[%add3A_27, %add3A_78] : memref<128x128xf32, #tpu.memory_space<vmem>>[vector<16xi32>, vector<16xi32>], vector<16xf32>,
      %gather3A_81 = tpu.vector_load_idx %arg14[%add3A_27, %add3A_78] : memref<128x128xf32, #tpu.memory_space<vmem>>[vector<16xi32>, vector<16xi32>], vector<16xf32>,
      %gather3A_82 = tpu.vector_load_idx %arg15[%add3A_27, %add3A_78] : memref<128x128xf32, #tpu.memory_space<vmem>>[vector<16xi32>, vector<16xi32>], vector<16xf32>,
      %mul3A_83 = arith.mulf %gather3A_79, %gather3A_81 : vector<16xf32>
      %sub3A_84 = arith.subf %mul3A_83, %gather3A_80 : vector<16xf32>
      %sub3A_85 = arith.subf %sub3A_84, %gather3A_82 : vector<16xf32>
      %mul3A_86 = arith.mulf %sub3A_85, %sub3A_85 : vector<16xf32>
      %add3A_87 = arith.addf %add3A_75, %mul3A_86 : vector<16xf32>
      %add3A_88 = arith.constant 3 : i32
      %add3A_89 = vector.broadcast %add3A_88 : i32 to vector<16xi32>
      %add3A_90 = arith.addi %broadcast_in_dim3A, %add3A_89 : vector<16xi32>
      %gather3A_91 = tpu.vector_load_idx %arg12[%add3A_27, %add3A_90] : memref<128x128xf32, #tpu.memory_space<vmem>>[vector<16xi32>, vector<16xi32>], vector<16xf32>,
      %gather3A_92 = tpu.vector_load_idx %arg13[%add3A_27, %add3A_90] : memref<128x128xf32, #tpu.memory_space<vmem>>[vector<16xi32>, vector<16xi32>], vector<16xf32>,
      %gather3A_93 = tpu.vector_load_idx %arg14[%add3A_27, %add3A_90] : memref<128x128xf32, #tpu.memory_space<vmem>>[vector<16xi32>, vector<16xi32>], vector<16xf32>,
      %gather3A_94 = tpu.vector_load_idx %arg15[%add3A_27, %add3A_90] : memref<128x128xf32, #tpu.memory_space<vmem>>[vector<16xi32>, vector<16xi32>], vector<16xf32>,
      %mul3A_95 = arith.mulf %gather3A_91, %gather3A_93 : vector<16xf32>
      %sub3A_96 = arith.subf %mul3A_95, %gather3A_92 : vector<16xf32>
      %sub3A_97 = arith.subf %sub3A_96, %gather3A_94 : vector<16xf32>
      %mul3A_98 = arith.mulf %sub3A_97, %sub3A_97 : vector<16xf32>
      %add3A_99 = arith.addf %add3A_87, %mul3A_98 : vector<16xf32>
      %add3A_100 = arith.constant 4 : i32
      %add3A_101 = vector.broadcast %add3A_100 : i32 to vector<16xi32>
      %add3A_102 = arith.addi %broadcast_in_dim3A, %add3A_101 : vector<16xi32>
      %gather3A_103 = tpu.vector_load_idx %arg12[%add3A_27, %add3A_102] : memref<128x128xf32, #tpu.memory_space<vmem>>[vector<16xi32>, vector<16xi32>], vector<16xf32>,
      %gather3A_104 = tpu.vector_load_idx %arg13[%add3A_27, %add3A_102] : memref<128x128xf32, #tpu.memory_space<vmem>>[vector<16xi32>, vector<16xi32>], vector<16xf32>,
      %gather3A_105 = tpu.vector_load_idx %arg14[%add3A_27, %add3A_102] : memref<128x128xf32, #tpu.memory_space<vmem>>[vector<16xi32>, vector<16xi32>], vector<16xf32>,
      %gather3A_106 = tpu.vector_load_idx %arg15[%add3A_27, %add3A_102] : memref<128x128xf32, #tpu.memory_space<vmem>>[vector<16xi32>, vector<16xi32>], vector<16xf32>,
      %mul3A_107 = arith.mulf %gather3A_103, %gather3A_105 : vector<16xf32>
      %sub3A_108 = arith.subf %mul3A_107, %gather3A_104 : vector<16xf32>
      %sub3A_109 = arith.subf %sub3A_108, %gather3A_106 : vector<16xf32>
      %mul3A_110 = arith.mulf %sub3A_109, %sub3A_109 : vector<16xf32>
      %add3A_111 = arith.addf %add3A_99, %mul3A_110 : vector<16xf32>
      %add3A_112 = arith.constant 5 : i32
      %add3A_113 = vector.broadcast %add3A_112 : i32 to vector<16xi32>
      %add3A_114 = arith.addi %broadcast_in_dim3A, %add3A_113 : vector<16xi32>
      %gather3A_115 = tpu.vector_load_idx %arg12[%add3A_27, %add3A_114] : memref<128x128xf32, #tpu.memory_space<vmem>>[vector<16xi32>, vector<16xi32>], vector<16xf32>,
      %gather3A_116 = tpu.vector_load_idx %arg13[%add3A_27, %add3A_114] : memref<128x128xf32, #tpu.memory_space<vmem>>[vector<16xi32>, vector<16xi32>], vector<16xf32>,
      %gather3A_117 = tpu.vector_load_idx %arg14[%add3A_27, %add3A_114] : memref<128x128xf32, #tpu.memory_space<vmem>>[vector<16xi32>, vector<16xi32>], vector<16xf32>,
      %gather3A_118 = tpu.vector_load_idx %arg15[%add3A_27, %add3A_114] : memref<128x128xf32, #tpu.memory_space<vmem>>[vector<16xi32>, vector<16xi32>], vector<16xf32>,
      %mul3A_119 = arith.mulf %gather3A_115, %gather3A_117 : vector<16xf32>
      %sub3A_120 = arith.subf %mul3A_119, %gather3A_116 : vector<16xf32>
      %sub3A_121 = arith.subf %sub3A_120, %gather3A_118 : vector<16xf32>
      %mul3A_122 = arith.mulf %sub3A_121, %sub3A_121 : vector<16xf32>
      %add3A_123 = arith.addf %add3A_111, %mul3A_122 : vector<16xf32>
      %add3A_124 = arith.constant 6 : i32
      %add3A_125 = vector.broadcast %add3A_124 : i32 to vector<16xi32>
      %add3A_126 = arith.addi %broadcast_in_dim3A, %add3A_125 : vector<16xi32>
      %gather3A_127 = tpu.vector_load_idx %arg12[%add3A_27, %add3A_126] : memref<128x128xf32, #tpu.memory_space<vmem>>[vector<16xi32>, vector<16xi32>], vector<16xf32>,
      %gather3A_128 = tpu.vector_load_idx %arg13[%add3A_27, %add3A_126] : memref<128x128xf32, #tpu.memory_space<vmem>>[vector<16xi32>, vector<16xi32>], vector<16xf32>,
      %gather3A_129 = tpu.vector_load_idx %arg14[%add3A_27, %add3A_126] : memref<128x128xf32, #tpu.memory_space<vmem>>[vector<16xi32>, vector<16xi32>], vector<16xf32>,
      %gather3A_130 = tpu.vector_load_idx %arg15[%add3A_27, %add3A_126] : memref<128x128xf32, #tpu.memory_space<vmem>>[vector<16xi32>, vector<16xi32>], vector<16xf32>,
      %mul3A_131 = arith.mulf %gather3A_127, %gather3A_129 : vector<16xf32>
      %sub3A_132 = arith.subf %mul3A_131, %gather3A_128 : vector<16xf32>
      %sub3A_133 = arith.subf %sub3A_132, %gather3A_130 : vector<16xf32>
      %mul3A_134 = arith.mulf %sub3A_133, %sub3A_133 : vector<16xf32>
      %add3A_135 = arith.addf %add3A_123, %mul3A_134 : vector<16xf32>
      %add3A_136 = arith.constant 7 : i32
      %add3A_137 = vector.broadcast %add3A_136 : i32 to vector<16xi32>
      %add3A_138 = arith.addi %broadcast_in_dim3A, %add3A_137 : vector<16xi32>
      %gather3A_139 = tpu.vector_load_idx %arg12[%add3A_27, %add3A_138] : memref<128x128xf32, #tpu.memory_space<vmem>>[vector<16xi32>, vector<16xi32>], vector<16xf32>,
      %gather3A_140 = tpu.vector_load_idx %arg13[%add3A_27, %add3A_138] : memref<128x128xf32, #tpu.memory_space<vmem>>[vector<16xi32>, vector<16xi32>], vector<16xf32>,
      %gather3A_141 = tpu.vector_load_idx %arg14[%add3A_27, %add3A_138] : memref<128x128xf32, #tpu.memory_space<vmem>>[vector<16xi32>, vector<16xi32>], vector<16xf32>,
      %gather3A_142 = tpu.vector_load_idx %arg15[%add3A_27, %add3A_138] : memref<128x128xf32, #tpu.memory_space<vmem>>[vector<16xi32>, vector<16xi32>], vector<16xf32>,
      %mul3A_143 = arith.mulf %gather3A_139, %gather3A_141 : vector<16xf32>
      %sub3A_144 = arith.subf %mul3A_143, %gather3A_140 : vector<16xf32>
      %sub3A_145 = arith.subf %sub3A_144, %gather3A_142 : vector<16xf32>
      %mul3A_146 = arith.mulf %sub3A_145, %sub3A_145 : vector<16xf32>
      %add3A_147 = arith.addf %add3A_135, %mul3A_146 : vector<16xf32>
      %add3A_148 = arith.constant 8 : i32
      %add3A_149 = vector.broadcast %add3A_148 : i32 to vector<16xi32>
      %add3A_150 = arith.addi %broadcast_in_dim3A, %add3A_149 : vector<16xi32>
      %gather3A_151 = tpu.vector_load_idx %arg12[%add3A_27, %add3A_150] : memref<128x128xf32, #tpu.memory_space<vmem>>[vector<16xi32>, vector<16xi32>], vector<16xf32>,
      %gather3A_152 = tpu.vector_load_idx %arg13[%add3A_27, %add3A_150] : memref<128x128xf32, #tpu.memory_space<vmem>>[vector<16xi32>, vector<16xi32>], vector<16xf32>,
      %gather3A_153 = tpu.vector_load_idx %arg14[%add3A_27, %add3A_150] : memref<128x128xf32, #tpu.memory_space<vmem>>[vector<16xi32>, vector<16xi32>], vector<16xf32>,
      %gather3A_154 = tpu.vector_load_idx %arg15[%add3A_27, %add3A_150] : memref<128x128xf32, #tpu.memory_space<vmem>>[vector<16xi32>, vector<16xi32>], vector<16xf32>,
      %mul3A_155 = arith.mulf %gather3A_151, %gather3A_153 : vector<16xf32>
      %sub3A_156 = arith.subf %mul3A_155, %gather3A_152 : vector<16xf32>
      %sub3A_157 = arith.subf %sub3A_156, %gather3A_154 : vector<16xf32>
      %mul3A_158 = arith.mulf %sub3A_157, %sub3A_157 : vector<16xf32>
      %add3A_159 = arith.addf %add3A_147, %mul3A_158 : vector<16xf32>
      %add3A_160 = arith.constant 9 : i32
      %add3A_161 = vector.broadcast %add3A_160 : i32 to vector<16xi32>
      %add3A_162 = arith.addi %broadcast_in_dim3A, %add3A_161 : vector<16xi32>
      %gather3A_163 = tpu.vector_load_idx %arg12[%add3A_27, %add3A_162] : memref<128x128xf32, #tpu.memory_space<vmem>>[vector<16xi32>, vector<16xi32>], vector<16xf32>,
      %gather3A_164 = tpu.vector_load_idx %arg13[%add3A_27, %add3A_162] : memref<128x128xf32, #tpu.memory_space<vmem>>[vector<16xi32>, vector<16xi32>], vector<16xf32>,
      %gather3A_165 = tpu.vector_load_idx %arg14[%add3A_27, %add3A_162] : memref<128x128xf32, #tpu.memory_space<vmem>>[vector<16xi32>, vector<16xi32>], vector<16xf32>,
      %gather3A_166 = tpu.vector_load_idx %arg15[%add3A_27, %add3A_162] : memref<128x128xf32, #tpu.memory_space<vmem>>[vector<16xi32>, vector<16xi32>], vector<16xf32>,
      %mul3A_167 = arith.mulf %gather3A_163, %gather3A_165 : vector<16xf32>
      %sub3A_168 = arith.subf %mul3A_167, %gather3A_164 : vector<16xf32>
      %sub3A_169 = arith.subf %sub3A_168, %gather3A_166 : vector<16xf32>
      %mul3A_170 = arith.mulf %sub3A_169, %sub3A_169 : vector<16xf32>
      %add3A_171 = arith.addf %add3A_159, %mul3A_170 : vector<16xf32>
      %add3A_172 = arith.constant 10 : i32
      %add3A_173 = vector.broadcast %add3A_172 : i32 to vector<16xi32>
      %add3A_174 = arith.addi %broadcast_in_dim3A, %add3A_173 : vector<16xi32>
      %gather3A_175 = tpu.vector_load_idx %arg12[%add3A_27, %add3A_174] : memref<128x128xf32, #tpu.memory_space<vmem>>[vector<16xi32>, vector<16xi32>], vector<16xf32>,
      %gather3A_176 = tpu.vector_load_idx %arg13[%add3A_27, %add3A_174] : memref<128x128xf32, #tpu.memory_space<vmem>>[vector<16xi32>, vector<16xi32>], vector<16xf32>,
      %gather3A_177 = tpu.vector_load_idx %arg14[%add3A_27, %add3A_174] : memref<128x128xf32, #tpu.memory_space<vmem>>[vector<16xi32>, vector<16xi32>], vector<16xf32>,
      %gather3A_178 = tpu.vector_load_idx %arg15[%add3A_27, %add3A_174] : memref<128x128xf32, #tpu.memory_space<vmem>>[vector<16xi32>, vector<16xi32>], vector<16xf32>,
      %mul3A_179 = arith.mulf %gather3A_175, %gather3A_177 : vector<16xf32>
      %sub3A_180 = arith.subf %mul3A_179, %gather3A_176 : vector<16xf32>
      %sub3A_181 = arith.subf %sub3A_180, %gather3A_178 : vector<16xf32>
      %mul3A_182 = arith.mulf %sub3A_181, %sub3A_181 : vector<16xf32>
      %add3A_183 = arith.addf %add3A_171, %mul3A_182 : vector<16xf32>
      %add3A_184 = arith.constant 11 : i32
      %add3A_185 = vector.broadcast %add3A_184 : i32 to vector<16xi32>
      %add3A_186 = arith.addi %broadcast_in_dim3A, %add3A_185 : vector<16xi32>
      %gather3A_187 = tpu.vector_load_idx %arg12[%add3A_27, %add3A_186] : memref<128x128xf32, #tpu.memory_space<vmem>>[vector<16xi32>, vector<16xi32>], vector<16xf32>,
      %gather3A_188 = tpu.vector_load_idx %arg13[%add3A_27, %add3A_186] : memref<128x128xf32, #tpu.memory_space<vmem>>[vector<16xi32>, vector<16xi32>], vector<16xf32>,
      %gather3A_189 = tpu.vector_load_idx %arg14[%add3A_27, %add3A_186] : memref<128x128xf32, #tpu.memory_space<vmem>>[vector<16xi32>, vector<16xi32>], vector<16xf32>,
      %gather3A_190 = tpu.vector_load_idx %arg15[%add3A_27, %add3A_186] : memref<128x128xf32, #tpu.memory_space<vmem>>[vector<16xi32>, vector<16xi32>], vector<16xf32>,
      %mul3A_191 = arith.mulf %gather3A_187, %gather3A_189 : vector<16xf32>
      %sub3A_192 = arith.subf %mul3A_191, %gather3A_188 : vector<16xf32>
      %sub3A_193 = arith.subf %sub3A_192, %gather3A_190 : vector<16xf32>
      %mul3A_194 = arith.mulf %sub3A_193, %sub3A_193 : vector<16xf32>
      %add3A_195 = arith.addf %add3A_183, %mul3A_194 : vector<16xf32>
      %add3A_196 = arith.constant 12 : i32
      %add3A_197 = vector.broadcast %add3A_196 : i32 to vector<16xi32>
      %add3A_198 = arith.addi %broadcast_in_dim3A, %add3A_197 : vector<16xi32>
      %gather3A_199 = tpu.vector_load_idx %arg12[%add3A_27, %add3A_198] : memref<128x128xf32, #tpu.memory_space<vmem>>[vector<16xi32>, vector<16xi32>], vector<16xf32>,
      %gather3A_200 = tpu.vector_load_idx %arg13[%add3A_27, %add3A_198] : memref<128x128xf32, #tpu.memory_space<vmem>>[vector<16xi32>, vector<16xi32>], vector<16xf32>,
      %gather3A_201 = tpu.vector_load_idx %arg14[%add3A_27, %add3A_198] : memref<128x128xf32, #tpu.memory_space<vmem>>[vector<16xi32>, vector<16xi32>], vector<16xf32>,
      %gather3A_202 = tpu.vector_load_idx %arg15[%add3A_27, %add3A_198] : memref<128x128xf32, #tpu.memory_space<vmem>>[vector<16xi32>, vector<16xi32>], vector<16xf32>,
      %mul3A_203 = arith.mulf %gather3A_199, %gather3A_201 : vector<16xf32>
      %sub3A_204 = arith.subf %mul3A_203, %gather3A_200 : vector<16xf32>
      %sub3A_205 = arith.subf %sub3A_204, %gather3A_202 : vector<16xf32>
      %mul3A_206 = arith.mulf %sub3A_205, %sub3A_205 : vector<16xf32>
      %add3A_207 = arith.addf %add3A_195, %mul3A_206 : vector<16xf32>
      %add3A_208 = arith.constant 13 : i32
      %add3A_209 = vector.broadcast %add3A_208 : i32 to vector<16xi32>
      %add3A_210 = arith.addi %broadcast_in_dim3A, %add3A_209 : vector<16xi32>
      %gather3A_211 = tpu.vector_load_idx %arg12[%add3A_27, %add3A_210] : memref<128x128xf32, #tpu.memory_space<vmem>>[vector<16xi32>, vector<16xi32>], vector<16xf32>,
      %gather3A_212 = tpu.vector_load_idx %arg13[%add3A_27, %add3A_210] : memref<128x128xf32, #tpu.memory_space<vmem>>[vector<16xi32>, vector<16xi32>], vector<16xf32>,
      %gather3A_213 = tpu.vector_load_idx %arg14[%add3A_27, %add3A_210] : memref<128x128xf32, #tpu.memory_space<vmem>>[vector<16xi32>, vector<16xi32>], vector<16xf32>,
      %gather3A_214 = tpu.vector_load_idx %arg15[%add3A_27, %add3A_210] : memref<128x128xf32, #tpu.memory_space<vmem>>[vector<16xi32>, vector<16xi32>], vector<16xf32>,
      %mul3A_215 = arith.mulf %gather3A_211, %gather3A_213 : vector<16xf32>
      %sub3A_216 = arith.subf %mul3A_215, %gather3A_212 : vector<16xf32>
      %sub3A_217 = arith.subf %sub3A_216, %gather3A_214 : vector<16xf32>
      %mul3A_218 = arith.mulf %sub3A_217, %sub3A_217 : vector<16xf32>
      %add3A_219 = arith.addf %add3A_207, %mul3A_218 : vector<16xf32>
      %add3A_220 = arith.constant 14 : i32
      %add3A_221 = vector.broadcast %add3A_220 : i32 to vector<16xi32>
      %add3A_222 = arith.addi %broadcast_in_dim3A, %add3A_221 : vector<16xi32>
      %gather3A_223 = tpu.vector_load_idx %arg12[%add3A_27, %add3A_222] : memref<128x128xf32, #tpu.memory_space<vmem>>[vector<16xi32>, vector<16xi32>], vector<16xf32>,
      %gather3A_224 = tpu.vector_load_idx %arg13[%add3A_27, %add3A_222] : memref<128x128xf32, #tpu.memory_space<vmem>>[vector<16xi32>, vector<16xi32>], vector<16xf32>,
      %gather3A_225 = tpu.vector_load_idx %arg14[%add3A_27, %add3A_222] : memref<128x128xf32, #tpu.memory_space<vmem>>[vector<16xi32>, vector<16xi32>], vector<16xf32>,
      %gather3A_226 = tpu.vector_load_idx %arg15[%add3A_27, %add3A_222] : memref<128x128xf32, #tpu.memory_space<vmem>>[vector<16xi32>, vector<16xi32>], vector<16xf32>,
      %mul3A_227 = arith.mulf %gather3A_223, %gather3A_225 : vector<16xf32>
      %sub3A_228 = arith.subf %mul3A_227, %gather3A_224 : vector<16xf32>
      %sub3A_229 = arith.subf %sub3A_228, %gather3A_226 : vector<16xf32>
      %mul3A_230 = arith.mulf %sub3A_229, %sub3A_229 : vector<16xf32>
      %add3A_231 = arith.addf %add3A_219, %mul3A_230 : vector<16xf32>
      %add3A_232 = arith.constant 15 : i32
      %add3A_233 = vector.broadcast %add3A_232 : i32 to vector<16xi32>
      %add3A_234 = arith.addi %broadcast_in_dim3A, %add3A_233 : vector<16xi32>
      %gather3A_235 = tpu.vector_load_idx %arg12[%add3A_27, %add3A_234] : memref<128x128xf32, #tpu.memory_space<vmem>>[vector<16xi32>, vector<16xi32>], vector<16xf32>,
      %gather3A_236 = tpu.vector_load_idx %arg13[%add3A_27, %add3A_234] : memref<128x128xf32, #tpu.memory_space<vmem>>[vector<16xi32>, vector<16xi32>], vector<16xf32>,
      %gather3A_237 = tpu.vector_load_idx %arg14[%add3A_27, %add3A_234] : memref<128x128xf32, #tpu.memory_space<vmem>>[vector<16xi32>, vector<16xi32>], vector<16xf32>,
      %gather3A_238 = tpu.vector_load_idx %arg15[%add3A_27, %add3A_234] : memref<128x128xf32, #tpu.memory_space<vmem>>[vector<16xi32>, vector<16xi32>], vector<16xf32>,
      %mul3A_239 = arith.mulf %gather3A_235, %gather3A_237 : vector<16xf32>
      %sub3A_240 = arith.subf %mul3A_239, %gather3A_236 : vector<16xf32>
      %sub3A_241 = arith.subf %sub3A_240, %gather3A_238 : vector<16xf32>
      %mul3A_242 = arith.mulf %sub3A_241, %sub3A_241 : vector<16xf32>
      %add3A_243 = arith.addf %add3A_231, %mul3A_242 : vector<16xf32>
      %add3A_244 = arith.constant 16 : i32
      %add3A_245 = vector.broadcast %add3A_244 : i32 to vector<16xi32>
      %add3A_246 = arith.addi %broadcast_in_dim3A, %add3A_245 : vector<16xi32>
      %gather3A_247 = tpu.vector_load_idx %arg12[%add3A_27, %add3A_246] : memref<128x128xf32, #tpu.memory_space<vmem>>[vector<16xi32>, vector<16xi32>], vector<16xf32>,
      %gather3A_248 = tpu.vector_load_idx %arg13[%add3A_27, %add3A_246] : memref<128x128xf32, #tpu.memory_space<vmem>>[vector<16xi32>, vector<16xi32>], vector<16xf32>,
      %gather3A_249 = tpu.vector_load_idx %arg14[%add3A_27, %add3A_246] : memref<128x128xf32, #tpu.memory_space<vmem>>[vector<16xi32>, vector<16xi32>], vector<16xf32>,
      %gather3A_250 = tpu.vector_load_idx %arg15[%add3A_27, %add3A_246] : memref<128x128xf32, #tpu.memory_space<vmem>>[vector<16xi32>, vector<16xi32>], vector<16xf32>,
      %mul3A_251 = arith.mulf %gather3A_247, %gather3A_249 : vector<16xf32>
      %sub3A_252 = arith.subf %mul3A_251, %gather3A_248 : vector<16xf32>
      %sub3A_253 = arith.subf %sub3A_252, %gather3A_250 : vector<16xf32>
      %mul3A_254 = arith.mulf %sub3A_253, %sub3A_253 : vector<16xf32>
      %add3A_255 = arith.addf %add3A_243, %mul3A_254 : vector<16xf32>
      %add3A_256 = arith.constant 17 : i32
      %add3A_257 = vector.broadcast %add3A_256 : i32 to vector<16xi32>
      %add3A_258 = arith.addi %broadcast_in_dim3A, %add3A_257 : vector<16xi32>
      %gather3A_259 = tpu.vector_load_idx %arg12[%add3A_27, %add3A_258] : memref<128x128xf32, #tpu.memory_space<vmem>>[vector<16xi32>, vector<16xi32>], vector<16xf32>,
      %gather3A_260 = tpu.vector_load_idx %arg13[%add3A_27, %add3A_258] : memref<128x128xf32, #tpu.memory_space<vmem>>[vector<16xi32>, vector<16xi32>], vector<16xf32>,
      %gather3A_261 = tpu.vector_load_idx %arg14[%add3A_27, %add3A_258] : memref<128x128xf32, #tpu.memory_space<vmem>>[vector<16xi32>, vector<16xi32>], vector<16xf32>,
      %gather3A_262 = tpu.vector_load_idx %arg15[%add3A_27, %add3A_258] : memref<128x128xf32, #tpu.memory_space<vmem>>[vector<16xi32>, vector<16xi32>], vector<16xf32>,
      %mul3A_263 = arith.mulf %gather3A_259, %gather3A_261 : vector<16xf32>
      %sub3A_264 = arith.subf %mul3A_263, %gather3A_260 : vector<16xf32>
      %sub3A_265 = arith.subf %sub3A_264, %gather3A_262 : vector<16xf32>
      %mul3A_266 = arith.mulf %sub3A_265, %sub3A_265 : vector<16xf32>
      %add3A_267 = arith.addf %add3A_255, %mul3A_266 : vector<16xf32>
      %add3A_268 = arith.constant 18 : i32
      %add3A_269 = vector.broadcast %add3A_268 : i32 to vector<16xi32>
      %add3A_270 = arith.addi %broadcast_in_dim3A, %add3A_269 : vector<16xi32>
      %gather3A_271 = tpu.vector_load_idx %arg12[%add3A_27, %add3A_270] : memref<128x128xf32, #tpu.memory_space<vmem>>[vector<16xi32>, vector<16xi32>], vector<16xf32>,
      %gather3A_272 = tpu.vector_load_idx %arg13[%add3A_27, %add3A_270] : memref<128x128xf32, #tpu.memory_space<vmem>>[vector<16xi32>, vector<16xi32>], vector<16xf32>,
      %gather3A_273 = tpu.vector_load_idx %arg14[%add3A_27, %add3A_270] : memref<128x128xf32, #tpu.memory_space<vmem>>[vector<16xi32>, vector<16xi32>], vector<16xf32>,
      %gather3A_274 = tpu.vector_load_idx %arg15[%add3A_27, %add3A_270] : memref<128x128xf32, #tpu.memory_space<vmem>>[vector<16xi32>, vector<16xi32>], vector<16xf32>,
      %mul3A_275 = arith.mulf %gather3A_271, %gather3A_273 : vector<16xf32>
      %sub3A_276 = arith.subf %mul3A_275, %gather3A_272 : vector<16xf32>
      %sub3A_277 = arith.subf %sub3A_276, %gather3A_274 : vector<16xf32>
      %mul3A_278 = arith.mulf %sub3A_277, %sub3A_277 : vector<16xf32>
      %add3A_279 = arith.addf %add3A_267, %mul3A_278 : vector<16xf32>
      %add3A_280 = arith.constant 19 : i32
      %add3A_281 = vector.broadcast %add3A_280 : i32 to vector<16xi32>
      %add3A_282 = arith.addi %broadcast_in_dim3A, %add3A_281 : vector<16xi32>
      %gather3A_283 = tpu.vector_load_idx %arg12[%add3A_27, %add3A_282] : memref<128x128xf32, #tpu.memory_space<vmem>>[vector<16xi32>, vector<16xi32>], vector<16xf32>,
      %gather3A_284 = tpu.vector_load_idx %arg13[%add3A_27, %add3A_282] : memref<128x128xf32, #tpu.memory_space<vmem>>[vector<16xi32>, vector<16xi32>], vector<16xf32>,
      %gather3A_285 = tpu.vector_load_idx %arg14[%add3A_27, %add3A_282] : memref<128x128xf32, #tpu.memory_space<vmem>>[vector<16xi32>, vector<16xi32>], vector<16xf32>,
      %gather3A_286 = tpu.vector_load_idx %arg15[%add3A_27, %add3A_282] : memref<128x128xf32, #tpu.memory_space<vmem>>[vector<16xi32>, vector<16xi32>], vector<16xf32>,
      %mul3A_287 = arith.mulf %gather3A_283, %gather3A_285 : vector<16xf32>
      %sub3A_288 = arith.subf %mul3A_287, %gather3A_284 : vector<16xf32>
      %sub3A_289 = arith.subf %sub3A_288, %gather3A_286 : vector<16xf32>
      %mul3A_290 = arith.mulf %sub3A_289, %sub3A_289 : vector<16xf32>
      %add3A_291 = arith.addf %add3A_279, %mul3A_290 : vector<16xf32>
      %add3A_292 = arith.constant 20 : i32
      %add3A_293 = vector.broadcast %add3A_292 : i32 to vector<16xi32>
      %add3A_294 = arith.addi %broadcast_in_dim3A, %add3A_293 : vector<16xi32>
      %gather3A_295 = tpu.vector_load_idx %arg12[%add3A_27, %add3A_294] : memref<128x128xf32, #tpu.memory_space<vmem>>[vector<16xi32>, vector<16xi32>], vector<16xf32>,
      %gather3A_296 = tpu.vector_load_idx %arg13[%add3A_27, %add3A_294] : memref<128x128xf32, #tpu.memory_space<vmem>>[vector<16xi32>, vector<16xi32>], vector<16xf32>,
      %gather3A_297 = tpu.vector_load_idx %arg14[%add3A_27, %add3A_294] : memref<128x128xf32, #tpu.memory_space<vmem>>[vector<16xi32>, vector<16xi32>], vector<16xf32>,
      %gather3A_298 = tpu.vector_load_idx %arg15[%add3A_27, %add3A_294] : memref<128x128xf32, #tpu.memory_space<vmem>>[vector<16xi32>, vector<16xi32>], vector<16xf32>,
      %mul3A_299 = arith.mulf %gather3A_295, %gather3A_297 : vector<16xf32>
      %sub3A_300 = arith.subf %mul3A_299, %gather3A_296 : vector<16xf32>
      %sub3A_301 = arith.subf %sub3A_300, %gather3A_298 : vector<16xf32>
      %mul3A_302 = arith.mulf %sub3A_301, %sub3A_301 : vector<16xf32>
      %add3A_303 = arith.addf %add3A_291, %mul3A_302 : vector<16xf32>
      %add3A_304 = arith.constant 21 : i32
      %add3A_305 = vector.broadcast %add3A_304 : i32 to vector<16xi32>
      %add3A_306 = arith.addi %broadcast_in_dim3A, %add3A_305 : vector<16xi32>
      %gather3A_307 = tpu.vector_load_idx %arg12[%add3A_27, %add3A_306] : memref<128x128xf32, #tpu.memory_space<vmem>>[vector<16xi32>, vector<16xi32>], vector<16xf32>,
      %gather3A_308 = tpu.vector_load_idx %arg13[%add3A_27, %add3A_306] : memref<128x128xf32, #tpu.memory_space<vmem>>[vector<16xi32>, vector<16xi32>], vector<16xf32>,
      %gather3A_309 = tpu.vector_load_idx %arg14[%add3A_27, %add3A_306] : memref<128x128xf32, #tpu.memory_space<vmem>>[vector<16xi32>, vector<16xi32>], vector<16xf32>,
      %gather3A_310 = tpu.vector_load_idx %arg15[%add3A_27, %add3A_306] : memref<128x128xf32, #tpu.memory_space<vmem>>[vector<16xi32>, vector<16xi32>], vector<16xf32>,
      %mul3A_311 = arith.mulf %gather3A_307, %gather3A_309 : vector<16xf32>
      %sub3A_312 = arith.subf %mul3A_311, %gather3A_308 : vector<16xf32>
      %sub3A_313 = arith.subf %sub3A_312, %gather3A_310 : vector<16xf32>
      %mul3A_314 = arith.mulf %sub3A_313, %sub3A_313 : vector<16xf32>
      %add3A_315 = arith.addf %add3A_303, %mul3A_314 : vector<16xf32>
      %add3A_316 = arith.constant 22 : i32
      %add3A_317 = vector.broadcast %add3A_316 : i32 to vector<16xi32>
      %add3A_318 = arith.addi %broadcast_in_dim3A, %add3A_317 : vector<16xi32>
      %gather3A_319 = tpu.vector_load_idx %arg12[%add3A_27, %add3A_318] : memref<128x128xf32, #tpu.memory_space<vmem>>[vector<16xi32>, vector<16xi32>], vector<16xf32>,
      %gather3A_320 = tpu.vector_load_idx %arg13[%add3A_27, %add3A_318] : memref<128x128xf32, #tpu.memory_space<vmem>>[vector<16xi32>, vector<16xi32>], vector<16xf32>,
      %gather3A_321 = tpu.vector_load_idx %arg14[%add3A_27, %add3A_318] : memref<128x128xf32, #tpu.memory_space<vmem>>[vector<16xi32>, vector<16xi32>], vector<16xf32>,
      %gather3A_322 = tpu.vector_load_idx %arg15[%add3A_27, %add3A_318] : memref<128x128xf32, #tpu.memory_space<vmem>>[vector<16xi32>, vector<16xi32>], vector<16xf32>,
      %mul3A_323 = arith.mulf %gather3A_319, %gather3A_321 : vector<16xf32>
      %sub3A_324 = arith.subf %mul3A_323, %gather3A_320 : vector<16xf32>
      %sub3A_325 = arith.subf %sub3A_324, %gather3A_322 : vector<16xf32>
      %mul3A_326 = arith.mulf %sub3A_325, %sub3A_325 : vector<16xf32>
      %add3A_327 = arith.addf %add3A_315, %mul3A_326 : vector<16xf32>
      %add3A_328 = arith.constant 23 : i32
      %add3A_329 = vector.broadcast %add3A_328 : i32 to vector<16xi32>
      %add3A_330 = arith.addi %broadcast_in_dim3A, %add3A_329 : vector<16xi32>
      %gather3A_331 = tpu.vector_load_idx %arg12[%add3A_27, %add3A_330] : memref<128x128xf32, #tpu.memory_space<vmem>>[vector<16xi32>, vector<16xi32>], vector<16xf32>,
      %gather3A_332 = tpu.vector_load_idx %arg13[%add3A_27, %add3A_330] : memref<128x128xf32, #tpu.memory_space<vmem>>[vector<16xi32>, vector<16xi32>], vector<16xf32>,
      %gather3A_333 = tpu.vector_load_idx %arg14[%add3A_27, %add3A_330] : memref<128x128xf32, #tpu.memory_space<vmem>>[vector<16xi32>, vector<16xi32>], vector<16xf32>,
      %gather3A_334 = tpu.vector_load_idx %arg15[%add3A_27, %add3A_330] : memref<128x128xf32, #tpu.memory_space<vmem>>[vector<16xi32>, vector<16xi32>], vector<16xf32>,
      %mul3A_335 = arith.mulf %gather3A_331, %gather3A_333 : vector<16xf32>
      %sub3A_336 = arith.subf %mul3A_335, %gather3A_332 : vector<16xf32>
      %sub3A_337 = arith.subf %sub3A_336, %gather3A_334 : vector<16xf32>
      %mul3A_338 = arith.mulf %sub3A_337, %sub3A_337 : vector<16xf32>
      %add3A_339 = arith.addf %add3A_327, %mul3A_338 : vector<16xf32>
      %add3A_340 = arith.constant 24 : i32
      %add3A_341 = vector.broadcast %add3A_340 : i32 to vector<16xi32>
      %add3A_342 = arith.addi %broadcast_in_dim3A, %add3A_341 : vector<16xi32>
      %gather3A_343 = tpu.vector_load_idx %arg12[%add3A_27, %add3A_342] : memref<128x128xf32, #tpu.memory_space<vmem>>[vector<16xi32>, vector<16xi32>], vector<16xf32>,
      %gather3A_344 = tpu.vector_load_idx %arg13[%add3A_27, %add3A_342] : memref<128x128xf32, #tpu.memory_space<vmem>>[vector<16xi32>, vector<16xi32>], vector<16xf32>,
      %gather3A_345 = tpu.vector_load_idx %arg14[%add3A_27, %add3A_342] : memref<128x128xf32, #tpu.memory_space<vmem>>[vector<16xi32>, vector<16xi32>], vector<16xf32>,
      %gather3A_346 = tpu.vector_load_idx %arg15[%add3A_27, %add3A_342] : memref<128x128xf32, #tpu.memory_space<vmem>>[vector<16xi32>, vector<16xi32>], vector<16xf32>,
      %mul3A_347 = arith.mulf %gather3A_343, %gather3A_345 : vector<16xf32>
      %sub3A_348 = arith.subf %mul3A_347, %gather3A_344 : vector<16xf32>
      %sub3A_349 = arith.subf %sub3A_348, %gather3A_346 : vector<16xf32>
      %mul3A_350 = arith.mulf %sub3A_349, %sub3A_349 : vector<16xf32>
      %add3A_351 = arith.addf %add3A_339, %mul3A_350 : vector<16xf32>
      %add3A_352 = arith.constant 25 : i32
      %add3A_353 = vector.broadcast %add3A_352 : i32 to vector<16xi32>
      %add3A_354 = arith.addi %broadcast_in_dim3A, %add3A_353 : vector<16xi32>
      %gather3A_355 = tpu.vector_load_idx %arg12[%add3A_27, %add3A_354] : memref<128x128xf32, #tpu.memory_space<vmem>>[vector<16xi32>, vector<16xi32>], vector<16xf32>,
      %gather3A_356 = tpu.vector_load_idx %arg13[%add3A_27, %add3A_354] : memref<128x128xf32, #tpu.memory_space<vmem>>[vector<16xi32>, vector<16xi32>], vector<16xf32>,
      %gather3A_357 = tpu.vector_load_idx %arg14[%add3A_27, %add3A_354] : memref<128x128xf32, #tpu.memory_space<vmem>>[vector<16xi32>, vector<16xi32>], vector<16xf32>,
      %gather3A_358 = tpu.vector_load_idx %arg15[%add3A_27, %add3A_354] : memref<128x128xf32, #tpu.memory_space<vmem>>[vector<16xi32>, vector<16xi32>], vector<16xf32>,
      %mul3A_359 = arith.mulf %gather3A_355, %gather3A_357 : vector<16xf32>
      %sub3A_360 = arith.subf %mul3A_359, %gather3A_356 : vector<16xf32>
      %sub3A_361 = arith.subf %sub3A_360, %gather3A_358 : vector<16xf32>
      %mul3A_362 = arith.mulf %sub3A_361, %sub3A_361 : vector<16xf32>
      %add3A_363 = arith.addf %add3A_351, %mul3A_362 : vector<16xf32>
      %add3A_364 = arith.constant 26 : i32
      %add3A_365 = vector.broadcast %add3A_364 : i32 to vector<16xi32>
      %add3A_366 = arith.addi %broadcast_in_dim3A, %add3A_365 : vector<16xi32>
      %gather3A_367 = tpu.vector_load_idx %arg12[%add3A_27, %add3A_366] : memref<128x128xf32, #tpu.memory_space<vmem>>[vector<16xi32>, vector<16xi32>], vector<16xf32>,
      %gather3A_368 = tpu.vector_load_idx %arg13[%add3A_27, %add3A_366] : memref<128x128xf32, #tpu.memory_space<vmem>>[vector<16xi32>, vector<16xi32>], vector<16xf32>,
      %gather3A_369 = tpu.vector_load_idx %arg14[%add3A_27, %add3A_366] : memref<128x128xf32, #tpu.memory_space<vmem>>[vector<16xi32>, vector<16xi32>], vector<16xf32>,
      %gather3A_370 = tpu.vector_load_idx %arg15[%add3A_27, %add3A_366] : memref<128x128xf32, #tpu.memory_space<vmem>>[vector<16xi32>, vector<16xi32>], vector<16xf32>,
      %mul3A_371 = arith.mulf %gather3A_367, %gather3A_369 : vector<16xf32>
      %sub3A_372 = arith.subf %mul3A_371, %gather3A_368 : vector<16xf32>
      %sub3A_373 = arith.subf %sub3A_372, %gather3A_370 : vector<16xf32>
      %mul3A_374 = arith.mulf %sub3A_373, %sub3A_373 : vector<16xf32>
      %add3A_375 = arith.addf %add3A_363, %mul3A_374 : vector<16xf32>
      %add3A_376 = arith.constant 27 : i32
      %add3A_377 = vector.broadcast %add3A_376 : i32 to vector<16xi32>
      %add3A_378 = arith.addi %broadcast_in_dim3A, %add3A_377 : vector<16xi32>
      %gather3A_379 = tpu.vector_load_idx %arg12[%add3A_27, %add3A_378] : memref<128x128xf32, #tpu.memory_space<vmem>>[vector<16xi32>, vector<16xi32>], vector<16xf32>,
      %gather3A_380 = tpu.vector_load_idx %arg13[%add3A_27, %add3A_378] : memref<128x128xf32, #tpu.memory_space<vmem>>[vector<16xi32>, vector<16xi32>], vector<16xf32>,
      %gather3A_381 = tpu.vector_load_idx %arg14[%add3A_27, %add3A_378] : memref<128x128xf32, #tpu.memory_space<vmem>>[vector<16xi32>, vector<16xi32>], vector<16xf32>,
      %gather3A_382 = tpu.vector_load_idx %arg15[%add3A_27, %add3A_378] : memref<128x128xf32, #tpu.memory_space<vmem>>[vector<16xi32>, vector<16xi32>], vector<16xf32>,
      %mul3A_383 = arith.mulf %gather3A_379, %gather3A_381 : vector<16xf32>
      %sub3A_384 = arith.subf %mul3A_383, %gather3A_380 : vector<16xf32>
      %sub3A_385 = arith.subf %sub3A_384, %gather3A_382 : vector<16xf32>
      %mul3A_386 = arith.mulf %sub3A_385, %sub3A_385 : vector<16xf32>
      %add3A_387 = arith.addf %add3A_375, %mul3A_386 : vector<16xf32>
      %add3A_388 = arith.constant 28 : i32
      %add3A_389 = vector.broadcast %add3A_388 : i32 to vector<16xi32>
      %add3A_390 = arith.addi %broadcast_in_dim3A, %add3A_389 : vector<16xi32>
      %gather3A_391 = tpu.vector_load_idx %arg12[%add3A_27, %add3A_390] : memref<128x128xf32, #tpu.memory_space<vmem>>[vector<16xi32>, vector<16xi32>], vector<16xf32>,
      %gather3A_392 = tpu.vector_load_idx %arg13[%add3A_27, %add3A_390] : memref<128x128xf32, #tpu.memory_space<vmem>>[vector<16xi32>, vector<16xi32>], vector<16xf32>,
      %gather3A_393 = tpu.vector_load_idx %arg14[%add3A_27, %add3A_390] : memref<128x128xf32, #tpu.memory_space<vmem>>[vector<16xi32>, vector<16xi32>], vector<16xf32>,
      %gather3A_394 = tpu.vector_load_idx %arg15[%add3A_27, %add3A_390] : memref<128x128xf32, #tpu.memory_space<vmem>>[vector<16xi32>, vector<16xi32>], vector<16xf32>,
      %mul3A_395 = arith.mulf %gather3A_391, %gather3A_393 : vector<16xf32>
      %sub3A_396 = arith.subf %mul3A_395, %gather3A_392 : vector<16xf32>
      %sub3A_397 = arith.subf %sub3A_396, %gather3A_394 : vector<16xf32>
      %mul3A_398 = arith.mulf %sub3A_397, %sub3A_397 : vector<16xf32>
      %add3A_399 = arith.addf %add3A_387, %mul3A_398 : vector<16xf32>
      %add3A_400 = arith.constant 29 : i32
      %add3A_401 = vector.broadcast %add3A_400 : i32 to vector<16xi32>
      %add3A_402 = arith.addi %broadcast_in_dim3A, %add3A_401 : vector<16xi32>
      %gather3A_403 = tpu.vector_load_idx %arg12[%add3A_27, %add3A_402] : memref<128x128xf32, #tpu.memory_space<vmem>>[vector<16xi32>, vector<16xi32>], vector<16xf32>,
      %gather3A_404 = tpu.vector_load_idx %arg13[%add3A_27, %add3A_402] : memref<128x128xf32, #tpu.memory_space<vmem>>[vector<16xi32>, vector<16xi32>], vector<16xf32>,
      %gather3A_405 = tpu.vector_load_idx %arg14[%add3A_27, %add3A_402] : memref<128x128xf32, #tpu.memory_space<vmem>>[vector<16xi32>, vector<16xi32>], vector<16xf32>,
      %gather3A_406 = tpu.vector_load_idx %arg15[%add3A_27, %add3A_402] : memref<128x128xf32, #tpu.memory_space<vmem>>[vector<16xi32>, vector<16xi32>], vector<16xf32>,
      %mul3A_407 = arith.mulf %gather3A_403, %gather3A_405 : vector<16xf32>
      %sub3A_408 = arith.subf %mul3A_407, %gather3A_404 : vector<16xf32>
      %sub3A_409 = arith.subf %sub3A_408, %gather3A_406 : vector<16xf32>
      %mul3A_410 = arith.mulf %sub3A_409, %sub3A_409 : vector<16xf32>
      %add3A_411 = arith.addf %add3A_399, %mul3A_410 : vector<16xf32>
      %add3A_412 = arith.constant 30 : i32
      %add3A_413 = vector.broadcast %add3A_412 : i32 to vector<16xi32>
      %add3A_414 = arith.addi %broadcast_in_dim3A, %add3A_413 : vector<16xi32>
      %gather3A_415 = tpu.vector_load_idx %arg12[%add3A_27, %add3A_414] : memref<128x128xf32, #tpu.memory_space<vmem>>[vector<16xi32>, vector<16xi32>], vector<16xf32>,
      %gather3A_416 = tpu.vector_load_idx %arg13[%add3A_27, %add3A_414] : memref<128x128xf32, #tpu.memory_space<vmem>>[vector<16xi32>, vector<16xi32>], vector<16xf32>,
      %gather3A_417 = tpu.vector_load_idx %arg14[%add3A_27, %add3A_414] : memref<128x128xf32, #tpu.memory_space<vmem>>[vector<16xi32>, vector<16xi32>], vector<16xf32>,
      %gather3A_418 = tpu.vector_load_idx %arg15[%add3A_27, %add3A_414] : memref<128x128xf32, #tpu.memory_space<vmem>>[vector<16xi32>, vector<16xi32>], vector<16xf32>,
      %mul3A_419 = arith.mulf %gather3A_415, %gather3A_417 : vector<16xf32>
      %sub3A_420 = arith.subf %mul3A_419, %gather3A_416 : vector<16xf32>
      %sub3A_421 = arith.subf %sub3A_420, %gather3A_418 : vector<16xf32>
      %mul3A_422 = arith.mulf %sub3A_421, %sub3A_421 : vector<16xf32>
      %add3A_423 = arith.addf %add3A_411, %mul3A_422 : vector<16xf32>
      %add3A_424 = arith.constant 31 : i32
      %add3A_425 = vector.broadcast %add3A_424 : i32 to vector<16xi32>
      %add3A_426 = arith.addi %broadcast_in_dim3A, %add3A_425 : vector<16xi32>
      %gather3A_427 = tpu.vector_load_idx %arg12[%add3A_27, %add3A_426] : memref<128x128xf32, #tpu.memory_space<vmem>>[vector<16xi32>, vector<16xi32>], vector<16xf32>,
      %gather3A_428 = tpu.vector_load_idx %arg13[%add3A_27, %add3A_426] : memref<128x128xf32, #tpu.memory_space<vmem>>[vector<16xi32>, vector<16xi32>], vector<16xf32>,
      %gather3A_429 = tpu.vector_load_idx %arg14[%add3A_27, %add3A_426] : memref<128x128xf32, #tpu.memory_space<vmem>>[vector<16xi32>, vector<16xi32>], vector<16xf32>,
      %gather3A_430 = tpu.vector_load_idx %arg15[%add3A_27, %add3A_426] : memref<128x128xf32, #tpu.memory_space<vmem>>[vector<16xi32>, vector<16xi32>], vector<16xf32>,
      %mul3A_431 = arith.mulf %gather3A_427, %gather3A_429 : vector<16xf32>
      %sub3A_432 = arith.subf %mul3A_431, %gather3A_428 : vector<16xf32>
      %sub3A_433 = arith.subf %sub3A_432, %gather3A_430 : vector<16xf32>
      %mul3A_434 = arith.mulf %sub3A_433, %sub3A_433 : vector<16xf32>
      %add3A_435 = arith.addf %add3A_423, %mul3A_434 : vector<16xf32>
      %neg3A = arith.constant 0.000000e+00 : f32
      %neg3A_436 = vector.broadcast %neg3A : f32 to vector<16xf32>
      %neg3A_437 = arith.subf %neg3A_436, %add3A_435 : vector<16xf32>
      %mul3A_438 = arith.constant 16 : i32
      %mul3A_439 = arith.muli %scan3A_14, %mul3A_438 : i32
      %swap3A = arith.index_cast %mul3A_439 : i32 to index
      %swap3A_440 = tpu.vector_load %arg17[%swap3A] {strides = array<i32>} : memref<512xf32, #tpu.memory_space<vmem>>, vector<16xf32>,
      tpu.vector_store %arg17[%swap3A], %neg3A_437 {strides = array<i32>} : memref<512xf32, #tpu.memory_space<vmem>>, vector<16xf32>,
    }
    %scan3A_13 = arith.constant 32 : i32
    "tpu.region"() ({
      %run_scoped3A = tpu.sem_alloc : memref<!tpu.dma_semaphore, #tpu.memory_space<semaphore_mem>>
      %dma_start3A = tpu.memref_slice %arg8[%mul3A_2] : memref<16384xf32, #tpu.memory_space<hbm>> -> memref<512xf32, #tpu.memory_space<hbm>>
      %dma_start3A_14 = tpu.memref_slice %arg8[%mul3A_2] : memref<16384xf32, #tpu.memory_space<hbm>> -> memref<512xf32, #tpu.memory_space<hbm>>
      tpu.enqueue_dma source(%arg17 : memref<512xf32, #tpu.memory_space<vmem>>) target(%dma_start3A_14 : memref<512xf32, #tpu.memory_space<hbm>>) target_semaphore(%run_scoped3A : memref<!tpu.dma_semaphore, #tpu.memory_space<semaphore_mem>>)
      %dma_wait3A = tpu.memref_slice %arg8[%mul3A_2] : memref<16384xf32, #tpu.memory_space<hbm>> -> memref<512xf32, #tpu.memory_space<hbm>>
      %dma_wait3A_15 = tpu.memref_slice %arg8[%mul3A_2] : memref<16384xf32, #tpu.memory_space<hbm>> -> memref<512xf32, #tpu.memory_space<hbm>>
      tpu.wait_dma2 semaphore(%run_scoped3A : memref<!tpu.dma_semaphore, #tpu.memory_space<semaphore_mem>>) src(%arg17 : memref<512xf32, #tpu.memory_space<vmem>>) dst(%dma_wait3A_15 : memref<512xf32, #tpu.memory_space<hbm>>)
      tpu.yield
    }) : () -> ()
    return
  }
}

</mosaic_0001>

<sc_bundles>
// kernel: kernel.3.cloned.1.call-start
scs
__scs_entry_jumppad:
0x0: {  	(pc) =	sbr.rel $0x88, $3  }
0x1: {  	(tag) =	ssettag $0x0;
	lr =	simm.s32 $0x1  }
0x2: {  	[smem:$0x3F9B] =	sst lr;
	_ =	strace $0xD0000000  }
0x3: {  	_ = 	snop  }
0x4: {  	_ = 	snop  }
0x5: {  	_ = 	snop  }
0x6: {  	_ = 	snop  }
0x7: {  	_ = 	snop  }
__scs_overlays_trampoline_lowered:
0x8: {  	[smem:$0x3FAA] =	sst s0  }
0x9: {  	[smem:$0x3FAB] =	sst s1  }
0xa: {  	[smem:$0x3FAC] =	sst s2  }
0xb: {  	[smem:$0x3FAD] =	sst s3  }
0xc: {  	[smem:$0x3FAE] =	sst s4  }
0xd: {  	[smem:$0x3FAF] =	sst s5  }
0xe: {  	[smem:$0x3FB0] =	sst s6  }
0xf: {  	[smem:$0x3FB1] =	sst s7  }
0x10: {  	[smem:$0x3FB2] =	sst s8  }
0x11: {  	[smem:$0x3FB3] =	sst s9;
	s0 =	simm.s32 @!p0 $0x0  }
0x12: {  	s1 =	sld [smem:$0x3F99];
	s0 =	simm.s32 @p0 $0x1  }
0x13: {  	[smem:$0x3FB4] =	sst s0;
	s0 =	simm.s32 @!p1 $0x0  }
0x14: {  	s2 =	sld [smem:$0x3F98];
	s0 =	simm.s32 @p1 $0x1  }
0x15: {  	[smem:$0x3FB5] =	sst s0;
	s0 =	simm.s32 @!p2 $0x0  }
0x16: {  	s3 =	sld [smem:$0x3FDB];
	s0 =	simm.s32 @p2 $0x1  }
0x17: {  	s4 =	simm.s32 $0x1BF5;
	[smem:$0x3FB7] =	sst s0  }
0x18: {  	s0 =	sld [smem:$0x3F9A];
	_ =	swait.ge [sflag:s4], $0x0  }
0x19: {  	s7 =	sld [smem:$0x3F9B]  }
0x1a: {  	s8 =	sadd.s32 $0xFFFFE003, lr  }
0x1b: {  	s9 =	sadd.s32 $0xFFFFFEF7, lr;
	s5 =	simm.s32 $0xFFFFFFFF;
	p2 =	slt.u32 s8, $0xFFFFF086  }
0x1c: {  	p1 =	slt.u32 s9, $0xF7A;
	s5 =	simm.s32 @!p2 $0x0  }
0x1d: {  	s5 =	simm.s32 @p1 $0x1;
	p0 =	seq.s32 s7, s2  }
0x1e: {  	s7 =	smul.u32 @!p0 $0xF7A, s2;
	p2 =	seq.s32 @!p0 s5, $0x0  }
0x1f: {  	s9 =	smul.u32 $0xF7A, s1;
	s8 =	simm.s32 @!p0 $0x1BF5;
	p2 =	por !p2, p0  }
0x20: {  	[sflag:s8] =	ssyncset.s32 @!p0 $0xFFFFF086;
	s6 =	sadd.s32 @!p0 s3, s7;
	s7 =	simm.s32 @!p0 $0x108  }
0x21: {  	s3 =	sadd.s32 s3, s9;
	s6 =	sadd.s32 @!p0 $0x88, s6;
	s7 =	simm.s32 @p2 $0x1082  }
0x22: {  	[simem:s7], [sflag:s8] =	dma.local @!p0 [hbm:s6], $0xF7A  }
0x23: {  	s9 =	sor.u32 $0xD0000000, s2;
	s6 =	simm.s32 $0x108;
	_ =	swait.ge @!p0 [sflag:s8], $0x0  }
0x24: {  	s3 =	sadd.s32 $0x88, s3;
	s6 =	simm.s32 @!p1 $0x1082;
	[sflag:s4] =	ssyncset.s32 $0xFFFFF086  }
0x25: {  	[simem:s6], [sflag:s4] =	dma.local [hbm:s3], $0xF7A  }
0x26: {  	[smem:$0x3F9B] =	sst s1;
	(tag) =	ssettag s2;
	_ =	strace s9  }
0x27: {  	s1 =	sld [smem:$0x3FAB]  }
0x28: {  	s2 =	sld [smem:$0x3FAC]  }
0x29: {  	s4 =	sld [smem:$0x3FAE]  }
0x2a: {  	p0 =	seq.s32 s5, $0x0;
	s5 =	sld [smem:$0x3FAF]  }
0x2b: {  	s6 =	sld [smem:$0x3FB0]  }
0x2c: {  	s7 =	sld [smem:$0x3FB1]  }
0x2d: {  	s3 =	simm.s32 $0x108;
	s8 =	sld [smem:$0x3FB2]  }
0x2e: {  	s3 =	simm.s32 @!p0 $0x1082;
	s9 =	sld [smem:$0x3FB3]  }
0x2f: {  	lr =	sadd.s32 s0, s3;
	s0 =	sld [smem:$0x3FAA]  }
0x30: {  	s3 =	sld [smem:$0x3FAD]  }
0x31: {  	[smem:$0x3FB6] =	sst s10  }
0x32: {  	s10 =	sld [smem:$0x3FB4];
	_ =	sdelay $0x3  }
0x33: {  	p0 =	seq.s32 s10, $0x1;
	s10 =	sld [smem:$0x3FB6];
	_ =	sdelay $0x3  }
0x34: {  	[smem:$0x3FB6] =	sst s10  }
0x35: {  	s10 =	sld [smem:$0x3FB5];
	_ =	sdelay $0x3  }
0x36: {  	p1 =	seq.s32 s10, $0x1;
	s10 =	sld [smem:$0x3FB6];
	_ =	sdelay $0x3  }
0x37: {  	[smem:$0x3FB6] =	sst s10  }
0x38: {  	s10 =	sld [smem:$0x3FB7]  }
0x39: {  	_ = 	snop;
	(pc) =	sbr.ind lr, $3  }
0x3a: {  	_ = 	snop  }
0x3b: {  	_ = 	snop  }
0x3c: {  	p2 =	seq.s32 s10, $0x1;
	s10 =	sld [smem:$0x3FB6]  }
0x3d: {  	_ =	shalt  }
0x3e: {  	_ =	shalt  }
0x3f: {  	_ =	shalt  }
0x40: {  	_ =	shalt  }
0x41: {  	_ =	shalt  }
0x42: {  	_ =	shalt  }
0x43: {  	_ =	shalt  }
0x44: {  	_ =	shalt  }
0x45: {  	_ =	shalt  }
0x46: {  	_ =	shalt  }
0x47: {  	_ =	shalt  }
0x48: {  	_ =	shalt  }
0x49: {  	_ =	shalt  }
0x4a: {  	_ =	shalt  }
0x4b: {  	_ =	shalt  }
0x4c: {  	_ =	shalt  }
0x4d: {  	_ =	shalt  }
0x4e: {  	_ =	shalt  }
0x4f: {  	_ =	shalt  }
0x50: {  	_ =	shalt  }
0x51: {  	_ =	shalt  }
0x52: {  	_ =	shalt  }
0x53: {  	_ =	shalt  }
0x54: {  	_ =	shalt  }
0x55: {  	_ =	shalt  }
0x56: {  	_ =	shalt  }
0x57: {  	_ =	shalt  }
0x58: {  	_ =	shalt  }
0x59: {  	_ =	shalt  }
0x5a: {  	_ =	shalt  }
0x5b: {  	_ =	shalt  }
0x5c: {  	_ =	shalt  }
0x5d: {  	_ =	shalt  }
0x5e: {  	_ =	shalt  }
0x5f: {  	_ =	shalt  }
0x60: {  	_ =	shalt  }
0x61: {  	_ =	shalt  }
0x62: {  	_ =	shalt  }
0x63: {  	_ =	shalt  }
0x64: {  	_ =	shalt  }
0x65: {  	_ =	shalt  }
0x66: {  	_ =	shalt  }
0x67: {  	_ =	shalt  }
0x68: {  	_ =	shalt  }
0x69: {  	_ =	shalt  }
0x6a: {  	_ =	shalt  }
0x6b: {  	_ =	shalt  }
0x6c: {  	_ =	shalt  }
0x6d: {  	_ =	shalt  }
0x6e: {  	_ =	shalt  }
0x6f: {  	_ =	shalt  }
0x70: {  	_ =	shalt  }
0x71: {  	_ =	shalt  }
0x72: {  	_ =	shalt  }
0x73: {  	_ =	shalt  }
0x74: {  	_ =	shalt  }
0x75: {  	_ =	shalt  }
0x76: {  	_ =	shalt  }
0x77: {  	_ =	shalt  }
0x78: {  	_ =	shalt  }
0x79: {  	_ =	shalt  }
0x7a: {  	_ =	shalt  }
0x7b: {  	_ =	shalt  }
0x7c: {  	_ =	shalt  }
0x7d: {  	_ =	shalt  }
0x7e: {  	_ =	shalt  }
0x7f: {  	_ =	shalt  }
0x80: {  	_ =	shalt  }
0x81: {  	_ =	shalt  }
0x82: {  	_ =	shalt  }
0x83: {  	_ =	shalt  }
0x84: {  	_ =	shalt  }
0x85: {  	_ =	shalt  }
0x86: {  	_ =	shalt  }
0x87: {  	_ =	shalt  }
.Lfunc_end0:
.L_simem_size_0:
called_computation_lowered:
.L_overlay_start_0:
0x88: {  	s2 =	sld [smem:$0x3FD9]  }
0x89: {  	s3 =	sld [smem:$0x3FFE];
	_ =	sdelay $0x1  }
0x8a: {  	s1 =	srdreg.scid  }
0x8b: {  	s0 =	sand.u32 $0x1, s1  }
0x8c: {  	s17 =	sshll.u32 s0, $0xA;
	s2 =	sadd.s32 s3, s2  }
0x8d: {  	s2 =	sadd.s32 s2, s17  }
0x8e: {  	[smem:$0x3FC2] =	sst s2  }
0x8f: {  	_ = 	snop  }
0x90: {  	s2 =	sld [smem:$0x3FC9]  }
0x91: {  	s18 =	sld [smem:$0x3FC8]  }
0x92: {  	s4 =	sld [smem:$0x3FC7]  }
0x93: {  	s5 =	sld [smem:$0x3FD0];
	(tm) =	ssettm $0x1  }
0x94: {  	s6 =	sld [smem:$0x3FFB];
	_ =	sdelay $0x3  }
0x95: {  	_ =	strace s6  }
0x96: {  	s6 =	sld [smem:$0x3FFC];
	_ =	sdelay $0x3  }
0x97: {  	_ =	strace s6  }
0x98: {  	s6 =	sld [smem:$0x3FFD];
	_ =	sdelay $0x3  }
0x99: {  	_ =	strace s6  }
0x9a: {  	_ =	strace $0x8FFFFFFF  }
0x9b: {  	s19 =	sld [smem:$0x3FDB];
	_ =	sdelay $0x1  }
0x9c: {  	s7 =	simm.s32 $_scs_section_size  }
0x9d: {  	s8 =	simm.s32 $_size__tile_overlayer_lowered;
	s9 =	simm.s32 $_tile_overlayer_lowered  }
0x9e: {  	s22 =	simm.s32 $0x1BFF;
	s21 =	sshll.u32 s9, $0x1;
	s6 =	sadd.s32 s7, s19  }
0x9f: {  	s10 =	simm.s32 $0x0;
	s20 =	sshll.u32 s8, $0x1;
	s8 =	sadd.s32 s21, s6  }
0xa0: {  	[timem:s10], [sflag:s22] =	dma.local [hbm:s8], s20  }
0xa1: {  	_ =	swait.ge [sflag:s22], s20  }
0xa2: {  	s7 =	ssub.s32 $0x0, s20;
	[sflag:s22] =	ssyncset.done $0x0  }
0xa3: {  	[sflag:s22] =	ssyncadd.s32 s7;
	_ =	sdelay $0x1  }
0xa4: {  	s23 =	simm.s32 $0x1B8B  }
0xa5: {  	_ =	swait.ge [sflag:s23], $0x1  }
0xa6: {  	[sflag:s23] =	ssyncset.done $0x0  }
0xa7: {  	s25 =	simm.s32 $0x1B8E;
	s24 =	sld [smem:$0x3FFE];
	[sflag:s23] =	ssyncadd.s32 $0xFFFFFFFF  }
0xa8: {  	s26 =	simm.s32 $execute0_lowered;
	[smem:$0x3FD2] =	sst s25  }
0xa9: {  	s8 =	sshll.u32 s26, $0x1;
	_ =	strace $0x80000046;
	[dreg:$0x1] =	wrdreg $0xFFFFFFFF  }
0xaa: {  	s28 =	simm.s32 $_size_execute0_lowered;
	s6 =	sadd.s32 s6, s8;
	[dreg:$0x0] =	wrdreg $0x0  }
0xab: {  	s8 =	sshll.u32 s28, $0x1;
	[dreg:$0x2] =	wrdreg s6  }
0xac: {  	[dreg:$0x3] =	wrdreg s8  }
0xad: {  	[dreg:$0x4] =	wrdreg $0xC0  }
0xae: {  	_ =	task [dreg:s10], $0x5FFFF  }
0xaf: {  	[dreg:$0x1] =	wrdreg $0xFFFFFFFF  }
0xb0: {  	[dreg:$0x0] =	wrdreg $0x60  }
0xb1: {  	[dreg:$0x2] =	wrdreg s2  }
0xb2: {  	[dreg:$0x3] =	wrdreg s4  }
0xb3: {  	[dreg:$0x4] =	wrdreg s18  }
0xb4: {  	[dreg:$0x5] =	wrdreg s24  }
0xb5: {  	[dreg:$0x6] =	wrdreg s5  }
0xb6: {  	[dreg:$0x7] =	wrdreg $0x9  }
0xb7: {  	_ =	task.clear_ibuf [dreg:s10], $0x8FFFF;
	_ =	strace $0x90000046  }
0xb8: {  	s29 =	simm.s32 $0x9;
	_ =	strace $0x80000048  }
0xb9: {  	_ =	swait.ge [sflag:s29], $0x1  }
0xba: {  	[sflag:s29] =	ssyncadd.s32 $0xFFFFFFFF  }
0xbb: {  	_ =	strace $0x90000048  }
0xbc: {  	_ =	sfence  }
0xbd: {  	s30 =	sld [smem:$0x0];
	_ =	sdelay $0x2  }
0xbe: {  	s31 =	sshll.u32 s1, $0xD;
	s1 =	sshrl.u32 s1, $0x2  }
0xbf: {  	s3 =	sand.u32 $0x4000, s31;
	s1 =	sadd.s32 s1, s30  }
0xc0: {  	s0 =	sor.u32 s3, s0;
	s1 =	sshll.u32 s1, $0x11  }
0xc1: {  	s0 =	sor.u32 s1, s0  }
0xc2: {  	s0 =	sadd.s32 $0x8F2B, s0  }
0xc3: {  	[sflag:s0] =	ssyncadd.remote.s32 $0x1  }
0xc4: {  	_ =	sfence.sel $0xFFFF  }
0xc5: {  	[dreg:$0x0] =	wrdreg $0xFFFFFFFF;
	(pc) =	sbr.abs _section_cstart, $3  }
0xc6: {  	[dreg:$0x1] =	wrdreg $0xFFFFFFFF  }
0xc7: {  	_ =	task.clear_ibuf [dreg:s10], $0x2FFFF;
	_ =	strace $0x9FFFFFFF  }
0xc8: {  	(tm) =	ssettm $0x7FFFFFFF  }
0xc9: {  	_ =	shalt  }
tec
execute0_lowered:
.L_overlay_start_1:
0x0: {  	(tag) =	ssettag $0x1  }
0x1: {  	s0 =	rddreg [dreg:$0x0]  }
0x2: {  	s2 =	rddreg [dreg:$0x1]  }
0x3: {  	s4 =	rddreg [dreg:$0x2]  }
0x4: {  	s5 =	rddreg [dreg:$0x3]  }
0x5: {  	s6 =	rddreg [dreg:$0x4];
	s21 =	simm.s32 $0x0;
	s7 =	srdreg.scid  }
0x6: {  	s10 =	stileid.u32;
	s1 =	simm.s32 $0x2;
	s7 =	sand.u32 $0x1, s7  }
0x7: {  	s10 =	sshll.u32 s10, $0x7;
	s8 =	ssub.s32 $0x2, s7;
	s7 =	sshll.u32 s7, $0x6  }
0x8: {  	s12 =	simm.s32 $0x80;
	s13 =	simm.s32 $0x400;
	s7 =	sor.u32 s7, s10  }
0x9: {  	[smem:$0x7FF] =	sst s21;
	s3 =	sadd.s32 $0x8400, s5;
	s0 =	sadd.s32 s0, s7  }
0xa: {  	_ =	strace $0x80000047;
	s28 =	sadd.s32 s2, s7;
	[dreg:$0xf] =	wrdreg s0  }
0xb: {  	v0 =	vlaneseq.u32;
	s9 =	sshrl.u32 s8, $0x1;
	s29 =	sadd.s32 s4, s7;
	[dreg:$0x10] =	wrdreg s28  }
0xc: {  	v4 =	vmul.u32 $0x80, v0;
	s26 =	ssub.s32 s8, s9;
	s30 =	sadd.s32 s6, s7;
	[dreg:$0x11] =	wrdreg s29  }
0xd: {  	s11 =	sadd.s32 $0x400, s5;
	[dreg:$0x12] =	wrdreg s30;
	s31 =	smax.u32 s26, $0x1  }
0xe: {  	s15 =	sadd.s32 $0x4400, s5;
	[tilespmem:$0x1FFF0] =	vst v4;
	s2 =	simm.s32 $0x0;
	[dreg:$0x13] =	wrdreg s31  }
.LBB2_1:
0xf: {  	[dreg:$0x14] =	wrdreg s2  }
0x10: {  	s0 =	rddreg [dreg:$0xf]  }
0x11: {  	[tilespmem:s21], [sflag:$0x2] =	stream.linear.gather [hbm4b:s0+s21], $0x200, $0x38;
	[tilespmem:$0x10800] =	vst v63  }
0x12: {  	_ =	swait.ge [sflag:s1], $0x200  }
0x13: {  	[sflag:s1] =	ssyncset.done $0x0  }
0x14: {  	s7 =	simm.s32 $0x200;
	s16 =	rddreg [dreg:$0x10];
	[sflag:s1] =	ssyncadd.s32 $0xFFFFFE00  }
0x15: {  	[tilespmem:s7], [sflag:$0x2] =	stream.linear.gather [hbm4b:s16+s21], $0x200, $0x38;
	[tilespmem:$0x10800] =	vst v63  }
0x16: {  	_ =	swait.ge [sflag:s1], $0x200  }
0x17: {  	[sflag:s1] =	ssyncset.done $0x0  }
0x18: {  	s17 =	rddreg [dreg:$0x11];
	[sflag:s1] =	ssyncadd.s32 $0xFFFFFE00  }
0x19: {  	[tilespmem:s13], [sflag:$0x2] =	stream.linear.gather [hbm4b:s17+s21], $0x200, $0x38;
	[tilespmem:$0x10800] =	vst v63  }
0x1a: {  	_ =	swait.ge [sflag:s1], $0x200  }
0x1b: {  	[sflag:s1] =	ssyncset.done $0x0  }
0x1c: {  	[sflag:s1] =	ssyncadd.s32 $0xFFFFFE00  }
0x1d: {  	v0 =	vld [tilespmem:s21+$0x0];
	_ =	sdelay $0x1  }
0x1e: {  	v1 =	vld [tilespmem:s7+$0x0];
	_ =	sdelay $0x2  }
0x1f: {  	v3 =	vshll.u32 v0, $0x4  }
0x20: {  	v62 =	vld [tilespmem:s13+$0x0];
	(v2sf) =	vpush v3, $0x0  }
0x21: {  	v2 =	vshll.u32 v1, $0x4;
	(v2sf) =	vpush v3, $0x1  }
0x22: {  	(v2sf) =	vpush v2, $0x0;
	_ =	sdelay $0x1  }
0x23: {  	(v2sf) =	vpush v2, $0x1  }
0x24: {  	v63 =	vshll.u32 v62, $0x4  }
0x25: {  	(v2sf) =	vpush v63, $0x0;
	_ =	sdelay $0x8  }
0x26: {  	s18 =	sand.u32 $0x60, s21;
	s19 =	sand.u32 $0x3800, s21;
	s4 =	spop (v2sf)  }
0x27: {  	s23 =	sor.u32 s18, s19;
	s20 =	sand.u32 $0x1FFFFFF0, s4;
	s22 =	spop (v2sf)  }
0x28: {  	s24 =	sor.u32 $0x600, s23;
	s0 =	sadd.s32 s3, s20;
	s5 =	spop (v2sf)  }
0x29: {  	[tilespmem:s24], [sflag:$0x1] =	stream.strided.gather [hbm4b:s0+s12], $0x0, s13, s12, $0x38;
	[tilespmem:$0x10800] =	vst v63  }
0x2a: {  	s5 =	sand.u32 $0x1FFFFFF0, s5;
	s6 =	spop (v2sf)  }
0x2b: {  	[tilespmem:s24], [sflag:$0x1] =	stream.linear.gather [hbm4b:s0+s21], $0x20, $0x38;
	[tilespmem:$0x10800] =	vst v63  }
0x2c: {  	s25 =	sor.u32 $0x4600, s23;
	s26 =	sadd.s32 s3, s5;
	s28 =	spop (v2sf)  }
0x2d: {  	(v2sf) =	vpush v63, $0x1;
	[tilespmem:s25], [sflag:$0x1] =	stream.strided.gather [hbm4b:s26+s12], $0x0, s13, s12, $0x38;
	[tilespmem:$0x10800] =	vst v63  }
0x2e: {  	s5 =	sand.u32 $0x1FFFFFF0, s28  }
0x2f: {  	[tilespmem:s25], [sflag:$0x1] =	stream.linear.gather [hbm4b:s26+s21], $0x20, $0x38;
	[tilespmem:$0x10800] =	vst v63  }
0x30: {  	s29 =	sor.u32 $0x8600, s23;
	s30 =	sadd.s32 s11, s5  }
0x31: {  	[tilespmem:s29], [sflag:$0x1] =	stream.strided.gather [hbm4b:s30+s12], $0x0, s13, s12, $0x38;
	[tilespmem:$0x10800] =	vst v63  }
0x32: {  	_ = 	snop  }
0x33: {  	[tilespmem:s29], [sflag:$0x1] =	stream.linear.gather [hbm4b:s30+s21], $0x20, $0x38;
	[tilespmem:$0x10800] =	vst v63  }
0x34: {  	s31 =	sor.u32 $0xC600, s23;
	s1 =	sadd.s32 s15, s5  }
0x35: {  	(v2sf) =	vpush v3, $0x2;
	[tilespmem:s31], [sflag:$0x1] =	stream.strided.gather [hbm4b:s1+s12], $0x0, s13, s12, $0x38;
	[tilespmem:$0x10800] =	vst v63  }
0x36: {  	s2 =	sand.u32 $0x1FFFFFF0, s22  }
0x37: {  	[tilespmem:s31], [sflag:$0x1] =	stream.linear.gather [hbm4b:s1+s21], $0x20, $0x38;
	[tilespmem:$0x10800] =	vst v63  }
0x38: {  	s2 =	sadd.s32 s3, s2;
	s5 =	sor.u32 $0x680, s23  }
0x39: {  	(v2sf) =	vpush v2, $0x2;
	[tilespmem:s5], [sflag:$0x1] =	stream.strided.gather [hbm4b:s2+s12], $0x0, s13, s12, $0x38;
	[tilespmem:$0x10800] =	vst v63  }
0x3a: {  	s6 =	sand.u32 $0x1FFFFFF0, s6  }
0x3b: {  	[tilespmem:s5], [sflag:$0x1] =	stream.linear.gather [hbm4b:s2+s21], $0x20, $0x38;
	[tilespmem:$0x10800] =	vst v63  }
0x3c: {  	s9 =	sor.u32 $0x4680, s23;
	s4 =	sadd.s32 s3, s6;
	s8 =	spop (v2sf)  }
0x3d: {  	(v2sf) =	vpush v63, $0x2;
	[tilespmem:s9], [sflag:$0x1] =	stream.strided.gather [hbm4b:s4+s12], $0x0, s13, s12, $0x38;
	[tilespmem:$0x10800] =	vst v63  }
0x3e: {  	s0 =	sand.u32 $0x1FFFFFF0, s8  }
0x3f: {  	[tilespmem:s9], [sflag:$0x1] =	stream.linear.gather [hbm4b:s4+s21], $0x20, $0x38;
	[tilespmem:$0x10800] =	vst v63  }
0x40: {  	s10 =	sor.u32 $0x8680, s23;
	s14 =	sadd.s32 s11, s0  }
0x41: {  	[tilespmem:s10], [sflag:$0x1] =	stream.strided.gather [hbm4b:s14+s12], $0x0, s13, s12, $0x38;
	[tilespmem:$0x10800] =	vst v63  }
0x42: {  	_ = 	snop  }
0x43: {  	[tilespmem:s10], [sflag:$0x1] =	stream.linear.gather [hbm4b:s14+s21], $0x20, $0x38;
	[tilespmem:$0x10800] =	vst v63  }
0x44: {  	s17 =	sor.u32 $0xC680, s23;
	s16 =	spop (v2sf);
	s0 =	sadd.s32 s15, s0  }
0x45: {  	(v2sf) =	vpush v3, $0x3;
	[tilespmem:s17], [sflag:$0x1] =	stream.strided.gather [hbm4b:s0+s12], $0x0, s13, s12, $0x38;
	[tilespmem:$0x10800] =	vst v63  }
0x46: {  	s2 =	sand.u32 $0x1FFFFFF0, s16  }
0x47: {  	[tilespmem:s17], [sflag:$0x1] =	stream.linear.gather [hbm4b:s0+s21], $0x20, $0x38;
	[tilespmem:$0x10800] =	vst v63  }
0x48: {  	s19 =	sor.u32 $0x700, s23;
	s18 =	spop (v2sf);
	s2 =	sadd.s32 s3, s2  }
0x49: {  	(v2sf) =	vpush v2, $0x3;
	[tilespmem:s19], [sflag:$0x1] =	stream.strided.gather [hbm4b:s2+s12], $0x0, s13, s12, $0x38;
	[tilespmem:$0x10800] =	vst v63  }
0x4a: {  	s0 =	sand.u32 $0x1FFFFFF0, s18  }
0x4b: {  	[tilespmem:s19], [sflag:$0x1] =	stream.linear.gather [hbm4b:s2+s21], $0x20, $0x38;
	[tilespmem:$0x10800] =	vst v63  }
0x4c: {  	s22 =	sor.u32 $0x4700, s23;
	s20 =	spop (v2sf);
	s0 =	sadd.s32 s3, s0  }
0x4d: {  	(v2sf) =	vpush v63, $0x3;
	[tilespmem:s22], [sflag:$0x1] =	stream.strided.gather [hbm4b:s0+s12], $0x0, s13, s12, $0x38;
	[tilespmem:$0x10800] =	vst v63  }
0x4e: {  	s2 =	sand.u32 $0x1FFFFFF0, s20  }
0x4f: {  	[tilespmem:s22], [sflag:$0x1] =	stream.linear.gather [hbm4b:s0+s21], $0x20, $0x38;
	[tilespmem:$0x10800] =	vst v63  }
0x50: {  	s24 =	sor.u32 $0x8700, s23;
	s25 =	sadd.s32 s11, s2  }
0x51: {  	[tilespmem:s24], [sflag:$0x1] =	stream.strided.gather [hbm4b:s25+s12], $0x0, s13, s12, $0x38;
	[tilespmem:$0x10800] =	vst v63  }
0x52: {  	_ = 	snop  }
0x53: {  	[tilespmem:s24], [sflag:$0x1] =	stream.linear.gather [hbm4b:s25+s21], $0x20, $0x38;
	[tilespmem:$0x10800] =	vst v63  }
0x54: {  	s28 =	sor.u32 $0xC700, s23;
	s26 =	spop (v2sf);
	s2 =	sadd.s32 s15, s2  }
0x55: {  	(v2sf) =	vpush v3, $0x4;
	[tilespmem:s28], [sflag:$0x1] =	stream.strided.gather [hbm4b:s2+s12], $0x0, s13, s12, $0x38;
	[tilespmem:$0x10800] =	vst v63  }
0x56: {  	s0 =	sand.u32 $0x1FFFFFF0, s26  }
0x57: {  	[tilespmem:s28], [sflag:$0x1] =	stream.linear.gather [hbm4b:s2+s21], $0x20, $0x38;
	[tilespmem:$0x10800] =	vst v63  }
0x58: {  	s30 =	sor.u32 $0x780, s23;
	s29 =	spop (v2sf);
	s0 =	sadd.s32 s3, s0  }
0x59: {  	(v2sf) =	vpush v2, $0x4;
	[tilespmem:s30], [sflag:$0x1] =	stream.strided.gather [hbm4b:s0+s12], $0x0, s13, s12, $0x38;
	[tilespmem:$0x10800] =	vst v63  }
0x5a: {  	s2 =	sand.u32 $0x1FFFFFF0, s29  }
0x5b: {  	[tilespmem:s30], [sflag:$0x1] =	stream.linear.gather [hbm4b:s0+s21], $0x20, $0x38;
	[tilespmem:$0x10800] =	vst v63  }
0x5c: {  	s1 =	sor.u32 $0x4780, s23;
	s31 =	spop (v2sf);
	s2 =	sadd.s32 s3, s2  }
0x5d: {  	(v2sf) =	vpush v63, $0x4;
	[tilespmem:s1], [sflag:$0x1] =	stream.strided.gather [hbm4b:s2+s12], $0x0, s13, s12, $0x38;
	[tilespmem:$0x10800] =	vst v63  }
0x5e: {  	s0 =	sand.u32 $0x1FFFFFF0, s31  }
0x5f: {  	[tilespmem:s1], [sflag:$0x1] =	stream.linear.gather [hbm4b:s2+s21], $0x20, $0x38;
	[tilespmem:$0x10800] =	vst v63  }
0x60: {  	s5 =	sor.u32 $0x8780, s23;
	s6 =	sadd.s32 s11, s0  }
0x61: {  	[tilespmem:s5], [sflag:$0x1] =	stream.strided.gather [hbm4b:s6+s12], $0x0, s13, s12, $0x38;
	[tilespmem:$0x10800] =	vst v63  }
0x62: {  	_ = 	snop  }
0x63: {  	[tilespmem:s5], [sflag:$0x1] =	stream.linear.gather [hbm4b:s6+s21], $0x20, $0x38;
	[tilespmem:$0x10800] =	vst v63  }
0x64: {  	s9 =	sor.u32 $0xC780, s23;
	s8 =	spop (v2sf);
	s0 =	sadd.s32 s15, s0  }
0x65: {  	(v2sf) =	vpush v3, $0x5;
	[tilespmem:s9], [sflag:$0x1] =	stream.strided.gather [hbm4b:s0+s12], $0x0, s13, s12, $0x38;
	[tilespmem:$0x10800] =	vst v63  }
0x66: {  	s2 =	sand.u32 $0x1FFFFFF0, s8  }
0x67: {  	[tilespmem:s9], [sflag:$0x1] =	stream.linear.gather [hbm4b:s0+s21], $0x20, $0x38;
	[tilespmem:$0x10800] =	vst v63  }
0x68: {  	s14 =	sadd.s32 $0x800, s23;
	s10 =	spop (v2sf);
	s2 =	sadd.s32 s3, s2  }
0x69: {  	(v2sf) =	vpush v2, $0x5;
	[tilespmem:s14], [sflag:$0x1] =	stream.strided.gather [hbm4b:s2+s12], $0x0, s13, s12, $0x38;
	[tilespmem:$0x10800] =	vst v63  }
0x6a: {  	s0 =	sand.u32 $0x1FFFFFF0, s10  }
0x6b: {  	[tilespmem:s14], [sflag:$0x1] =	stream.linear.gather [hbm4b:s2+s21], $0x20, $0x38;
	[tilespmem:$0x10800] =	vst v63  }
0x6c: {  	s17 =	sadd.s32 $0x4800, s23;
	s16 =	spop (v2sf);
	s0 =	sadd.s32 s3, s0  }
0x6d: {  	(v2sf) =	vpush v63, $0x5;
	[tilespmem:s17], [sflag:$0x1] =	stream.strided.gather [hbm4b:s0+s12], $0x0, s13, s12, $0x38;
	[tilespmem:$0x10800] =	vst v63  }
0x6e: {  	s2 =	sand.u32 $0x1FFFFFF0, s16  }
0x6f: {  	[tilespmem:s17], [sflag:$0x1] =	stream.linear.gather [hbm4b:s0+s21], $0x20, $0x38;
	[tilespmem:$0x10800] =	vst v63  }
0x70: {  	s18 =	sadd.s32 $0x8800, s23;
	s19 =	sadd.s32 s11, s2  }
0x71: {  	[tilespmem:s18], [sflag:$0x1] =	stream.strided.gather [hbm4b:s19+s12], $0x0, s13, s12, $0x38;
	[tilespmem:$0x10800] =	vst v63  }
0x72: {  	_ = 	snop  }
0x73: {  	[tilespmem:s18], [sflag:$0x1] =	stream.linear.gather [hbm4b:s19+s21], $0x20, $0x38;
	[tilespmem:$0x10800] =	vst v63  }
0x74: {  	s22 =	sadd.s32 $0xC800, s23;
	s20 =	spop (v2sf);
	s2 =	sadd.s32 s15, s2  }
0x75: {  	(v2sf) =	vpush v3, $0x6;
	[tilespmem:s22], [sflag:$0x1] =	stream.strided.gather [hbm4b:s2+s12], $0x0, s13, s12, $0x38;
	[tilespmem:$0x10800] =	vst v63  }
0x76: {  	s0 =	sand.u32 $0x1FFFFFF0, s20  }
0x77: {  	[tilespmem:s22], [sflag:$0x1] =	stream.linear.gather [hbm4b:s2+s21], $0x20, $0x38;
	[tilespmem:$0x10800] =	vst v63  }
0x78: {  	s25 =	sadd.s32 $0x880, s23;
	s24 =	spop (v2sf);
	s0 =	sadd.s32 s3, s0  }
0x79: {  	(v2sf) =	vpush v2, $0x6;
	[tilespmem:s25], [sflag:$0x1] =	stream.strided.gather [hbm4b:s0+s12], $0x0, s13, s12, $0x38;
	[tilespmem:$0x10800] =	vst v63  }
0x7a: {  	s2 =	sand.u32 $0x1FFFFFF0, s24  }
0x7b: {  	[tilespmem:s25], [sflag:$0x1] =	stream.linear.gather [hbm4b:s0+s21], $0x20, $0x38;
	[tilespmem:$0x10800] =	vst v63  }
0x7c: {  	s28 =	sadd.s32 $0x4880, s23;
	s26 =	spop (v2sf);
	s2 =	sadd.s32 s3, s2  }
0x7d: {  	(v2sf) =	vpush v63, $0x6;
	[tilespmem:s28], [sflag:$0x1] =	stream.strided.gather [hbm4b:s2+s12], $0x0, s13, s12, $0x38;
	[tilespmem:$0x10800] =	vst v63  }
0x7e: {  	s0 =	sand.u32 $0x1FFFFFF0, s26  }
0x7f: {  	[tilespmem:s28], [sflag:$0x1] =	stream.linear.gather [hbm4b:s2+s21], $0x20, $0x38;
	[tilespmem:$0x10800] =	vst v63  }
0x80: {  	s29 =	sadd.s32 $0x8880, s23;
	s30 =	sadd.s32 s11, s0  }
0x81: {  	[tilespmem:s29], [sflag:$0x1] =	stream.strided.gather [hbm4b:s30+s12], $0x0, s13, s12, $0x38;
	[tilespmem:$0x10800] =	vst v63  }
0x82: {  	_ = 	snop  }
0x83: {  	[tilespmem:s29], [sflag:$0x1] =	stream.linear.gather [hbm4b:s30+s21], $0x20, $0x38;
	[tilespmem:$0x10800] =	vst v63  }
0x84: {  	s1 =	sadd.s32 $0xC880, s23;
	s31 =	spop (v2sf);
	s0 =	sadd.s32 s15, s0  }
0x85: {  	(v2sf) =	vpush v3, $0x7;
	[tilespmem:s1], [sflag:$0x1] =	stream.strided.gather [hbm4b:s0+s12], $0x0, s13, s12, $0x38;
	[tilespmem:$0x10800] =	vst v63  }
0x86: {  	s2 =	sand.u32 $0x1FFFFFF0, s31  }
0x87: {  	[tilespmem:s1], [sflag:$0x1] =	stream.linear.gather [hbm4b:s0+s21], $0x20, $0x38;
	[tilespmem:$0x10800] =	vst v63  }
0x88: {  	s6 =	sadd.s32 $0x900, s23;
	s5 =	spop (v2sf);
	s2 =	sadd.s32 s3, s2  }
0x89: {  	(v2sf) =	vpush v2, $0x7;
	[tilespmem:s6], [sflag:$0x1] =	stream.strided.gather [hbm4b:s2+s12], $0x0, s13, s12, $0x38;
	[tilespmem:$0x10800] =	vst v63  }
0x8a: {  	s0 =	sand.u32 $0x1FFFFFF0, s5  }
0x8b: {  	[tilespmem:s6], [sflag:$0x1] =	stream.linear.gather [hbm4b:s2+s21], $0x20, $0x38;
	[tilespmem:$0x10800] =	vst v63  }
0x8c: {  	s9 =	sadd.s32 $0x4900, s23;
	s8 =	spop (v2sf);
	s0 =	sadd.s32 s3, s0  }
0x8d: {  	(v2sf) =	vpush v63, $0x7;
	[tilespmem:s9], [sflag:$0x1] =	stream.strided.gather [hbm4b:s0+s12], $0x0, s13, s12, $0x38;
	[tilespmem:$0x10800] =	vst v63  }
0x8e: {  	s2 =	sand.u32 $0x1FFFFFF0, s8  }
0x8f: {  	[tilespmem:s9], [sflag:$0x1] =	stream.linear.gather [hbm4b:s0+s21], $0x20, $0x38;
	[tilespmem:$0x10800] =	vst v63  }
0x90: {  	s10 =	sadd.s32 $0x8900, s23;
	s14 =	sadd.s32 s11, s2  }
0x91: {  	[tilespmem:s10], [sflag:$0x1] =	stream.strided.gather [hbm4b:s14+s12], $0x0, s13, s12, $0x38;
	[tilespmem:$0x10800] =	vst v63  }
0x92: {  	_ = 	snop  }
0x93: {  	[tilespmem:s10], [sflag:$0x1] =	stream.linear.gather [hbm4b:s14+s21], $0x20, $0x38;
	[tilespmem:$0x10800] =	vst v63  }
0x94: {  	s17 =	sadd.s32 $0xC900, s23;
	s16 =	spop (v2sf);
	s2 =	sadd.s32 s15, s2  }
0x95: {  	(v2sf) =	vpush v3, $0x8;
	[tilespmem:s17], [sflag:$0x1] =	stream.strided.gather [hbm4b:s2+s12], $0x0, s13, s12, $0x38;
	[tilespmem:$0x10800] =	vst v63  }
0x96: {  	s0 =	sand.u32 $0x1FFFFFF0, s16  }
0x97: {  	[tilespmem:s17], [sflag:$0x1] =	stream.linear.gather [hbm4b:s2+s21], $0x20, $0x38;
	[tilespmem:$0x10800] =	vst v63  }
0x98: {  	s19 =	sadd.s32 $0x980, s23;
	s18 =	spop (v2sf);
	s0 =	sadd.s32 s3, s0  }
0x99: {  	(v2sf) =	vpush v2, $0x8;
	[tilespmem:s19], [sflag:$0x1] =	stream.strided.gather [hbm4b:s0+s12], $0x0, s13, s12, $0x38;
	[tilespmem:$0x10800] =	vst v63  }
0x9a: {  	s2 =	sand.u32 $0x1FFFFFF0, s18  }
0x9b: {  	[tilespmem:s19], [sflag:$0x1] =	stream.linear.gather [hbm4b:s0+s21], $0x20, $0x38;
	[tilespmem:$0x10800] =	vst v63  }
0x9c: {  	s22 =	sadd.s32 $0x4980, s23;
	s20 =	spop (v2sf);
	s2 =	sadd.s32 s3, s2  }
0x9d: {  	(v2sf) =	vpush v63, $0x8;
	[tilespmem:s22], [sflag:$0x1] =	stream.strided.gather [hbm4b:s2+s12], $0x0, s13, s12, $0x38;
	[tilespmem:$0x10800] =	vst v63  }
0x9e: {  	s0 =	sand.u32 $0x1FFFFFF0, s20  }
0x9f: {  	[tilespmem:s22], [sflag:$0x1] =	stream.linear.gather [hbm4b:s2+s21], $0x20, $0x38;
	[tilespmem:$0x10800] =	vst v63  }
0xa0: {  	s24 =	sadd.s32 $0x8980, s23;
	s25 =	sadd.s32 s11, s0  }
0xa1: {  	[tilespmem:s24], [sflag:$0x1] =	stream.strided.gather [hbm4b:s25+s12], $0x0, s13, s12, $0x38;
	[tilespmem:$0x10800] =	vst v63  }
0xa2: {  	_ = 	snop  }
0xa3: {  	[tilespmem:s24], [sflag:$0x1] =	stream.linear.gather [hbm4b:s25+s21], $0x20, $0x38;
	[tilespmem:$0x10800] =	vst v63  }
0xa4: {  	s28 =	sadd.s32 $0xC980, s23;
	s26 =	spop (v2sf);
	s0 =	sadd.s32 s15, s0  }
0xa5: {  	(v2sf) =	vpush v3, $0x9;
	[tilespmem:s28], [sflag:$0x1] =	stream.strided.gather [hbm4b:s0+s12], $0x0, s13, s12, $0x38;
	[tilespmem:$0x10800] =	vst v63  }
0xa6: {  	s2 =	sand.u32 $0x1FFFFFF0, s26  }
0xa7: {  	[tilespmem:s28], [sflag:$0x1] =	stream.linear.gather [hbm4b:s0+s21], $0x20, $0x38;
	[tilespmem:$0x10800] =	vst v63  }
0xa8: {  	s30 =	sadd.s32 $0xA00, s23;
	s29 =	spop (v2sf);
	s2 =	sadd.s32 s3, s2  }
0xa9: {  	(v2sf) =	vpush v2, $0x9;
	[tilespmem:s30], [sflag:$0x1] =	stream.strided.gather [hbm4b:s2+s12], $0x0, s13, s12, $0x38;
	[tilespmem:$0x10800] =	vst v63  }
0xaa: {  	s0 =	sand.u32 $0x1FFFFFF0, s29  }
0xab: {  	[tilespmem:s30], [sflag:$0x1] =	stream.linear.gather [hbm4b:s2+s21], $0x20, $0x38;
	[tilespmem:$0x10800] =	vst v63  }
0xac: {  	s1 =	sadd.s32 $0x4A00, s23;
	s31 =	spop (v2sf);
	s0 =	sadd.s32 s3, s0  }
0xad: {  	(v2sf) =	vpush v63, $0x9;
	[tilespmem:s1], [sflag:$0x1] =	stream.strided.gather [hbm4b:s0+s12], $0x0, s13, s12, $0x38;
	[tilespmem:$0x10800] =	vst v63  }
0xae: {  	s2 =	sand.u32 $0x1FFFFFF0, s31  }
0xaf: {  	[tilespmem:s1], [sflag:$0x1] =	stream.linear.gather [hbm4b:s0+s21], $0x20, $0x38;
	[tilespmem:$0x10800] =	vst v63  }
0xb0: {  	s5 =	sadd.s32 $0x8A00, s23;
	s6 =	sadd.s32 s11, s2  }
0xb1: {  	[tilespmem:s5], [sflag:$0x1] =	stream.strided.gather [hbm4b:s6+s12], $0x0, s13, s12, $0x38;
	[tilespmem:$0x10800] =	vst v63  }
0xb2: {  	_ = 	snop  }
0xb3: {  	[tilespmem:s5], [sflag:$0x1] =	stream.linear.gather [hbm4b:s6+s21], $0x20, $0x38;
	[tilespmem:$0x10800] =	vst v63  }
0xb4: {  	s9 =	sadd.s32 $0xCA00, s23;
	s8 =	spop (v2sf);
	s2 =	sadd.s32 s15, s2  }
0xb5: {  	(v2sf) =	vpush v3, $0xA;
	[tilespmem:s9], [sflag:$0x1] =	stream.strided.gather [hbm4b:s2+s12], $0x0, s13, s12, $0x38;
	[tilespmem:$0x10800] =	vst v63  }
0xb6: {  	s0 =	sand.u32 $0x1FFFFFF0, s8  }
0xb7: {  	[tilespmem:s9], [sflag:$0x1] =	stream.linear.gather [hbm4b:s2+s21], $0x20, $0x38;
	[tilespmem:$0x10800] =	vst v63  }
0xb8: {  	s14 =	sadd.s32 $0xA80, s23;
	s10 =	spop (v2sf);
	s0 =	sadd.s32 s3, s0  }
0xb9: {  	(v2sf) =	vpush v2, $0xA;
	[tilespmem:s14], [sflag:$0x1] =	stream.strided.gather [hbm4b:s0+s12], $0x0, s13, s12, $0x38;
	[tilespmem:$0x10800] =	vst v63  }
0xba: {  	s2 =	sand.u32 $0x1FFFFFF0, s10  }
0xbb: {  	[tilespmem:s14], [sflag:$0x1] =	stream.linear.gather [hbm4b:s0+s21], $0x20, $0x38;
	[tilespmem:$0x10800] =	vst v63  }
0xbc: {  	s17 =	sadd.s32 $0x4A80, s23;
	s16 =	spop (v2sf);
	s2 =	sadd.s32 s3, s2  }
0xbd: {  	(v2sf) =	vpush v63, $0xA;
	[tilespmem:s17], [sflag:$0x1] =	stream.strided.gather [hbm4b:s2+s12], $0x0, s13, s12, $0x38;
	[tilespmem:$0x10800] =	vst v63  }
0xbe: {  	s0 =	sand.u32 $0x1FFFFFF0, s16  }
0xbf: {  	[tilespmem:s17], [sflag:$0x1] =	stream.linear.gather [hbm4b:s2+s21], $0x20, $0x38;
	[tilespmem:$0x10800] =	vst v63  }
0xc0: {  	s18 =	sadd.s32 $0x8A80, s23;
	s19 =	sadd.s32 s11, s0  }
0xc1: {  	[tilespmem:s18], [sflag:$0x1] =	stream.strided.gather [hbm4b:s19+s12], $0x0, s13, s12, $0x38;
	[tilespmem:$0x10800] =	vst v63  }
0xc2: {  	_ = 	snop  }
0xc3: {  	[tilespmem:s18], [sflag:$0x1] =	stream.linear.gather [hbm4b:s19+s21], $0x20, $0x38;
	[tilespmem:$0x10800] =	vst v63  }
0xc4: {  	s22 =	sadd.s32 $0xCA80, s23;
	s20 =	spop (v2sf);
	s0 =	sadd.s32 s15, s0  }
0xc5: {  	(v2sf) =	vpush v3, $0xB;
	[tilespmem:s22], [sflag:$0x1] =	stream.strided.gather [hbm4b:s0+s12], $0x0, s13, s12, $0x38;
	[tilespmem:$0x10800] =	vst v63  }
0xc6: {  	s2 =	sand.u32 $0x1FFFFFF0, s20  }
0xc7: {  	[tilespmem:s22], [sflag:$0x1] =	stream.linear.gather [hbm4b:s0+s21], $0x20, $0x38;
	[tilespmem:$0x10800] =	vst v63  }
0xc8: {  	s25 =	sadd.s32 $0xB00, s23;
	s24 =	spop (v2sf);
	s2 =	sadd.s32 s3, s2  }
0xc9: {  	(v2sf) =	vpush v2, $0xB;
	[tilespmem:s25], [sflag:$0x1] =	stream.strided.gather [hbm4b:s2+s12], $0x0, s13, s12, $0x38;
	[tilespmem:$0x10800] =	vst v63  }
0xca: {  	s0 =	sand.u32 $0x1FFFFFF0, s24  }
0xcb: {  	[tilespmem:s25], [sflag:$0x1] =	stream.linear.gather [hbm4b:s2+s21], $0x20, $0x38;
	[tilespmem:$0x10800] =	vst v63  }
0xcc: {  	s28 =	sadd.s32 $0x4B00, s23;
	s26 =	spop (v2sf);
	s0 =	sadd.s32 s3, s0  }
0xcd: {  	(v2sf) =	vpush v63, $0xB;
	[tilespmem:s28], [sflag:$0x1] =	stream.strided.gather [hbm4b:s0+s12], $0x0, s13, s12, $0x38;
	[tilespmem:$0x10800] =	vst v63  }
0xce: {  	s2 =	sand.u32 $0x1FFFFFF0, s26  }
0xcf: {  	[tilespmem:s28], [sflag:$0x1] =	stream.linear.gather [hbm4b:s0+s21], $0x20, $0x38;
	[tilespmem:$0x10800] =	vst v63  }
0xd0: {  	s29 =	sadd.s32 $0x8B00, s23;
	s30 =	sadd.s32 s11, s2  }
0xd1: {  	[tilespmem:s29], [sflag:$0x1] =	stream.strided.gather [hbm4b:s30+s12], $0x0, s13, s12, $0x38;
	[tilespmem:$0x10800] =	vst v63  }
0xd2: {  	_ = 	snop  }
0xd3: {  	[tilespmem:s29], [sflag:$0x1] =	stream.linear.gather [hbm4b:s30+s21], $0x20, $0x38;
	[tilespmem:$0x10800] =	vst v63  }
0xd4: {  	s1 =	sadd.s32 $0xCB00, s23;
	s31 =	spop (v2sf);
	s2 =	sadd.s32 s15, s2  }
0xd5: {  	(v2sf) =	vpush v3, $0xC;
	[tilespmem:s1], [sflag:$0x1] =	stream.strided.gather [hbm4b:s2+s12], $0x0, s13, s12, $0x38;
	[tilespmem:$0x10800] =	vst v63  }
0xd6: {  	s0 =	sand.u32 $0x1FFFFFF0, s31  }
0xd7: {  	[tilespmem:s1], [sflag:$0x1] =	stream.linear.gather [hbm4b:s2+s21], $0x20, $0x38;
	[tilespmem:$0x10800] =	vst v63  }
0xd8: {  	s6 =	sadd.s32 $0xB80, s23;
	s5 =	spop (v2sf);
	s0 =	sadd.s32 s3, s0  }
0xd9: {  	(v2sf) =	vpush v2, $0xC;
	[tilespmem:s6], [sflag:$0x1] =	stream.strided.gather [hbm4b:s0+s12], $0x0, s13, s12, $0x38;
	[tilespmem:$0x10800] =	vst v63  }
0xda: {  	s2 =	sand.u32 $0x1FFFFFF0, s5  }
0xdb: {  	[tilespmem:s6], [sflag:$0x1] =	stream.linear.gather [hbm4b:s0+s21], $0x20, $0x38;
	[tilespmem:$0x10800] =	vst v63  }
0xdc: {  	s9 =	sadd.s32 $0x4B80, s23;
	s8 =	spop (v2sf);
	s2 =	sadd.s32 s3, s2  }
0xdd: {  	(v2sf) =	vpush v63, $0xC;
	[tilespmem:s9], [sflag:$0x1] =	stream.strided.gather [hbm4b:s2+s12], $0x0, s13, s12, $0x38;
	[tilespmem:$0x10800] =	vst v63  }
0xde: {  	s0 =	sand.u32 $0x1FFFFFF0, s8  }
0xdf: {  	[tilespmem:s9], [sflag:$0x1] =	stream.linear.gather [hbm4b:s2+s21], $0x20, $0x38;
	[tilespmem:$0x10800] =	vst v63  }
0xe0: {  	s10 =	sadd.s32 $0x8B80, s23;
	s14 =	sadd.s32 s11, s0  }
0xe1: {  	[tilespmem:s10], [sflag:$0x1] =	stream.strided.gather [hbm4b:s14+s12], $0x0, s13, s12, $0x38;
	[tilespmem:$0x10800] =	vst v63  }
0xe2: {  	_ = 	snop  }
0xe3: {  	[tilespmem:s10], [sflag:$0x1] =	stream.linear.gather [hbm4b:s14+s21], $0x20, $0x38;
	[tilespmem:$0x10800] =	vst v63  }
0xe4: {  	s17 =	sadd.s32 $0xCB80, s23;
	s16 =	spop (v2sf);
	s0 =	sadd.s32 s15, s0  }
0xe5: {  	(v2sf) =	vpush v3, $0xD;
	[tilespmem:s17], [sflag:$0x1] =	stream.strided.gather [hbm4b:s0+s12], $0x0, s13, s12, $0x38;
	[tilespmem:$0x10800] =	vst v63  }
0xe6: {  	s2 =	sand.u32 $0x1FFFFFF0, s16  }
0xe7: {  	[tilespmem:s17], [sflag:$0x1] =	stream.linear.gather [hbm4b:s0+s21], $0x20, $0x38;
	[tilespmem:$0x10800] =	vst v63  }
0xe8: {  	s19 =	sadd.s32 $0xC00, s23;
	s18 =	spop (v2sf);
	s2 =	sadd.s32 s3, s2  }
0xe9: {  	(v2sf) =	vpush v2, $0xD;
	[tilespmem:s19], [sflag:$0x1] =	stream.strided.gather [hbm4b:s2+s12], $0x0, s13, s12, $0x38;
	[tilespmem:$0x10800] =	vst v63  }
0xea: {  	s0 =	sand.u32 $0x1FFFFFF0, s18  }
0xeb: {  	[tilespmem:s19], [sflag:$0x1] =	stream.linear.gather [hbm4b:s2+s21], $0x20, $0x38;
	[tilespmem:$0x10800] =	vst v63  }
0xec: {  	s22 =	sadd.s32 $0x4C00, s23;
	s20 =	spop (v2sf);
	s0 =	sadd.s32 s3, s0  }
0xed: {  	(v2sf) =	vpush v63, $0xD;
	[tilespmem:s22], [sflag:$0x1] =	stream.strided.gather [hbm4b:s0+s12], $0x0, s13, s12, $0x38;
	[tilespmem:$0x10800] =	vst v63  }
0xee: {  	s2 =	sand.u32 $0x1FFFFFF0, s20  }
0xef: {  	[tilespmem:s22], [sflag:$0x1] =	stream.linear.gather [hbm4b:s0+s21], $0x20, $0x38;
	[tilespmem:$0x10800] =	vst v63  }
0xf0: {  	s24 =	sadd.s32 $0x8C00, s23;
	s25 =	sadd.s32 s11, s2  }
0xf1: {  	[tilespmem:s24], [sflag:$0x1] =	stream.strided.gather [hbm4b:s25+s12], $0x0, s13, s12, $0x38;
	[tilespmem:$0x10800] =	vst v63  }
0xf2: {  	_ = 	snop  }
0xf3: {  	[tilespmem:s24], [sflag:$0x1] =	stream.linear.gather [hbm4b:s25+s21], $0x20, $0x38;
	[tilespmem:$0x10800] =	vst v63  }
0xf4: {  	s28 =	sadd.s32 $0xCC00, s23;
	s26 =	spop (v2sf);
	s2 =	sadd.s32 s15, s2  }
0xf5: {  	(v2sf) =	vpush v3, $0xE;
	[tilespmem:s28], [sflag:$0x1] =	stream.strided.gather [hbm4b:s2+s12], $0x0, s13, s12, $0x38;
	[tilespmem:$0x10800] =	vst v63  }
0xf6: {  	s0 =	sand.u32 $0x1FFFFFF0, s26  }
0xf7: {  	[tilespmem:s28], [sflag:$0x1] =	stream.linear.gather [hbm4b:s2+s21], $0x20, $0x38;
	[tilespmem:$0x10800] =	vst v63  }
0xf8: {  	s30 =	sadd.s32 $0xC80, s23;
	s29 =	spop (v2sf);
	s0 =	sadd.s32 s3, s0  }
0xf9: {  	(v2sf) =	vpush v2, $0xE;
	[tilespmem:s30], [sflag:$0x1] =	stream.strided.gather [hbm4b:s0+s12], $0x0, s13, s12, $0x38;
	[tilespmem:$0x10800] =	vst v63  }
0xfa: {  	s2 =	sand.u32 $0x1FFFFFF0, s29  }
0xfb: {  	[tilespmem:s30], [sflag:$0x1] =	stream.linear.gather [hbm4b:s0+s21], $0x20, $0x38;
	[tilespmem:$0x10800] =	vst v63  }
0xfc: {  	s1 =	sadd.s32 $0x4C80, s23;
	s31 =	spop (v2sf);
	s2 =	sadd.s32 s3, s2  }
0xfd: {  	(v2sf) =	vpush v63, $0xE;
	[tilespmem:s1], [sflag:$0x1] =	stream.strided.gather [hbm4b:s2+s12], $0x0, s13, s12, $0x38;
	[tilespmem:$0x10800] =	vst v63  }
0xfe: {  	s0 =	sand.u32 $0x1FFFFFF0, s31  }
0xff: {  	[tilespmem:s1], [sflag:$0x1] =	stream.linear.gather [hbm4b:s2+s21], $0x20, $0x38;
	[tilespmem:$0x10800] =	vst v63  }
0x100: {  	s5 =	sadd.s32 $0x8C80, s23;
	s6 =	sadd.s32 s11, s0  }
0x101: {  	[tilespmem:s5], [sflag:$0x1] =	stream.strided.gather [hbm4b:s6+s12], $0x0, s13, s12, $0x38;
	[tilespmem:$0x10800] =	vst v63  }
0x102: {  	_ = 	snop  }
0x103: {  	[tilespmem:s5], [sflag:$0x1] =	stream.linear.gather [hbm4b:s6+s21], $0x20, $0x38;
	[tilespmem:$0x10800] =	vst v63  }
0x104: {  	s9 =	sadd.s32 $0xCC80, s23;
	s8 =	spop (v2sf);
	s0 =	sadd.s32 s15, s0  }
0x105: {  	(v2sf) =	vpush v3, $0xF;
	[tilespmem:s9], [sflag:$0x1] =	stream.strided.gather [hbm4b:s0+s12], $0x0, s13, s12, $0x38;
	[tilespmem:$0x10800] =	vst v63  }
0x106: {  	s2 =	sand.u32 $0x1FFFFFF0, s8  }
0x107: {  	[tilespmem:s9], [sflag:$0x1] =	stream.linear.gather [hbm4b:s0+s21], $0x20, $0x38;
	[tilespmem:$0x10800] =	vst v63  }
0x108: {  	s14 =	sadd.s32 $0xD00, s23;
	s10 =	spop (v2sf);
	s2 =	sadd.s32 s3, s2  }
0x109: {  	(v2sf) =	vpush v2, $0xF;
	[tilespmem:s14], [sflag:$0x1] =	stream.strided.gather [hbm4b:s2+s12], $0x0, s13, s12, $0x38;
	[tilespmem:$0x10800] =	vst v63  }
0x10a: {  	s0 =	sand.u32 $0x1FFFFFF0, s10  }
0x10b: {  	[tilespmem:s14], [sflag:$0x1] =	stream.linear.gather [hbm4b:s2+s21], $0x20, $0x38;
	[tilespmem:$0x10800] =	vst v63  }
0x10c: {  	s17 =	sadd.s32 $0x4D00, s23;
	s16 =	spop (v2sf);
	s0 =	sadd.s32 s3, s0  }
0x10d: {  	(v2sf) =	vpush v63, $0xF;
	[tilespmem:s17], [sflag:$0x1] =	stream.strided.gather [hbm4b:s0+s12], $0x0, s13, s12, $0x38;
	[tilespmem:$0x10800] =	vst v63  }
0x10e: {  	s2 =	sand.u32 $0x1FFFFFF0, s16  }
0x10f: {  	[tilespmem:s17], [sflag:$0x1] =	stream.linear.gather [hbm4b:s0+s21], $0x20, $0x38;
	[tilespmem:$0x10800] =	vst v63  }
0x110: {  	s18 =	sadd.s32 $0x8D00, s23;
	s19 =	sadd.s32 s11, s2  }
0x111: {  	[tilespmem:s18], [sflag:$0x1] =	stream.strided.gather [hbm4b:s19+s12], $0x0, s13, s12, $0x38;
	[tilespmem:$0x10800] =	vst v63  }
0x112: {  	_ = 	snop  }
0x113: {  	[tilespmem:s18], [sflag:$0x1] =	stream.linear.gather [hbm4b:s19+s21], $0x20, $0x38;
	[tilespmem:$0x10800] =	vst v63  }
0x114: {  	s22 =	sadd.s32 $0xCD00, s23;
	s20 =	spop (v2sf);
	s2 =	sadd.s32 s15, s2  }
0x115: {  	[tilespmem:s22], [sflag:$0x1] =	stream.strided.gather [hbm4b:s2+s12], $0x0, s13, s12, $0x38;
	[tilespmem:$0x10800] =	vst v63  }
0x116: {  	s0 =	sand.u32 $0x1FFFFFF0, s20  }
0x117: {  	[tilespmem:s22], [sflag:$0x1] =	stream.linear.gather [hbm4b:s2+s21], $0x20, $0x38;
	[tilespmem:$0x10800] =	vst v63  }
0x118: {  	s25 =	sadd.s32 $0xD80, s23;
	s24 =	spop (v2sf);
	s0 =	sadd.s32 s3, s0  }
0x119: {  	[tilespmem:s25], [sflag:$0x1] =	stream.strided.gather [hbm4b:s0+s12], $0x0, s13, s12, $0x38;
	[tilespmem:$0x10800] =	vst v63  }
0x11a: {  	s2 =	sand.u32 $0x1FFFFFF0, s24  }
0x11b: {  	[tilespmem:s25], [sflag:$0x1] =	stream.linear.gather [hbm4b:s0+s21], $0x20, $0x38;
	[tilespmem:$0x10800] =	vst v63  }
0x11c: {  	s28 =	sadd.s32 $0x4D80, s23;
	s26 =	spop (v2sf);
	s2 =	sadd.s32 s3, s2  }
0x11d: {  	[tilespmem:s28], [sflag:$0x1] =	stream.strided.gather [hbm4b:s2+s12], $0x0, s13, s12, $0x38;
	[tilespmem:$0x10800] =	vst v63  }
0x11e: {  	s30 =	sadd.s32 $0x8D80, s23;
	s1 =	simm.s32 $0x800;
	s29 =	sand.u32 $0x1FFFFFF0, s26  }
0x11f: {  	[tilespmem:s28], [sflag:$0x1] =	stream.linear.gather [hbm4b:s2+s21], $0x20, $0x38;
	[tilespmem:$0x10800] =	vst v63  }
0x120: {  	s8 =	simm.s32 $0x400;
	s5 =	simm.s32 $0x4;
	s31 =	sadd.s32 s11, s29  }
0x121: {  	[tilespmem:s30], [sflag:$0x1] =	stream.strided.gather [hbm4b:s31+s12], $0x0, s13, s12, $0x38;
	[tilespmem:$0x10800] =	vst v63  }
0x122: {  	s6 =	simm.s32 $0x0;
	s0 =	sadd.s32 $0xCD80, s23;
	s2 =	sadd.s32 s15, s29  }
0x123: {  	[tilespmem:s30], [sflag:$0x1] =	stream.linear.gather [hbm4b:s31+s21], $0x20, $0x38;
	[tilespmem:$0x10800] =	vst v63  }
.LBB2_2:
0x124: {  	[tilespmem:s0], [sflag:$0x1] =	stream.strided.gather [hbm4b:s2+s12], $0x0, s13, s12, $0x38;
	[tilespmem:$0x10800] =	vst v63  }
0x125: {  	s6 =	sadd.s32 $0x10, s6  }
0x126: {  	[tilespmem:s0], [sflag:$0x1] =	stream.linear.gather [hbm4b:s2+s21], $0x20, $0x38;
	[tilespmem:$0x10800] =	vst v63  }
0x127: {  	v0 =	vld [tilespmem:s6+$0x0]  }
0x128: {  	s7 =	sadd.s32 $0x10, s7  }
0x129: {  	v1 =	vld [tilespmem:s7+$0x0];
	_ =	sdelay $0x2  }
0x12a: {  	s8 =	sadd.s32 $0x10, s8;
	v3 =	vshll.u32 v0, $0x4  }
0x12b: {  	v62 =	vld [tilespmem:s8+$0x0];
	(v2sf) =	vpush v3, $0x0  }
0x12c: {  	v2 =	vshll.u32 v1, $0x4;
	(v2sf) =	vpush v3, $0x1  }
0x12d: {  	(v2sf) =	vpush v2, $0x0;
	_ =	sdelay $0x1  }
0x12e: {  	(v2sf) =	vpush v2, $0x1  }
0x12f: {  	v63 =	vshll.u32 v62, $0x4  }
0x130: {  	(v2sf) =	vpush v63, $0x0;
	_ =	sdelay $0x3  }
0x131: {  	(v2sf) =	vpush v63, $0x1;
	_ =	sdelay $0x1  }
0x132: {  	[dreg:$0x8] =	wrdreg s5  }
0x133: {  	p0 =	sne.s32 s1, $0xF800;
	s4 =	smov.u32 s1;
	[dreg:$0x9] =	wrdreg s6  }
0x134: {  	s26 =	sadd.s32 $0x800, s1;
	s28 =	sand.u32 $0x60, s5;
	[dreg:$0x6] =	wrdreg s7;
	(v2sf) =	vpush v3, $0x2  }
0x135: {  	[dreg:$0x7] =	wrdreg s26;
	s29 =	sand.u32 $0x3800, s4;
	s30 =	spop (v2sf)  }
0x136: {  	s26 =	sor.u32 s28, s29;
	(v2sf) =	vpush v2, $0x2;
	s31 =	sand.u32 $0x1FFFFFF0, s30;
	s1 =	spop (v2sf)  }
0x137: {  	s6 =	sor.u32 $0x600, s26;
	s0 =	sadd.s32 s3, s31;
	s7 =	spop (v2sf)  }
0x138: {  	[tilespmem:s6], [sflag:$0x1] =	stream.strided.gather [hbm4b:s0+s12], $0x0, s13, s12, $0x38;
	[tilespmem:$0x10800] =	vst v63  }
0x139: {  	[dreg:$0xa] =	wrdreg s8;
	s5 =	sand.u32 $0x1FFFFFF0, s7;
	s10 =	spop (v2sf)  }
0x13a: {  	[tilespmem:s6], [sflag:$0x1] =	stream.linear.gather [hbm4b:s0+s21], $0x20, $0x38;
	[tilespmem:$0x10800] =	vst v63  }
0x13b: {  	s8 =	sor.u32 $0x4600, s26;
	s14 =	sadd.s32 s3, s5;
	s17 =	spop (v2sf)  }
0x13c: {  	(v2sf) =	vpush v63, $0x2;
	[tilespmem:s8], [sflag:$0x1] =	stream.strided.gather [hbm4b:s14+s12], $0x0, s13, s12, $0x38;
	[tilespmem:$0x10800] =	vst v63  }
0x13d: {  	s5 =	sand.u32 $0x1FFFFFF0, s17  }
0x13e: {  	[tilespmem:s8], [sflag:$0x1] =	stream.linear.gather [hbm4b:s14+s21], $0x20, $0x38;
	[tilespmem:$0x10800] =	vst v63  }
0x13f: {  	s19 =	sor.u32 $0x8600, s26;
	s18 =	spop (v2sf);
	s9 =	sadd.s32 s11, s5  }
0x140: {  	(v2sf) =	vpush v3, $0x3;
	[tilespmem:s19], [sflag:$0x1] =	stream.strided.gather [hbm4b:s9+s12], $0x0, s13, s12, $0x38;
	[tilespmem:$0x10800] =	vst v63  }
0x141: {  	_ = 	snop  }
0x142: {  	[tilespmem:s19], [sflag:$0x1] =	stream.linear.gather [hbm4b:s9+s21], $0x20, $0x38;
	[tilespmem:$0x10800] =	vst v63  }
0x143: {  	s22 =	sor.u32 $0xC600, s26;
	s20 =	spop (v2sf);
	s5 =	sadd.s32 s15, s5  }
0x144: {  	(v2sf) =	vpush v2, $0x3;
	[tilespmem:s22], [sflag:$0x1] =	stream.strided.gather [hbm4b:s5+s12], $0x0, s13, s12, $0x38;
	[tilespmem:$0x10800] =	vst v63  }
0x145: {  	s2 =	sand.u32 $0x1FFFFFF0, s1;
	s23 =	spop (v2sf)  }
0x146: {  	(v2sf) =	vpush v63, $0x3;
	[tilespmem:s22], [sflag:$0x1] =	stream.linear.gather [hbm4b:s5+s21], $0x20, $0x38;
	[tilespmem:$0x10800] =	vst v63  }
0x147: {  	s24 =	sor.u32 $0x680, s26;
	s2 =	sadd.s32 s3, s2  }
0x148: {  	[tilespmem:s24], [sflag:$0x1] =	stream.strided.gather [hbm4b:s2+s12], $0x0, s13, s12, $0x38;
	[tilespmem:$0x10800] =	vst v63  }
0x149: {  	s16 =	sand.u32 $0x1FFFFFF0, s10  }
0x14a: {  	[tilespmem:s24], [sflag:$0x1] =	stream.linear.gather [hbm4b:s2+s21], $0x20, $0x38;
	[tilespmem:$0x10800] =	vst v63  }
0x14b: {  	s10 =	sor.u32 $0x4680, s26;
	s28 =	sadd.s32 s3, s16;
	s25 =	spop (v2sf)  }
0x14c: {  	(v2sf) =	vpush v3, $0x4;
	[tilespmem:s10], [sflag:$0x1] =	stream.strided.gather [hbm4b:s28+s12], $0x0, s13, s12, $0x38;
	[tilespmem:$0x10800] =	vst v63  }
0x14d: {  	s7 =	sand.u32 $0x1FFFFFF0, s18;
	s22 =	smov.u32 s11  }
0x14e: {  	[tilespmem:s10], [sflag:$0x1] =	stream.linear.gather [hbm4b:s28+s21], $0x20, $0x38;
	[tilespmem:$0x10800] =	vst v63  }
0x14f: {  	s31 =	sor.u32 $0x8680, s26;
	s14 =	sadd.s32 s22, s7;
	s30 =	spop (v2sf)  }
0x150: {  	(v2sf) =	vpush v2, $0x4;
	[tilespmem:s31], [sflag:$0x1] =	stream.strided.gather [hbm4b:s14+s12], $0x0, s13, s12, $0x38;
	[tilespmem:$0x10800] =	vst v63  }
0x151: {  	_ = 	snop  }
0x152: {  	(v2sf) =	vpush v63, $0x4;
	[tilespmem:s31], [sflag:$0x1] =	stream.linear.gather [hbm4b:s14+s21], $0x20, $0x38;
	[tilespmem:$0x10800] =	vst v63  }
0x153: {  	s11 =	sor.u32 $0xC680, s26;
	s7 =	sadd.s32 s15, s7;
	s10 =	spop (v2sf)  }
0x154: {  	(v2sf) =	vpush v3, $0x5;
	[tilespmem:s11], [sflag:$0x1] =	stream.strided.gather [hbm4b:s7+s12], $0x0, s13, s12, $0x38;
	[tilespmem:$0x10800] =	vst v63  }
0x155: {  	s0 =	sand.u32 $0x1FFFFFF0, s20;
	s14 =	spop (v2sf)  }
0x156: {  	(v2sf) =	vpush v2, $0x5;
	[tilespmem:s11], [sflag:$0x1] =	stream.linear.gather [hbm4b:s7+s21], $0x20, $0x38;
	[tilespmem:$0x10800] =	vst v63  }
0x157: {  	s1 =	smov.u32 s15;
	s16 =	sadd.s32 s3, s0;
	s15 =	sor.u32 $0x700, s26  }
0x158: {  	(v2sf) =	vpush v63, $0x5;
	[tilespmem:s15], [sflag:$0x1] =	stream.strided.gather [hbm4b:s16+s12], $0x0, s13, s12, $0x38;
	[tilespmem:$0x10800] =	vst v63  }
0x159: {  	s8 =	sand.u32 $0x1FFFFFF0, s23  }
0x15a: {  	[tilespmem:s15], [sflag:$0x1] =	stream.linear.gather [hbm4b:s16+s21], $0x20, $0x38;
	[tilespmem:$0x10800] =	vst v63  }
0x15b: {  	s18 =	sor.u32 $0x4700, s26;
	s8 =	sadd.s32 s3, s8;
	s17 =	spop (v2sf)  }
0x15c: {  	(v2sf) =	vpush v3, $0x6;
	[tilespmem:s18], [sflag:$0x1] =	stream.strided.gather [hbm4b:s8+s12], $0x0, s13, s12, $0x38;
	[tilespmem:$0x10800] =	vst v63  }
0x15d: {  	s29 =	sand.u32 $0x1FFFFFF0, s25  }
0x15e: {  	[tilespmem:s18], [sflag:$0x1] =	stream.linear.gather [hbm4b:s8+s21], $0x20, $0x38;
	[tilespmem:$0x10800] =	vst v63  }
0x15f: {  	s20 =	sor.u32 $0x8700, s26;
	s23 =	sadd.s32 s22, s29;
	s19 =	spop (v2sf)  }
0x160: {  	(v2sf) =	vpush v2, $0x6;
	[tilespmem:s20], [sflag:$0x1] =	stream.strided.gather [hbm4b:s23+s12], $0x0, s13, s12, $0x38;
	[tilespmem:$0x10800] =	vst v63  }
0x161: {  	s29 =	sadd.s32 s1, s29;
	s24 =	spop (v2sf)  }
0x162: {  	(v2sf) =	vpush v63, $0x6;
	[tilespmem:s20], [sflag:$0x1] =	stream.linear.gather [hbm4b:s23+s21], $0x20, $0x38;
	[tilespmem:$0x10800] =	vst v63  }
0x163: {  	s6 =	sand.u32 $0x1FFFFFF0, s30;
	s28 =	sor.u32 $0xC700, s26;
	s25 =	spop (v2sf)  }
0x164: {  	(v2sf) =	vpush v3, $0x7;
	[tilespmem:s28], [sflag:$0x1] =	stream.strided.gather [hbm4b:s29+s12], $0x0, s13, s12, $0x38;
	[tilespmem:$0x10800] =	vst v63  }
0x165: {  	s6 =	sadd.s32 s3, s6;
	s30 =	spop (v2sf)  }
0x166: {  	(v2sf) =	vpush v2, $0x7;
	[tilespmem:s28], [sflag:$0x1] =	stream.linear.gather [hbm4b:s29+s21], $0x20, $0x38;
	[tilespmem:$0x10800] =	vst v63  }
0x167: {  	s5 =	sand.u32 $0x1FFFFFF0, s10;
	s31 =	sor.u32 $0x780, s26;
	s16 =	spop (v2sf)  }
0x168: {  	(v2sf) =	vpush v63, $0x7;
	[tilespmem:s31], [sflag:$0x1] =	stream.strided.gather [hbm4b:s6+s12], $0x0, s13, s12, $0x38;
	[tilespmem:$0x10800] =	vst v63  }
0x169: {  	s0 =	sand.u32 $0x1FFFFFF0, s14;
	s2 =	sand.u32 $0x1FFFFFF0, s17;
	s14 =	sand.u32 $0x1FFFFFF0, s19  }
0x16a: {  	[tilespmem:s31], [sflag:$0x1] =	stream.linear.gather [hbm4b:s6+s21], $0x20, $0x38;
	[tilespmem:$0x10800] =	vst v63  }
0x16b: {  	s19 =	sadd.s32 s3, s5;
	s18 =	sor.u32 $0x4780, s26;
	s17 =	spop (v2sf)  }
0x16c: {  	(v2sf) =	vpush v3, $0x8;
	[tilespmem:s18], [sflag:$0x1] =	stream.strided.gather [hbm4b:s19+s12], $0x0, s13, s12, $0x38;
	[tilespmem:$0x10800] =	vst v63  }
0x16d: {  	s11 =	sand.u32 $0x1FFFFFF0, s24;
	s24 =	sor.u32 $0x8780, s26  }
0x16e: {  	[tilespmem:s18], [sflag:$0x1] =	stream.linear.gather [hbm4b:s19+s21], $0x20, $0x38;
	[tilespmem:$0x10800] =	vst v63  }
0x16f: {  	s23 =	sand.u32 $0x1FFFFFF0, s17;
	s17 =	sadd.s32 s22, s0;
	s20 =	spop (v2sf)  }
0x170: {  	(v2sf) =	vpush v2, $0x8;
	[tilespmem:s24], [sflag:$0x1] =	stream.strided.gather [hbm4b:s17+s12], $0x0, s13, s12, $0x38;
	[tilespmem:$0x10800] =	vst v63  }
0x171: {  	s4 =	sand.u32 $0x1FFFFFF0, s25;
	s25 =	spop (v2sf)  }
0x172: {  	(v2sf) =	vpush v63, $0x8;
	[tilespmem:s24], [sflag:$0x1] =	stream.linear.gather [hbm4b:s17+s21], $0x20, $0x38;
	[tilespmem:$0x10800] =	vst v63  }
0x173: {  	s29 =	sor.u32 $0xC780, s26;
	s0 =	sadd.s32 s1, s0;
	s28 =	spop (v2sf)  }
0x174: {  	(v2sf) =	vpush v3, $0x9;
	[tilespmem:s29], [sflag:$0x1] =	stream.strided.gather [hbm4b:s0+s12], $0x0, s13, s12, $0x38;
	[tilespmem:$0x10800] =	vst v63  }
0x175: {  	s10 =	sand.u32 $0x1FFFFFF0, s30;
	s30 =	spop (v2sf)  }
0x176: {  	(v2sf) =	vpush v2, $0x9;
	[tilespmem:s29], [sflag:$0x1] =	stream.linear.gather [hbm4b:s0+s21], $0x20, $0x38;
	[tilespmem:$0x10800] =	vst v63  }
0x177: {  	s31 =	sadd.s32 $0x800, s26;
	s18 =	sadd.s32 s3, s2;
	s5 =	spop (v2sf)  }
0x178: {  	(v2sf) =	vpush v63, $0x9;
	[tilespmem:s31], [sflag:$0x1] =	stream.strided.gather [hbm4b:s18+s12], $0x0, s13, s12, $0x38;
	[tilespmem:$0x10800] =	vst v63  }
0x179: {  	s14 =	sadd.s32 s3, s14;
	s9 =	sand.u32 $0x1FFFFFF0, s16;
	s16 =	sadd.s32 $0x4800, s26  }
0x17a: {  	[tilespmem:s31], [sflag:$0x1] =	stream.linear.gather [hbm4b:s18+s21], $0x20, $0x38;
	[tilespmem:$0x10800] =	vst v63  }
0x17b: {  	s7 =	sand.u32 $0x1FFFFFF0, s25;
	s25 =	sadd.s32 s22, s11;
	s15 =	spop (v2sf)  }
0x17c: {  	(v2sf) =	vpush v3, $0xA;
	[tilespmem:s16], [sflag:$0x1] =	stream.strided.gather [hbm4b:s14+s12], $0x0, s13, s12, $0x38;
	[tilespmem:$0x10800] =	vst v63  }
0x17d: {  	s11 =	sadd.s32 s1, s11;
	s6 =	sand.u32 $0x1FFFFFF0, s20;
	s8 =	sand.u32 $0x1FFFFFF0, s28  }
0x17e: {  	[tilespmem:s16], [sflag:$0x1] =	stream.linear.gather [hbm4b:s14+s21], $0x20, $0x38;
	[tilespmem:$0x10800] =	vst v63  }
0x17f: {  	s19 =	sand.u32 $0x1FFFFFF0, s30;
	s24 =	sadd.s32 $0x8800, s26;
	s20 =	spop (v2sf)  }
0x180: {  	(v2sf) =	vpush v2, $0xA;
	[tilespmem:s24], [sflag:$0x1] =	stream.strided.gather [hbm4b:s25+s12], $0x0, s13, s12, $0x38;
	[tilespmem:$0x10800] =	vst v63  }
0x181: {  	s28 =	sand.u32 $0x1FFFFFF0, s5;
	s0 =	sand.u32 $0x1FFFFFF0, s15;
	s29 =	spop (v2sf)  }
0x182: {  	(v2sf) =	vpush v63, $0xA;
	[tilespmem:s24], [sflag:$0x1] =	stream.linear.gather [hbm4b:s25+s21], $0x20, $0x38;
	[tilespmem:$0x10800] =	vst v63  }
0x183: {  	s2 =	sand.u32 $0x1FFFFFF0, s20;
	s20 =	sadd.s32 $0xC800, s26;
	s30 =	spop (v2sf)  }
0x184: {  	(v2sf) =	vpush v3, $0xB;
	[tilespmem:s20], [sflag:$0x1] =	stream.strided.gather [hbm4b:s11+s12], $0x0, s13, s12, $0x38;
	[tilespmem:$0x10800] =	vst v63  }
0x185: {  	[dreg:$0xe] =	wrdreg s0;
	s0 =	sadd.s32 $0x880, s26;
	s31 =	spop (v2sf)  }
0x186: {  	(v2sf) =	vpush v2, $0xB;
	[tilespmem:s20], [sflag:$0x1] =	stream.linear.gather [hbm4b:s11+s21], $0x20, $0x38;
	[tilespmem:$0x10800] =	vst v63  }
0x187: {  	s15 =	sand.u32 $0x1FFFFFF0, s29;
	s29 =	sadd.s32 s3, s4;
	s5 =	spop (v2sf)  }
0x188: {  	(v2sf) =	vpush v63, $0xB;
	[tilespmem:s0], [sflag:$0x1] =	stream.strided.gather [hbm4b:s29+s12], $0x0, s13, s12, $0x38;
	[tilespmem:$0x10800] =	vst v63  }
0x189: {  	_ = 	snop  }
0x18a: {  	[tilespmem:s0], [sflag:$0x1] =	stream.linear.gather [hbm4b:s29+s21], $0x20, $0x38;
	[tilespmem:$0x10800] =	vst v63  }
0x18b: {  	s10 =	sadd.s32 s3, s10;
	s14 =	spop (v2sf);
	s20 =	sadd.s32 $0x4880, s26  }
0x18c: {  	(v2sf) =	vpush v3, $0xC;
	[tilespmem:s20], [sflag:$0x1] =	stream.strided.gather [hbm4b:s10+s12], $0x0, s13, s12, $0x38;
	[tilespmem:$0x10800] =	vst v63  }
0x18d: {  	s18 =	sand.u32 $0x1FFFFFF0, s31  }
0x18e: {  	[tilespmem:s20], [sflag:$0x1] =	stream.linear.gather [hbm4b:s10+s21], $0x20, $0x38;
	[tilespmem:$0x10800] =	vst v63  }
0x18f: {  	s31 =	sadd.s32 s22, s9;
	s25 =	sadd.s32 $0x8880, s26;
	s24 =	spop (v2sf)  }
0x190: {  	(v2sf) =	vpush v2, $0xC;
	[tilespmem:s25], [sflag:$0x1] =	stream.strided.gather [hbm4b:s31+s12], $0x0, s13, s12, $0x38;
	[tilespmem:$0x10800] =	vst v63  }
0x191: {  	s16 =	sand.u32 $0x1FFFFFF0, s30;
	s9 =	sadd.s32 s1, s9;
	s30 =	spop (v2sf)  }
0x192: {  	(v2sf) =	vpush v63, $0xC;
	[tilespmem:s25], [sflag:$0x1] =	stream.linear.gather [hbm4b:s31+s21], $0x20, $0x38;
	[tilespmem:$0x10800] =	vst v63  }
0x193: {  	s11 =	sand.u32 $0x1FFFFFF0, s30;
	s30 =	sadd.s32 $0xC880, s26;
	s0 =	spop (v2sf)  }
0x194: {  	(v2sf) =	vpush v3, $0xD;
	[tilespmem:s30], [sflag:$0x1] =	stream.strided.gather [hbm4b:s9+s12], $0x0, s13, s12, $0x38;
	[tilespmem:$0x10800] =	vst v63  }
0x195: {  	s17 =	sand.u32 $0x1FFFFFF0, s24;
	s20 =	spop (v2sf)  }
0x196: {  	(v2sf) =	vpush v2, $0xD;
	[tilespmem:s30], [sflag:$0x1] =	stream.linear.gather [hbm4b:s9+s21], $0x20, $0x38;
	[tilespmem:$0x10800] =	vst v63  }
0x197: {  	s24 =	sadd.s32 $0x900, s26;
	s25 =	sadd.s32 s3, s23;
	s31 =	spop (v2sf)  }
0x198: {  	(v2sf) =	vpush v63, $0xD;
	[tilespmem:s24], [sflag:$0x1] =	stream.strided.gather [hbm4b:s25+s12], $0x0, s13, s12, $0x38;
	[tilespmem:$0x10800] =	vst v63  }
0x199: {  	s6 =	sadd.s32 s3, s6;
	s4 =	sand.u32 $0x1FFFFFF0, s14  }
0x19a: {  	[tilespmem:s24], [sflag:$0x1] =	stream.linear.gather [hbm4b:s25+s21], $0x20, $0x38;
	[tilespmem:$0x10800] =	vst v63  }
0x19b: {  	s14 =	sand.u32 $0x1FFFFFF0, s0;
	s23 =	sadd.s32 $0x4900, s26;
	s0 =	spop (v2sf)  }
0x19c: {  	(v2sf) =	vpush v3, $0xE;
	[tilespmem:s23], [sflag:$0x1] =	stream.strided.gather [hbm4b:s6+s12], $0x0, s13, s12, $0x38;
	[tilespmem:$0x10800] =	vst v63  }
0x19d: {  	s29 =	sadd.s32 $0x8900, s26;
	[dreg:$0xd] =	wrdreg s14  }
0x19e: {  	[tilespmem:s23], [sflag:$0x1] =	stream.linear.gather [hbm4b:s6+s21], $0x20, $0x38;
	[tilespmem:$0x10800] =	vst v63  }
0x19f: {  	s10 =	sand.u32 $0x1FFFFFF0, s0;
	s0 =	sadd.s32 s22, s7;
	s25 =	spop (v2sf)  }
0x1a0: {  	[tilespmem:s29], [sflag:$0x1] =	stream.strided.gather [hbm4b:s0+s12], $0x0, s13, s12, $0x38;
	[tilespmem:$0x10800] =	vst v63  }
0x1a1: {  	s14 =	sand.u32 $0x1FFFFFF0, s20;
	s7 =	sadd.s32 s1, s7;
	s24 =	spop (v2sf)  }
0x1a2: {  	[tilespmem:s29], [sflag:$0x1] =	stream.linear.gather [hbm4b:s0+s21], $0x20, $0x38;
	[tilespmem:$0x10800] =	vst v63  }
0x1a3: {  	s30 =	sadd.s32 $0xC900, s26;
	s20 =	sand.u32 $0x1FFFFFF0, s25;
	s25 =	spop (v2sf)  }
0x1a4: {  	[tilespmem:s30], [sflag:$0x1] =	stream.strided.gather [hbm4b:s7+s12], $0x0, s13, s12, $0x38;
	[tilespmem:$0x10800] =	vst v63  }
0x1a5: {  	s8 =	sadd.s32 s3, s8;
	s6 =	sand.u32 $0x1FFFFFF0, s24;
	s0 =	spop (v2sf)  }
0x1a6: {  	[tilespmem:s30], [sflag:$0x1] =	stream.linear.gather [hbm4b:s7+s21], $0x20, $0x38;
	[tilespmem:$0x10800] =	vst v63  }
0x1a7: {  	s23 =	sand.u32 $0x1FFFFFF0, s25;
	s24 =	sadd.s32 $0x980, s26;
	s25 =	spop (v2sf)  }
0x1a8: {  	(v2sf) =	vpush v2, $0xE;
	[tilespmem:s24], [sflag:$0x1] =	stream.strided.gather [hbm4b:s8+s12], $0x0, s13, s12, $0x38;
	[tilespmem:$0x10800] =	vst v63  }
0x1a9: {  	s19 =	sadd.s32 s3, s19;
	s9 =	sand.u32 $0x1FFFFFF0, s31;
	s31 =	sand.u32 $0x1FFFFFF0, s25  }
0x1aa: {  	(v2sf) =	vpush v63, $0xE;
	[tilespmem:s24], [sflag:$0x1] =	stream.linear.gather [hbm4b:s8+s21], $0x20, $0x38;
	[tilespmem:$0x10800] =	vst v63  }
0x1ab: {  	s25 =	sadd.s32 $0x4980, s26;
	s7 =	sand.u32 $0x1FFFFFF0, s0;
	s0 =	spop (v2sf)  }
0x1ac: {  	(v2sf) =	vpush v3, $0xF;
	[tilespmem:s25], [sflag:$0x1] =	stream.strided.gather [hbm4b:s19+s12], $0x0, s13, s12, $0x38;
	[tilespmem:$0x10800] =	vst v63  }
0x1ad: {  	s30 =	sand.u32 $0x1FFFFFF0, s0  }
0x1ae: {  	[tilespmem:s25], [sflag:$0x1] =	stream.linear.gather [hbm4b:s19+s21], $0x20, $0x38;
	[tilespmem:$0x10800] =	vst v63  }
0x1af: {  	s0 =	sadd.s32 $0x8980, s26;
	[dreg:$0xc] =	wrdreg s30;
	s30 =	sadd.s32 s22, s28  }
0x1b0: {  	[tilespmem:s0], [sflag:$0x1] =	stream.strided.gather [hbm4b:s30+s12], $0x0, s13, s12, $0x38;
	[tilespmem:$0x10800] =	vst v63  }
0x1b1: {  	_ = 	snop  }
0x1b2: {  	[tilespmem:s0], [sflag:$0x1] =	stream.linear.gather [hbm4b:s30+s21], $0x20, $0x38;
	[tilespmem:$0x10800] =	vst v63  }
0x1b3: {  	s28 =	sadd.s32 s1, s28;
	s25 =	sadd.s32 $0xC980, s26  }
0x1b4: {  	[tilespmem:s25], [sflag:$0x1] =	stream.strided.gather [hbm4b:s28+s12], $0x0, s13, s12, $0x38;
	[tilespmem:$0x10800] =	vst v63  }
0x1b5: {  	s30 =	rddreg [dreg:$0xe]  }
0x1b6: {  	[tilespmem:s25], [sflag:$0x1] =	stream.linear.gather [hbm4b:s28+s21], $0x20, $0x38;
	[tilespmem:$0x10800] =	vst v63  }
0x1b7: {  	s29 =	spop (v2sf);
	s19 =	sadd.s32 $0xA00, s26;
	s24 =	sadd.s32 s3, s30  }
0x1b8: {  	[tilespmem:s19], [sflag:$0x1] =	stream.strided.gather [hbm4b:s24+s12], $0x0, s13, s12, $0x38;
	[tilespmem:$0x10800] =	vst v63  }
0x1b9: {  	s8 =	sand.u32 $0x1FFFFFF0, s29;
	s29 =	spop (v2sf)  }
0x1ba: {  	[tilespmem:s19], [sflag:$0x1] =	stream.linear.gather [hbm4b:s24+s21], $0x20, $0x38;
	[tilespmem:$0x10800] =	vst v63  }
0x1bb: {  	s2 =	sadd.s32 s3, s2;
	s0 =	spop (v2sf);
	s25 =	sadd.s32 $0x4A00, s26  }
0x1bc: {  	[tilespmem:s25], [sflag:$0x1] =	stream.strided.gather [hbm4b:s2+s12], $0x0, s13, s12, $0x38;
	[tilespmem:$0x10800] =	vst v63  }
0x1bd: {  	s0 =	sand.u32 $0x1FFFFFF0, s0  }
0x1be: {  	[tilespmem:s25], [sflag:$0x1] =	stream.linear.gather [hbm4b:s2+s21], $0x20, $0x38;
	[tilespmem:$0x10800] =	vst v63  }
0x1bf: {  	[dreg:$0xb] =	wrdreg s0;
	s0 =	sadd.s32 s22, s15;
	s24 =	sadd.s32 $0x8A00, s26  }
0x1c0: {  	[tilespmem:s24], [sflag:$0x1] =	stream.strided.gather [hbm4b:s0+s12], $0x0, s13, s12, $0x38;
	[tilespmem:$0x10800] =	vst v63  }
0x1c1: {  	_ = 	snop  }
0x1c2: {  	[tilespmem:s24], [sflag:$0x1] =	stream.linear.gather [hbm4b:s0+s21], $0x20, $0x38;
	[tilespmem:$0x10800] =	vst v63  }
0x1c3: {  	s15 =	sadd.s32 s1, s15;
	s19 =	sadd.s32 $0xCA00, s26  }
0x1c4: {  	[tilespmem:s19], [sflag:$0x1] =	stream.strided.gather [hbm4b:s15+s12], $0x0, s13, s12, $0x38;
	[tilespmem:$0x10800] =	vst v63  }
0x1c5: {  	_ = 	snop  }
0x1c6: {  	[tilespmem:s19], [sflag:$0x1] =	stream.linear.gather [hbm4b:s15+s21], $0x20, $0x38;
	[tilespmem:$0x10800] =	vst v63  }
0x1c7: {  	s16 =	sadd.s32 s3, s16;
	s25 =	sadd.s32 $0xA80, s26  }
0x1c8: {  	[tilespmem:s25], [sflag:$0x1] =	stream.strided.gather [hbm4b:s16+s12], $0x0, s13, s12, $0x38;
	[tilespmem:$0x10800] =	vst v63  }
0x1c9: {  	_ = 	snop  }
0x1ca: {  	[tilespmem:s25], [sflag:$0x1] =	stream.linear.gather [hbm4b:s16+s21], $0x20, $0x38;
	[tilespmem:$0x10800] =	vst v63  }
0x1cb: {  	s15 =	sadd.s32 $0x4A80, s26;
	s19 =	sadd.s32 s3, s18  }
0x1cc: {  	[tilespmem:s15], [sflag:$0x1] =	stream.strided.gather [hbm4b:s19+s12], $0x0, s13, s12, $0x38;
	[tilespmem:$0x10800] =	vst v63  }
0x1cd: {  	s5 =	sand.u32 $0x1FFFFFF0, s5  }
0x1ce: {  	[tilespmem:s15], [sflag:$0x1] =	stream.linear.gather [hbm4b:s19+s21], $0x20, $0x38;
	[tilespmem:$0x10800] =	vst v63  }
0x1cf: {  	s24 =	sadd.s32 $0x8A80, s26;
	s25 =	sadd.s32 s22, s5  }
0x1d0: {  	[tilespmem:s24], [sflag:$0x1] =	stream.strided.gather [hbm4b:s25+s12], $0x0, s13, s12, $0x38;
	[tilespmem:$0x10800] =	vst v63  }
0x1d1: {  	_ = 	snop  }
0x1d2: {  	[tilespmem:s24], [sflag:$0x1] =	stream.linear.gather [hbm4b:s25+s21], $0x20, $0x38;
	[tilespmem:$0x10800] =	vst v63  }
0x1d3: {  	s18 =	sadd.s32 s1, s5;
	s15 =	sadd.s32 $0xCA80, s26  }
0x1d4: {  	[tilespmem:s15], [sflag:$0x1] =	stream.strided.gather [hbm4b:s18+s12], $0x0, s13, s12, $0x38;
	[tilespmem:$0x10800] =	vst v63  }
0x1d5: {  	_ = 	snop  }
0x1d6: {  	[tilespmem:s15], [sflag:$0x1] =	stream.linear.gather [hbm4b:s18+s21], $0x20, $0x38;
	[tilespmem:$0x10800] =	vst v63  }
0x1d7: {  	s4 =	sadd.s32 s3, s4;
	s19 =	sadd.s32 $0xB00, s26  }
0x1d8: {  	[tilespmem:s19], [sflag:$0x1] =	stream.strided.gather [hbm4b:s4+s12], $0x0, s13, s12, $0x38;
	[tilespmem:$0x10800] =	vst v63  }
0x1d9: {  	_ = 	snop  }
0x1da: {  	[tilespmem:s19], [sflag:$0x1] =	stream.linear.gather [hbm4b:s4+s21], $0x20, $0x38;
	[tilespmem:$0x10800] =	vst v63  }
0x1db: {  	s24 =	sadd.s32 $0x4B00, s26;
	s25 =	sadd.s32 s3, s17  }
0x1dc: {  	[tilespmem:s24], [sflag:$0x1] =	stream.strided.gather [hbm4b:s25+s12], $0x0, s13, s12, $0x38;
	[tilespmem:$0x10800] =	vst v63  }
0x1dd: {  	_ = 	snop  }
0x1de: {  	[tilespmem:s24], [sflag:$0x1] =	stream.linear.gather [hbm4b:s25+s21], $0x20, $0x38;
	[tilespmem:$0x10800] =	vst v63  }
0x1df: {  	s5 =	sadd.s32 $0x8B00, s26;
	s16 =	sadd.s32 s22, s11  }
0x1e0: {  	[tilespmem:s5], [sflag:$0x1] =	stream.strided.gather [hbm4b:s16+s12], $0x0, s13, s12, $0x38;
	[tilespmem:$0x10800] =	vst v63  }
0x1e1: {  	_ = 	snop  }
0x1e2: {  	[tilespmem:s5], [sflag:$0x1] =	stream.linear.gather [hbm4b:s16+s21], $0x20, $0x38;
	[tilespmem:$0x10800] =	vst v63  }
0x1e3: {  	s11 =	sadd.s32 s1, s11;
	s17 =	sadd.s32 $0xCB00, s26  }
0x1e4: {  	[tilespmem:s17], [sflag:$0x1] =	stream.strided.gather [hbm4b:s11+s12], $0x0, s13, s12, $0x38;
	[tilespmem:$0x10800] =	vst v63  }
0x1e5: {  	s19 =	rddreg [dreg:$0xd]  }
0x1e6: {  	[tilespmem:s17], [sflag:$0x1] =	stream.linear.gather [hbm4b:s11+s21], $0x20, $0x38;
	[tilespmem:$0x10800] =	vst v63  }
0x1e7: {  	s18 =	sadd.s32 $0xB80, s26;
	s4 =	sadd.s32 s3, s19  }
0x1e8: {  	[tilespmem:s18], [sflag:$0x1] =	stream.strided.gather [hbm4b:s4+s12], $0x0, s13, s12, $0x38;
	[tilespmem:$0x10800] =	vst v63  }
0x1e9: {  	_ = 	snop  }
0x1ea: {  	[tilespmem:s18], [sflag:$0x1] =	stream.linear.gather [hbm4b:s4+s21], $0x20, $0x38;
	[tilespmem:$0x10800] =	vst v63  }
0x1eb: {  	s24 =	sadd.s32 $0x4B80, s26;
	s25 =	sadd.s32 s3, s14  }
0x1ec: {  	[tilespmem:s24], [sflag:$0x1] =	stream.strided.gather [hbm4b:s25+s12], $0x0, s13, s12, $0x38;
	[tilespmem:$0x10800] =	vst v63  }
0x1ed: {  	_ = 	snop  }
0x1ee: {  	[tilespmem:s24], [sflag:$0x1] =	stream.linear.gather [hbm4b:s25+s21], $0x20, $0x38;
	[tilespmem:$0x10800] =	vst v63  }
0x1ef: {  	s14 =	sadd.s32 s22, s9;
	s4 =	sadd.s32 $0x8B80, s26  }
0x1f0: {  	[tilespmem:s4], [sflag:$0x1] =	stream.strided.gather [hbm4b:s14+s12], $0x0, s13, s12, $0x38;
	[tilespmem:$0x10800] =	vst v63  }
0x1f1: {  	s15 =	smov.u32 s1  }
0x1f2: {  	[tilespmem:s4], [sflag:$0x1] =	stream.linear.gather [hbm4b:s14+s21], $0x20, $0x38;
	[tilespmem:$0x10800] =	vst v63  }
0x1f3: {  	s16 =	sadd.s32 $0xCB80, s26;
	s17 =	sadd.s32 s15, s9  }
0x1f4: {  	[tilespmem:s16], [sflag:$0x1] =	stream.strided.gather [hbm4b:s17+s12], $0x0, s13, s12, $0x38;
	[tilespmem:$0x10800] =	vst v63  }
0x1f5: {  	_ = 	snop  }
0x1f6: {  	[tilespmem:s16], [sflag:$0x1] =	stream.linear.gather [hbm4b:s17+s21], $0x20, $0x38;
	[tilespmem:$0x10800] =	vst v63  }
0x1f7: {  	s19 =	sadd.s32 s3, s10;
	s18 =	sadd.s32 $0xC00, s26  }
0x1f8: {  	[tilespmem:s18], [sflag:$0x1] =	stream.strided.gather [hbm4b:s19+s12], $0x0, s13, s12, $0x38;
	[tilespmem:$0x10800] =	vst v63  }
0x1f9: {  	_ = 	snop  }
0x1fa: {  	[tilespmem:s18], [sflag:$0x1] =	stream.linear.gather [hbm4b:s19+s21], $0x20, $0x38;
	[tilespmem:$0x10800] =	vst v63  }
0x1fb: {  	s24 =	sadd.s32 $0x4C00, s26;
	s25 =	sadd.s32 s3, s20  }
0x1fc: {  	[tilespmem:s24], [sflag:$0x1] =	stream.strided.gather [hbm4b:s25+s12], $0x0, s13, s12, $0x38;
	[tilespmem:$0x10800] =	vst v63  }
0x1fd: {  	_ = 	snop  }
0x1fe: {  	[tilespmem:s24], [sflag:$0x1] =	stream.linear.gather [hbm4b:s25+s21], $0x20, $0x38;
	[tilespmem:$0x10800] =	vst v63  }
0x1ff: {  	s10 =	sadd.s32 s22, s6;
	s9 =	sadd.s32 $0x8C00, s26  }
0x200: {  	[tilespmem:s9], [sflag:$0x1] =	stream.strided.gather [hbm4b:s10+s12], $0x0, s13, s12, $0x38;
	[tilespmem:$0x10800] =	vst v63  }
0x201: {  	_ = 	snop  }
0x202: {  	[tilespmem:s9], [sflag:$0x1] =	stream.linear.gather [hbm4b:s10+s21], $0x20, $0x38;
	[tilespmem:$0x10800] =	vst v63  }
0x203: {  	s14 =	sadd.s32 $0xCC00, s26;
	s16 =	sadd.s32 s15, s6  }
0x204: {  	[tilespmem:s14], [sflag:$0x1] =	stream.strided.gather [hbm4b:s16+s12], $0x0, s13, s12, $0x38;
	[tilespmem:$0x10800] =	vst v63  }
0x205: {  	_ = 	snop  }
0x206: {  	[tilespmem:s14], [sflag:$0x1] =	stream.linear.gather [hbm4b:s16+s21], $0x20, $0x38;
	[tilespmem:$0x10800] =	vst v63  }
0x207: {  	s17 =	sadd.s32 $0xC80, s26;
	s18 =	sadd.s32 s3, s23  }
0x208: {  	[tilespmem:s17], [sflag:$0x1] =	stream.strided.gather [hbm4b:s18+s12], $0x0, s13, s12, $0x38;
	[tilespmem:$0x10800] =	vst v63  }
0x209: {  	_ = 	snop  }
0x20a: {  	[tilespmem:s17], [sflag:$0x1] =	stream.linear.gather [hbm4b:s18+s21], $0x20, $0x38;
	[tilespmem:$0x10800] =	vst v63  }
0x20b: {  	s20 =	sadd.s32 s3, s7;
	s19 =	sadd.s32 $0x4C80, s26  }
0x20c: {  	[tilespmem:s19], [sflag:$0x1] =	stream.strided.gather [hbm4b:s20+s12], $0x0, s13, s12, $0x38;
	[tilespmem:$0x10800] =	vst v63  }
0x20d: {  	_ = 	snop  }
0x20e: {  	[tilespmem:s19], [sflag:$0x1] =	stream.linear.gather [hbm4b:s20+s21], $0x20, $0x38;
	[tilespmem:$0x10800] =	vst v63  }
0x20f: {  	s23 =	sadd.s32 $0x8C80, s26;
	s24 =	sadd.s32 s22, s31  }
0x210: {  	[tilespmem:s23], [sflag:$0x1] =	stream.strided.gather [hbm4b:s24+s12], $0x0, s13, s12, $0x38;
	[tilespmem:$0x10800] =	vst v63  }
0x211: {  	_ = 	snop  }
0x212: {  	[tilespmem:s23], [sflag:$0x1] =	stream.linear.gather [hbm4b:s24+s21], $0x20, $0x38;
	[tilespmem:$0x10800] =	vst v63  }
0x213: {  	s25 =	sadd.s32 $0xCC80, s26;
	s31 =	sadd.s32 s15, s31  }
0x214: {  	[tilespmem:s25], [sflag:$0x1] =	stream.strided.gather [hbm4b:s31+s12], $0x0, s13, s12, $0x38;
	[tilespmem:$0x10800] =	vst v63  }
0x215: {  	s9 =	rddreg [dreg:$0xc]  }
0x216: {  	[tilespmem:s25], [sflag:$0x1] =	stream.linear.gather [hbm4b:s31+s21], $0x20, $0x38;
	[tilespmem:$0x10800] =	vst v63  }
0x217: {  	s6 =	sadd.s32 $0xD00, s26;
	s4 =	sadd.s32 s3, s9  }
0x218: {  	(v2sf) =	vpush v2, $0xF;
	[tilespmem:s6], [sflag:$0x1] =	stream.strided.gather [hbm4b:s4+s12], $0x0, s13, s12, $0x38;
	[tilespmem:$0x10800] =	vst v63  }
0x219: {  	_ = 	snop  }
0x21a: {  	(v2sf) =	vpush v63, $0xF;
	[tilespmem:s6], [sflag:$0x1] =	stream.linear.gather [hbm4b:s4+s21], $0x20, $0x38;
	[tilespmem:$0x10800] =	vst v63  }
0x21b: {  	s10 =	sadd.s32 $0x4D00, s26;
	s14 =	sadd.s32 s3, s8  }
0x21c: {  	[tilespmem:s10], [sflag:$0x1] =	stream.strided.gather [hbm4b:s14+s12], $0x0, s13, s12, $0x38;
	[tilespmem:$0x10800] =	vst v63  }
0x21d: {  	s29 =	sand.u32 $0x1FFFFFF0, s29  }
0x21e: {  	[tilespmem:s10], [sflag:$0x1] =	stream.linear.gather [hbm4b:s14+s21], $0x20, $0x38;
	[tilespmem:$0x10800] =	vst v63  }
0x21f: {  	s16 =	sadd.s32 $0x8D00, s26;
	s17 =	sadd.s32 s22, s29  }
0x220: {  	[tilespmem:s16], [sflag:$0x1] =	stream.strided.gather [hbm4b:s17+s12], $0x0, s13, s12, $0x38;
	[tilespmem:$0x10800] =	vst v63  }
0x221: {  	_ = 	snop  }
0x222: {  	[tilespmem:s16], [sflag:$0x1] =	stream.linear.gather [hbm4b:s17+s21], $0x20, $0x38;
	[tilespmem:$0x10800] =	vst v63  }
0x223: {  	s18 =	sadd.s32 $0xCD00, s26;
	s19 =	sadd.s32 s15, s29  }
0x224: {  	[tilespmem:s18], [sflag:$0x1] =	stream.strided.gather [hbm4b:s19+s12], $0x0, s13, s12, $0x38;
	[tilespmem:$0x10800] =	vst v63  }
0x225: {  	s23 =	rddreg [dreg:$0xb]  }
0x226: {  	[tilespmem:s18], [sflag:$0x1] =	stream.linear.gather [hbm4b:s19+s21], $0x20, $0x38;
	[tilespmem:$0x10800] =	vst v63  }
0x227: {  	s30 =	spop (v2sf);
	s20 =	sadd.s32 $0xD80, s26;
	s4 =	sadd.s32 s3, s23  }
0x228: {  	[tilespmem:s20], [sflag:$0x1] =	stream.strided.gather [hbm4b:s4+s12], $0x0, s13, s12, $0x38;
	[tilespmem:$0x10800] =	vst v63  }
0x229: {  	s30 =	sand.u32 $0x1FFFFFF0, s30;
	s28 =	spop (v2sf)  }
0x22a: {  	[tilespmem:s20], [sflag:$0x1] =	stream.linear.gather [hbm4b:s4+s21], $0x20, $0x38;
	[tilespmem:$0x10800] =	vst v63  }
0x22b: {  	s1 =	rddreg [dreg:$0x7];
	s24 =	sadd.s32 $0x4D80, s26;
	s25 =	sadd.s32 s3, s30  }
0x22c: {  	[tilespmem:s24], [sflag:$0x1] =	stream.strided.gather [hbm4b:s25+s12], $0x0, s13, s12, $0x38;
	[tilespmem:$0x10800] =	vst v63  }
0x22d: {  	s28 =	sand.u32 $0x1FFFFFF0, s28;
	s0 =	sadd.s32 $0xCD80, s26;
	s7 =	rddreg [dreg:$0x6]  }
0x22e: {  	[tilespmem:s24], [sflag:$0x1] =	stream.linear.gather [hbm4b:s25+s21], $0x20, $0x38;
	[tilespmem:$0x10800] =	vst v63  }
.Ltmp0:
0x22f: {  	s2 =	sadd.s32 s15, s28;
	s8 =	rddreg [dreg:$0xa];
	(pc) =	sbr.rel @p0 .LBB2_2-.Ltmp0, $4  }
0x230: {  	s29 =	sadd.s32 $0x8D80, s26;
	s30 =	sadd.s32 s22, s28;
	s31 =	rddreg [dreg:$0x8]  }
0x231: {  	[tilespmem:s29], [sflag:$0x1] =	stream.strided.gather [hbm4b:s30+s12], $0x0, s13, s12, $0x38;
	[tilespmem:$0x10800] =	vst v63  }
0x232: {  	s11 =	smov.u32 s22;
	s5 =	sadd.s32 $0x4, s31;
	s6 =	rddreg [dreg:$0x9]  }
0x233: {  	[tilespmem:s29], [sflag:$0x1] =	stream.linear.gather [hbm4b:s30+s21], $0x20, $0x38;
	[tilespmem:$0x10800] =	vst v63  }
0x234: {  	[tilespmem:s0], [sflag:$0x1] =	stream.strided.gather [hbm4b:s2+s12], $0x0, s13, s12, $0x38;
	[tilespmem:$0x10800] =	vst v63  }
0x235: {  	s1 =	simm.s32 $0x1  }
0x236: {  	[tilespmem:s0], [sflag:$0x1] =	stream.linear.gather [hbm4b:s2+s21], $0x20, $0x38;
	[tilespmem:$0x10800] =	vst v63  }
0x237: {  	_ =	swait.ge [sflag:s1], $0x4000  }
0x238: {  	s28 =	simm.s32 $0x0;
	[sflag:s1] =	ssyncset.done $0x0  }
0x239: {  	s29 =	sand.u32 $0x70, s28;
	[sflag:s1] =	ssyncadd.s32 $0xFFFFC000  }
0x23a: {  	v0 =	vmov s29;
	_ =	swait.ge [sflag:s1], $0x4000  }
0x23b: {  	v0 =	vshll.u32 v0, $0x7;
	[sflag:s1] =	ssyncset.done $0x0  }
0x23c: {  	s0 =	sand.u32 $0x60, s28;
	v0 =	vor.u32 v4, v0;
	[sflag:s1] =	ssyncadd.s32 $0xFFFFC000  }
0x23d: {  	v31 =	vor.u32 s0, v0;
	_ =	swait.ge [sflag:s1], $0x4000  }
0x23e: {  	v23 =	vor.u32 $0x1E, v31;
	[sflag:s1] =	ssyncset.done $0x0  }
0x23f: {  	v24 =	vor.u32 $0x1F, v31;
	[sflag:s1] =	ssyncadd.s32 $0xFFFFC000  }
0x240: {  	v12 =	vor.u32 $0xB, v31;
	_ =	swait.ge [sflag:s1], $0x4000  }
0x241: {  	v10 =	vor.u32 $0xC, v31;
	[sflag:s1] =	ssyncset.done $0x0  }
0x242: {  	s4 =	simm.s32 $0x4600;
	v11 =	vor.u32 $0xA, v31;
	[sflag:s1] =	ssyncadd.s32 $0xFFFFC000  }
0x243: {  	s2 =	simm.s32 $0x600;
	v0 =	vld.idx.msk [tilespmem:v23+s4+$0x0], $0xffff  }
0x244: {  	v13 =	vor.u32 $0x9, v31;
	v1 =	vld.idx.msk [tilespmem:v24+s2+$0x0], $0xffff  }
0x245: {  	v28 =	vld.idx.msk [tilespmem:v12+s4+$0x0], $0xffff  }
0x246: {  	v14 =	vor.u32 $0x8, v31;
	v29 =	vld.idx.msk [tilespmem:v10+s2+$0x0], $0xffff  }
0x247: {  	v32 =	vld.idx.msk [tilespmem:v11+s4+$0x0], $0xffff  }
0x248: {  	v15 =	vor.u32 $0x7, v31;
	v34 =	vld.idx.msk [tilespmem:v12+s2+$0x0], $0xffff  }
0x249: {  	v37 =	vld.idx.msk [tilespmem:v13+s4+$0x0], $0xffff  }
0x24a: {  	v16 =	vor.u32 $0x6, v31;
	v38 =	vld.idx.msk [tilespmem:v11+s2+$0x0], $0xffff  }
0x24b: {  	v19 =	vor.u32 $0x1D, v31;
	v39 =	vld.idx.msk [tilespmem:v14+s4+$0x0], $0xffff  }
0x24c: {  	v40 =	vld.idx.msk [tilespmem:v13+s2+$0x0], $0xffff  }
0x24d: {  	v17 =	vor.u32 $0x5, v31;
	v41 =	vld.idx.msk [tilespmem:v15+s4+$0x0], $0xffff  }
0x24e: {  	v42 =	vld.idx.msk [tilespmem:v14+s2+$0x0], $0xffff  }
0x24f: {  	v18 =	vor.u32 $0x4, v31;
	v43 =	vld.idx.msk [tilespmem:v16+s4+$0x0], $0xffff  }
0x250: {  	[tilespmem:$0x1FDA0] =	vst v1;
	v1 =	vld.idx.msk [tilespmem:v19+s4+$0x0], $0xffff  }
0x251: {  	v44 =	vld.idx.msk [tilespmem:v15+s2+$0x0], $0xffff  }
0x252: {  	v45 =	vld.idx.msk [tilespmem:v17+s4+$0x0], $0xffff  }
0x253: {  	v21 =	vor.u32 $0x2, v31;
	v46 =	vld.idx.msk [tilespmem:v16+s2+$0x0], $0xffff  }
0x254: {  	v47 =	vld.idx.msk [tilespmem:v18+s4+$0x0], $0xffff  }
0x255: {  	v8 =	vor.u32 $0x1C, v31;
	[tilespmem:$0x1FD70] =	vst v1;
	v1 =	vld.idx.msk [tilespmem:v23+s2+$0x0], $0xffff  }
0x256: {  	v48 =	vld.idx.msk [tilespmem:v17+s2+$0x0], $0xffff  }
0x257: {  	v49 =	vld.idx.msk [tilespmem:v18+s2+$0x0], $0xffff  }
0x258: {  	v27 =	vld.idx.msk [tilespmem:v21+s4+$0x0], $0xffff  }
0x259: {  	v26 =	vld.idx.msk [tilespmem:v21+s2+$0x0], $0xffff;
	[tilespmem:$0x1FD90] =	vst v0  }
0x25a: {  	s5 =	simm.s32 $0x8600;
	v0 =	vor.u32 $0xD, v31;
	[tilespmem:$0x1FD80] =	vst v1;
	v1 =	vld.idx.msk [tilespmem:v8+s4+$0x0], $0xffff  }
0x25b: {  	v51 =	vld.idx.msk [tilespmem:v21+s5+$0x0], $0xffff  }
0x25c: {  	s6 =	simm.s32 $0xC600;
	v55 =	vld.idx.msk [tilespmem:v18+s5+$0x0], $0xffff  }
0x25d: {  	v56 =	vld.idx.msk [tilespmem:v21+s6+$0x0], $0xffff  }
0x25e: {  	v59 =	vld.idx.msk [tilespmem:v16+s5+$0x0], $0xffff  }
0x25f: {  	[tilespmem:$0x1FD50] =	vst v1;
	v1 =	vld.idx.msk [tilespmem:v0+s4+$0x0], $0xffff  }
0x260: {  	v60 =	vld.idx.msk [tilespmem:v18+s6+$0x0], $0xffff  }
0x261: {  	v63 =	vld.idx.msk [tilespmem:v14+s5+$0x0], $0xffff  }
0x262: {  	v21 =	vld.idx.msk [tilespmem:v16+s6+$0x0], $0xffff  }
0x263: {  	v5 =	vld.idx.msk [tilespmem:v11+s5+$0x0], $0xffff  }
0x264: {  	[tilespmem:$0x1FCE0] =	vst v1;
	v1 =	vld.idx.msk [tilespmem:v10+s4+$0x0], $0xffff  }
0x265: {  	v6 =	vld.idx.msk [tilespmem:v14+s6+$0x0], $0xffff  }
0x266: {  	v20 =	vor.u32 $0x3, v31;
	v14 =	vld.idx.msk [tilespmem:v11+s6+$0x0], $0xffff  }
0x267: {  	v16 =	vld.idx.msk [tilespmem:v0+s5+$0x0], $0xffff  }
0x268: {  	v22 =	vor.u32 $0x1, v31;
	v18 =	vld.idx.msk [tilespmem:v0+s6+$0x0], $0xffff  }
0x269: {  	[tilespmem:$0x1FCC0] =	vst v1;
	v1 =	vld.idx.msk [tilespmem:v0+s2+$0x0], $0xffff  }
0x26a: {  	v11 =	vor.u32 $0x1B, v31;
	v0 =	vld.idx.msk [tilespmem:v19+s2+$0x0], $0xffff  }
0x26b: {  	v35 =	vld.idx.msk [tilespmem:v20+s4+$0x0], $0xffff  }
0x26c: {  	v33 =	vld.idx.msk [tilespmem:v20+s2+$0x0], $0xffff  }
0x26d: {  	v36 =	vld.idx.msk [tilespmem:v22+s2+$0x0], $0xffff  }
0x26e: {  	v50 =	vld.idx.msk [tilespmem:v22+s5+$0x0], $0xffff  }
0x26f: {  	[tilespmem:$0x1FD60] =	vst v0;
	v0 =	vld.idx.msk [tilespmem:v11+s4+$0x0], $0xffff  }
0x270: {  	v52 =	vld.idx.msk [tilespmem:v22+s4+$0x0], $0xffff  }
0x271: {  	v53 =	vld.idx.msk [tilespmem:v20+s5+$0x0], $0xffff  }
0x272: {  	v61 =	vld.idx.msk [tilespmem:v15+s5+$0x0], $0xffff  }
0x273: {  	v4 =	vld.idx.msk [tilespmem:v15+s6+$0x0], $0xffff  }
0x274: {  	v15 =	vor.u32 $0x1A, v31;
	[tilespmem:$0x1FD30] =	vst v0;
	v0 =	vld.idx.msk [tilespmem:v8+s2+$0x0], $0xffff  }
0x275: {  	v54 =	vld.idx.msk [tilespmem:v22+s6+$0x0], $0xffff  }
0x276: {  	v57 =	vld.idx.msk [tilespmem:v17+s5+$0x0], $0xffff  }
0x277: {  	v58 =	vld.idx.msk [tilespmem:v20+s6+$0x0], $0xffff  }
0x278: {  	v62 =	vld.idx.msk [tilespmem:v17+s6+$0x0], $0xffff  }
0x279: {  	[tilespmem:$0x1FD40] =	vst v0;
	v0 =	vld.idx.msk [tilespmem:v15+s4+$0x0], $0xffff  }
0x27a: {  	v22 =	vld.idx.msk [tilespmem:v13+s5+$0x0], $0xffff  }
0x27b: {  	v7 =	vld.idx.msk [tilespmem:v12+s5+$0x0], $0xffff;
	v17 =	vor.u32 $0x19, v31  }
0x27c: {  	v9 =	vld.idx.msk [tilespmem:v13+s6+$0x0], $0xffff  }
0x27d: {  	v13 =	vld.idx.msk [tilespmem:v10+s5+$0x0], $0xffff  }
0x27e: {  	[tilespmem:$0x1FD10] =	vst v0;
	v0 =	vld.idx.msk [tilespmem:v11+s2+$0x0], $0xffff  }
0x27f: {  	v12 =	vld.idx.msk [tilespmem:v12+s6+$0x0], $0xffff  }
0x280: {  	v2 =	vld.idx.msk [tilespmem:v17+s4+$0x0], $0xffff;
	v5 =	vmul.f32 v5, v38  }
0x281: {  	v3 =	vld.idx.msk [tilespmem:v15+s2+$0x0], $0xffff  }
0x282: {  	v26 =	vmul.f32 v51, v26;
	v5 =	vsub.f32 v5, v32;
	[tilespmem:$0x1FCD0] =	vst v1;
	v1 =	vld.idx.msk [tilespmem:v31+s5+$0x0], $0xffff  }
0x283: {  	v30 =	vor.u32 $0x16, v31;
	v49 =	vmul.f32 v55, v49;
	v48 =	vmul.f32 v57, v48;
	[tilespmem:$0x1FD20] =	vst v0;
	v0 =	vld.idx.msk [tilespmem:v31+s2+$0x0], $0xffff  }
0x284: {  	v55 =	vor.u32 $0x12, v31;
	v44 =	vmul.f32 v61, v44;
	v5 =	vsub.f32 v5, v14;
	v14 =	vld [tilespmem:$0x1FCC0]  }
0x285: {  	v42 =	vmul.f32 v63, v42;
	v45 =	vsub.f32 v48, v45;
	[tilespmem:$0x1FCF0] =	vst v2;
	v2 =	vld.idx.msk [tilespmem:v31+s4+$0x0], $0xffff  }
0x286: {  	v51 =	vld.idx.msk [tilespmem:v17+s2+$0x0], $0xffff;
	v26 =	vsub.f32 v26, v27;
	v47 =	vsub.f32 v49, v47;
	v49 =	vor.u32 $0x11, v31  }
0x287: {  	v13 =	vmul.f32 v13, v29;
	v48 =	vor.u32 $0x10, v31;
	v45 =	vsub.f32 v45, v62;
	[tilespmem:$0x1FD00] =	vst v3;
	v3 =	vld.idx.msk [tilespmem:v31+s6+$0x0], $0xffff  }
0x288: {  	v26 =	vsub.f32 v26, v56;
	v56 =	vld.idx.msk [tilespmem:v30+s2+$0x0], $0xffff;
	v0 =	vmul.f32 v1, v0;
	v1 =	vmul.f32 v50, v36  }
0x289: {  	v7 =	vmul.f32 v7, v34;
	v63 =	vmul.f32 v45, v45;
	v45 =	vld.idx.msk [tilespmem:v55+s2+$0x0], $0xffff;
	v13 =	vsub.f32 v13, v14  }
0x28a: {  	v14 =	vld [tilespmem:$0x1FCD0];
	v2 =	vsub.f32 v0, v2;
	v1 =	vsub.f32 v1, v52  }
0x28b: {  	v41 =	vsub.f32 v44, v41;
	v7 =	vsub.f32 v7, v28;
	v44 =	vld.idx.msk [tilespmem:v49+s4+$0x0], $0xffff  }
0x28c: {  	v28 =	vld [tilespmem:$0x1FCE0];
	v52 =	vmul.f32 v53, v33;
	v2 =	vsub.f32 v2, v3;
	v1 =	vsub.f32 v1, v54  }
0x28d: {  	v25 =	vor.u32 $0x17, v31;
	v47 =	vsub.f32 v47, v60;
	v60 =	vld.idx.msk [tilespmem:v48+s4+$0x0], $0xffff  }
0x28e: {  	v61 =	vld.idx.msk [tilespmem:v49+s2+$0x0], $0xffff;
	v3 =	vsub.f32 v52, v35;
	v2 =	vmul.f32 v2, v2;
	v1 =	vmul.f32 v1, v1  }
0x28f: {  	v10 =	vld.idx.msk [tilespmem:v10+s6+$0x0], $0xffff;
	v14 =	vmul.f32 v16, v14;
	v36 =	vor.u32 $0x15, v31  }
0x290: {  	v16 =	vld.idx.msk [tilespmem:v48+s2+$0x0], $0xffff;
	v1 =	vadd.f32 v1, v2;
	v2 =	vsub.f32 v3, v58;
	v3 =	vmul.f32 v26, v26  }
0x291: {  	v14 =	vsub.f32 v14, v28;
	v28 =	vld.idx.msk [tilespmem:v49+s5+$0x0], $0xffff;
	v53 =	vor.u32 $0x14, v31  }
0x292: {  	v46 =	vmul.f32 v59, v46;
	v33 =	vld.idx.msk [tilespmem:v30+s4+$0x0], $0xffff;
	v1 =	vadd.f32 v3, v1;
	v2 =	vmul.f32 v2, v2  }
0x293: {  	v52 =	vor.u32 $0x13, v31;
	v35 =	vld.idx.msk [tilespmem:v25+s2+$0x0], $0xffff  }
0x294: {  	v43 =	vsub.f32 v46, v43;
	v62 =	vmul.f32 v47, v47;
	v54 =	vld.idx.msk [tilespmem:v36+s4+$0x0], $0xffff;
	v1 =	vadd.f32 v2, v1  }
0x295: {  	v20 =	vor.u32 $0x18, v31;
	v47 =	vor.u32 $0xF, v31;
	v31 =	vor.u32 $0xE, v31;
	v57 =	vld.idx.msk [tilespmem:v36+s2+$0x0], $0xffff  }
0x296: {  	v21 =	vsub.f32 v43, v21;
	v26 =	vld.idx.msk [tilespmem:v53+s4+$0x0], $0xffff;
	v1 =	vadd.f32 v62, v1  }
0x297: {  	v22 =	vmul.f32 v22, v40;
	v39 =	vsub.f32 v42, v39;
	v58 =	vld.idx.msk [tilespmem:v53+s2+$0x0], $0xffff  }
0x298: {  	v4 =	vsub.f32 v41, v4;
	v21 =	vmul.f32 v21, v21;
	v59 =	vld.idx.msk [tilespmem:v52+s2+$0x0], $0xffff;
	v1 =	vadd.f32 v63, v1  }
0x299: {  	v22 =	vsub.f32 v22, v37;
	v3 =	vld.idx.msk [tilespmem:v52+s4+$0x0], $0xffff  }
0x29a: {  	v6 =	vsub.f32 v39, v6;
	v4 =	vmul.f32 v4, v4;
	v63 =	vld.idx.msk [tilespmem:v31+s2+$0x0], $0xffff;
	v1 =	vadd.f32 v21, v1  }
0x29b: {  	v21 =	vld.idx.msk [tilespmem:v31+s4+$0x0], $0xffff  }
0x29c: {  	v6 =	vmul.f32 v6, v6;
	v1 =	vadd.f32 v4, v1;
	v4 =	vsub.f32 v22, v9;
	v9 =	vld.idx.msk [tilespmem:v31+s5+$0x0], $0xffff  }
0x29d: {  	v22 =	vld.idx.msk [tilespmem:v47+s2+$0x0], $0xffff  }
0x29e: {  	v1 =	vadd.f32 v6, v1;
	v4 =	vmul.f32 v4, v4;
	v6 =	vld.idx.msk [tilespmem:v47+s5+$0x0], $0xffff  }
0x29f: {  	v62 =	vld.idx.msk [tilespmem:v47+s4+$0x0], $0xffff  }
0x2a0: {  	v5 =	vmul.f32 v5, v5;
	v1 =	vadd.f32 v4, v1;
	v4 =	vsub.f32 v7, v12;
	v7 =	vld.idx.msk [tilespmem:v48+s5+$0x0], $0xffff  }
0x2a1: {  	v12 =	vld.idx.msk [tilespmem:v31+s6+$0x0], $0xffff;
	v9 =	vmul.f32 v9, v63  }
0x2a2: {  	v2 =	vld.idx.msk [tilespmem:v55+s4+$0x0], $0xffff;
	v1 =	vadd.f32 v5, v1;
	v4 =	vmul.f32 v4, v4;
	v5 =	vsub.f32 v13, v10  }
0x2a3: {  	v10 =	vld.idx.msk [tilespmem:v47+s6+$0x0], $0xffff;
	v9 =	vsub.f32 v9, v21;
	v6 =	vmul.f32 v6, v22  }
0x2a4: {  	v13 =	vld.idx.msk [tilespmem:v55+s5+$0x0], $0xffff;
	v1 =	vadd.f32 v4, v1;
	v4 =	vmul.f32 v5, v5;
	v5 =	vsub.f32 v14, v18  }
0x2a5: {  	v14 =	vld.idx.msk [tilespmem:v48+s6+$0x0], $0xffff;
	v6 =	vsub.f32 v6, v62;
	v7 =	vmul.f32 v7, v16  }
0x2a6: {  	v16 =	vld.idx.msk [tilespmem:v52+s5+$0x0], $0xffff;
	v1 =	vadd.f32 v4, v1;
	v4 =	vmul.f32 v5, v5;
	v5 =	vsub.f32 v9, v12  }
0x2a7: {  	v9 =	vld.idx.msk [tilespmem:v49+s6+$0x0], $0xffff;
	v12 =	vmul.f32 v28, v61;
	v7 =	vsub.f32 v7, v60  }
0x2a8: {  	v18 =	vld.idx.msk [tilespmem:v53+s5+$0x0], $0xffff;
	v1 =	vadd.f32 v4, v1;
	v4 =	vmul.f32 v5, v5;
	v5 =	vsub.f32 v6, v10  }
0x2a9: {  	v6 =	vld.idx.msk [tilespmem:v55+s6+$0x0], $0xffff;
	v10 =	vsub.f32 v12, v44;
	v12 =	vmul.f32 v13, v45  }
0x2aa: {  	v13 =	vld.idx.msk [tilespmem:v36+s5+$0x0], $0xffff;
	v1 =	vadd.f32 v4, v1;
	v4 =	vmul.f32 v5, v5;
	v5 =	vsub.f32 v7, v14  }
0x2ab: {  	v7 =	vld.idx.msk [tilespmem:v52+s6+$0x0], $0xffff;
	v2 =	vsub.f32 v12, v2;
	v12 =	vmul.f32 v16, v59  }
0x2ac: {  	v14 =	vld.idx.msk [tilespmem:v30+s5+$0x0], $0xffff;
	v1 =	vadd.f32 v4, v1;
	v4 =	vmul.f32 v5, v5;
	v5 =	vsub.f32 v10, v9  }
0x2ad: {  	v9 =	vld.idx.msk [tilespmem:v53+s6+$0x0], $0xffff;
	v3 =	vsub.f32 v12, v3;
	v10 =	vmul.f32 v18, v58  }
0x2ae: {  	v12 =	vld.idx.msk [tilespmem:v25+s5+$0x0], $0xffff;
	v2 =	vsub.f32 v2, v6;
	v1 =	vadd.f32 v4, v1;
	v4 =	vmul.f32 v5, v5  }
0x2af: {  	v27 =	vld.idx.msk [tilespmem:v20+s2+$0x0], $0xffff;
	v6 =	vsub.f32 v10, v26;
	v10 =	vmul.f32 v13, v57  }
0x2b0: {  	v0 =	vld.idx.msk [tilespmem:v25+s4+$0x0], $0xffff;
	v2 =	vmul.f32 v2, v2;
	v3 =	vsub.f32 v3, v7;
	v1 =	vadd.f32 v4, v1  }
0x2b1: {  	v5 =	vld.idx.msk [tilespmem:v36+s6+$0x0], $0xffff;
	v7 =	vsub.f32 v10, v54;
	v10 =	vmul.f32 v14, v56  }
0x2b2: {  	v1 =	vadd.f32 v2, v1;
	v2 =	vmul.f32 v3, v3;
	v3 =	vsub.f32 v6, v9;
	v6 =	vld.idx.msk [tilespmem:v25+s6+$0x0], $0xffff  }
0x2b3: {  	v13 =	vld.idx.msk [tilespmem:v20+s5+$0x0], $0xffff;
	v9 =	vsub.f32 v10, v33;
	v10 =	vmul.f32 v12, v35  }
0x2b4: {  	v4 =	vld.idx.msk [tilespmem:v30+s6+$0x0], $0xffff  }
0x2b5: {  	v14 =	vld.idx.msk [tilespmem:v17+s5+$0x0], $0xffff;
	v0 =	vsub.f32 v10, v0  }
0x2b6: {  	v50 =	vld.idx.msk [tilespmem:v20+s4+$0x0], $0xffff  }
0x2b7: {  	v1 =	vadd.f32 v2, v1;
	v2 =	vmul.f32 v3, v3;
	v0 =	vsub.f32 v0, v6;
	v6 =	vld [tilespmem:$0x1FCF0]  }
0x2b8: {  	v3 =	vsub.f32 v7, v5  }
0x2b9: {  	v5 =	vld.idx.msk [tilespmem:v20+s6+$0x0], $0xffff;
	v7 =	vmul.f32 v13, v27;
	v1 =	vadd.f32 v2, v1  }
0x2ba: {  	v12 =	vld.idx.msk [tilespmem:v15+s5+$0x0], $0xffff;
	v2 =	vmul.f32 v3, v3;
	v3 =	vsub.f32 v9, v4;
	v9 =	vmul.f32 v14, v51  }
0x2bb: {  	v4 =	vld.idx.msk [tilespmem:v17+s6+$0x0], $0xffff;
	v7 =	vsub.f32 v7, v50  }
0x2bc: {  	v1 =	vadd.f32 v2, v1;
	v2 =	vmul.f32 v3, v3;
	v6 =	vsub.f32 v9, v6;
	v9 =	vld [tilespmem:$0x1FD00]  }
0x2bd: {  	v10 =	vld.idx.msk [tilespmem:v11+s5+$0x0], $0xffff  }
0x2be: {  	v0 =	vmul.f32 v0, v0;
	v1 =	vadd.f32 v2, v1;
	v2 =	vsub.f32 v7, v5;
	v7 =	vld [tilespmem:$0x1FD10]  }
0x2bf: {  	v13 =	vld.idx.msk [tilespmem:v8+s5+$0x0], $0xffff  }
0x2c0: {  	v3 =	vld.idx.msk [tilespmem:v15+s6+$0x0], $0xffff;
	v0 =	vadd.f32 v0, v1  }
0x2c1: {  	v1 =	vmul.f32 v2, v2;
	v2 =	vsub.f32 v6, v4;
	v4 =	vld.idx.msk [tilespmem:v8+s6+$0x0], $0xffff;
	v9 =	vmul.f32 v12, v9  }
0x2c2: {  	v8 =	vld [tilespmem:$0x1FD40]  }
0x2c3: {  	v7 =	vsub.f32 v9, v7;
	v9 =	vld [tilespmem:$0x1FD20]  }
0x2c4: {  	v6 =	vld [tilespmem:$0x1FD30]  }
0x2c5: {  	v0 =	vadd.f32 v1, v0;
	v1 =	vmul.f32 v2, v2;
	v2 =	vsub.f32 v7, v3;
	v7 =	vld [tilespmem:$0x1FD50];
	_ =	sdelay $0x1  }
0x2c6: {  	v5 =	vld.idx.msk [tilespmem:v11+s6+$0x0], $0xffff  }
0x2c7: {  	v8 =	vmul.f32 v13, v8;
	v9 =	vmul.f32 v10, v9  }
0x2c8: {  	v12 =	vld.idx.msk [tilespmem:v19+s5+$0x0], $0xffff  }
0x2c9: {  	v6 =	vsub.f32 v9, v6;
	v7 =	vsub.f32 v8, v7;
	v8 =	vld [tilespmem:$0x1FD60];
	_ =	sdelay $0x1  }
0x2ca: {  	v0 =	vadd.f32 v1, v0;
	v1 =	vmul.f32 v2, v2;
	v2 =	vsub.f32 v6, v5;
	v6 =	vld [tilespmem:$0x1FD70];
	_ =	sdelay $0x2  }
0x2cb: {  	v8 =	vmul.f32 v12, v8  }
0x2cc: {  	v10 =	vld.idx.msk [tilespmem:v23+s5+$0x0], $0xffff  }
0x2cd: {  	v6 =	vsub.f32 v8, v6;
	v8 =	vld [tilespmem:$0x1FD80];
	_ =	sdelay $0x1  }
0x2ce: {  	v0 =	vadd.f32 v1, v0;
	v1 =	vmul.f32 v2, v2;
	v2 =	vsub.f32 v7, v4;
	v7 =	vld [tilespmem:$0x1FD90];
	_ =	sdelay $0x2  }
0x2cf: {  	v3 =	vld.idx.msk [tilespmem:v19+s6+$0x0], $0xffff;
	v8 =	vmul.f32 v10, v8  }
0x2d0: {  	v9 =	vld.idx.msk [tilespmem:v24+s5+$0x0], $0xffff  }
0x2d1: {  	v7 =	vsub.f32 v8, v7;
	v8 =	vld [tilespmem:$0x1FDA0]  }
0x2d2: {  	v11 =	vld.idx.msk [tilespmem:v24+s4+$0x0], $0xffff  }
0x2d3: {  	v5 =	vld.idx.msk [tilespmem:v23+s6+$0x0], $0xffff;
	_ =	sdelay $0x1  }
0x2d4: {  	v4 =	vld.idx.msk [tilespmem:v24+s6+$0x0], $0xffff;
	v0 =	vadd.f32 v1, v0;
	v1 =	vmul.f32 v2, v2  }
0x2d5: {  	v2 =	vsub.f32 v6, v3;
	v8 =	vmul.f32 v9, v8  }
0x2d6: {  	v0 =	vadd.f32 v1, v0  }
0x2d7: {  	v1 =	vmul.f32 v2, v2;
	v2 =	vsub.f32 v7, v5;
	v3 =	vsub.f32 v8, v11;
	_ =	sdelay $0x1  }
0x2d8: {  	v0 =	vadd.f32 v1, v0;
	v1 =	vmul.f32 v2, v2;
	v2 =	vsub.f32 v3, v4;
	v4 =	vld [tilespmem:$0x1FFF0]  }
0x2d9: {  	s22 =	simm.s32 $0x10  }
0x2da: {  	s30 =	sand.u32 $0x70, s22  }
0x2db: {  	v5 =	vmov s30  }
0x2dc: {  	s31 =	simm.s32 $0x4;
	v3 =	vshll.u32 v5, $0x7  }
0x2dd: {  	s0 =	sand.u32 $0x60, s31;
	v0 =	vadd.f32 v1, v0;
	v1 =	vmul.f32 v2, v2;
	v3 =	vor.u32 v4, v3  }
0x2de: {  	v62 =	vor.u32 s0, v3  }
0x2df: {  	v0 =	vadd.f32 v1, v0;
	v2 =	vor.u32 $0x1E, v62;
	_ =	sdelay $0x1  }
0x2e0: {  	v0 =	vsub.f32 $0.0e+00, v0  }
0x2e1: {  	s1 =	simm.s32 $0x10600  }
0x2e2: {  	[tilespmem:s1+$0x0] =	vst v0  }
0x2e3: {  	v1 =	vor.u32 $0x1F, v62;
	v0 =	vld.idx.msk [tilespmem:v2+s4+$0x0], $0xffff;
	_ =	sdelay $0x4  }
0x2e4: {  	v3 =	vor.u32 $0x1D, v62;
	[tilespmem:$0x1FDB0] =	vst v0;
	v0 =	vld.idx.msk [tilespmem:v1+s2+$0x0], $0xffff;
	_ =	sdelay $0x4  }
0x2e5: {  	[tilespmem:$0x1FDD0] =	vst v0;
	v0 =	vld.idx.msk [tilespmem:v3+s4+$0x0], $0xffff;
	_ =	sdelay $0x4  }
0x2e6: {  	v4 =	vor.u32 $0x1C, v62;
	[tilespmem:$0x1FDE0] =	vst v0;
	v0 =	vld.idx.msk [tilespmem:v2+s2+$0x0], $0xffff;
	_ =	sdelay $0x4  }
0x2e7: {  	[tilespmem:$0x1FE00] =	vst v0;
	v0 =	vld.idx.msk [tilespmem:v4+s4+$0x0], $0xffff;
	_ =	sdelay $0x4  }
0x2e8: {  	v11 =	vor.u32 $0x1B, v62;
	[tilespmem:$0x1FE10] =	vst v0;
	v0 =	vld.idx.msk [tilespmem:v3+s2+$0x0], $0xffff;
	_ =	sdelay $0x4  }
0x2e9: {  	[tilespmem:$0x1FE30] =	vst v0;
	v0 =	vld.idx.msk [tilespmem:v11+s4+$0x0], $0xffff;
	_ =	sdelay $0x4  }
0x2ea: {  	v14 =	vor.u32 $0x1A, v62;
	[tilespmem:$0x1FE40] =	vst v0;
	v0 =	vld.idx.msk [tilespmem:v4+s2+$0x0], $0xffff;
	_ =	sdelay $0x4  }
0x2eb: {  	[tilespmem:$0x1FE60] =	vst v0;
	v0 =	vld.idx.msk [tilespmem:v14+s4+$0x0], $0xffff;
	_ =	sdelay $0x4  }
0x2ec: {  	v17 =	vor.u32 $0x19, v62;
	[tilespmem:$0x1FE70] =	vst v0;
	v0 =	vld.idx.msk [tilespmem:v11+s2+$0x0], $0xffff;
	_ =	sdelay $0x4  }
0x2ed: {  	[tilespmem:$0x1FE80] =	vst v0;
	v0 =	vld.idx.msk [tilespmem:v17+s4+$0x0], $0xffff;
	_ =	sdelay $0x4  }
0x2ee: {  	v20 =	vor.u32 $0x18, v62;
	[tilespmem:$0x1FE90] =	vst v0;
	v0 =	vld.idx.msk [tilespmem:v14+s2+$0x0], $0xffff;
	_ =	sdelay $0x4  }
0x2ef: {  	[tilespmem:$0x1FEA0] =	vst v0;
	v0 =	vld.idx.msk [tilespmem:v20+s4+$0x0], $0xffff;
	_ =	sdelay $0x4  }
0x2f0: {  	v23 =	vor.u32 $0x17, v62;
	[tilespmem:$0x1FEB0] =	vst v0;
	v0 =	vld.idx.msk [tilespmem:v17+s2+$0x0], $0xffff;
	_ =	sdelay $0x4  }
0x2f1: {  	[tilespmem:$0x1FEC0] =	vst v0;
	v0 =	vld.idx.msk [tilespmem:v23+s4+$0x0], $0xffff;
	_ =	sdelay $0x4  }
0x2f2: {  	v26 =	vor.u32 $0x16, v62;
	[tilespmem:$0x1FED0] =	vst v0;
	v0 =	vld.idx.msk [tilespmem:v20+s2+$0x0], $0xffff;
	_ =	sdelay $0x4  }
0x2f3: {  	[tilespmem:$0x1FEE0] =	vst v0;
	v0 =	vld.idx.msk [tilespmem:v26+s4+$0x0], $0xffff;
	_ =	sdelay $0x4  }
0x2f4: {  	v29 =	vor.u32 $0x15, v62;
	[tilespmem:$0x1FEF0] =	vst v0;
	v0 =	vld.idx.msk [tilespmem:v23+s2+$0x0], $0xffff;
	_ =	sdelay $0x4  }
0x2f5: {  	[tilespmem:$0x1FF00] =	vst v0;
	v0 =	vld.idx.msk [tilespmem:v29+s4+$0x0], $0xffff;
	_ =	sdelay $0x4  }
0x2f6: {  	v32 =	vor.u32 $0x14, v62;
	[tilespmem:$0x1FF10] =	vst v0;
	v0 =	vld.idx.msk [tilespmem:v26+s2+$0x0], $0xffff;
	_ =	sdelay $0x4  }
0x2f7: {  	[tilespmem:$0x1FF20] =	vst v0;
	v0 =	vld.idx.msk [tilespmem:v32+s4+$0x0], $0xffff;
	_ =	sdelay $0x4  }
0x2f8: {  	v35 =	vor.u32 $0x13, v62;
	[tilespmem:$0x1FF30] =	vst v0;
	v0 =	vld.idx.msk [tilespmem:v29+s2+$0x0], $0xffff;
	_ =	sdelay $0x4  }
0x2f9: {  	[tilespmem:$0x1FF40] =	vst v0;
	v0 =	vld.idx.msk [tilespmem:v35+s4+$0x0], $0xffff;
	_ =	sdelay $0x4  }
0x2fa: {  	v38 =	vor.u32 $0x12, v62;
	[tilespmem:$0x1FF50] =	vst v0;
	v0 =	vld.idx.msk [tilespmem:v32+s2+$0x0], $0xffff;
	_ =	sdelay $0x4  }
0x2fb: {  	[tilespmem:$0x1FF60] =	vst v0;
	v0 =	vld.idx.msk [tilespmem:v38+s4+$0x0], $0xffff;
	_ =	sdelay $0x4  }
0x2fc: {  	v41 =	vor.u32 $0x11, v62;
	[tilespmem:$0x1FF70] =	vst v0;
	v0 =	vld.idx.msk [tilespmem:v35+s2+$0x0], $0xffff;
	_ =	sdelay $0x2  }
0x2fd: {  	v50 =	vor.u32 $0xE, v62  }
0x2fe: {  	v47 =	vor.u32 $0xF, v62  }
0x2ff: {  	[tilespmem:$0x1FF80] =	vst v0;
	v0 =	vld.idx.msk [tilespmem:v41+s4+$0x0], $0xffff  }
0x300: {  	v53 =	vor.u32 $0xD, v62;
	_ =	sdelay $0x1  }
0x301: {  	v56 =	vor.u32 $0xC, v62;
	v51 =	vld.idx.msk [tilespmem:v50+s4+$0x0], $0xffff  }
0x302: {  	v52 =	vld.idx.msk [tilespmem:v47+s2+$0x0], $0xffff  }
0x303: {  	v44 =	vor.u32 $0x10, v62;
	[tilespmem:$0x1FF90] =	vst v0;
	v0 =	vld.idx.msk [tilespmem:v38+s2+$0x0], $0xffff  }
0x304: {  	v59 =	vor.u32 $0xB, v62;
	v54 =	vld.idx.msk [tilespmem:v53+s4+$0x0], $0xffff  }
0x305: {  	v55 =	vld.idx.msk [tilespmem:v50+s2+$0x0], $0xffff  }
0x306: {  	v63 =	vor.u32 $0xA, v62;
	v57 =	vld.idx.msk [tilespmem:v56+s4+$0x0], $0xffff  }
0x307: {  	v9 =	vor.u32 $0x8, v62;
	v58 =	vld.idx.msk [tilespmem:v53+s2+$0x0], $0xffff  }
0x308: {  	[tilespmem:$0x1FFA0] =	vst v0;
	v0 =	vld.idx.msk [tilespmem:v44+s4+$0x0], $0xffff  }
0x309: {  	v13 =	vor.u32 $0x7, v62;
	v60 =	vld.idx.msk [tilespmem:v59+s4+$0x0], $0xffff  }
0x30a: {  	v61 =	vld.idx.msk [tilespmem:v56+s2+$0x0], $0xffff  }
0x30b: {  	v18 =	vor.u32 $0x6, v62;
	v7 =	vld.idx.msk [tilespmem:v63+s2+$0x0], $0xffff  }
0x30c: {  	v10 =	vld.idx.msk [tilespmem:v9+s4+$0x0], $0xffff  }
0x30d: {  	[tilespmem:$0x1FFB0] =	vst v0;
	v0 =	vld.idx.msk [tilespmem:v41+s2+$0x0], $0xffff  }
0x30e: {  	v22 =	vor.u32 $0x5, v62;
	v15 =	vld.idx.msk [tilespmem:v13+s4+$0x0], $0xffff  }
0x30f: {  	v16 =	vld.idx.msk [tilespmem:v9+s2+$0x0], $0xffff  }
0x310: {  	v27 =	vor.u32 $0x4, v62;
	v19 =	vld.idx.msk [tilespmem:v18+s4+$0x0], $0xffff  }
0x311: {  	v21 =	vld.idx.msk [tilespmem:v13+s2+$0x0], $0xffff  }
0x312: {  	[tilespmem:$0x1FFC0] =	vst v0;
	v0 =	vld.idx.msk [tilespmem:v47+s4+$0x0], $0xffff  }
0x313: {  	v31 =	vor.u32 $0x3, v62;
	v24 =	vld.idx.msk [tilespmem:v22+s4+$0x0], $0xffff  }
0x314: {  	v25 =	vld.idx.msk [tilespmem:v18+s2+$0x0], $0xffff  }
0x315: {  	[tilespmem:$0x1FE50] =	vst v4;
	v28 =	vld.idx.msk [tilespmem:v27+s4+$0x0], $0xffff;
	v4 =	vor.u32 $0x9, v62  }
0x316: {  	v30 =	vld.idx.msk [tilespmem:v22+s2+$0x0], $0xffff  }
0x317: {  	[tilespmem:$0x1FFD0] =	vst v0;
	v0 =	vld.idx.msk [tilespmem:v44+s2+$0x0], $0xffff  }
0x318: {  	v33 =	vld.idx.msk [tilespmem:v31+s4+$0x0], $0xffff  }
0x319: {  	[tilespmem:$0x1FE20] =	vst v3;
	v3 =	vld.idx.msk [tilespmem:v59+s2+$0x0], $0xffff  }
0x31a: {  	[tilespmem:$0x1FDC0] =	vst v1;
	v6 =	vld.idx.msk [tilespmem:v4+s4+$0x0], $0xffff  }
0x31b: {  	[tilespmem:$0x1FDF0] =	vst v2;
	v12 =	vld.idx.msk [tilespmem:v4+s2+$0x0], $0xffff  }
0x31c: {  	s23 =	simm.s32 $0x8;
	v34 =	vor.u32 $0x2, v62;
	[tilespmem:$0x1FFE0] =	vst v0;
	v0 =	vld.idx.msk [tilespmem:v63+s4+$0x0], $0xffff  }
.LBB2_4:
0x31d: {  	_ =	sdelay $0x1  }
0x31e: {  	v36 =	vld.idx.msk [tilespmem:v27+s2+$0x0], $0xffff  }
0x31f: {  	v37 =	vld.idx.msk [tilespmem:v62+s6+$0x0], $0xffff  }
0x320: {  	v39 =	vld.idx.msk [tilespmem:v34+s4+$0x0], $0xffff  }
0x321: {  	v42 =	vld.idx.msk [tilespmem:v31+s2+$0x0], $0xffff  }
0x322: {  	v40 =	vor.u32 $0x1, v62;
	v43 =	vld.idx.msk [tilespmem:v62+s4+$0x0], $0xffff  }
0x323: {  	v1 =	vld.idx.msk [tilespmem:v34+s2+$0x0], $0xffff  }
0x324: {  	v2 =	vld.idx.msk [tilespmem:v62+s5+$0x0], $0xffff  }
0x325: {  	v62 =	vld.idx.msk [tilespmem:v62+s2+$0x0], $0xffff  }
0x326: {  	v46 =	vld.idx.msk [tilespmem:v34+s5+$0x0], $0xffff  }
0x327: {  	v45 =	vld.idx.msk [tilespmem:v40+s2+$0x0], $0xffff  }
0x328: {  	v5 =	vld.idx.msk [tilespmem:v40+s5+$0x0], $0xffff  }
0x329: {  	v48 =	vld.idx.msk [tilespmem:v31+s5+$0x0], $0xffff  }
0x32a: {  	v8 =	vld.idx.msk [tilespmem:v40+s4+$0x0], $0xffff  }
0x32b: {  	v49 =	vld.idx.msk [tilespmem:v27+s5+$0x0], $0xffff  }
0x32c: {  	v40 =	vld.idx.msk [tilespmem:v40+s6+$0x0], $0xffff  }
0x32d: {  	v34 =	vld.idx.msk [tilespmem:v34+s6+$0x0], $0xffff;
	v2 =	vmul.f32 v2, v62;
	v5 =	vmul.f32 v5, v45  }
0x32e: {  	v1 =	vmul.f32 v46, v1  }
0x32f: {  	v62 =	vld.idx.msk [tilespmem:v22+s5+$0x0], $0xffff;
	v2 =	vsub.f32 v2, v43;
	v5 =	vsub.f32 v5, v8  }
0x330: {  	v1 =	vsub.f32 v1, v39;
	v8 =	vld.idx.msk [tilespmem:v31+s6+$0x0], $0xffff  }
0x331: {  	v46 =	vld.idx.msk [tilespmem:v18+s5+$0x0], $0xffff;
	v2 =	vsub.f32 v2, v37;
	v31 =	vmul.f32 v48, v42;
	v5 =	vsub.f32 v5, v40  }
0x332: {  	v27 =	vld.idx.msk [tilespmem:v27+s6+$0x0], $0xffff;
	v1 =	vsub.f32 v1, v34;
	v48 =	vmul.f32 v49, v36  }
0x333: {  	v2 =	vmul.f32 v2, v2;
	v49 =	vld.idx.msk [tilespmem:v13+s5+$0x0], $0xffff;
	v31 =	vsub.f32 v31, v33;
	v5 =	vmul.f32 v5, v5  }
0x334: {  	v22 =	vld.idx.msk [tilespmem:v22+s6+$0x0], $0xffff;
	v30 =	vmul.f32 v62, v30;
	v28 =	vsub.f32 v48, v28  }
0x335: {  	v62 =	vld.idx.msk [tilespmem:v9+s5+$0x0], $0xffff;
	v1 =	vmul.f32 v1, v1;
	v2 =	vadd.f32 v5, v2;
	v5 =	vsub.f32 v31, v8  }
0x336: {  	v8 =	vld.idx.msk [tilespmem:v18+s6+$0x0], $0xffff;
	v18 =	vsub.f32 v30, v24;
	v24 =	vmul.f32 v46, v25  }
0x337: {  	v25 =	vld.idx.msk [tilespmem:v4+s5+$0x0], $0xffff;
	v1 =	vadd.f32 v1, v2;
	v2 =	vmul.f32 v5, v5;
	v5 =	vsub.f32 v28, v27  }
0x338: {  	v13 =	vld.idx.msk [tilespmem:v13+s6+$0x0], $0xffff;
	v21 =	vmul.f32 v49, v21;
	v19 =	vsub.f32 v24, v19  }
0x339: {  	v24 =	vld.idx.msk [tilespmem:v63+s5+$0x0], $0xffff;
	v1 =	vadd.f32 v2, v1;
	v2 =	vmul.f32 v5, v5;
	v5 =	vsub.f32 v18, v22  }
0x33a: {  	v9 =	vld.idx.msk [tilespmem:v9+s6+$0x0], $0xffff;
	v16 =	vmul.f32 v62, v16;
	v15 =	vsub.f32 v21, v15  }
0x33b: {  	v18 =	vld.idx.msk [tilespmem:v59+s5+$0x0], $0xffff;
	v1 =	vadd.f32 v2, v1;
	v2 =	vmul.f32 v5, v5;
	v5 =	vsub.f32 v19, v8  }
0x33c: {  	v4 =	vld.idx.msk [tilespmem:v4+s6+$0x0], $0xffff;
	v8 =	vsub.f32 v16, v10;
	v10 =	vmul.f32 v25, v12  }
0x33d: {  	v12 =	vld.idx.msk [tilespmem:v56+s5+$0x0], $0xffff;
	v1 =	vadd.f32 v2, v1;
	v2 =	vmul.f32 v5, v5;
	v5 =	vsub.f32 v15, v13  }
0x33e: {  	v7 =	vmul.f32 v24, v7;
	v13 =	vld.idx.msk [tilespmem:v63+s6+$0x0], $0xffff;
	v6 =	vsub.f32 v10, v6  }
0x33f: {  	v10 =	vld.idx.msk [tilespmem:v53+s5+$0x0], $0xffff;
	v1 =	vadd.f32 v2, v1;
	v2 =	vmul.f32 v5, v5;
	v5 =	vsub.f32 v8, v9  }
0x340: {  	v0 =	vsub.f32 v7, v0;
	v3 =	vmul.f32 v18, v3;
	v8 =	vld.idx.msk [tilespmem:v59+s6+$0x0], $0xffff  }
0x341: {  	v4 =	vsub.f32 v6, v4;
	v1 =	vadd.f32 v2, v1;
	v2 =	vmul.f32 v5, v5  }
0x342: {  	v3 =	vsub.f32 v3, v60;
	v6 =	vmul.f32 v12, v61;
	v5 =	vld.idx.msk [tilespmem:v56+s6+$0x0], $0xffff  }
0x343: {  	v0 =	vsub.f32 v0, v13;
	v1 =	vadd.f32 v2, v1;
	v2 =	vmul.f32 v4, v4  }
0x344: {  	v6 =	vsub.f32 v6, v57;
	v10 =	vmul.f32 v10, v58;
	v4 =	vld.idx.msk [tilespmem:v53+s6+$0x0], $0xffff  }
0x345: {  	v7 =	vld.idx.msk [tilespmem:v50+s5+$0x0], $0xffff;
	v0 =	vmul.f32 v0, v0;
	v1 =	vadd.f32 v2, v1;
	v2 =	vsub.f32 v3, v8  }
0x346: {  	v8 =	vsub.f32 v10, v54  }
0x347: {  	v9 =	vld.idx.msk [tilespmem:v47+s5+$0x0], $0xffff;
	v0 =	vadd.f32 v0, v1;
	v1 =	vmul.f32 v2, v2;
	v2 =	vsub.f32 v6, v5;
	_ =	sdelay $0x1  }
0x348: {  	v0 =	vadd.f32 v1, v0;
	v1 =	vmul.f32 v2, v2;
	v2 =	vsub.f32 v8, v4;
	v8 =	vld [tilespmem:$0x1FFD0]  }
0x349: {  	v7 =	vmul.f32 v7, v55  }
0x34a: {  	v3 =	vld.idx.msk [tilespmem:v50+s6+$0x0], $0xffff  }
0x34b: {  	v6 =	vsub.f32 v7, v51;
	v7 =	vmul.f32 v9, v52  }
0x34c: {  	v12 =	vld.idx.msk [tilespmem:v44+s5+$0x0], $0xffff  }
0x34d: {  	v7 =	vsub.f32 v7, v8;
	v8 =	vld [tilespmem:$0x1FFE0];
	_ =	sdelay $0x1  }
0x34e: {  	v0 =	vadd.f32 v1, v0;
	v1 =	vmul.f32 v2, v2;
	v2 =	vsub.f32 v6, v3;
	v6 =	vld [tilespmem:$0x1FFB0];
	_ =	sdelay $0x1  }
0x34f: {  	v5 =	vld.idx.msk [tilespmem:v47+s6+$0x0], $0xffff  }
0x350: {  	v8 =	vmul.f32 v12, v8  }
0x351: {  	v10 =	vld.idx.msk [tilespmem:v41+s5+$0x0], $0xffff  }
0x352: {  	v6 =	vsub.f32 v8, v6;
	v8 =	vld [tilespmem:$0x1FFC0];
	_ =	sdelay $0x1  }
0x353: {  	v0 =	vadd.f32 v1, v0;
	v1 =	vmul.f32 v2, v2;
	v2 =	vsub.f32 v7, v5;
	v7 =	vld [tilespmem:$0x1FF90];
	_ =	sdelay $0x1  }
0x354: {  	v4 =	vld.idx.msk [tilespmem:v44+s6+$0x0], $0xffff  }
0x355: {  	v8 =	vmul.f32 v10, v8  }
0x356: {  	v9 =	vld.idx.msk [tilespmem:v38+s5+$0x0], $0xffff  }
0x357: {  	v7 =	vsub.f32 v8, v7;
	v8 =	vld [tilespmem:$0x1FFA0];
	_ =	sdelay $0x1  }
0x358: {  	v0 =	vadd.f32 v1, v0;
	v1 =	vmul.f32 v2, v2;
	v2 =	vsub.f32 v6, v4;
	v6 =	vld [tilespmem:$0x1FF70];
	_ =	sdelay $0x1  }
0x359: {  	v3 =	vld.idx.msk [tilespmem:v41+s6+$0x0], $0xffff  }
0x35a: {  	v8 =	vmul.f32 v9, v8  }
0x35b: {  	v12 =	vld.idx.msk [tilespmem:v35+s5+$0x0], $0xffff  }
0x35c: {  	v6 =	vsub.f32 v8, v6;
	v8 =	vld [tilespmem:$0x1FF80];
	_ =	sdelay $0x1  }
0x35d: {  	v0 =	vadd.f32 v1, v0;
	v1 =	vmul.f32 v2, v2;
	v2 =	vsub.f32 v7, v3;
	v7 =	vld [tilespmem:$0x1FF50];
	_ =	sdelay $0x1  }
0x35e: {  	v5 =	vld.idx.msk [tilespmem:v38+s6+$0x0], $0xffff  }
0x35f: {  	v8 =	vmul.f32 v12, v8  }
0x360: {  	v10 =	vld.idx.msk [tilespmem:v32+s5+$0x0], $0xffff  }
0x361: {  	v7 =	vsub.f32 v8, v7;
	v8 =	vld [tilespmem:$0x1FF60];
	_ =	sdelay $0x1  }
0x362: {  	v0 =	vadd.f32 v1, v0;
	v1 =	vmul.f32 v2, v2;
	v2 =	vsub.f32 v6, v5;
	v6 =	vld [tilespmem:$0x1FF30];
	_ =	sdelay $0x1  }
0x363: {  	v4 =	vld.idx.msk [tilespmem:v35+s6+$0x0], $0xffff  }
0x364: {  	v8 =	vmul.f32 v10, v8  }
0x365: {  	v9 =	vld.idx.msk [tilespmem:v29+s5+$0x0], $0xffff  }
0x366: {  	v6 =	vsub.f32 v8, v6;
	v8 =	vld [tilespmem:$0x1FF40];
	_ =	sdelay $0x1  }
0x367: {  	v0 =	vadd.f32 v1, v0;
	v1 =	vmul.f32 v2, v2;
	v2 =	vsub.f32 v7, v4;
	v7 =	vld [tilespmem:$0x1FF10];
	_ =	sdelay $0x1  }
0x368: {  	v3 =	vld.idx.msk [tilespmem:v32+s6+$0x0], $0xffff  }
0x369: {  	v8 =	vmul.f32 v9, v8  }
0x36a: {  	v12 =	vld.idx.msk [tilespmem:v26+s5+$0x0], $0xffff  }
0x36b: {  	v7 =	vsub.f32 v8, v7;
	v8 =	vld [tilespmem:$0x1FF20];
	_ =	sdelay $0x1  }
0x36c: {  	v0 =	vadd.f32 v1, v0;
	v1 =	vmul.f32 v2, v2;
	v2 =	vsub.f32 v6, v3;
	v6 =	vld [tilespmem:$0x1FEF0];
	_ =	sdelay $0x1  }
0x36d: {  	v5 =	vld.idx.msk [tilespmem:v29+s6+$0x0], $0xffff  }
0x36e: {  	v8 =	vmul.f32 v12, v8  }
0x36f: {  	v10 =	vld.idx.msk [tilespmem:v23+s5+$0x0], $0xffff  }
0x370: {  	v6 =	vsub.f32 v8, v6;
	v8 =	vld [tilespmem:$0x1FF00];
	_ =	sdelay $0x1  }
0x371: {  	v0 =	vadd.f32 v1, v0;
	v1 =	vmul.f32 v2, v2;
	v2 =	vsub.f32 v7, v5;
	v7 =	vld [tilespmem:$0x1FED0];
	_ =	sdelay $0x1  }
0x372: {  	v4 =	vld.idx.msk [tilespmem:v26+s6+$0x0], $0xffff  }
0x373: {  	v8 =	vmul.f32 v10, v8  }
0x374: {  	v9 =	vld.idx.msk [tilespmem:v20+s5+$0x0], $0xffff  }
0x375: {  	v7 =	vsub.f32 v8, v7;
	v8 =	vld [tilespmem:$0x1FEE0];
	_ =	sdelay $0x1  }
0x376: {  	v0 =	vadd.f32 v1, v0;
	v1 =	vmul.f32 v2, v2;
	v2 =	vsub.f32 v6, v4;
	v6 =	vld [tilespmem:$0x1FEB0];
	_ =	sdelay $0x1  }
0x377: {  	v3 =	vld.idx.msk [tilespmem:v23+s6+$0x0], $0xffff  }
0x378: {  	v8 =	vmul.f32 v9, v8  }
0x379: {  	v12 =	vld.idx.msk [tilespmem:v17+s5+$0x0], $0xffff  }
0x37a: {  	v6 =	vsub.f32 v8, v6;
	v8 =	vld [tilespmem:$0x1FEC0];
	_ =	sdelay $0x1  }
0x37b: {  	v0 =	vadd.f32 v1, v0;
	v1 =	vmul.f32 v2, v2;
	v2 =	vsub.f32 v7, v3;
	v7 =	vld [tilespmem:$0x1FE90];
	_ =	sdelay $0x1  }
0x37c: {  	v5 =	vld.idx.msk [tilespmem:v20+s6+$0x0], $0xffff  }
0x37d: {  	v8 =	vmul.f32 v12, v8  }
0x37e: {  	v10 =	vld.idx.msk [tilespmem:v14+s5+$0x0], $0xffff  }
0x37f: {  	v7 =	vsub.f32 v8, v7;
	v8 =	vld [tilespmem:$0x1FEA0];
	_ =	sdelay $0x1  }
0x380: {  	v0 =	vadd.f32 v1, v0;
	v1 =	vmul.f32 v2, v2;
	v2 =	vsub.f32 v6, v5;
	v6 =	vld [tilespmem:$0x1FE70];
	_ =	sdelay $0x1  }
0x381: {  	v4 =	vld.idx.msk [tilespmem:v17+s6+$0x0], $0xffff  }
0x382: {  	v15 =	vld [tilespmem:$0x1FE50];
	v8 =	vmul.f32 v10, v8  }
0x383: {  	v9 =	vld.idx.msk [tilespmem:v11+s5+$0x0], $0xffff  }
0x384: {  	v6 =	vsub.f32 v8, v6;
	v8 =	vld [tilespmem:$0x1FE80];
	_ =	sdelay $0x1  }
0x385: {  	v0 =	vadd.f32 v1, v0;
	v1 =	vmul.f32 v2, v2;
	v2 =	vsub.f32 v7, v4;
	v7 =	vld [tilespmem:$0x1FE40];
	_ =	sdelay $0x1  }
0x386: {  	v3 =	vld.idx.msk [tilespmem:v14+s6+$0x0], $0xffff  }
0x387: {  	v14 =	vld [tilespmem:$0x1FE20];
	v8 =	vmul.f32 v9, v8  }
0x388: {  	v12 =	vld.idx.msk [tilespmem:v15+s5+$0x0], $0xffff  }
0x389: {  	v7 =	vsub.f32 v8, v7;
	v8 =	vld [tilespmem:$0x1FE60];
	_ =	sdelay $0x1  }
0x38a: {  	v0 =	vadd.f32 v1, v0;
	v1 =	vmul.f32 v2, v2;
	v2 =	vsub.f32 v6, v3;
	v6 =	vld [tilespmem:$0x1FE10];
	_ =	sdelay $0x1  }
0x38b: {  	v5 =	vld.idx.msk [tilespmem:v11+s6+$0x0], $0xffff  }
0x38c: {  	v13 =	vld [tilespmem:$0x1FDF0];
	v8 =	vmul.f32 v12, v8  }
0x38d: {  	v10 =	vld.idx.msk [tilespmem:v14+s5+$0x0], $0xffff  }
0x38e: {  	v6 =	vsub.f32 v8, v6;
	v8 =	vld [tilespmem:$0x1FE30];
	_ =	sdelay $0x1  }
0x38f: {  	v0 =	vadd.f32 v1, v0;
	v1 =	vmul.f32 v2, v2;
	v2 =	vsub.f32 v7, v5;
	v7 =	vld [tilespmem:$0x1FDE0];
	_ =	sdelay $0x1  }
0x390: {  	v4 =	vld.idx.msk [tilespmem:v15+s6+$0x0], $0xffff  }
0x391: {  	v12 =	vld [tilespmem:$0x1FDC0];
	v8 =	vmul.f32 v10, v8  }
0x392: {  	v9 =	vld.idx.msk [tilespmem:v13+s5+$0x0], $0xffff  }
0x393: {  	v7 =	vsub.f32 v8, v7;
	v8 =	vld [tilespmem:$0x1FE00];
	_ =	sdelay $0x1  }
0x394: {  	v0 =	vadd.f32 v1, v0;
	v1 =	vmul.f32 v2, v2;
	v2 =	vsub.f32 v6, v4;
	v6 =	vld [tilespmem:$0x1FDB0];
	_ =	sdelay $0x2  }
0x395: {  	v3 =	vld.idx.msk [tilespmem:v14+s6+$0x0], $0xffff;
	v8 =	vmul.f32 v9, v8  }
0x396: {  	v11 =	vld.idx.msk [tilespmem:v12+s5+$0x0], $0xffff  }
0x397: {  	v6 =	vsub.f32 v8, v6;
	v8 =	vld [tilespmem:$0x1FDD0]  }
0x398: {  	v5 =	vld.idx.msk [tilespmem:v13+s6+$0x0], $0xffff  }
0x399: {  	v10 =	vld.idx.msk [tilespmem:v12+s4+$0x0], $0xffff;
	_ =	sdelay $0x1  }
0x39a: {  	v0 =	vadd.f32 v1, v0;
	v1 =	vmul.f32 v2, v2;
	v4 =	vld.idx.msk [tilespmem:v12+s6+$0x0], $0xffff  }
0x39b: {  	v2 =	vsub.f32 v7, v3;
	v8 =	vmul.f32 v11, v8  }
0x39c: {  	v0 =	vadd.f32 v1, v0  }
0x39d: {  	v1 =	vmul.f32 v2, v2;
	v2 =	vsub.f32 v6, v5;
	v3 =	vsub.f32 v8, v10;
	_ =	sdelay $0x1  }
0x39e: {  	v0 =	vadd.f32 v1, v0;
	v1 =	vmul.f32 v2, v2;
	v2 =	vsub.f32 v3, v4;
	v4 =	vld [tilespmem:$0x1FFF0]  }
0x39f: {  	s22 =	sadd.s32 $0x10, s22  }
0x3a0: {  	s0 =	sand.u32 $0x70, s22  }
0x3a1: {  	v5 =	vmov s0  }
0x3a2: {  	v3 =	vshll.u32 v5, $0x7  }
0x3a3: {  	s31 =	sand.u32 $0x60, s23;
	v0 =	vadd.f32 v1, v0;
	v1 =	vmul.f32 v2, v2;
	v3 =	vor.u32 v4, v3  }
0x3a4: {  	v62 =	vor.u32 s31, v3  }
0x3a5: {  	v0 =	vadd.f32 v1, v0;
	v2 =	vor.u32 $0x1E, v62;
	_ =	sdelay $0x1  }
0x3a6: {  	v0 =	vsub.f32 $0.0e+00, v0  }
0x3a7: {  	s1 =	sadd.s32 $0x10, s1  }
0x3a8: {  	[tilespmem:s1+$0x0] =	vst v0  }
0x3a9: {  	v1 =	vor.u32 $0x1F, v62;
	v0 =	vld.idx.msk [tilespmem:v2+s4+$0x0], $0xffff;
	_ =	sdelay $0x4  }
0x3aa: {  	v3 =	vor.u32 $0x1D, v62;
	[tilespmem:$0x1FDB0] =	vst v0;
	v0 =	vld.idx.msk [tilespmem:v1+s2+$0x0], $0xffff;
	_ =	sdelay $0x4  }
0x3ab: {  	[tilespmem:$0x1FDD0] =	vst v0;
	v0 =	vld.idx.msk [tilespmem:v3+s4+$0x0], $0xffff;
	_ =	sdelay $0x4  }
0x3ac: {  	v4 =	vor.u32 $0x1C, v62;
	[tilespmem:$0x1FDE0] =	vst v0;
	v0 =	vld.idx.msk [tilespmem:v2+s2+$0x0], $0xffff;
	_ =	sdelay $0x4  }
0x3ad: {  	[tilespmem:$0x1FE00] =	vst v0;
	v0 =	vld.idx.msk [tilespmem:v4+s4+$0x0], $0xffff;
	_ =	sdelay $0x4  }
0x3ae: {  	v11 =	vor.u32 $0x1B, v62;
	[tilespmem:$0x1FE10] =	vst v0;
	v0 =	vld.idx.msk [tilespmem:v3+s2+$0x0], $0xffff;
	_ =	sdelay $0x4  }
0x3af: {  	[tilespmem:$0x1FE30] =	vst v0;
	v0 =	vld.idx.msk [tilespmem:v11+s4+$0x0], $0xffff;
	_ =	sdelay $0x4  }
0x3b0: {  	v14 =	vor.u32 $0x1A, v62;
	[tilespmem:$0x1FE40] =	vst v0;
	v0 =	vld.idx.msk [tilespmem:v4+s2+$0x0], $0xffff;
	_ =	sdelay $0x4  }
0x3b1: {  	[tilespmem:$0x1FE60] =	vst v0;
	v0 =	vld.idx.msk [tilespmem:v14+s4+$0x0], $0xffff;
	_ =	sdelay $0x4  }
0x3b2: {  	v17 =	vor.u32 $0x19, v62;
	[tilespmem:$0x1FE70] =	vst v0;
	v0 =	vld.idx.msk [tilespmem:v11+s2+$0x0], $0xffff;
	_ =	sdelay $0x4  }
0x3b3: {  	[tilespmem:$0x1FE80] =	vst v0;
	v0 =	vld.idx.msk [tilespmem:v17+s4+$0x0], $0xffff;
	_ =	sdelay $0x4  }
0x3b4: {  	v20 =	vor.u32 $0x18, v62;
	[tilespmem:$0x1FE90] =	vst v0;
	v0 =	vld.idx.msk [tilespmem:v14+s2+$0x0], $0xffff;
	_ =	sdelay $0x4  }
0x3b5: {  	[tilespmem:$0x1FEA0] =	vst v0;
	v0 =	vld.idx.msk [tilespmem:v20+s4+$0x0], $0xffff;
	_ =	sdelay $0x4  }
0x3b6: {  	v23 =	vor.u32 $0x17, v62;
	[tilespmem:$0x1FEB0] =	vst v0;
	v0 =	vld.idx.msk [tilespmem:v17+s2+$0x0], $0xffff;
	_ =	sdelay $0x4  }
0x3b7: {  	[tilespmem:$0x1FEC0] =	vst v0;
	v0 =	vld.idx.msk [tilespmem:v23+s4+$0x0], $0xffff;
	_ =	sdelay $0x4  }
0x3b8: {  	v26 =	vor.u32 $0x16, v62;
	[tilespmem:$0x1FED0] =	vst v0;
	v0 =	vld.idx.msk [tilespmem:v20+s2+$0x0], $0xffff;
	_ =	sdelay $0x4  }
0x3b9: {  	[tilespmem:$0x1FEE0] =	vst v0;
	v0 =	vld.idx.msk [tilespmem:v26+s4+$0x0], $0xffff;
	_ =	sdelay $0x4  }
0x3ba: {  	v29 =	vor.u32 $0x15, v62;
	[tilespmem:$0x1FEF0] =	vst v0;
	v0 =	vld.idx.msk [tilespmem:v23+s2+$0x0], $0xffff;
	_ =	sdelay $0x4  }
0x3bb: {  	[tilespmem:$0x1FF00] =	vst v0;
	v0 =	vld.idx.msk [tilespmem:v29+s4+$0x0], $0xffff;
	_ =	sdelay $0x4  }
0x3bc: {  	v32 =	vor.u32 $0x14, v62;
	[tilespmem:$0x1FF10] =	vst v0;
	v0 =	vld.idx.msk [tilespmem:v26+s2+$0x0], $0xffff;
	_ =	sdelay $0x4  }
0x3bd: {  	[tilespmem:$0x1FF20] =	vst v0;
	v0 =	vld.idx.msk [tilespmem:v32+s4+$0x0], $0xffff;
	_ =	sdelay $0x4  }
0x3be: {  	v35 =	vor.u32 $0x13, v62;
	[tilespmem:$0x1FF30] =	vst v0;
	v0 =	vld.idx.msk [tilespmem:v29+s2+$0x0], $0xffff;
	_ =	sdelay $0x4  }
0x3bf: {  	[tilespmem:$0x1FF40] =	vst v0;
	v0 =	vld.idx.msk [tilespmem:v35+s4+$0x0], $0xffff;
	_ =	sdelay $0x4  }
0x3c0: {  	v38 =	vor.u32 $0x12, v62;
	[tilespmem:$0x1FF50] =	vst v0;
	v0 =	vld.idx.msk [tilespmem:v32+s2+$0x0], $0xffff;
	_ =	sdelay $0x4  }
0x3c1: {  	[tilespmem:$0x1FF60] =	vst v0;
	v0 =	vld.idx.msk [tilespmem:v38+s4+$0x0], $0xffff;
	_ =	sdelay $0x4  }
0x3c2: {  	v41 =	vor.u32 $0x11, v62;
	[tilespmem:$0x1FF70] =	vst v0;
	v0 =	vld.idx.msk [tilespmem:v35+s2+$0x0], $0xffff;
	_ =	sdelay $0x2  }
0x3c3: {  	v50 =	vor.u32 $0xE, v62  }
0x3c4: {  	v47 =	vor.u32 $0xF, v62  }
0x3c5: {  	[tilespmem:$0x1FF80] =	vst v0;
	v0 =	vld.idx.msk [tilespmem:v41+s4+$0x0], $0xffff  }
0x3c6: {  	v53 =	vor.u32 $0xD, v62;
	_ =	sdelay $0x1  }
0x3c7: {  	v56 =	vor.u32 $0xC, v62;
	v51 =	vld.idx.msk [tilespmem:v50+s4+$0x0], $0xffff  }
0x3c8: {  	v52 =	vld.idx.msk [tilespmem:v47+s2+$0x0], $0xffff  }
0x3c9: {  	v44 =	vor.u32 $0x10, v62;
	[tilespmem:$0x1FF90] =	vst v0;
	v0 =	vld.idx.msk [tilespmem:v38+s2+$0x0], $0xffff  }
0x3ca: {  	v59 =	vor.u32 $0xB, v62;
	v54 =	vld.idx.msk [tilespmem:v53+s4+$0x0], $0xffff  }
0x3cb: {  	v55 =	vld.idx.msk [tilespmem:v50+s2+$0x0], $0xffff  }
0x3cc: {  	v63 =	vor.u32 $0xA, v62;
	v57 =	vld.idx.msk [tilespmem:v56+s4+$0x0], $0xffff  }
0x3cd: {  	v9 =	vor.u32 $0x8, v62;
	v58 =	vld.idx.msk [tilespmem:v53+s2+$0x0], $0xffff  }
0x3ce: {  	[tilespmem:$0x1FFA0] =	vst v0;
	v0 =	vld.idx.msk [tilespmem:v44+s4+$0x0], $0xffff  }
0x3cf: {  	v13 =	vor.u32 $0x7, v62;
	v60 =	vld.idx.msk [tilespmem:v59+s4+$0x0], $0xffff  }
0x3d0: {  	v61 =	vld.idx.msk [tilespmem:v56+s2+$0x0], $0xffff  }
0x3d1: {  	v18 =	vor.u32 $0x6, v62;
	v7 =	vld.idx.msk [tilespmem:v63+s2+$0x0], $0xffff  }
0x3d2: {  	v10 =	vld.idx.msk [tilespmem:v9+s4+$0x0], $0xffff  }
0x3d3: {  	[tilespmem:$0x1FFB0] =	vst v0;
	v0 =	vld.idx.msk [tilespmem:v41+s2+$0x0], $0xffff  }
0x3d4: {  	v22 =	vor.u32 $0x5, v62;
	v15 =	vld.idx.msk [tilespmem:v13+s4+$0x0], $0xffff  }
0x3d5: {  	v16 =	vld.idx.msk [tilespmem:v9+s2+$0x0], $0xffff  }
0x3d6: {  	v27 =	vor.u32 $0x4, v62;
	v19 =	vld.idx.msk [tilespmem:v18+s4+$0x0], $0xffff  }
0x3d7: {  	v21 =	vld.idx.msk [tilespmem:v13+s2+$0x0], $0xffff  }
0x3d8: {  	[tilespmem:$0x1FFC0] =	vst v0;
	v0 =	vld.idx.msk [tilespmem:v47+s4+$0x0], $0xffff  }
0x3d9: {  	v31 =	vor.u32 $0x3, v62;
	v24 =	vld.idx.msk [tilespmem:v22+s4+$0x0], $0xffff  }
0x3da: {  	v25 =	vld.idx.msk [tilespmem:v18+s2+$0x0], $0xffff  }
0x3db: {  	[tilespmem:$0x1FE50] =	vst v4;
	v28 =	vld.idx.msk [tilespmem:v27+s4+$0x0], $0xffff;
	v4 =	vor.u32 $0x9, v62  }
0x3dc: {  	v30 =	vld.idx.msk [tilespmem:v22+s2+$0x0], $0xffff  }
0x3dd: {  	p0 =	sne.s32 s23, $0x7C;
	[tilespmem:$0x1FFD0] =	vst v0;
	v0 =	vld.idx.msk [tilespmem:v44+s2+$0x0], $0xffff  }
.Ltmp1:
0x3de: {  	v33 =	vld.idx.msk [tilespmem:v31+s4+$0x0], $0xffff;
	(pc) =	sbr.rel @p0 .LBB2_4-.Ltmp1, $4  }
0x3df: {  	[tilespmem:$0x1FE20] =	vst v3;
	v3 =	vld.idx.msk [tilespmem:v59+s2+$0x0], $0xffff  }
0x3e0: {  	[tilespmem:$0x1FDC0] =	vst v1;
	v6 =	vld.idx.msk [tilespmem:v4+s4+$0x0], $0xffff  }
0x3e1: {  	[tilespmem:$0x1FDF0] =	vst v2;
	v12 =	vld.idx.msk [tilespmem:v4+s2+$0x0], $0xffff  }
0x3e2: {  	s23 =	sadd.s32 $0x4, s23;
	v34 =	vor.u32 $0x2, v62;
	[tilespmem:$0x1FFE0] =	vst v0;
	v0 =	vld.idx.msk [tilespmem:v63+s4+$0x0], $0xffff  }
0x3e3: {  	_ =	sdelay $0x3  }
0x3e4: {  	v2 =	vld.idx.msk [tilespmem:v62+s6+$0x0], $0xffff  }
0x3e5: {  	v5 =	vld.idx.msk [tilespmem:v62+s4+$0x0], $0xffff  }
0x3e6: {  	v8 =	vld.idx.msk [tilespmem:v62+s5+$0x0], $0xffff  }
0x3e7: {  	v36 =	vld.idx.msk [tilespmem:v62+s2+$0x0], $0xffff  }
0x3e8: {  	v42 =	vld.idx.msk [tilespmem:v34+s4+$0x0], $0xffff  }
0x3e9: {  	v43 =	vld.idx.msk [tilespmem:v34+s2+$0x0], $0xffff  }
0x3ea: {  	v1 =	vor.u32 $0x1, v62;
	v45 =	vld.idx.msk [tilespmem:v34+s5+$0x0], $0xffff  }
0x3eb: {  	v46 =	vld.idx.msk [tilespmem:v31+s2+$0x0], $0xffff  }
0x3ec: {  	v48 =	vld.idx.msk [tilespmem:v31+s5+$0x0], $0xffff  }
0x3ed: {  	v49 =	vld.idx.msk [tilespmem:v27+s2+$0x0], $0xffff  }
0x3ee: {  	v34 =	vld.idx.msk [tilespmem:v34+s6+$0x0], $0xffff  }
0x3ef: {  	v37 =	vld.idx.msk [tilespmem:v1+s2+$0x0], $0xffff  }
0x3f0: {  	v39 =	vld.idx.msk [tilespmem:v1+s5+$0x0], $0xffff;
	v8 =	vmul.f32 v8, v36  }
0x3f1: {  	v40 =	vld.idx.msk [tilespmem:v1+s4+$0x0], $0xffff  }
0x3f2: {  	v1 =	vld.idx.msk [tilespmem:v1+s6+$0x0], $0xffff;
	v5 =	vsub.f32 v8, v5  }
0x3f3: {  	v36 =	vld.idx.msk [tilespmem:v22+s5+$0x0], $0xffff  }
0x3f4: {  	v45 =	vmul.f32 v45, v43;
	v2 =	vsub.f32 v5, v2;
	v5 =	vld.idx.msk [tilespmem:v18+s5+$0x0], $0xffff  }
0x3f5: {  	v62 =	vmul.f32 v39, v37;
	v37 =	vld.idx.msk [tilespmem:v27+s5+$0x0], $0xffff  }
0x3f6: {  	v39 =	vsub.f32 v45, v42;
	v45 =	vld.idx.msk [tilespmem:v31+s6+$0x0], $0xffff  }
0x3f7: {  	v42 =	vld.idx.msk [tilespmem:v18+s6+$0x0], $0xffff  }
0x3f8: {  	v30 =	vmul.f32 v36, v30;
	v18 =	vld [tilespmem:$0x1FF10]  }
0x3f9: {  	v8 =	vsub.f32 v62, v40;
	v62 =	vmul.f32 v48, v46;
	v40 =	vld.idx.msk [tilespmem:v9+s5+$0x0], $0xffff  }
0x3fa: {  	v24 =	vsub.f32 v30, v24;
	v30 =	vld.idx.msk [tilespmem:v53+s5+$0x0], $0xffff  }
0x3fb: {  	v46 =	vsub.f32 v62, v33;
	v62 =	vld.idx.msk [tilespmem:v13+s5+$0x0], $0xffff  }
0x3fc: {  	v34 =	vsub.f32 v39, v34;
	v33 =	vld.idx.msk [tilespmem:v22+s6+$0x0], $0xffff  }
0x3fd: {  	v22 =	vld.idx.msk [tilespmem:v9+s6+$0x0], $0xffff  }
0x3fe: {  	v39 =	vmul.f32 v34, v34;
	v34 =	vld.idx.msk [tilespmem:v53+s6+$0x0], $0xffff  }
0x3ff: {  	v53 =	vld [tilespmem:$0x1FFA0]  }
0x400: {  	v48 =	vmul.f32 v37, v49;
	v49 =	vld.idx.msk [tilespmem:v27+s6+$0x0], $0xffff  }
0x401: {  	v27 =	vld.idx.msk [tilespmem:v56+s5+$0x0], $0xffff  }
0x402: {  	v37 =	vld.idx.msk [tilespmem:v50+s6+$0x0], $0xffff  }
0x403: {  	v5 =	vmul.f32 v5, v25;
	v36 =	vsub.f32 v46, v45;
	v45 =	vld.idx.msk [tilespmem:v4+s5+$0x0], $0xffff  }
0x404: {  	v4 =	vld.idx.msk [tilespmem:v4+s6+$0x0], $0xffff  }
0x405: {  	v5 =	vsub.f32 v5, v19;
	v19 =	vld [tilespmem:$0x1FF20]  }
0x406: {  	v28 =	vsub.f32 v48, v28;
	v48 =	vld.idx.msk [tilespmem:v13+s6+$0x0], $0xffff  }
0x407: {  	v16 =	vmul.f32 v40, v16;
	v40 =	vld.idx.msk [tilespmem:v47+s6+$0x0], $0xffff  }
0x408: {  	v9 =	vmul.f32 v30, v58;
	v58 =	vld.idx.msk [tilespmem:v35+s6+$0x0], $0xffff  }
0x409: {  	v13 =	vld [tilespmem:$0x1FF40]  }
0x40a: {  	v30 =	vld.idx.msk [tilespmem:v20+s6+$0x0], $0xffff  }
0x40b: {  	v46 =	vmul.f32 v62, v21;
	v62 =	vld.idx.msk [tilespmem:v63+s5+$0x0], $0xffff  }
0x40c: {  	v1 =	vsub.f32 v8, v1;
	v21 =	vld.idx.msk [tilespmem:v26+s6+$0x0], $0xffff  }
0x40d: {  	v43 =	vsub.f32 v28, v49;
	v49 =	vsub.f32 v24, v33;
	v24 =	vld.idx.msk [tilespmem:v59+s5+$0x0], $0xffff  }
0x40e: {  	v2 =	vmul.f32 v2, v2;
	v1 =	vmul.f32 v1, v1;
	v28 =	vld.idx.msk [tilespmem:v63+s6+$0x0], $0xffff  }
0x40f: {  	v33 =	vld.idx.msk [tilespmem:v56+s6+$0x0], $0xffff  }
0x410: {  	v1 =	vadd.f32 v1, v2;
	v56 =	vld [tilespmem:$0x1FF70]  }
0x411: {  	v12 =	vmul.f32 v45, v12;
	v45 =	vld [tilespmem:$0x1FFE0]  }
0x412: {  	v2 =	vmul.f32 v36, v36;
	v1 =	vadd.f32 v39, v1;
	v15 =	vsub.f32 v46, v15;
	v46 =	vld.idx.msk [tilespmem:v44+s6+$0x0], $0xffff  }
0x413: {  	v8 =	vmul.f32 v43, v43;
	v43 =	vld [tilespmem:$0x1FFD0]  }
0x414: {  	v1 =	vadd.f32 v2, v1;
	v2 =	vmul.f32 v49, v49;
	v49 =	vld [tilespmem:$0x1FFC0]  }
0x415: {  	v25 =	vsub.f32 v15, v48;
	v48 =	vld [tilespmem:$0x1FFB0]  }
0x416: {  	v6 =	vsub.f32 v12, v6;
	v12 =	vld [tilespmem:$0x1FF30]  }
0x417: {  	v15 =	vld.idx.msk [tilespmem:v29+s6+$0x0], $0xffff  }
0x418: {  	v7 =	vmul.f32 v62, v7;
	v62 =	vld.idx.msk [tilespmem:v32+s6+$0x0], $0xffff  }
0x419: {  	v31 =	vsub.f32 v6, v4;
	v6 =	vmul.f32 v27, v61;
	v61 =	vld [tilespmem:$0x1FF60]  }
0x41a: {  	v1 =	vadd.f32 v8, v1;
	v3 =	vmul.f32 v24, v3;
	v24 =	vld [tilespmem:$0x1FEF0]  }
0x41b: {  	v5 =	vsub.f32 v5, v42;
	v0 =	vsub.f32 v7, v0;
	v7 =	vld.idx.msk [tilespmem:v59+s6+$0x0], $0xffff  }
0x41c: {  	v1 =	vadd.f32 v2, v1;
	v2 =	vmul.f32 v25, v25;
	v25 =	vld [tilespmem:$0x1FF00]  }
0x41d: {  	v5 =	vmul.f32 v5, v5;
	v6 =	vsub.f32 v6, v57;
	v57 =	vld [tilespmem:$0x1FF80]  }
0x41e: {  	v10 =	vsub.f32 v16, v10;
	v3 =	vsub.f32 v3, v60;
	v60 =	vld [tilespmem:$0x1FF50]  }
0x41f: {  	v1 =	vadd.f32 v5, v1;
	v0 =	vsub.f32 v0, v28;
	v28 =	vld [tilespmem:$0x1FED0]  }
0x420: {  	v5 =	vsub.f32 v10, v22;
	v39 =	vsub.f32 v6, v33;
	v6 =	vld.idx.msk [tilespmem:v41+s5+$0x0], $0xffff  }
0x421: {  	v33 =	vld [tilespmem:$0x1FEC0]  }
0x422: {  	v4 =	vmul.f32 v5, v5;
	v5 =	vld.idx.msk [tilespmem:v50+s5+$0x0], $0xffff  }
0x423: {  	v50 =	vld.idx.msk [tilespmem:v41+s6+$0x0], $0xffff  }
0x424: {  	v41 =	vld [tilespmem:$0x1FE20]  }
0x425: {  	v1 =	vadd.f32 v2, v1;
	v36 =	vsub.f32 v3, v7;
	v3 =	vld.idx.msk [tilespmem:v44+s5+$0x0], $0xffff  }
0x426: {  	v7 =	vsub.f32 v9, v54;
	v54 =	vld.idx.msk [tilespmem:v38+s6+$0x0], $0xffff  }
0x427: {  	v1 =	vadd.f32 v4, v1;
	v4 =	vld.idx.msk [tilespmem:v47+s5+$0x0], $0xffff  }
0x428: {  	v2 =	vmul.f32 v31, v31;
	v42 =	vsub.f32 v7, v34;
	v7 =	vld.idx.msk [tilespmem:v38+s5+$0x0], $0xffff  }
0x429: {  	v34 =	vld.idx.msk [tilespmem:v17+s6+$0x0], $0xffff  }
0x42a: {  	v0 =	vmul.f32 v0, v0;
	v38 =	vld [tilespmem:$0x1FEA0];
	v1 =	vadd.f32 v2, v1  }
0x42b: {  	v2 =	vmul.f32 v36, v36;
	v36 =	vld [tilespmem:$0x1FE50]  }
0x42c: {  	v5 =	vmul.f32 v5, v55;
	v0 =	vadd.f32 v0, v1;
	v1 =	vmul.f32 v39, v39;
	v39 =	vld.idx.msk [tilespmem:v14+s6+$0x0], $0xffff  }
0x42d: {  	v3 =	vmul.f32 v3, v45;
	v4 =	vmul.f32 v4, v52;
	v52 =	vld [tilespmem:$0x1FF90]  }
0x42e: {  	v0 =	vadd.f32 v2, v0;
	v2 =	vmul.f32 v42, v42;
	v42 =	vld [tilespmem:$0x1FE70]  }
0x42f: {  	v5 =	vsub.f32 v5, v51;
	v3 =	vsub.f32 v3, v48;
	v48 =	vld [tilespmem:$0x1FE60]  }
0x430: {  	v7 =	vmul.f32 v7, v53;
	v53 =	vld [tilespmem:$0x1FE30]  }
0x431: {  	v4 =	vsub.f32 v4, v43;
	v47 =	vsub.f32 v5, v37;
	v5 =	vld.idx.msk [tilespmem:v35+s5+$0x0], $0xffff  }
0x432: {  	v37 =	vld [tilespmem:$0x1FE90];
	v0 =	vadd.f32 v1, v0  }
0x433: {  	v7 =	vsub.f32 v7, v56;
	v51 =	vsub.f32 v4, v40;
	v4 =	vld.idx.msk [tilespmem:v32+s5+$0x0], $0xffff  }
0x434: {  	v6 =	vmul.f32 v6, v49;
	v43 =	vld [tilespmem:$0x1FE80]  }
0x435: {  	v1 =	vmul.f32 v47, v47;
	v0 =	vadd.f32 v2, v0;
	v63 =	vsub.f32 v7, v54;
	v7 =	vld.idx.msk [tilespmem:v23+s5+$0x0], $0xffff  }
0x436: {  	v55 =	vsub.f32 v3, v46;
	v3 =	vld.idx.msk [tilespmem:v29+s5+$0x0], $0xffff;
	v6 =	vsub.f32 v6, v52  }
0x437: {  	v29 =	vld [tilespmem:$0x1FEE0];
	v2 =	vmul.f32 v51, v51;
	v0 =	vadd.f32 v1, v0  }
0x438: {  	v59 =	vsub.f32 v6, v50;
	v6 =	vld.idx.msk [tilespmem:v26+s5+$0x0], $0xffff;
	v4 =	vmul.f32 v4, v61  }
0x439: {  	v5 =	vmul.f32 v5, v57;
	v1 =	vmul.f32 v55, v55;
	v26 =	vld.idx.msk [tilespmem:v23+s6+$0x0], $0xffff;
	v0 =	vadd.f32 v2, v0  }
0x43a: {  	v46 =	vld [tilespmem:$0x1FDF0];
	v7 =	vmul.f32 v7, v25;
	v4 =	vsub.f32 v4, v12  }
0x43b: {  	v32 =	vld [tilespmem:$0x1FEB0];
	v5 =	vsub.f32 v5, v60;
	v0 =	vadd.f32 v1, v0  }
0x43c: {  	v2 =	vmul.f32 v59, v59;
	v7 =	vsub.f32 v7, v28;
	v22 =	vsub.f32 v4, v62;
	v4 =	vld.idx.msk [tilespmem:v17+s5+$0x0], $0xffff  }
0x43d: {  	v3 =	vmul.f32 v3, v13;
	v16 =	vsub.f32 v5, v58;
	v5 =	vld.idx.msk [tilespmem:v20+s5+$0x0], $0xffff  }
0x43e: {  	v1 =	vmul.f32 v63, v63;
	v0 =	vadd.f32 v2, v0;
	v35 =	vsub.f32 v7, v26;
	v7 =	vld.idx.msk [tilespmem:v36+s5+$0x0], $0xffff  }
0x43f: {  	v49 =	vld.idx.msk [tilespmem:v36+s6+$0x0], $0xffff;
	v3 =	vsub.f32 v3, v18  }
0x440: {  	v52 =	vld [tilespmem:$0x1FE10];
	v6 =	vmul.f32 v6, v19;
	v2 =	vmul.f32 v16, v16;
	v0 =	vadd.f32 v1, v0  }
0x441: {  	v51 =	vld [tilespmem:$0x1FDC0];
	v27 =	vsub.f32 v3, v15;
	v4 =	vmul.f32 v4, v33  }
0x442: {  	v3 =	vld.idx.msk [tilespmem:v14+s5+$0x0], $0xffff;
	v6 =	vsub.f32 v6, v24;
	v1 =	vmul.f32 v22, v22;
	v0 =	vadd.f32 v2, v0  }
0x443: {  	v57 =	vld [tilespmem:$0x1FE00];
	v5 =	vmul.f32 v5, v29;
	v7 =	vmul.f32 v7, v48;
	v4 =	vsub.f32 v4, v37  }
0x444: {  	v31 =	vsub.f32 v6, v21;
	v6 =	vld.idx.msk [tilespmem:v11+s5+$0x0], $0xffff;
	v2 =	vmul.f32 v27, v27;
	v0 =	vadd.f32 v1, v0  }
0x445: {  	v7 =	vsub.f32 v7, v52;
	v45 =	vsub.f32 v4, v34;
	v4 =	vld.idx.msk [tilespmem:v46+s5+$0x0], $0xffff  }
0x446: {  	v47 =	vld [tilespmem:$0x1FE40];
	v5 =	vsub.f32 v5, v32;
	v1 =	vmul.f32 v31, v31;
	v0 =	vadd.f32 v2, v0  }
0x447: {  	v3 =	vmul.f32 v3, v38;
	v59 =	vsub.f32 v7, v49;
	v7 =	vld [tilespmem:$0x1FDB0]  }
0x448: {  	v40 =	vsub.f32 v5, v30;
	v5 =	vld.idx.msk [tilespmem:v41+s5+$0x0], $0xffff;
	v2 =	vmul.f32 v35, v35;
	v0 =	vadd.f32 v1, v0  }
0x449: {  	v44 =	vld.idx.msk [tilespmem:v11+s6+$0x0], $0xffff;
	v3 =	vsub.f32 v3, v42;
	v6 =	vmul.f32 v6, v43  }
0x44a: {  	v56 =	vld [tilespmem:$0x1FDE0];
	v1 =	vmul.f32 v40, v40;
	v0 =	vadd.f32 v2, v0;
	v4 =	vmul.f32 v4, v57  }
0x44b: {  	v50 =	vsub.f32 v3, v39;
	v3 =	vld.idx.msk [tilespmem:v51+s5+$0x0], $0xffff;
	v6 =	vsub.f32 v6, v47  }
0x44c: {  	v2 =	vmul.f32 v45, v45;
	v0 =	vadd.f32 v1, v0;
	v4 =	vsub.f32 v4, v7;
	v7 =	vld [tilespmem:$0x1FDD0]  }
0x44d: {  	v54 =	vld.idx.msk [tilespmem:v41+s6+$0x0], $0xffff;
	v5 =	vmul.f32 v5, v53  }
0x44e: {  	v58 =	vld.idx.msk [tilespmem:v46+s6+$0x0], $0xffff;
	v55 =	vsub.f32 v6, v44;
	v1 =	vmul.f32 v50, v50;
	v0 =	vadd.f32 v2, v0  }
0x44f: {  	v6 =	vld.idx.msk [tilespmem:v51+s4+$0x0], $0xffff  }
0x450: {  	v5 =	vsub.f32 v5, v56;
	v2 =	vmul.f32 v55, v55;
	v0 =	vadd.f32 v1, v0  }
0x451: {  	v3 =	vmul.f32 v3, v7;
	v7 =	vld.idx.msk [tilespmem:v51+s6+$0x0], $0xffff  }
0x452: {  	v60 =	vsub.f32 v5, v54;
	v1 =	vmul.f32 v59, v59;
	v0 =	vadd.f32 v2, v0  }
0x453: {  	v61 =	vsub.f32 v4, v58  }
0x454: {  	v2 =	vmul.f32 v60, v60;
	v0 =	vadd.f32 v1, v0;
	v3 =	vsub.f32 v3, v6;
	_ =	sdelay $0x1  }
0x455: {  	v1 =	vmul.f32 v61, v61;
	v0 =	vadd.f32 v2, v0;
	v62 =	vsub.f32 v3, v7;
	_ =	sdelay $0x1  }
0x456: {  	v0 =	vadd.f32 v1, v0;
	v63 =	vmul.f32 v62, v62;
	_ =	sdelay $0x1  }
0x457: {  	v0 =	vadd.f32 v63, v0;
	_ =	sdelay $0x1  }
0x458: {  	v0 =	vsub.f32 $0.0e+00, v0  }
0x459: {  	s0 =	sadd.s32 $0x10, s1  }
0x45a: {  	s28 =	rddreg [dreg:$0x12];
	s29 =	simm.s32 $0x10600;
	s1 =	simm.s32 $0x2;
	[tilespmem:s0+$0x0] =	vst v0  }
0x45b: {  	[hbm4b:s28+s21] =	stream.linear.scatter [tilespmem:s29], [sflag:$0x2], $0x200, $0x38;
	[tilespmem:$0x10800] =	vst v63  }
0x45c: {  	_ =	swait.ge [sflag:s1], $0x200  }
0x45d: {  	s30 =	rddreg [dreg:$0x14]  }
0x45e: {  	s31 =	rddreg [dreg:$0x13];
	s2 =	sadd.s32 $0x1, s30  }
0x45f: {  	p0 =	sne.s32 s2, s31  }
.Ltmp2:
0x460: {  	_ = 	snop;
	(pc) =	sbr.rel @p0 .LBB2_1-.Ltmp2, $3  }
0x461: {  	_ =	sdelay $0x1  }
0x462: {  	[sflag:s1] =	ssyncset.done $0x0  }
0x463: {  	v4 =	vld [tilespmem:$0x1FFF0];
	[sflag:s1] =	ssyncadd.s32 $0xFFFFFE00  }
0x464: {  	_ =	sfence.sel $0x180000  }
0x465: {  	[bflag:$0x0] =	sbarrier.arrive $0xFFFF  }
0x466: {  	_ =	strace $0x90000047  }
0x467: {  	s0 =	stileid.u32;
	[bflag:$0x2] =	sbarrier.arrive $0xFFFF  }
0x468: {  	p0 =	sne.s32 s0, $0x0;
	s0 =	rddreg [dreg:$0x5]  }
0x469: {  	s0 =	sadd.s32 @!p0 $0x100000, s0  }
0x46a: {  	[sflag:s0] =	ssyncadd.tile.s32 @!p0 $0x1;
	_ =	shalt  }
.Lfunc_end2:
_tile_overlayer_lowered:
.L_overlay_start_2:
0x46b: {  	(tag) =	ssettag $0x2  }
0x46c: {  	s0 =	rddreg [dreg:$0x0];
	s2 =	stileid.u32  }
0x46d: {  	s1 =	rddreg [dreg:$0x1];
	p0 =	sne.s32 s2, $0x0  }
0x46e: {  	s3 =	rddreg [dreg:$0x2];
	[bflag:$0x3] =	sbarrier.arrive $0xFFFF;
	s2 =	simm.s32 @!p0 $0x1C02  }
0x46f: {  	[timem:s3], [sflag:s2] =	dma.local @!p0 [hbm:s0], s1  }
0x470: {  	s0 =	simm.s32 @!p0 $0x2  }
0x471: {  	_ =	swait.ge @!p0 [sflag:s0], s1  }
0x472: {  	s1 =	ssub.s32 @!p0 $0x0, s1;
	[sflag:s0] =	ssyncset.done @!p0 $0x0  }
0x473: {  	[sflag:s0] =	ssyncadd.s32 @!p0 s1  }
0x474: {  	[bflag:$0x3] =	sbarrier.arrive $0xFFFF  }
0x475: {  	_ =	shalt  }

</sc_bundles>
